<compile_context>
chip_gen: v7x
topology: tpu7x:2x2x1
jax: 0.10.2.dev20260603
libtpu: 0.0.44.dev20260713+nightly
codegen_flags: <defaults>
</compile_context>

<pallas_src>
import functools

import jax
import jax.numpy as jnp
from jax import lax
from jax.experimental import pallas as pl
from jax.experimental.pallas import tpu as pltpu
from jax.experimental.pallas import tpu_sc as plsc

NUM_BUCKETS = 1000000
EMBED_DIM = 32
BATCH = 4
SEQ_LEN = 8192
FLAT = BATCH * SEQ_LEN

A_HI = 761000
A_LO = 435761
B_HI = 503000
B_LO = 40503

_INFO = plsc.get_sparse_core_info()
NC = _INFO.num_cores
NS = _INFO.num_subcores
L = _INFO.num_lanes
CHUNK = FLAT // NS
STEPS = CHUNK // L
HALF = EMBED_DIM // NC

PW = 32768
SWEEP_END = 999936
NPIECE = 31
LAST_W = SWEEP_END - (NPIECE - 1) * PW
TAIL = NUM_BUCKETS - SWEEP_END


def _sc_body(ids_hbm, tab_hbm, tail_hbm, out_hbm, ids_v, idx_v, wb_v, wp_v,
             stage_v, chunk_v, cg_refs, gidx_v, tail_v, sh_v, sem, csem,
             rsem):
    c = lax.axis_index("c")
    s = lax.axis_index("s")
    base = s * jnp.int32(CHUNK)
    row = base // jnp.int32(SEQ_LEN)
    toff = base % jnp.int32(SEQ_LEN)
    fbase = c * jnp.int32(HALF)

    zeros = jnp.zeros((L,), jnp.int32)
    lane = lax.iota(jnp.int32, L)

    plsc.store_scatter(ids_v, [lane], zeros)
    pltpu.sync_copy(ids_hbm.at[pl.ds(base, CHUNK)], ids_v.at[pl.ds(8, CHUNK)])

    @pl.when(s % jnp.int32(NS // BATCH) != 0)
    def _():
        pltpu.sync_copy(ids_hbm.at[pl.ds(base - 8, 8)], ids_v.at[pl.ds(0, 8)])

    pltpu.sync_copy(tail_hbm, tail_v)

    a_hi = jnp.int32(A_HI)
    a_lo = jnp.int32(A_LO)
    b_hi = jnp.int32(B_HI)
    b_lo = jnp.int32(B_LO)
    thousand = jnp.int32(1000)
    nbuckets = jnp.int32(NUM_BUCKETS)

    def hash_step(_, off):
        cur = plsc.load_gather(ids_v, [lane + (off + jnp.int32(8))])
        prev = plsc.load_gather(ids_v, [lane + (off + jnp.int32(7))])
        p1 = prev // thousand
        p0 = prev - p1 * thousand
        c1 = cur // thousand
        c0 = cur - c1 * thousand
        h = (a_hi * p1 + a_lo * p0 + b_hi * c1 + b_lo * c0) % nbuckets
        plsc.store_scatter(idx_v, [lane + off], h)
        return off + jnp.int32(L)

    lax.fori_loop(0, STEPS, hash_step, jnp.int32(0))

    def scan_range(plo, phi, ref0):
        vlo = jnp.full((L,), plo, jnp.int32)
        vhi = jnp.full((L,), phi, jnp.int32)
        vref = jnp.full((L,), ref0, jnp.int32)

        def scan_step(_, carry):
            off, cnt = carry
            h = plsc.load_gather(idx_v, [lane + off])
            mask = jnp.logical_and(h >= vlo, h < vhi)
            plsc.store_compressed(wb_v.at[pl.ds(cnt, L)], h - vref, mask=mask)
            plsc.store_compressed(wp_v.at[pl.ds(cnt, L)], lane + off, mask=mask)
            nmask = plsc.all_reduce_population_count(mask)
            cnt = cnt + jnp.max(nmask)
            return off + jnp.int32(L), cnt

        _, m = lax.fori_loop(0, STEPS, scan_step,
                             (jnp.int32(0), jnp.int32(0)))
        return m

    def extract_from_piece(m):
        def group_step(_, g16):
            rem = m - g16
            valid = lane < rem
            boffs = plsc.load_gather(wb_v, [lane + g16])
            boffs = jnp.where(valid, boffs, 0)
            wp = plsc.load_gather(wp_v, [lane + g16])
            wp = jnp.where(valid, wp, jnp.int32(0))
            for d in range(HALF):
                plsc.store_scatter(gidx_v, [lane + jnp.int32(d * L)],
                                   boffs + jnp.int32(d * PW))
            copies = []
            for d in range(HALF):
                copies.append(pltpu.async_copy(
                    sh_v.at[gidx_v.at[pl.ds(d * L, L)]],
                    cg_refs[d],
                    sem))
            for cp in copies:
                cp.wait()
            for d in range(HALF):
                dv = jnp.full((L,), d, jnp.int32)
                vals = cg_refs[d][...]
                plsc.store_scatter(stage_v, [dv, wp], vals, mask=valid)
            return g16 + jnp.int32(L)

        ngroups = (m + jnp.int32(L - 1)) // jnp.int32(L)
        lax.fori_loop(0, ngroups, group_step, jnp.int32(0))

    def chunk_src(pc):
        plo = pc * jnp.int32(PW)
        lo_load = jnp.minimum(plo, jnp.int32(SWEEP_END - PW))
        lo_load = pl.multiple_of(lo_load, 128)
        blk = s % jnp.int32(2)
        part = s // jnp.int32(2)
        col0 = pl.multiple_of(lo_load + part * jnp.int32(PW // 8), 128)
        return tab_hbm.at[pl.ds(fbase + blk * 8, 8), pl.ds(col0, PW // 8)]

    pltpu.async_copy(chunk_src(jnp.int32(0)), chunk_v, csem)

    def piece_body(_, pc):
        plo = pc * jnp.int32(PW)
        phi = jnp.minimum(plo + jnp.int32(PW), jnp.int32(SWEEP_END))
        lo_load = jnp.minimum(plo, jnp.int32(SWEEP_END - PW))
        blk = s % jnp.int32(2)
        part = s // jnp.int32(2)
        pltpu.make_async_copy(chunk_src(pc), chunk_v, csem).wait()
        rows = []
        for d in range(8):
            dglob = blk * 8 + jnp.int32(d)
            rows.append(pltpu.async_copy(
                chunk_v.at[jnp.int32(d)],
                sh_v.at[pl.ds(dglob * jnp.int32(PW)
                              + part * jnp.int32(PW // 8), PW // 8)],
                rsem))
        for r in rows:
            r.wait()

        @pl.when(pc + 1 < jnp.int32(NPIECE))
        def _():
            pltpu.async_copy(chunk_src(pc + 1), chunk_v, csem)

        plsc.subcore_barrier()
        m = scan_range(plo, phi, lo_load)
        extract_from_piece(m)
        plsc.subcore_barrier()
        return pc + jnp.int32(1)

    lax.fori_loop(0, NPIECE, piece_body, jnp.int32(0))

    m = scan_range(jnp.int32(SWEEP_END), jnp.int32(NUM_BUCKETS),
                   jnp.int32(SWEEP_END))

    def tail_group(_, g16):
        rem = m - g16
        valid = lane < rem
        boffs = plsc.load_gather(wb_v, [lane + g16])
        boffs = jnp.where(valid, boffs, 0)
        wp = plsc.load_gather(wp_v, [lane + g16])
        wp = jnp.where(valid, wp, jnp.int32(0))
        for d in range(HALF):
            dv = jnp.full((L,), d, jnp.int32)
            vals = plsc.load_gather(
                tail_v, [(fbase + dv) * jnp.int32(TAIL) + boffs])
            plsc.store_scatter(stage_v, [dv, wp], vals, mask=valid)
        return g16 + jnp.int32(L)

    lax.fori_loop(0, (m + jnp.int32(L - 1)) // jnp.int32(L), tail_group,
                  jnp.int32(0))

    oof = pl.multiple_of(toff, 2048)
    pltpu.sync_copy(stage_v,
                    out_hbm.at[row, pl.ds(fbase, HALF), pl.ds(oof, CHUNK)])


@jax.jit
def _bigram_embed(ids_flat, tab_t, tail_flat):
    mesh = plsc.VectorSubcoreMesh(core_axis_name="c", subcore_axis_name="s")
    run = functools.partial(
        pl.kernel,
        out_type=jax.ShapeDtypeStruct((BATCH, EMBED_DIM, SEQ_LEN),
                                      jnp.float32),
        mesh=mesh,
        scratch_types=[
            pltpu.VMEM((CHUNK + 16,), jnp.int32),
            pltpu.VMEM((CHUNK,), jnp.int32),
            pltpu.VMEM((CHUNK + 16,), jnp.int32),
            pltpu.VMEM((CHUNK + 16,), jnp.int32),
            pltpu.VMEM((HALF, CHUNK), jnp.float32),
            pltpu.VMEM((8, PW // 8), jnp.float32),
            [pltpu.VMEM((L,), jnp.float32) for _ in range(HALF)],
            pltpu.VMEM((HALF * L,), jnp.int32),
            pltpu.VMEM((EMBED_DIM * TAIL,), jnp.float32),
            pltpu.VMEM_SHARED((HALF * PW,), jnp.float32),
            pltpu.SemaphoreType.DMA,
            pltpu.SemaphoreType.DMA,
            pltpu.SemaphoreType.DMA,
        ],
        compiler_params=pltpu.CompilerParams(needs_layout_passes=False),
    )(_sc_body)
    return run(ids_flat, tab_t, tail_flat)


def kernel(input_ids, embedding_weight):
    ids_flat = input_ids.reshape(-1).astype(jnp.int32)
    tab_t = embedding_weight.T
    tail_flat = embedding_weight[SWEEP_END:].T.reshape(-1)
    out = _bigram_embed(ids_flat, tab_t, tail_flat)
    return out.transpose(0, 2, 1)

# --- scband reference (transcript-rebuilt; emitter-appended) ---
"""Pipeline reference for scband-bigram-hash-73718818669036 (READ-ONLY COPY).

The authoritative reference and input builder live on the scoring server;
editing this copy changes nothing except your own understanding.
"""

import jax, jax.numpy as jnp
import numpy as np
jax.config.update("jax_enable_x64", True)

NUM_BUCKETS = 1000000
EMBED_DIM = 32
VOCAB_SIZE = 100000
BATCH = 4
SEQ_LEN = 8192
HASH_A = 2654435761
HASH_B = 40503


def setup_inputs(seed: int = 0) -> dict:
    key = jax.random.key(seed)
    k1, k2 = jax.random.split(key)
    input_ids = jax.random.randint(k1, (BATCH, SEQ_LEN), 0, VOCAB_SIZE, dtype=jnp.int64)
    embedding_weight = (jax.random.normal(k2, (NUM_BUCKETS, EMBED_DIM), dtype=jnp.float32) * 0.01)
    return {"input_ids": input_ids, "embedding_weight": embedding_weight}


def reference(input_ids, embedding_weight):
    num_buckets = embedding_weight.shape[0]
    ids = input_ids.astype(jnp.int64)
    prev_ids = jnp.zeros_like(ids)
    prev_ids = prev_ids.at[:, 1:].set(ids[:, :-1])
    hash_a = jnp.asarray(HASH_A, dtype=jnp.int64)
    hash_b = jnp.asarray(HASH_B, dtype=jnp.int64)
    bigram_hash = (hash_a * prev_ids + hash_b * ids) % num_buckets
    return jnp.take(embedding_weight, bigram_hash, axis=0)

if __name__ == "__main__":
    import jax
    _d = setup_inputs()
    print(jax.jit(kernel)(*tuple(_d.values())))

</pallas_src>

<mosaic_0001>
#map = affine_map<(d0, d1) -> (0)>
#map1 = affine_map<(d0, d1) -> (0, 0)>
#map2 = affine_map<(d0, d1) -> (0, 0, 0)>
module attributes {stable_mosaic.version = 14 : i64} {
  func.func @_sc_body(%arg0: i32, %arg1: i32, %arg2: memref<32768xi32, #tpu.memory_space<hbm>>, %arg3: memref<32x1000000xf32, #tpu.memory_space<hbm>>, %arg4: memref<2048xf32, #tpu.memory_space<hbm>>, %arg5: memref<4x32x8192xf32, #tpu.memory_space<hbm>>, %arg6: memref<2064xi32, #tpu.memory_space<vmem>>, %arg7: memref<2048xi32, #tpu.memory_space<vmem>>, %arg8: memref<2064xi32, #tpu.memory_space<vmem>>, %arg9: memref<2064xi32, #tpu.memory_space<vmem>>, %arg10: memref<16x2048xf32, #tpu.memory_space<vmem>>, %arg11: memref<8x4096xf32, #tpu.memory_space<vmem>>, %arg12: memref<16xf32, #tpu.memory_space<vmem>>, %arg13: memref<16xf32, #tpu.memory_space<vmem>>, %arg14: memref<16xf32, #tpu.memory_space<vmem>>, %arg15: memref<16xf32, #tpu.memory_space<vmem>>, %arg16: memref<16xf32, #tpu.memory_space<vmem>>, %arg17: memref<16xf32, #tpu.memory_space<vmem>>, %arg18: memref<16xf32, #tpu.memory_space<vmem>>, %arg19: memref<16xf32, #tpu.memory_space<vmem>>, %arg20: memref<16xf32, #tpu.memory_space<vmem>>, %arg21: memref<16xf32, #tpu.memory_space<vmem>>, %arg22: memref<16xf32, #tpu.memory_space<vmem>>, %arg23: memref<16xf32, #tpu.memory_space<vmem>>, %arg24: memref<16xf32, #tpu.memory_space<vmem>>, %arg25: memref<16xf32, #tpu.memory_space<vmem>>, %arg26: memref<16xf32, #tpu.memory_space<vmem>>, %arg27: memref<16xf32, #tpu.memory_space<vmem>>, %arg28: memref<256xi32, #tpu.memory_space<vmem>>, %arg29: memref<2048xf32, #tpu.memory_space<vmem>>, %arg30: memref<524288xf32, #tpu.memory_space<vmem_shared>>, %arg31: memref<!tpu.dma_semaphore, #tpu.memory_space<semaphore_mem>>, %arg32: memref<!tpu.dma_semaphore, #tpu.memory_space<semaphore_mem>>, %arg33: memref<!tpu.dma_semaphore, #tpu.memory_space<semaphore_mem>>) attributes {dimension_semantics = [#tpu.dimension_semantics<core_parallel>, #tpu.dimension_semantics<subcore_parallel>], iteration_bounds = array<i64: 2, 16>, scalar_prefetch = 0 : i64, scratch_operands = 28 : i64, tpu.core_type = #tpu.core_type<sc_vector_subcore>, window_params = [{transform_indices = #map}, {transform_indices = #map1}, {transform_indices = #map}, {transform_indices = #map2}]} {
    %mul3A = arith.constant 2048 : i32
    %mul3A_0 = arith.muli %arg1, %mul3A : i32
    %jit3A = arith.constant 8192 : i32
    %div3A = arith.divsi %mul3A_0, %jit3A : i32
    %sign3A = arith.constant 0 : i32
    %sign3A_1 = arith.cmpi sgt, %mul3A_0, %sign3A : i32
    %sign3A_2 = arith.extui %sign3A_1 : i1 to i32
    %sign3A_3 = arith.constant 0 : i32
    %sign3A_4 = arith.cmpi slt, %mul3A_0, %sign3A_3 : i32
    %sign3A_5 = arith.extui %sign3A_4 : i1 to i32
    %sign3A_6 = arith.subi %sign3A_2, %sign3A_5 : i32
    %sign3A_7 = arith.constant 0 : i32
    %sign3A_8 = arith.cmpi sgt, %jit3A, %sign3A_7 : i32
    %sign3A_9 = arith.extui %sign3A_8 : i1 to i32
    %sign3A_10 = arith.constant 0 : i32
    %sign3A_11 = arith.cmpi slt, %jit3A, %sign3A_10 : i32
    %sign3A_12 = arith.extui %sign3A_11 : i1 to i32
    %sign3A_13 = arith.subi %sign3A_9, %sign3A_12 : i32
    %ne3A = arith.cmpi ne, %sign3A_6, %sign3A_13 : i32
    %rem3A = arith.remsi %mul3A_0, %jit3A : i32
    %ne3A_14 = arith.constant 0 : i32
    %ne3A_15 = arith.cmpi ne, %rem3A, %ne3A_14 : i32
    %and3A = arith.andi %ne3A, %ne3A_15 : i1
    %sub3A = arith.constant 1 : i32
    %sub3A_16 = arith.subi %div3A, %sub3A : i32
    %select_n3A = arith.select %and3A, %sub3A_16, %div3A : i32
    %jit3A_17 = arith.constant 8192 : i32
    %eq3A = arith.constant 0 : i32
    %eq3A_18 = arith.cmpi eq, %jit3A_17, %eq3A : i32
    %jit3A_19 = arith.constant 1 : i32
    %select_n3A_20 = arith.select %eq3A_18, %jit3A_19, %jit3A_17 : i32
    %rem3A_21 = arith.remsi %mul3A_0, %select_n3A_20 : i32
    %ne3A_22 = arith.constant 0 : i32
    %ne3A_23 = arith.cmpi ne, %rem3A_21, %ne3A_22 : i32
    %lt3A = arith.constant 0 : i32
    %lt3A_24 = arith.cmpi slt, %rem3A_21, %lt3A : i32
    %lt3A_25 = arith.constant 0 : i32
    %lt3A_26 = arith.cmpi slt, %select_n3A_20, %lt3A_25 : i32
    %ne3A_27 = arith.xori %lt3A_24, %lt3A_26 : i1
    %and3A_28 = arith.andi %ne3A_27, %ne3A_23 : i1
    %add3A = arith.addi %rem3A_21, %select_n3A_20 : i32
    %select_n3A_29 = arith.select %and3A_28, %add3A, %rem3A_21 : i32
    %mul3A_30 = arith.constant 16 : i32
    %mul3A_31 = arith.muli %arg0, %mul3A_30 : i32
    %broadcast_in_dim3A = arith.constant 0 : i32
    %broadcast_in_dim3A_32 = vector.broadcast %broadcast_in_dim3A : i32 to vector<16xi32>
    %iota3A = tpu.iota {dimensions = array<i32: 0>} : vector<16xi32>
    tpu.vector_store_idx %arg6[%iota3A], %broadcast_in_dim3A_32 : memref<2064xi32, #tpu.memory_space<vmem>>[vector<16xi32>], vector<16xi32>,
    "tpu.region"() ({
      %run_scoped3A = tpu.sem_alloc : memref<!tpu.dma_semaphore, #tpu.memory_space<semaphore_mem>>
      %dma_start3A_175 = arith.constant 8 : i32
      %dma_start3A_176 = tpu.memref_slice %arg6[%dma_start3A_175] : memref<2064xi32, #tpu.memory_space<vmem>> -> memref<2048xi32, #tpu.memory_space<vmem>>
      %dma_start3A_177 = tpu.memref_slice %arg2[%mul3A_0] : memref<32768xi32, #tpu.memory_space<hbm>> -> memref<2048xi32, #tpu.memory_space<hbm>>
      %dma_start3A_178 = arith.constant 8 : i32
      %dma_start3A_179 = tpu.memref_slice %arg6[%dma_start3A_178] : memref<2064xi32, #tpu.memory_space<vmem>> -> memref<2048xi32, #tpu.memory_space<vmem>>
      %dma_start3A_180 = tpu.memref_slice %arg2[%mul3A_0] : memref<32768xi32, #tpu.memory_space<hbm>> -> memref<2048xi32, #tpu.memory_space<hbm>>
      tpu.enqueue_dma source(%dma_start3A_180 : memref<2048xi32, #tpu.memory_space<hbm>>) target(%dma_start3A_179 : memref<2048xi32, #tpu.memory_space<vmem>>) target_semaphore(%run_scoped3A : memref<!tpu.dma_semaphore, #tpu.memory_space<semaphore_mem>>)
      %dma_wait3A = arith.constant 8 : i32
      %dma_wait3A_181 = tpu.memref_slice %arg6[%dma_wait3A] : memref<2064xi32, #tpu.memory_space<vmem>> -> memref<2048xi32, #tpu.memory_space<vmem>>
      %dma_wait3A_182 = tpu.memref_slice %arg2[%mul3A_0] : memref<32768xi32, #tpu.memory_space<hbm>> -> memref<2048xi32, #tpu.memory_space<hbm>>
      %dma_wait3A_183 = arith.constant 8 : i32
      %dma_wait3A_184 = tpu.memref_slice %arg6[%dma_wait3A_183] : memref<2064xi32, #tpu.memory_space<vmem>> -> memref<2048xi32, #tpu.memory_space<vmem>>
      %dma_wait3A_185 = tpu.memref_slice %arg2[%mul3A_0] : memref<32768xi32, #tpu.memory_space<hbm>> -> memref<2048xi32, #tpu.memory_space<hbm>>
      tpu.wait_dma2 semaphore(%run_scoped3A : memref<!tpu.dma_semaphore, #tpu.memory_space<semaphore_mem>>) src(%dma_wait3A_185 : memref<2048xi32, #tpu.memory_space<hbm>>) dst(%dma_wait3A_184 : memref<2048xi32, #tpu.memory_space<vmem>>)
      tpu.yield
    }) : () -> ()
    %jit3A_33 = arith.constant 4 : i32
    %eq3A_34 = arith.constant 0 : i32
    %eq3A_35 = arith.cmpi eq, %jit3A_33, %eq3A_34 : i32
    %jit3A_36 = arith.constant 1 : i32
    %select_n3A_37 = arith.select %eq3A_35, %jit3A_36, %jit3A_33 : i32
    %rem3A_38 = arith.remsi %arg1, %select_n3A_37 : i32
    %ne3A_39 = arith.constant 0 : i32
    %ne3A_40 = arith.cmpi ne, %rem3A_38, %ne3A_39 : i32
    %lt3A_41 = arith.constant 0 : i32
    %lt3A_42 = arith.cmpi slt, %rem3A_38, %lt3A_41 : i32
    %lt3A_43 = arith.constant 0 : i32
    %lt3A_44 = arith.cmpi slt, %select_n3A_37, %lt3A_43 : i32
    %ne3A_45 = arith.xori %lt3A_42, %lt3A_44 : i1
    %and3A_46 = arith.andi %ne3A_45, %ne3A_40 : i1
    %add3A_47 = arith.addi %rem3A_38, %select_n3A_37 : i32
    %select_n3A_48 = arith.select %and3A_46, %add3A_47, %rem3A_38 : i32
    %ne3A_49 = arith.constant 0 : i32
    %ne3A_50 = arith.cmpi ne, %select_n3A_48, %ne3A_49 : i32
    %convert_element_type3A = arith.extui %ne3A_50 : i1 to i32
    %cond3A = arith.constant 0 : i32
    %cond3A_51 = arith.cmpi ne, %convert_element_type3A, %cond3A : i32
    scf.if %cond3A_51 {
      %sub3A_175 = arith.constant 8 : i32
      %sub3A_176 = arith.subi %mul3A_0, %sub3A_175 : i32
      "tpu.region"() ({
        %run_scoped3A = tpu.sem_alloc : memref<!tpu.dma_semaphore, #tpu.memory_space<semaphore_mem>>
        %dma_start3A_177 = arith.constant 0 : i32
        %dma_start3A_178 = tpu.memref_slice %arg6[%dma_start3A_177] : memref<2064xi32, #tpu.memory_space<vmem>> -> memref<8xi32, #tpu.memory_space<vmem>>
        %dma_start3A_179 = tpu.memref_slice %arg2[%sub3A_176] : memref<32768xi32, #tpu.memory_space<hbm>> -> memref<8xi32, #tpu.memory_space<hbm>>
        %dma_start3A_180 = arith.constant 0 : i32
        %dma_start3A_181 = tpu.memref_slice %arg6[%dma_start3A_180] : memref<2064xi32, #tpu.memory_space<vmem>> -> memref<8xi32, #tpu.memory_space<vmem>>
        %dma_start3A_182 = tpu.memref_slice %arg2[%sub3A_176] : memref<32768xi32, #tpu.memory_space<hbm>> -> memref<8xi32, #tpu.memory_space<hbm>>
        tpu.enqueue_dma source(%dma_start3A_182 : memref<8xi32, #tpu.memory_space<hbm>>) target(%dma_start3A_181 : memref<8xi32, #tpu.memory_space<vmem>>) target_semaphore(%run_scoped3A : memref<!tpu.dma_semaphore, #tpu.memory_space<semaphore_mem>>)
        %dma_wait3A = arith.constant 0 : i32
        %dma_wait3A_183 = tpu.memref_slice %arg6[%dma_wait3A] : memref<2064xi32, #tpu.memory_space<vmem>> -> memref<8xi32, #tpu.memory_space<vmem>>
        %dma_wait3A_184 = tpu.memref_slice %arg2[%sub3A_176] : memref<32768xi32, #tpu.memory_space<hbm>> -> memref<8xi32, #tpu.memory_space<hbm>>
        %dma_wait3A_185 = arith.constant 0 : i32
        %dma_wait3A_186 = tpu.memref_slice %arg6[%dma_wait3A_185] : memref<2064xi32, #tpu.memory_space<vmem>> -> memref<8xi32, #tpu.memory_space<vmem>>
        %dma_wait3A_187 = tpu.memref_slice %arg2[%sub3A_176] : memref<32768xi32, #tpu.memory_space<hbm>> -> memref<8xi32, #tpu.memory_space<hbm>>
        tpu.wait_dma2 semaphore(%run_scoped3A : memref<!tpu.dma_semaphore, #tpu.memory_space<semaphore_mem>>) src(%dma_wait3A_187 : memref<8xi32, #tpu.memory_space<hbm>>) dst(%dma_wait3A_186 : memref<8xi32, #tpu.memory_space<vmem>>)
        tpu.yield
      }) : () -> ()
    } else {
    }
    "tpu.region"() ({
      %run_scoped3A = tpu.sem_alloc : memref<!tpu.dma_semaphore, #tpu.memory_space<semaphore_mem>>
      tpu.enqueue_dma source(%arg4 : memref<2048xf32, #tpu.memory_space<hbm>>) target(%arg29 : memref<2048xf32, #tpu.memory_space<vmem>>) target_semaphore(%run_scoped3A : memref<!tpu.dma_semaphore, #tpu.memory_space<semaphore_mem>>)
      tpu.wait_dma2 semaphore(%run_scoped3A : memref<!tpu.dma_semaphore, #tpu.memory_space<semaphore_mem>>) src(%arg4 : memref<2048xf32, #tpu.memory_space<hbm>>) dst(%arg29 : memref<2048xf32, #tpu.memory_space<vmem>>)
      tpu.yield
    }) : () -> ()
    %scan3A = arith.constant 1000 : i32
    %scan3A_52 = arith.constant 761000 : i32
    %scan3A_53 = arith.constant 435761 : i32
    %scan3A_54 = arith.constant 503000 : i32
    %scan3A_55 = arith.constant 40503 : i32
    %scan3A_56 = arith.constant 1000000 : i32
    %scan3A_57 = arith.constant 0 : i32
    %scan3A_58 = arith.constant 0 : i32
    %scan3A_59 = arith.constant 128 : i32
    %scan3A_60 = arith.addi %scan3A_58, %scan3A_59 : i32
    %scan3A_61 = arith.constant 1 : i32
    %scan3A_62 = scf.for %scan3A_175 = %scan3A_58 to %scan3A_60 step %scan3A_61 iter_args(%scan3A_176 = %scan3A_57) -> (i32)  : i32 {
      %add3A_177 = arith.constant 8 : i32
      %add3A_178 = arith.addi %scan3A_176, %add3A_177 : i32
      %add3A_179 = vector.broadcast %add3A_178 : i32 to vector<16xi32>
      %add3A_180 = arith.addi %iota3A, %add3A_179 : vector<16xi32>
      %gather3A = tpu.vector_load_idx %arg6[%add3A_180] : memref<2064xi32, #tpu.memory_space<vmem>>[vector<16xi32>], vector<16xi32>,
      %add3A_181 = arith.constant 7 : i32
      %add3A_182 = arith.addi %scan3A_176, %add3A_181 : i32
      %add3A_183 = vector.broadcast %add3A_182 : i32 to vector<16xi32>
      %add3A_184 = arith.addi %iota3A, %add3A_183 : vector<16xi32>
      %gather3A_185 = tpu.vector_load_idx %arg6[%add3A_184] : memref<2064xi32, #tpu.memory_space<vmem>>[vector<16xi32>], vector<16xi32>,
      %div3A_186 = vector.broadcast %scan3A : i32 to vector<16xi32>
      %div3A_187 = arith.divsi %gather3A_185, %div3A_186 : vector<16xi32>
      %sign3A_188 = arith.constant 0 : i32
      %sign3A_189 = vector.broadcast %sign3A_188 : i32 to vector<16xi32>
      %sign3A_190 = arith.cmpi sgt, %gather3A_185, %sign3A_189 : vector<16xi32>
      %sign3A_191 = arith.extui %sign3A_190 : vector<16xi1> to vector<16xi32>
      %sign3A_192 = arith.constant 0 : i32
      %sign3A_193 = vector.broadcast %sign3A_192 : i32 to vector<16xi32>
      %sign3A_194 = arith.cmpi slt, %gather3A_185, %sign3A_193 : vector<16xi32>
      %sign3A_195 = arith.extui %sign3A_194 : vector<16xi1> to vector<16xi32>
      %sign3A_196 = arith.subi %sign3A_191, %sign3A_195 : vector<16xi32>
      %sign3A_197 = arith.constant 0 : i32
      %sign3A_198 = arith.cmpi sgt, %scan3A, %sign3A_197 : i32
      %sign3A_199 = arith.extui %sign3A_198 : i1 to i32
      %sign3A_200 = arith.constant 0 : i32
      %sign3A_201 = arith.cmpi slt, %scan3A, %sign3A_200 : i32
      %sign3A_202 = arith.extui %sign3A_201 : i1 to i32
      %sign3A_203 = arith.subi %sign3A_199, %sign3A_202 : i32
      %ne3A_204 = vector.broadcast %sign3A_203 : i32 to vector<16xi32>
      %ne3A_205 = arith.cmpi ne, %sign3A_196, %ne3A_204 : vector<16xi32>
      %rem3A_206 = vector.broadcast %scan3A : i32 to vector<16xi32>
      %rem3A_207 = arith.remsi %gather3A_185, %rem3A_206 : vector<16xi32>
      %ne3A_208 = arith.constant 0 : i32
      %ne3A_209 = vector.broadcast %ne3A_208 : i32 to vector<16xi32>
      %ne3A_210 = arith.cmpi ne, %rem3A_207, %ne3A_209 : vector<16xi32>
      %and3A_211 = arith.andi %ne3A_205, %ne3A_210 : vector<16xi1>
      %sub3A_212 = arith.constant 1 : i32
      %sub3A_213 = vector.broadcast %sub3A_212 : i32 to vector<16xi32>
      %sub3A_214 = arith.subi %div3A_187, %sub3A_213 : vector<16xi32>
      %select_n3A_215 = arith.select %and3A_211, %sub3A_214, %div3A_187 : vector<16xi1>, vector<16xi32>
      %mul3A_216 = vector.broadcast %scan3A : i32 to vector<16xi32>
      %mul3A_217 = arith.muli %select_n3A_215, %mul3A_216 : vector<16xi32>
      %sub3A_218 = arith.subi %gather3A_185, %mul3A_217 : vector<16xi32>
      %div3A_219 = vector.broadcast %scan3A : i32 to vector<16xi32>
      %div3A_220 = arith.divsi %gather3A, %div3A_219 : vector<16xi32>
      %sign3A_221 = arith.constant 0 : i32
      %sign3A_222 = vector.broadcast %sign3A_221 : i32 to vector<16xi32>
      %sign3A_223 = arith.cmpi sgt, %gather3A, %sign3A_222 : vector<16xi32>
      %sign3A_224 = arith.extui %sign3A_223 : vector<16xi1> to vector<16xi32>
      %sign3A_225 = arith.constant 0 : i32
      %sign3A_226 = vector.broadcast %sign3A_225 : i32 to vector<16xi32>
      %sign3A_227 = arith.cmpi slt, %gather3A, %sign3A_226 : vector<16xi32>
      %sign3A_228 = arith.extui %sign3A_227 : vector<16xi1> to vector<16xi32>
      %sign3A_229 = arith.subi %sign3A_224, %sign3A_228 : vector<16xi32>
      %sign3A_230 = arith.constant 0 : i32
      %sign3A_231 = arith.cmpi sgt, %scan3A, %sign3A_230 : i32
      %sign3A_232 = arith.extui %sign3A_231 : i1 to i32
      %sign3A_233 = arith.constant 0 : i32
      %sign3A_234 = arith.cmpi slt, %scan3A, %sign3A_233 : i32
      %sign3A_235 = arith.extui %sign3A_234 : i1 to i32
      %sign3A_236 = arith.subi %sign3A_232, %sign3A_235 : i32
      %ne3A_237 = vector.broadcast %sign3A_236 : i32 to vector<16xi32>
      %ne3A_238 = arith.cmpi ne, %sign3A_229, %ne3A_237 : vector<16xi32>
      %rem3A_239 = vector.broadcast %scan3A : i32 to vector<16xi32>
      %rem3A_240 = arith.remsi %gather3A, %rem3A_239 : vector<16xi32>
      %ne3A_241 = arith.constant 0 : i32
      %ne3A_242 = vector.broadcast %ne3A_241 : i32 to vector<16xi32>
      %ne3A_243 = arith.cmpi ne, %rem3A_240, %ne3A_242 : vector<16xi32>
      %and3A_244 = arith.andi %ne3A_238, %ne3A_243 : vector<16xi1>
      %sub3A_245 = arith.constant 1 : i32
      %sub3A_246 = vector.broadcast %sub3A_245 : i32 to vector<16xi32>
      %sub3A_247 = arith.subi %div3A_220, %sub3A_246 : vector<16xi32>
      %select_n3A_248 = arith.select %and3A_244, %sub3A_247, %div3A_220 : vector<16xi1>, vector<16xi32>
      %mul3A_249 = vector.broadcast %scan3A : i32 to vector<16xi32>
      %mul3A_250 = arith.muli %select_n3A_248, %mul3A_249 : vector<16xi32>
      %sub3A_251 = arith.subi %gather3A, %mul3A_250 : vector<16xi32>
      %mul3A_252 = vector.broadcast %scan3A_52 : i32 to vector<16xi32>
      %mul3A_253 = arith.muli %mul3A_252, %select_n3A_215 : vector<16xi32>
      %mul3A_254 = vector.broadcast %scan3A_53 : i32 to vector<16xi32>
      %mul3A_255 = arith.muli %mul3A_254, %sub3A_218 : vector<16xi32>
      %add3A_256 = arith.addi %mul3A_253, %mul3A_255 : vector<16xi32>
      %mul3A_257 = vector.broadcast %scan3A_54 : i32 to vector<16xi32>
      %mul3A_258 = arith.muli %mul3A_257, %select_n3A_248 : vector<16xi32>
      %add3A_259 = arith.addi %add3A_256, %mul3A_258 : vector<16xi32>
      %mul3A_260 = vector.broadcast %scan3A_55 : i32 to vector<16xi32>
      %mul3A_261 = arith.muli %mul3A_260, %sub3A_251 : vector<16xi32>
      %add3A_262 = arith.addi %add3A_259, %mul3A_261 : vector<16xi32>
      %eq3A_263 = arith.constant 0 : i32
      %eq3A_264 = arith.cmpi eq, %scan3A_56, %eq3A_263 : i32
      %jit3A_265 = arith.constant 1 : i32
      %select_n3A_266 = arith.select %eq3A_264, %jit3A_265, %scan3A_56 : i32
      %rem3A_267 = vector.broadcast %select_n3A_266 : i32 to vector<16xi32>
      %rem3A_268 = arith.remsi %add3A_262, %rem3A_267 : vector<16xi32>
      %ne3A_269 = arith.constant 0 : i32
      %ne3A_270 = vector.broadcast %ne3A_269 : i32 to vector<16xi32>
      %ne3A_271 = arith.cmpi ne, %rem3A_268, %ne3A_270 : vector<16xi32>
      %lt3A_272 = arith.constant 0 : i32
      %lt3A_273 = vector.broadcast %lt3A_272 : i32 to vector<16xi32>
      %lt3A_274 = arith.cmpi slt, %rem3A_268, %lt3A_273 : vector<16xi32>
      %lt3A_275 = arith.constant 0 : i32
      %lt3A_276 = arith.cmpi slt, %select_n3A_266, %lt3A_275 : i32
      %ne3A_277 = vector.broadcast %lt3A_276 : i1 to vector<16xi1>
      %ne3A_278 = vector.broadcast %ne3A_277 : vector<16xi1> to vector<16xi1>
      %ne3A_279 = arith.xori %lt3A_274, %ne3A_278 : vector<16xi1>
      %and3A_280 = arith.andi %ne3A_279, %ne3A_271 : vector<16xi1>
      %add3A_281 = vector.broadcast %select_n3A_266 : i32 to vector<16xi32>
      %add3A_282 = arith.addi %rem3A_268, %add3A_281 : vector<16xi32>
      %select_n3A_283 = arith.select %and3A_280, %add3A_282, %rem3A_268 : vector<16xi1>, vector<16xi32>
      %add3A_284 = vector.broadcast %scan3A_176 : i32 to vector<16xi32>
      %add3A_285 = arith.addi %iota3A, %add3A_284 : vector<16xi32>
      tpu.vector_store_idx %arg7[%add3A_285], %select_n3A_283 : memref<2048xi32, #tpu.memory_space<vmem>>[vector<16xi32>], vector<16xi32>,
      %add3A_286 = arith.constant 16 : i32
      %add3A_287 = arith.addi %scan3A_176, %add3A_286 : i32
      scf.yield %add3A_287 : i32
    }
    %scan3A_63 = arith.constant 128 : i32
    %mul3A_64 = arith.constant 0 : i32
    %mul3A_65 = arith.constant 32768 : i32
    %mul3A_66 = arith.muli %mul3A_64, %mul3A_65 : i32
    %min3A = arith.constant 967168 : i32
    %min3A_67 = arith.minsi %mul3A_66, %min3A : i32
    %multiple_of3A = tpu.assume_multiple %min3A_67, 128 : i32
    %jit3A_68 = arith.constant 2 : i32
    %eq3A_69 = arith.constant 0 : i32
    %eq3A_70 = arith.cmpi eq, %jit3A_68, %eq3A_69 : i32
    %jit3A_71 = arith.constant 1 : i32
    %select_n3A_72 = arith.select %eq3A_70, %jit3A_71, %jit3A_68 : i32
    %rem3A_73 = arith.remsi %arg1, %select_n3A_72 : i32
    %ne3A_74 = arith.constant 0 : i32
    %ne3A_75 = arith.cmpi ne, %rem3A_73, %ne3A_74 : i32
    %lt3A_76 = arith.constant 0 : i32
    %lt3A_77 = arith.cmpi slt, %rem3A_73, %lt3A_76 : i32
    %lt3A_78 = arith.constant 0 : i32
    %lt3A_79 = arith.cmpi slt, %select_n3A_72, %lt3A_78 : i32
    %ne3A_80 = arith.xori %lt3A_77, %lt3A_79 : i1
    %and3A_81 = arith.andi %ne3A_80, %ne3A_75 : i1
    %add3A_82 = arith.addi %rem3A_73, %select_n3A_72 : i32
    %select_n3A_83 = arith.select %and3A_81, %add3A_82, %rem3A_73 : i32
    %jit3A_84 = arith.constant 2 : i32
    %div3A_85 = arith.divsi %arg1, %jit3A_84 : i32
    %sign3A_86 = arith.constant 0 : i32
    %sign3A_87 = arith.cmpi sgt, %arg1, %sign3A_86 : i32
    %sign3A_88 = arith.extui %sign3A_87 : i1 to i32
    %sign3A_89 = arith.constant 0 : i32
    %sign3A_90 = arith.cmpi slt, %arg1, %sign3A_89 : i32
    %sign3A_91 = arith.extui %sign3A_90 : i1 to i32
    %sign3A_92 = arith.subi %sign3A_88, %sign3A_91 : i32
    %sign3A_93 = arith.constant 0 : i32
    %sign3A_94 = arith.cmpi sgt, %jit3A_84, %sign3A_93 : i32
    %sign3A_95 = arith.extui %sign3A_94 : i1 to i32
    %sign3A_96 = arith.constant 0 : i32
    %sign3A_97 = arith.cmpi slt, %jit3A_84, %sign3A_96 : i32
    %sign3A_98 = arith.extui %sign3A_97 : i1 to i32
    %sign3A_99 = arith.subi %sign3A_95, %sign3A_98 : i32
    %ne3A_100 = arith.cmpi ne, %sign3A_92, %sign3A_99 : i32
    %rem3A_101 = arith.remsi %arg1, %jit3A_84 : i32
    %ne3A_102 = arith.constant 0 : i32
    %ne3A_103 = arith.cmpi ne, %rem3A_101, %ne3A_102 : i32
    %and3A_104 = arith.andi %ne3A_100, %ne3A_103 : i1
    %sub3A_105 = arith.constant 1 : i32
    %sub3A_106 = arith.subi %div3A_85, %sub3A_105 : i32
    %select_n3A_107 = arith.select %and3A_104, %sub3A_106, %div3A_85 : i32
    %mul3A_108 = arith.constant 4096 : i32
    %mul3A_109 = arith.muli %select_n3A_107, %mul3A_108 : i32
    %add3A_110 = arith.addi %multiple_of3A, %mul3A_109 : i32
    %multiple_of3A_111 = tpu.assume_multiple %add3A_110, 128 : i32
    %mul3A_112 = arith.constant 8 : i32
    %mul3A_113 = arith.muli %select_n3A_83, %mul3A_112 : i32
    %add3A_114 = arith.addi %mul3A_31, %mul3A_113 : i32
    %dma_start3A = tpu.memref_slice %arg3[%add3A_114, %multiple_of3A_111] : memref<32x1000000xf32, #tpu.memory_space<hbm>> -> memref<8x4096xf32, #tpu.memory_space<hbm>>
    %dma_start3A_115 = tpu.memref_slice %arg3[%add3A_114, %multiple_of3A_111] : memref<32x1000000xf32, #tpu.memory_space<hbm>> -> memref<8x4096xf32, #tpu.memory_space<hbm>>
    tpu.enqueue_dma source(%dma_start3A_115 : memref<8x4096xf32, #tpu.memory_space<hbm>>) target(%arg11 : memref<8x4096xf32, #tpu.memory_space<vmem>>) target_semaphore(%arg32 : memref<!tpu.dma_semaphore, #tpu.memory_space<semaphore_mem>>)
    %scan3A_116 = arith.constant 0 : i32
    %scan3A_117 = arith.constant 0 : i32
    %scan3A_118 = arith.constant 31 : i32
    %scan3A_119 = arith.addi %scan3A_117, %scan3A_118 : i32
    %scan3A_120 = arith.constant 1 : i32
    %scan3A_121 = scf.for %scan3A_175 = %scan3A_117 to %scan3A_119 step %scan3A_120 iter_args(%scan3A_176 = %scan3A_116) -> (i32)  : i32 {
      %mul3A_177 = arith.constant 32768 : i32
      %mul3A_178 = arith.muli %scan3A_176, %mul3A_177 : i32
      %add3A_179 = arith.constant 32768 : i32
      %add3A_180 = arith.addi %mul3A_178, %add3A_179 : i32
      %min3A_181 = arith.constant 999936 : i32
      %min3A_182 = arith.minsi %add3A_180, %min3A_181 : i32
      %min3A_183 = arith.constant 967168 : i32
      %min3A_184 = arith.minsi %mul3A_178, %min3A_183 : i32
      %jit3A_185 = arith.constant 2 : i32
      %eq3A_186 = arith.constant 0 : i32
      %eq3A_187 = arith.cmpi eq, %jit3A_185, %eq3A_186 : i32
      %jit3A_188 = arith.constant 1 : i32
      %select_n3A_189 = arith.select %eq3A_187, %jit3A_188, %jit3A_185 : i32
      %rem3A_190 = arith.remsi %arg1, %select_n3A_189 : i32
      %ne3A_191 = arith.constant 0 : i32
      %ne3A_192 = arith.cmpi ne, %rem3A_190, %ne3A_191 : i32
      %lt3A_193 = arith.constant 0 : i32
      %lt3A_194 = arith.cmpi slt, %rem3A_190, %lt3A_193 : i32
      %lt3A_195 = arith.constant 0 : i32
      %lt3A_196 = arith.cmpi slt, %select_n3A_189, %lt3A_195 : i32
      %ne3A_197 = arith.xori %lt3A_194, %lt3A_196 : i1
      %and3A_198 = arith.andi %ne3A_197, %ne3A_192 : i1
      %add3A_199 = arith.addi %rem3A_190, %select_n3A_189 : i32
      %select_n3A_200 = arith.select %and3A_198, %add3A_199, %rem3A_190 : i32
      %jit3A_201 = arith.constant 2 : i32
      %div3A_202 = arith.divsi %arg1, %jit3A_201 : i32
      %sign3A_203 = arith.constant 0 : i32
      %sign3A_204 = arith.cmpi sgt, %arg1, %sign3A_203 : i32
      %sign3A_205 = arith.extui %sign3A_204 : i1 to i32
      %sign3A_206 = arith.constant 0 : i32
      %sign3A_207 = arith.cmpi slt, %arg1, %sign3A_206 : i32
      %sign3A_208 = arith.extui %sign3A_207 : i1 to i32
      %sign3A_209 = arith.subi %sign3A_205, %sign3A_208 : i32
      %sign3A_210 = arith.constant 0 : i32
      %sign3A_211 = arith.cmpi sgt, %jit3A_201, %sign3A_210 : i32
      %sign3A_212 = arith.extui %sign3A_211 : i1 to i32
      %sign3A_213 = arith.constant 0 : i32
      %sign3A_214 = arith.cmpi slt, %jit3A_201, %sign3A_213 : i32
      %sign3A_215 = arith.extui %sign3A_214 : i1 to i32
      %sign3A_216 = arith.subi %sign3A_212, %sign3A_215 : i32
      %ne3A_217 = arith.cmpi ne, %sign3A_209, %sign3A_216 : i32
      %rem3A_218 = arith.remsi %arg1, %jit3A_201 : i32
      %ne3A_219 = arith.constant 0 : i32
      %ne3A_220 = arith.cmpi ne, %rem3A_218, %ne3A_219 : i32
      %and3A_221 = arith.andi %ne3A_217, %ne3A_220 : i1
      %sub3A_222 = arith.constant 1 : i32
      %sub3A_223 = arith.subi %div3A_202, %sub3A_222 : i32
      %select_n3A_224 = arith.select %and3A_221, %sub3A_223, %div3A_202 : i32
      %mul3A_225 = arith.constant 32768 : i32
      %mul3A_226 = arith.muli %scan3A_176, %mul3A_225 : i32
      %min3A_227 = arith.constant 967168 : i32
      %min3A_228 = arith.minsi %mul3A_226, %min3A_227 : i32
      %multiple_of3A_229 = tpu.assume_multiple %min3A_228, 128 : i32
      %jit3A_230 = arith.constant 2 : i32
      %eq3A_231 = arith.constant 0 : i32
      %eq3A_232 = arith.cmpi eq, %jit3A_230, %eq3A_231 : i32
      %jit3A_233 = arith.constant 1 : i32
      %select_n3A_234 = arith.select %eq3A_232, %jit3A_233, %jit3A_230 : i32
      %rem3A_235 = arith.remsi %arg1, %select_n3A_234 : i32
      %ne3A_236 = arith.constant 0 : i32
      %ne3A_237 = arith.cmpi ne, %rem3A_235, %ne3A_236 : i32
      %lt3A_238 = arith.constant 0 : i32
      %lt3A_239 = arith.cmpi slt, %rem3A_235, %lt3A_238 : i32
      %lt3A_240 = arith.constant 0 : i32
      %lt3A_241 = arith.cmpi slt, %select_n3A_234, %lt3A_240 : i32
      %ne3A_242 = arith.xori %lt3A_239, %lt3A_241 : i1
      %and3A_243 = arith.andi %ne3A_242, %ne3A_237 : i1
      %add3A_244 = arith.addi %rem3A_235, %select_n3A_234 : i32
      %select_n3A_245 = arith.select %and3A_243, %add3A_244, %rem3A_235 : i32
      %jit3A_246 = arith.constant 2 : i32
      %div3A_247 = arith.divsi %arg1, %jit3A_246 : i32
      %sign3A_248 = arith.constant 0 : i32
      %sign3A_249 = arith.cmpi sgt, %arg1, %sign3A_248 : i32
      %sign3A_250 = arith.extui %sign3A_249 : i1 to i32
      %sign3A_251 = arith.constant 0 : i32
      %sign3A_252 = arith.cmpi slt, %arg1, %sign3A_251 : i32
      %sign3A_253 = arith.extui %sign3A_252 : i1 to i32
      %sign3A_254 = arith.subi %sign3A_250, %sign3A_253 : i32
      %sign3A_255 = arith.constant 0 : i32
      %sign3A_256 = arith.cmpi sgt, %jit3A_246, %sign3A_255 : i32
      %sign3A_257 = arith.extui %sign3A_256 : i1 to i32
      %sign3A_258 = arith.constant 0 : i32
      %sign3A_259 = arith.cmpi slt, %jit3A_246, %sign3A_258 : i32
      %sign3A_260 = arith.extui %sign3A_259 : i1 to i32
      %sign3A_261 = arith.subi %sign3A_257, %sign3A_260 : i32
      %ne3A_262 = arith.cmpi ne, %sign3A_254, %sign3A_261 : i32
      %rem3A_263 = arith.remsi %arg1, %jit3A_246 : i32
      %ne3A_264 = arith.constant 0 : i32
      %ne3A_265 = arith.cmpi ne, %rem3A_263, %ne3A_264 : i32
      %and3A_266 = arith.andi %ne3A_262, %ne3A_265 : i1
      %sub3A_267 = arith.constant 1 : i32
      %sub3A_268 = arith.subi %div3A_247, %sub3A_267 : i32
      %select_n3A_269 = arith.select %and3A_266, %sub3A_268, %div3A_247 : i32
      %mul3A_270 = arith.constant 4096 : i32
      %mul3A_271 = arith.muli %select_n3A_269, %mul3A_270 : i32
      %add3A_272 = arith.addi %multiple_of3A_229, %mul3A_271 : i32
      %multiple_of3A_273 = tpu.assume_multiple %add3A_272, 128 : i32
      %mul3A_274 = arith.constant 8 : i32
      %mul3A_275 = arith.muli %select_n3A_245, %mul3A_274 : i32
      %add3A_276 = arith.addi %mul3A_31, %mul3A_275 : i32
      %dma_wait3A = tpu.memref_slice %arg3[%add3A_276, %multiple_of3A_273] : memref<32x1000000xf32, #tpu.memory_space<hbm>> -> memref<8x4096xf32, #tpu.memory_space<hbm>>
      %dma_wait3A_277 = tpu.memref_slice %arg3[%add3A_276, %multiple_of3A_273] : memref<32x1000000xf32, #tpu.memory_space<hbm>> -> memref<8x4096xf32, #tpu.memory_space<hbm>>
      tpu.wait_dma2 semaphore(%arg32 : memref<!tpu.dma_semaphore, #tpu.memory_space<semaphore_mem>>) src(%dma_wait3A_277 : memref<8x4096xf32, #tpu.memory_space<hbm>>) dst(%arg11 : memref<8x4096xf32, #tpu.memory_space<vmem>>)
      %mul3A_278 = arith.constant 8 : i32
      %mul3A_279 = arith.muli %select_n3A_200, %mul3A_278 : i32
      %add3A_280 = arith.constant 0 : i32
      %add3A_281 = arith.addi %mul3A_279, %add3A_280 : i32
      %mul3A_282 = arith.constant 32768 : i32
      %mul3A_283 = arith.muli %add3A_281, %mul3A_282 : i32
      %mul3A_284 = arith.constant 4096 : i32
      %mul3A_285 = arith.muli %select_n3A_224, %mul3A_284 : i32
      %add3A_286 = arith.addi %mul3A_283, %mul3A_285 : i32
      %dma_start3A_287 = arith.constant 0 : i32
      %dma_start3A_288 = arith.constant 0 : i32
      %dma_start3A_289 = tpu.memref_slice %arg11[%dma_start3A_287, %dma_start3A_288] : memref<8x4096xf32, #tpu.memory_space<vmem>> -> memref<1x4096xf32, #tpu.memory_space<vmem>>
      %dma_start3A_290 = tpu.memref_squeeze %dma_start3A_289 : memref<1x4096xf32, #tpu.memory_space<vmem>> -> memref<4096xf32, #tpu.memory_space<vmem>>
      %dma_start3A_291 = tpu.memref_slice %arg30[%add3A_286] : memref<524288xf32, #tpu.memory_space<vmem_shared>> -> memref<4096xf32, #tpu.memory_space<vmem_shared>>
      %dma_start3A_292 = tpu.memref_slice %arg30[%add3A_286] : memref<524288xf32, #tpu.memory_space<vmem_shared>> -> memref<4096xf32, #tpu.memory_space<vmem_shared>>
      %dma_start3A_293 = arith.constant 0 : i32
      %dma_start3A_294 = tpu.memref_slice %arg11[%dma_start3A_287, %dma_start3A_293] : memref<8x4096xf32, #tpu.memory_space<vmem>> -> memref<1x4096xf32, #tpu.memory_space<vmem>>
      %dma_start3A_295 = tpu.memref_squeeze %dma_start3A_294 : memref<1x4096xf32, #tpu.memory_space<vmem>> -> memref<4096xf32, #tpu.memory_space<vmem>>
      tpu.enqueue_dma source(%dma_start3A_295 : memref<4096xf32, #tpu.memory_space<vmem>>) target(%dma_start3A_292 : memref<4096xf32, #tpu.memory_space<vmem_shared>>) target_semaphore(%arg33 : memref<!tpu.dma_semaphore, #tpu.memory_space<semaphore_mem>>)
      %mul3A_296 = arith.constant 8 : i32
      %mul3A_297 = arith.muli %select_n3A_200, %mul3A_296 : i32
      %add3A_298 = arith.constant 1 : i32
      %add3A_299 = arith.addi %mul3A_297, %add3A_298 : i32
      %mul3A_300 = arith.constant 32768 : i32
      %mul3A_301 = arith.muli %add3A_299, %mul3A_300 : i32
      %mul3A_302 = arith.constant 4096 : i32
      %mul3A_303 = arith.muli %select_n3A_224, %mul3A_302 : i32
      %add3A_304 = arith.addi %mul3A_301, %mul3A_303 : i32
      %dma_start3A_305 = arith.constant 1 : i32
      %dma_start3A_306 = arith.constant 0 : i32
      %dma_start3A_307 = tpu.memref_slice %arg11[%dma_start3A_305, %dma_start3A_306] : memref<8x4096xf32, #tpu.memory_space<vmem>> -> memref<1x4096xf32, #tpu.memory_space<vmem>>
      %dma_start3A_308 = tpu.memref_squeeze %dma_start3A_307 : memref<1x4096xf32, #tpu.memory_space<vmem>> -> memref<4096xf32, #tpu.memory_space<vmem>>
      %dma_start3A_309 = tpu.memref_slice %arg30[%add3A_304] : memref<524288xf32, #tpu.memory_space<vmem_shared>> -> memref<4096xf32, #tpu.memory_space<vmem_shared>>
      %dma_start3A_310 = tpu.memref_slice %arg30[%add3A_304] : memref<524288xf32, #tpu.memory_space<vmem_shared>> -> memref<4096xf32, #tpu.memory_space<vmem_shared>>
      %dma_start3A_311 = arith.constant 0 : i32
      %dma_start3A_312 = tpu.memref_slice %arg11[%dma_start3A_305, %dma_start3A_311] : memref<8x4096xf32, #tpu.memory_space<vmem>> -> memref<1x4096xf32, #tpu.memory_space<vmem>>
      %dma_start3A_313 = tpu.memref_squeeze %dma_start3A_312 : memref<1x4096xf32, #tpu.memory_space<vmem>> -> memref<4096xf32, #tpu.memory_space<vmem>>
      tpu.enqueue_dma source(%dma_start3A_313 : memref<4096xf32, #tpu.memory_space<vmem>>) target(%dma_start3A_310 : memref<4096xf32, #tpu.memory_space<vmem_shared>>) target_semaphore(%arg33 : memref<!tpu.dma_semaphore, #tpu.memory_space<semaphore_mem>>)
      %mul3A_314 = arith.constant 8 : i32
      %mul3A_315 = arith.muli %select_n3A_200, %mul3A_314 : i32
      %add3A_316 = arith.constant 2 : i32
      %add3A_317 = arith.addi %mul3A_315, %add3A_316 : i32
      %mul3A_318 = arith.constant 32768 : i32
      %mul3A_319 = arith.muli %add3A_317, %mul3A_318 : i32
      %mul3A_320 = arith.constant 4096 : i32
      %mul3A_321 = arith.muli %select_n3A_224, %mul3A_320 : i32
      %add3A_322 = arith.addi %mul3A_319, %mul3A_321 : i32
      %dma_start3A_323 = arith.constant 2 : i32
      %dma_start3A_324 = arith.constant 0 : i32
      %dma_start3A_325 = tpu.memref_slice %arg11[%dma_start3A_323, %dma_start3A_324] : memref<8x4096xf32, #tpu.memory_space<vmem>> -> memref<1x4096xf32, #tpu.memory_space<vmem>>
      %dma_start3A_326 = tpu.memref_squeeze %dma_start3A_325 : memref<1x4096xf32, #tpu.memory_space<vmem>> -> memref<4096xf32, #tpu.memory_space<vmem>>
      %dma_start3A_327 = tpu.memref_slice %arg30[%add3A_322] : memref<524288xf32, #tpu.memory_space<vmem_shared>> -> memref<4096xf32, #tpu.memory_space<vmem_shared>>
      %dma_start3A_328 = tpu.memref_slice %arg30[%add3A_322] : memref<524288xf32, #tpu.memory_space<vmem_shared>> -> memref<4096xf32, #tpu.memory_space<vmem_shared>>
      %dma_start3A_329 = arith.constant 0 : i32
      %dma_start3A_330 = tpu.memref_slice %arg11[%dma_start3A_323, %dma_start3A_329] : memref<8x4096xf32, #tpu.memory_space<vmem>> -> memref<1x4096xf32, #tpu.memory_space<vmem>>
      %dma_start3A_331 = tpu.memref_squeeze %dma_start3A_330 : memref<1x4096xf32, #tpu.memory_space<vmem>> -> memref<4096xf32, #tpu.memory_space<vmem>>
      tpu.enqueue_dma source(%dma_start3A_331 : memref<4096xf32, #tpu.memory_space<vmem>>) target(%dma_start3A_328 : memref<4096xf32, #tpu.memory_space<vmem_shared>>) target_semaphore(%arg33 : memref<!tpu.dma_semaphore, #tpu.memory_space<semaphore_mem>>)
      %mul3A_332 = arith.constant 8 : i32
      %mul3A_333 = arith.muli %select_n3A_200, %mul3A_332 : i32
      %add3A_334 = arith.constant 3 : i32
      %add3A_335 = arith.addi %mul3A_333, %add3A_334 : i32
      %mul3A_336 = arith.constant 32768 : i32
      %mul3A_337 = arith.muli %add3A_335, %mul3A_336 : i32
      %mul3A_338 = arith.constant 4096 : i32
      %mul3A_339 = arith.muli %select_n3A_224, %mul3A_338 : i32
      %add3A_340 = arith.addi %mul3A_337, %mul3A_339 : i32
      %dma_start3A_341 = arith.constant 3 : i32
      %dma_start3A_342 = arith.constant 0 : i32
      %dma_start3A_343 = tpu.memref_slice %arg11[%dma_start3A_341, %dma_start3A_342] : memref<8x4096xf32, #tpu.memory_space<vmem>> -> memref<1x4096xf32, #tpu.memory_space<vmem>>
      %dma_start3A_344 = tpu.memref_squeeze %dma_start3A_343 : memref<1x4096xf32, #tpu.memory_space<vmem>> -> memref<4096xf32, #tpu.memory_space<vmem>>
      %dma_start3A_345 = tpu.memref_slice %arg30[%add3A_340] : memref<524288xf32, #tpu.memory_space<vmem_shared>> -> memref<4096xf32, #tpu.memory_space<vmem_shared>>
      %dma_start3A_346 = tpu.memref_slice %arg30[%add3A_340] : memref<524288xf32, #tpu.memory_space<vmem_shared>> -> memref<4096xf32, #tpu.memory_space<vmem_shared>>
      %dma_start3A_347 = arith.constant 0 : i32
      %dma_start3A_348 = tpu.memref_slice %arg11[%dma_start3A_341, %dma_start3A_347] : memref<8x4096xf32, #tpu.memory_space<vmem>> -> memref<1x4096xf32, #tpu.memory_space<vmem>>
      %dma_start3A_349 = tpu.memref_squeeze %dma_start3A_348 : memref<1x4096xf32, #tpu.memory_space<vmem>> -> memref<4096xf32, #tpu.memory_space<vmem>>
      tpu.enqueue_dma source(%dma_start3A_349 : memref<4096xf32, #tpu.memory_space<vmem>>) target(%dma_start3A_346 : memref<4096xf32, #tpu.memory_space<vmem_shared>>) target_semaphore(%arg33 : memref<!tpu.dma_semaphore, #tpu.memory_space<semaphore_mem>>)
      %mul3A_350 = arith.constant 8 : i32
      %mul3A_351 = arith.muli %select_n3A_200, %mul3A_350 : i32
      %add3A_352 = arith.constant 4 : i32
      %add3A_353 = arith.addi %mul3A_351, %add3A_352 : i32
      %mul3A_354 = arith.constant 32768 : i32
      %mul3A_355 = arith.muli %add3A_353, %mul3A_354 : i32
      %mul3A_356 = arith.constant 4096 : i32
      %mul3A_357 = arith.muli %select_n3A_224, %mul3A_356 : i32
      %add3A_358 = arith.addi %mul3A_355, %mul3A_357 : i32
      %dma_start3A_359 = arith.constant 4 : i32
      %dma_start3A_360 = arith.constant 0 : i32
      %dma_start3A_361 = tpu.memref_slice %arg11[%dma_start3A_359, %dma_start3A_360] : memref<8x4096xf32, #tpu.memory_space<vmem>> -> memref<1x4096xf32, #tpu.memory_space<vmem>>
      %dma_start3A_362 = tpu.memref_squeeze %dma_start3A_361 : memref<1x4096xf32, #tpu.memory_space<vmem>> -> memref<4096xf32, #tpu.memory_space<vmem>>
      %dma_start3A_363 = tpu.memref_slice %arg30[%add3A_358] : memref<524288xf32, #tpu.memory_space<vmem_shared>> -> memref<4096xf32, #tpu.memory_space<vmem_shared>>
      %dma_start3A_364 = tpu.memref_slice %arg30[%add3A_358] : memref<524288xf32, #tpu.memory_space<vmem_shared>> -> memref<4096xf32, #tpu.memory_space<vmem_shared>>
      %dma_start3A_365 = arith.constant 0 : i32
      %dma_start3A_366 = tpu.memref_slice %arg11[%dma_start3A_359, %dma_start3A_365] : memref<8x4096xf32, #tpu.memory_space<vmem>> -> memref<1x4096xf32, #tpu.memory_space<vmem>>
      %dma_start3A_367 = tpu.memref_squeeze %dma_start3A_366 : memref<1x4096xf32, #tpu.memory_space<vmem>> -> memref<4096xf32, #tpu.memory_space<vmem>>
      tpu.enqueue_dma source(%dma_start3A_367 : memref<4096xf32, #tpu.memory_space<vmem>>) target(%dma_start3A_364 : memref<4096xf32, #tpu.memory_space<vmem_shared>>) target_semaphore(%arg33 : memref<!tpu.dma_semaphore, #tpu.memory_space<semaphore_mem>>)
      %mul3A_368 = arith.constant 8 : i32
      %mul3A_369 = arith.muli %select_n3A_200, %mul3A_368 : i32
      %add3A_370 = arith.constant 5 : i32
      %add3A_371 = arith.addi %mul3A_369, %add3A_370 : i32
      %mul3A_372 = arith.constant 32768 : i32
      %mul3A_373 = arith.muli %add3A_371, %mul3A_372 : i32
      %mul3A_374 = arith.constant 4096 : i32
      %mul3A_375 = arith.muli %select_n3A_224, %mul3A_374 : i32
      %add3A_376 = arith.addi %mul3A_373, %mul3A_375 : i32
      %dma_start3A_377 = arith.constant 5 : i32
      %dma_start3A_378 = arith.constant 0 : i32
      %dma_start3A_379 = tpu.memref_slice %arg11[%dma_start3A_377, %dma_start3A_378] : memref<8x4096xf32, #tpu.memory_space<vmem>> -> memref<1x4096xf32, #tpu.memory_space<vmem>>
      %dma_start3A_380 = tpu.memref_squeeze %dma_start3A_379 : memref<1x4096xf32, #tpu.memory_space<vmem>> -> memref<4096xf32, #tpu.memory_space<vmem>>
      %dma_start3A_381 = tpu.memref_slice %arg30[%add3A_376] : memref<524288xf32, #tpu.memory_space<vmem_shared>> -> memref<4096xf32, #tpu.memory_space<vmem_shared>>
      %dma_start3A_382 = tpu.memref_slice %arg30[%add3A_376] : memref<524288xf32, #tpu.memory_space<vmem_shared>> -> memref<4096xf32, #tpu.memory_space<vmem_shared>>
      %dma_start3A_383 = arith.constant 0 : i32
      %dma_start3A_384 = tpu.memref_slice %arg11[%dma_start3A_377, %dma_start3A_383] : memref<8x4096xf32, #tpu.memory_space<vmem>> -> memref<1x4096xf32, #tpu.memory_space<vmem>>
      %dma_start3A_385 = tpu.memref_squeeze %dma_start3A_384 : memref<1x4096xf32, #tpu.memory_space<vmem>> -> memref<4096xf32, #tpu.memory_space<vmem>>
      tpu.enqueue_dma source(%dma_start3A_385 : memref<4096xf32, #tpu.memory_space<vmem>>) target(%dma_start3A_382 : memref<4096xf32, #tpu.memory_space<vmem_shared>>) target_semaphore(%arg33 : memref<!tpu.dma_semaphore, #tpu.memory_space<semaphore_mem>>)
      %mul3A_386 = arith.constant 8 : i32
      %mul3A_387 = arith.muli %select_n3A_200, %mul3A_386 : i32
      %add3A_388 = arith.constant 6 : i32
      %add3A_389 = arith.addi %mul3A_387, %add3A_388 : i32
      %mul3A_390 = arith.constant 32768 : i32
      %mul3A_391 = arith.muli %add3A_389, %mul3A_390 : i32
      %mul3A_392 = arith.constant 4096 : i32
      %mul3A_393 = arith.muli %select_n3A_224, %mul3A_392 : i32
      %add3A_394 = arith.addi %mul3A_391, %mul3A_393 : i32
      %dma_start3A_395 = arith.constant 6 : i32
      %dma_start3A_396 = arith.constant 0 : i32
      %dma_start3A_397 = tpu.memref_slice %arg11[%dma_start3A_395, %dma_start3A_396] : memref<8x4096xf32, #tpu.memory_space<vmem>> -> memref<1x4096xf32, #tpu.memory_space<vmem>>
      %dma_start3A_398 = tpu.memref_squeeze %dma_start3A_397 : memref<1x4096xf32, #tpu.memory_space<vmem>> -> memref<4096xf32, #tpu.memory_space<vmem>>
      %dma_start3A_399 = tpu.memref_slice %arg30[%add3A_394] : memref<524288xf32, #tpu.memory_space<vmem_shared>> -> memref<4096xf32, #tpu.memory_space<vmem_shared>>
      %dma_start3A_400 = tpu.memref_slice %arg30[%add3A_394] : memref<524288xf32, #tpu.memory_space<vmem_shared>> -> memref<4096xf32, #tpu.memory_space<vmem_shared>>
      %dma_start3A_401 = arith.constant 0 : i32
      %dma_start3A_402 = tpu.memref_slice %arg11[%dma_start3A_395, %dma_start3A_401] : memref<8x4096xf32, #tpu.memory_space<vmem>> -> memref<1x4096xf32, #tpu.memory_space<vmem>>
      %dma_start3A_403 = tpu.memref_squeeze %dma_start3A_402 : memref<1x4096xf32, #tpu.memory_space<vmem>> -> memref<4096xf32, #tpu.memory_space<vmem>>
      tpu.enqueue_dma source(%dma_start3A_403 : memref<4096xf32, #tpu.memory_space<vmem>>) target(%dma_start3A_400 : memref<4096xf32, #tpu.memory_space<vmem_shared>>) target_semaphore(%arg33 : memref<!tpu.dma_semaphore, #tpu.memory_space<semaphore_mem>>)
      %mul3A_404 = arith.constant 8 : i32
      %mul3A_405 = arith.muli %select_n3A_200, %mul3A_404 : i32
      %add3A_406 = arith.constant 7 : i32
      %add3A_407 = arith.addi %mul3A_405, %add3A_406 : i32
      %mul3A_408 = arith.constant 32768 : i32
      %mul3A_409 = arith.muli %add3A_407, %mul3A_408 : i32
      %mul3A_410 = arith.constant 4096 : i32
      %mul3A_411 = arith.muli %select_n3A_224, %mul3A_410 : i32
      %add3A_412 = arith.addi %mul3A_409, %mul3A_411 : i32
      %dma_start3A_413 = arith.constant 7 : i32
      %dma_start3A_414 = arith.constant 0 : i32
      %dma_start3A_415 = tpu.memref_slice %arg11[%dma_start3A_413, %dma_start3A_414] : memref<8x4096xf32, #tpu.memory_space<vmem>> -> memref<1x4096xf32, #tpu.memory_space<vmem>>
      %dma_start3A_416 = tpu.memref_squeeze %dma_start3A_415 : memref<1x4096xf32, #tpu.memory_space<vmem>> -> memref<4096xf32, #tpu.memory_space<vmem>>
      %dma_start3A_417 = tpu.memref_slice %arg30[%add3A_412] : memref<524288xf32, #tpu.memory_space<vmem_shared>> -> memref<4096xf32, #tpu.memory_space<vmem_shared>>
      %dma_start3A_418 = tpu.memref_slice %arg30[%add3A_412] : memref<524288xf32, #tpu.memory_space<vmem_shared>> -> memref<4096xf32, #tpu.memory_space<vmem_shared>>
      %dma_start3A_419 = arith.constant 0 : i32
      %dma_start3A_420 = tpu.memref_slice %arg11[%dma_start3A_413, %dma_start3A_419] : memref<8x4096xf32, #tpu.memory_space<vmem>> -> memref<1x4096xf32, #tpu.memory_space<vmem>>
      %dma_start3A_421 = tpu.memref_squeeze %dma_start3A_420 : memref<1x4096xf32, #tpu.memory_space<vmem>> -> memref<4096xf32, #tpu.memory_space<vmem>>
      tpu.enqueue_dma source(%dma_start3A_421 : memref<4096xf32, #tpu.memory_space<vmem>>) target(%dma_start3A_418 : memref<4096xf32, #tpu.memory_space<vmem_shared>>) target_semaphore(%arg33 : memref<!tpu.dma_semaphore, #tpu.memory_space<semaphore_mem>>)
      %dma_wait3A_422 = arith.constant 0 : i32
      %dma_wait3A_423 = arith.constant 0 : i32
      %dma_wait3A_424 = tpu.memref_slice %arg11[%dma_wait3A_422, %dma_wait3A_423] : memref<8x4096xf32, #tpu.memory_space<vmem>> -> memref<1x4096xf32, #tpu.memory_space<vmem>>
      %dma_wait3A_425 = tpu.memref_squeeze %dma_wait3A_424 : memref<1x4096xf32, #tpu.memory_space<vmem>> -> memref<4096xf32, #tpu.memory_space<vmem>>
      %dma_wait3A_426 = tpu.memref_slice %arg30[%add3A_286] : memref<524288xf32, #tpu.memory_space<vmem_shared>> -> memref<4096xf32, #tpu.memory_space<vmem_shared>>
      %dma_wait3A_427 = tpu.memref_slice %arg30[%add3A_286] : memref<524288xf32, #tpu.memory_space<vmem_shared>> -> memref<4096xf32, #tpu.memory_space<vmem_shared>>
      %dma_wait3A_428 = arith.constant 0 : i32
      %dma_wait3A_429 = tpu.memref_slice %arg11[%dma_wait3A_422, %dma_wait3A_428] : memref<8x4096xf32, #tpu.memory_space<vmem>> -> memref<1x4096xf32, #tpu.memory_space<vmem>>
      %dma_wait3A_430 = tpu.memref_squeeze %dma_wait3A_429 : memref<1x4096xf32, #tpu.memory_space<vmem>> -> memref<4096xf32, #tpu.memory_space<vmem>>
      tpu.wait_dma2 semaphore(%arg33 : memref<!tpu.dma_semaphore, #tpu.memory_space<semaphore_mem>>) src(%dma_wait3A_430 : memref<4096xf32, #tpu.memory_space<vmem>>) dst(%dma_wait3A_427 : memref<4096xf32, #tpu.memory_space<vmem_shared>>)
      %dma_wait3A_431 = arith.constant 1 : i32
      %dma_wait3A_432 = arith.constant 0 : i32
      %dma_wait3A_433 = tpu.memref_slice %arg11[%dma_wait3A_431, %dma_wait3A_432] : memref<8x4096xf32, #tpu.memory_space<vmem>> -> memref<1x4096xf32, #tpu.memory_space<vmem>>
      %dma_wait3A_434 = tpu.memref_squeeze %dma_wait3A_433 : memref<1x4096xf32, #tpu.memory_space<vmem>> -> memref<4096xf32, #tpu.memory_space<vmem>>
      %dma_wait3A_435 = tpu.memref_slice %arg30[%add3A_304] : memref<524288xf32, #tpu.memory_space<vmem_shared>> -> memref<4096xf32, #tpu.memory_space<vmem_shared>>
      %dma_wait3A_436 = tpu.memref_slice %arg30[%add3A_304] : memref<524288xf32, #tpu.memory_space<vmem_shared>> -> memref<4096xf32, #tpu.memory_space<vmem_shared>>
      %dma_wait3A_437 = arith.constant 0 : i32
      %dma_wait3A_438 = tpu.memref_slice %arg11[%dma_wait3A_431, %dma_wait3A_437] : memref<8x4096xf32, #tpu.memory_space<vmem>> -> memref<1x4096xf32, #tpu.memory_space<vmem>>
      %dma_wait3A_439 = tpu.memref_squeeze %dma_wait3A_438 : memref<1x4096xf32, #tpu.memory_space<vmem>> -> memref<4096xf32, #tpu.memory_space<vmem>>
      tpu.wait_dma2 semaphore(%arg33 : memref<!tpu.dma_semaphore, #tpu.memory_space<semaphore_mem>>) src(%dma_wait3A_439 : memref<4096xf32, #tpu.memory_space<vmem>>) dst(%dma_wait3A_436 : memref<4096xf32, #tpu.memory_space<vmem_shared>>)
      %dma_wait3A_440 = arith.constant 2 : i32
      %dma_wait3A_441 = arith.constant 0 : i32
      %dma_wait3A_442 = tpu.memref_slice %arg11[%dma_wait3A_440, %dma_wait3A_441] : memref<8x4096xf32, #tpu.memory_space<vmem>> -> memref<1x4096xf32, #tpu.memory_space<vmem>>
      %dma_wait3A_443 = tpu.memref_squeeze %dma_wait3A_442 : memref<1x4096xf32, #tpu.memory_space<vmem>> -> memref<4096xf32, #tpu.memory_space<vmem>>
      %dma_wait3A_444 = tpu.memref_slice %arg30[%add3A_322] : memref<524288xf32, #tpu.memory_space<vmem_shared>> -> memref<4096xf32, #tpu.memory_space<vmem_shared>>
      %dma_wait3A_445 = tpu.memref_slice %arg30[%add3A_322] : memref<524288xf32, #tpu.memory_space<vmem_shared>> -> memref<4096xf32, #tpu.memory_space<vmem_shared>>
      %dma_wait3A_446 = arith.constant 0 : i32
      %dma_wait3A_447 = tpu.memref_slice %arg11[%dma_wait3A_440, %dma_wait3A_446] : memref<8x4096xf32, #tpu.memory_space<vmem>> -> memref<1x4096xf32, #tpu.memory_space<vmem>>
      %dma_wait3A_448 = tpu.memref_squeeze %dma_wait3A_447 : memref<1x4096xf32, #tpu.memory_space<vmem>> -> memref<4096xf32, #tpu.memory_space<vmem>>
      tpu.wait_dma2 semaphore(%arg33 : memref<!tpu.dma_semaphore, #tpu.memory_space<semaphore_mem>>) src(%dma_wait3A_448 : memref<4096xf32, #tpu.memory_space<vmem>>) dst(%dma_wait3A_445 : memref<4096xf32, #tpu.memory_space<vmem_shared>>)
      %dma_wait3A_449 = arith.constant 3 : i32
      %dma_wait3A_450 = arith.constant 0 : i32
      %dma_wait3A_451 = tpu.memref_slice %arg11[%dma_wait3A_449, %dma_wait3A_450] : memref<8x4096xf32, #tpu.memory_space<vmem>> -> memref<1x4096xf32, #tpu.memory_space<vmem>>
      %dma_wait3A_452 = tpu.memref_squeeze %dma_wait3A_451 : memref<1x4096xf32, #tpu.memory_space<vmem>> -> memref<4096xf32, #tpu.memory_space<vmem>>
      %dma_wait3A_453 = tpu.memref_slice %arg30[%add3A_340] : memref<524288xf32, #tpu.memory_space<vmem_shared>> -> memref<4096xf32, #tpu.memory_space<vmem_shared>>
      %dma_wait3A_454 = tpu.memref_slice %arg30[%add3A_340] : memref<524288xf32, #tpu.memory_space<vmem_shared>> -> memref<4096xf32, #tpu.memory_space<vmem_shared>>
      %dma_wait3A_455 = arith.constant 0 : i32
      %dma_wait3A_456 = tpu.memref_slice %arg11[%dma_wait3A_449, %dma_wait3A_455] : memref<8x4096xf32, #tpu.memory_space<vmem>> -> memref<1x4096xf32, #tpu.memory_space<vmem>>
      %dma_wait3A_457 = tpu.memref_squeeze %dma_wait3A_456 : memref<1x4096xf32, #tpu.memory_space<vmem>> -> memref<4096xf32, #tpu.memory_space<vmem>>
      tpu.wait_dma2 semaphore(%arg33 : memref<!tpu.dma_semaphore, #tpu.memory_space<semaphore_mem>>) src(%dma_wait3A_457 : memref<4096xf32, #tpu.memory_space<vmem>>) dst(%dma_wait3A_454 : memref<4096xf32, #tpu.memory_space<vmem_shared>>)
      %dma_wait3A_458 = arith.constant 4 : i32
      %dma_wait3A_459 = arith.constant 0 : i32
      %dma_wait3A_460 = tpu.memref_slice %arg11[%dma_wait3A_458, %dma_wait3A_459] : memref<8x4096xf32, #tpu.memory_space<vmem>> -> memref<1x4096xf32, #tpu.memory_space<vmem>>
      %dma_wait3A_461 = tpu.memref_squeeze %dma_wait3A_460 : memref<1x4096xf32, #tpu.memory_space<vmem>> -> memref<4096xf32, #tpu.memory_space<vmem>>
      %dma_wait3A_462 = tpu.memref_slice %arg30[%add3A_358] : memref<524288xf32, #tpu.memory_space<vmem_shared>> -> memref<4096xf32, #tpu.memory_space<vmem_shared>>
      %dma_wait3A_463 = tpu.memref_slice %arg30[%add3A_358] : memref<524288xf32, #tpu.memory_space<vmem_shared>> -> memref<4096xf32, #tpu.memory_space<vmem_shared>>
      %dma_wait3A_464 = arith.constant 0 : i32
      %dma_wait3A_465 = tpu.memref_slice %arg11[%dma_wait3A_458, %dma_wait3A_464] : memref<8x4096xf32, #tpu.memory_space<vmem>> -> memref<1x4096xf32, #tpu.memory_space<vmem>>
      %dma_wait3A_466 = tpu.memref_squeeze %dma_wait3A_465 : memref<1x4096xf32, #tpu.memory_space<vmem>> -> memref<4096xf32, #tpu.memory_space<vmem>>
      tpu.wait_dma2 semaphore(%arg33 : memref<!tpu.dma_semaphore, #tpu.memory_space<semaphore_mem>>) src(%dma_wait3A_466 : memref<4096xf32, #tpu.memory_space<vmem>>) dst(%dma_wait3A_463 : memref<4096xf32, #tpu.memory_space<vmem_shared>>)
      %dma_wait3A_467 = arith.constant 5 : i32
      %dma_wait3A_468 = arith.constant 0 : i32
      %dma_wait3A_469 = tpu.memref_slice %arg11[%dma_wait3A_467, %dma_wait3A_468] : memref<8x4096xf32, #tpu.memory_space<vmem>> -> memref<1x4096xf32, #tpu.memory_space<vmem>>
      %dma_wait3A_470 = tpu.memref_squeeze %dma_wait3A_469 : memref<1x4096xf32, #tpu.memory_space<vmem>> -> memref<4096xf32, #tpu.memory_space<vmem>>
      %dma_wait3A_471 = tpu.memref_slice %arg30[%add3A_376] : memref<524288xf32, #tpu.memory_space<vmem_shared>> -> memref<4096xf32, #tpu.memory_space<vmem_shared>>
      %dma_wait3A_472 = tpu.memref_slice %arg30[%add3A_376] : memref<524288xf32, #tpu.memory_space<vmem_shared>> -> memref<4096xf32, #tpu.memory_space<vmem_shared>>
      %dma_wait3A_473 = arith.constant 0 : i32
      %dma_wait3A_474 = tpu.memref_slice %arg11[%dma_wait3A_467, %dma_wait3A_473] : memref<8x4096xf32, #tpu.memory_space<vmem>> -> memref<1x4096xf32, #tpu.memory_space<vmem>>
      %dma_wait3A_475 = tpu.memref_squeeze %dma_wait3A_474 : memref<1x4096xf32, #tpu.memory_space<vmem>> -> memref<4096xf32, #tpu.memory_space<vmem>>
      tpu.wait_dma2 semaphore(%arg33 : memref<!tpu.dma_semaphore, #tpu.memory_space<semaphore_mem>>) src(%dma_wait3A_475 : memref<4096xf32, #tpu.memory_space<vmem>>) dst(%dma_wait3A_472 : memref<4096xf32, #tpu.memory_space<vmem_shared>>)
      %dma_wait3A_476 = arith.constant 6 : i32
      %dma_wait3A_477 = arith.constant 0 : i32
      %dma_wait3A_478 = tpu.memref_slice %arg11[%dma_wait3A_476, %dma_wait3A_477] : memref<8x4096xf32, #tpu.memory_space<vmem>> -> memref<1x4096xf32, #tpu.memory_space<vmem>>
      %dma_wait3A_479 = tpu.memref_squeeze %dma_wait3A_478 : memref<1x4096xf32, #tpu.memory_space<vmem>> -> memref<4096xf32, #tpu.memory_space<vmem>>
      %dma_wait3A_480 = tpu.memref_slice %arg30[%add3A_394] : memref<524288xf32, #tpu.memory_space<vmem_shared>> -> memref<4096xf32, #tpu.memory_space<vmem_shared>>
      %dma_wait3A_481 = tpu.memref_slice %arg30[%add3A_394] : memref<524288xf32, #tpu.memory_space<vmem_shared>> -> memref<4096xf32, #tpu.memory_space<vmem_shared>>
      %dma_wait3A_482 = arith.constant 0 : i32
      %dma_wait3A_483 = tpu.memref_slice %arg11[%dma_wait3A_476, %dma_wait3A_482] : memref<8x4096xf32, #tpu.memory_space<vmem>> -> memref<1x4096xf32, #tpu.memory_space<vmem>>
      %dma_wait3A_484 = tpu.memref_squeeze %dma_wait3A_483 : memref<1x4096xf32, #tpu.memory_space<vmem>> -> memref<4096xf32, #tpu.memory_space<vmem>>
      tpu.wait_dma2 semaphore(%arg33 : memref<!tpu.dma_semaphore, #tpu.memory_space<semaphore_mem>>) src(%dma_wait3A_484 : memref<4096xf32, #tpu.memory_space<vmem>>) dst(%dma_wait3A_481 : memref<4096xf32, #tpu.memory_space<vmem_shared>>)
      %dma_wait3A_485 = arith.constant 7 : i32
      %dma_wait3A_486 = arith.constant 0 : i32
      %dma_wait3A_487 = tpu.memref_slice %arg11[%dma_wait3A_485, %dma_wait3A_486] : memref<8x4096xf32, #tpu.memory_space<vmem>> -> memref<1x4096xf32, #tpu.memory_space<vmem>>
      %dma_wait3A_488 = tpu.memref_squeeze %dma_wait3A_487 : memref<1x4096xf32, #tpu.memory_space<vmem>> -> memref<4096xf32, #tpu.memory_space<vmem>>
      %dma_wait3A_489 = tpu.memref_slice %arg30[%add3A_412] : memref<524288xf32, #tpu.memory_space<vmem_shared>> -> memref<4096xf32, #tpu.memory_space<vmem_shared>>
      %dma_wait3A_490 = tpu.memref_slice %arg30[%add3A_412] : memref<524288xf32, #tpu.memory_space<vmem_shared>> -> memref<4096xf32, #tpu.memory_space<vmem_shared>>
      %dma_wait3A_491 = arith.constant 0 : i32
      %dma_wait3A_492 = tpu.memref_slice %arg11[%dma_wait3A_485, %dma_wait3A_491] : memref<8x4096xf32, #tpu.memory_space<vmem>> -> memref<1x4096xf32, #tpu.memory_space<vmem>>
      %dma_wait3A_493 = tpu.memref_squeeze %dma_wait3A_492 : memref<1x4096xf32, #tpu.memory_space<vmem>> -> memref<4096xf32, #tpu.memory_space<vmem>>
      tpu.wait_dma2 semaphore(%arg33 : memref<!tpu.dma_semaphore, #tpu.memory_space<semaphore_mem>>) src(%dma_wait3A_493 : memref<4096xf32, #tpu.memory_space<vmem>>) dst(%dma_wait3A_490 : memref<4096xf32, #tpu.memory_space<vmem_shared>>)
      %add3A_494 = arith.constant 1 : i32
      %add3A_495 = arith.addi %scan3A_176, %add3A_494 : i32
      %lt3A_496 = arith.constant 31 : i32
      %lt3A_497 = arith.cmpi slt, %add3A_495, %lt3A_496 : i32
      %convert_element_type3A_498 = arith.extui %lt3A_497 : i1 to i32
      %cond3A_499 = arith.constant 0 : i32
      %cond3A_500 = arith.cmpi ne, %convert_element_type3A_498, %cond3A_499 : i32
      scf.if %cond3A_500 {
        %add3A_553 = arith.constant 1 : i32
        %add3A_554 = arith.addi %scan3A_176, %add3A_553 : i32
        %mul3A_555 = arith.constant 32768 : i32
        %mul3A_556 = arith.muli %add3A_554, %mul3A_555 : i32
        %min3A_557 = arith.constant 967168 : i32
        %min3A_558 = arith.minsi %mul3A_556, %min3A_557 : i32
        %multiple_of3A_559 = tpu.assume_multiple %min3A_558, 128 : i32
        %jit3A_560 = arith.constant 2 : i32
        %eq3A_561 = arith.constant 0 : i32
        %eq3A_562 = arith.cmpi eq, %jit3A_560, %eq3A_561 : i32
        %jit3A_563 = arith.constant 1 : i32
        %select_n3A_564 = arith.select %eq3A_562, %jit3A_563, %jit3A_560 : i32
        %rem3A_565 = arith.remsi %arg1, %select_n3A_564 : i32
        %ne3A_566 = arith.constant 0 : i32
        %ne3A_567 = arith.cmpi ne, %rem3A_565, %ne3A_566 : i32
        %lt3A_568 = arith.constant 0 : i32
        %lt3A_569 = arith.cmpi slt, %rem3A_565, %lt3A_568 : i32
        %lt3A_570 = arith.constant 0 : i32
        %lt3A_571 = arith.cmpi slt, %select_n3A_564, %lt3A_570 : i32
        %ne3A_572 = arith.xori %lt3A_569, %lt3A_571 : i1
        %and3A_573 = arith.andi %ne3A_572, %ne3A_567 : i1
        %add3A_574 = arith.addi %rem3A_565, %select_n3A_564 : i32
        %select_n3A_575 = arith.select %and3A_573, %add3A_574, %rem3A_565 : i32
        %jit3A_576 = arith.constant 2 : i32
        %div3A_577 = arith.divsi %arg1, %jit3A_576 : i32
        %sign3A_578 = arith.constant 0 : i32
        %sign3A_579 = arith.cmpi sgt, %arg1, %sign3A_578 : i32
        %sign3A_580 = arith.extui %sign3A_579 : i1 to i32
        %sign3A_581 = arith.constant 0 : i32
        %sign3A_582 = arith.cmpi slt, %arg1, %sign3A_581 : i32
        %sign3A_583 = arith.extui %sign3A_582 : i1 to i32
        %sign3A_584 = arith.subi %sign3A_580, %sign3A_583 : i32
        %sign3A_585 = arith.constant 0 : i32
        %sign3A_586 = arith.cmpi sgt, %jit3A_576, %sign3A_585 : i32
        %sign3A_587 = arith.extui %sign3A_586 : i1 to i32
        %sign3A_588 = arith.constant 0 : i32
        %sign3A_589 = arith.cmpi slt, %jit3A_576, %sign3A_588 : i32
        %sign3A_590 = arith.extui %sign3A_589 : i1 to i32
        %sign3A_591 = arith.subi %sign3A_587, %sign3A_590 : i32
        %ne3A_592 = arith.cmpi ne, %sign3A_584, %sign3A_591 : i32
        %rem3A_593 = arith.remsi %arg1, %jit3A_576 : i32
        %ne3A_594 = arith.constant 0 : i32
        %ne3A_595 = arith.cmpi ne, %rem3A_593, %ne3A_594 : i32
        %and3A_596 = arith.andi %ne3A_592, %ne3A_595 : i1
        %sub3A_597 = arith.constant 1 : i32
        %sub3A_598 = arith.subi %div3A_577, %sub3A_597 : i32
        %select_n3A_599 = arith.select %and3A_596, %sub3A_598, %div3A_577 : i32
        %mul3A_600 = arith.constant 4096 : i32
        %mul3A_601 = arith.muli %select_n3A_599, %mul3A_600 : i32
        %add3A_602 = arith.addi %multiple_of3A_559, %mul3A_601 : i32
        %multiple_of3A_603 = tpu.assume_multiple %add3A_602, 128 : i32
        %mul3A_604 = arith.constant 8 : i32
        %mul3A_605 = arith.muli %select_n3A_575, %mul3A_604 : i32
        %add3A_606 = arith.addi %mul3A_31, %mul3A_605 : i32
        %dma_start3A_607 = tpu.memref_slice %arg3[%add3A_606, %multiple_of3A_603] : memref<32x1000000xf32, #tpu.memory_space<hbm>> -> memref<8x4096xf32, #tpu.memory_space<hbm>>
        %dma_start3A_608 = tpu.memref_slice %arg3[%add3A_606, %multiple_of3A_603] : memref<32x1000000xf32, #tpu.memory_space<hbm>> -> memref<8x4096xf32, #tpu.memory_space<hbm>>
        tpu.enqueue_dma source(%dma_start3A_608 : memref<8x4096xf32, #tpu.memory_space<hbm>>) target(%arg11 : memref<8x4096xf32, #tpu.memory_space<vmem>>) target_semaphore(%arg32 : memref<!tpu.dma_semaphore, #tpu.memory_space<semaphore_mem>>)
      } else {
      }
      %barrier3A = arith.constant 0 : index
      tpu.barrier barrier_id(%barrier3A)
      %broadcast_in_dim3A_501 = vector.broadcast %mul3A_178 : i32 to vector<16xi32>
      %broadcast_in_dim3A_502 = vector.broadcast %min3A_182 : i32 to vector<16xi32>
      %broadcast_in_dim3A_503 = vector.broadcast %min3A_184 : i32 to vector<16xi32>
      %scan3A_504 = arith.constant 0 : i32
      %scan3A_505 = arith.constant 0 : i32
      %scan3A_506 = arith.constant 0 : i32
      %scan3A_507 = arith.constant 128 : i32
      %scan3A_508 = arith.addi %scan3A_506, %scan3A_507 : i32
      %scan3A_509 = arith.constant 1 : i32
      %scan3A_510:2 = scf.for %scan3A_553 = %scan3A_506 to %scan3A_508 step %scan3A_509 iter_args(%scan3A_554 = %scan3A_504, %scan3A_555 = %scan3A_505) -> (i32, i32)  : i32 {
        %add3A_556 = vector.broadcast %scan3A_554 : i32 to vector<16xi32>
        %add3A_557 = arith.addi %iota3A, %add3A_556 : vector<16xi32>
        %gather3A = tpu.vector_load_idx %arg7[%add3A_557] : memref<2048xi32, #tpu.memory_space<vmem>>[vector<16xi32>], vector<16xi32>,
        %ge3A = arith.cmpi sge, %gather3A, %broadcast_in_dim3A_501 : vector<16xi32>
        %lt3A_558 = arith.cmpi slt, %gather3A, %broadcast_in_dim3A_502 : vector<16xi32>
        %and3A_559 = arith.andi %ge3A, %lt3A_558 : vector<16xi1>
        %sub3A_560 = arith.subi %gather3A, %broadcast_in_dim3A_503 : vector<16xi32>
        %swap3A = arith.index_cast %scan3A_555 : i32 to index
        %swap3A_561 = tpu.vector_load %arg8[%swap3A] masked %and3A_559 {strides = array<i32>} : memref<2064xi32, #tpu.memory_space<vmem>>, vector<16xi32>, vector<16xi1>
        tpu.vector_store %arg8[%swap3A], %sub3A_560 masked %and3A_559 {strides = array<i32>} : memref<2064xi32, #tpu.memory_space<vmem>>, vector<16xi32>, vector<16xi1>
        %add3A_562 = vector.broadcast %scan3A_554 : i32 to vector<16xi32>
        %add3A_563 = arith.addi %iota3A, %add3A_562 : vector<16xi32>
        %swap3A_564 = arith.index_cast %scan3A_555 : i32 to index
        %swap3A_565 = tpu.vector_load %arg9[%swap3A_564] masked %and3A_559 {strides = array<i32>} : memref<2064xi32, #tpu.memory_space<vmem>>, vector<16xi32>, vector<16xi1>
        tpu.vector_store %arg9[%swap3A_564], %add3A_563 masked %and3A_559 {strides = array<i32>} : memref<2064xi32, #tpu.memory_space<vmem>>, vector<16xi32>, vector<16xi1>
        %all_reduce_population_count3A = tpu.all_reduce %and3A_559 {dim = 0 : i64, kind = #tpu.reduction_kind<sum>} : vector<16xi1> -> vector<16xi32>
        %reduce_max3A = arith.constant true
        %reduce_max3A_566 = vector.broadcast %reduce_max3A : i1 to vector<16xi1>
        %reduce_max3A_567 = arith.constant -2147483648 : i32
        %reduce_max3A_568 = vector.broadcast %reduce_max3A_567 : i32 to vector<16xi32>
        %reduce_max3A_569 = arith.xori %all_reduce_population_count3A, %reduce_max3A_568 : vector<16xi32>
        %reduce_max3A_570 = tpu.scan <max>, %reduce_max3A_569 masked %reduce_max3A_566 : vector<16xi32>, vector<16xi1> -> vector<16xi32>
        %reduce_max3A_571 = arith.xori %reduce_max3A_570, %reduce_max3A_568 : vector<16xi32>
        %reduce_max3A_572 = vector.extract %reduce_max3A_571[15] : i32 from vector<16xi32>
        %add3A_573 = arith.addi %scan3A_555, %reduce_max3A_572 : i32
        %add3A_574 = arith.constant 16 : i32
        %add3A_575 = arith.addi %scan3A_554, %add3A_574 : i32
        scf.yield %add3A_575, %add3A_573 : i32, i32
      }
      %scan3A_511 = arith.constant 128 : i32
      %add3A_512 = arith.constant 15 : i32
      %add3A_513 = arith.addi %scan3A_510#1, %add3A_512 : i32
      %jit3A_514 = arith.constant 16 : i32
      %div3A_515 = arith.divsi %add3A_513, %jit3A_514 : i32
      %sign3A_516 = arith.constant 0 : i32
      %sign3A_517 = arith.cmpi sgt, %add3A_513, %sign3A_516 : i32
      %sign3A_518 = arith.extui %sign3A_517 : i1 to i32
      %sign3A_519 = arith.constant 0 : i32
      %sign3A_520 = arith.cmpi slt, %add3A_513, %sign3A_519 : i32
      %sign3A_521 = arith.extui %sign3A_520 : i1 to i32
      %sign3A_522 = arith.subi %sign3A_518, %sign3A_521 : i32
      %sign3A_523 = arith.constant 0 : i32
      %sign3A_524 = arith.cmpi sgt, %jit3A_514, %sign3A_523 : i32
      %sign3A_525 = arith.extui %sign3A_524 : i1 to i32
      %sign3A_526 = arith.constant 0 : i32
      %sign3A_527 = arith.cmpi slt, %jit3A_514, %sign3A_526 : i32
      %sign3A_528 = arith.extui %sign3A_527 : i1 to i32
      %sign3A_529 = arith.subi %sign3A_525, %sign3A_528 : i32
      %ne3A_530 = arith.cmpi ne, %sign3A_522, %sign3A_529 : i32
      %rem3A_531 = arith.remsi %add3A_513, %jit3A_514 : i32
      %ne3A_532 = arith.constant 0 : i32
      %ne3A_533 = arith.cmpi ne, %rem3A_531, %ne3A_532 : i32
      %and3A_534 = arith.andi %ne3A_530, %ne3A_533 : i1
      %sub3A_535 = arith.constant 1 : i32
      %sub3A_536 = arith.subi %div3A_515, %sub3A_535 : i32
      %select_n3A_537 = arith.select %and3A_534, %sub3A_536, %div3A_515 : i32
      %while3A_538 = arith.constant 0 : i32
      %while3A_539 = arith.constant 0 : i32
      %while3A_540 = arith.subi %select_n3A_537, %while3A_538 : i32
      %while3A_541 = arith.addi %while3A_538, %while3A_540 : i32
      %while3A_542 = arith.constant 1 : i32
      %while3A_543 = arith.divsi %while3A_540, %while3A_542 : i32
      %while3A_544 = arith.muli %while3A_543, %while3A_542 : i32
      %while3A_545 = arith.addi %while3A_538, %while3A_544 : i32
      %while3A_546 = arith.constant 1 : i32
      %while3A_547 = scf.for %while3A_553 = %while3A_538 to %while3A_545 step %while3A_546 iter_args(%while3A_554 = %while3A_539) -> (i32)  : i32 {
        %sub3A_555 = arith.subi %scan3A_510#1, %while3A_554 : i32
        %lt3A_556 = vector.broadcast %sub3A_555 : i32 to vector<16xi32>
        %lt3A_557 = arith.cmpi slt, %iota3A, %lt3A_556 : vector<16xi32>
        %add3A_558 = vector.broadcast %while3A_554 : i32 to vector<16xi32>
        %add3A_559 = arith.addi %iota3A, %add3A_558 : vector<16xi32>
        %gather3A = tpu.vector_load_idx %arg8[%add3A_559] : memref<2064xi32, #tpu.memory_space<vmem>>[vector<16xi32>], vector<16xi32>,
        %jit3A_560 = arith.constant 0 : i64
        %convert_element_type3A_561 = arith.trunci %jit3A_560 : i64 to i32
        %broadcast_in_dim3A_562 = vector.broadcast %convert_element_type3A_561 : i32 to vector<16xi32>
        %select_n3A_563 = arith.select %lt3A_557, %gather3A, %broadcast_in_dim3A_562 : vector<16xi1>, vector<16xi32>
        %add3A_564 = vector.broadcast %while3A_554 : i32 to vector<16xi32>
        %add3A_565 = arith.addi %iota3A, %add3A_564 : vector<16xi32>
        %gather3A_566 = tpu.vector_load_idx %arg9[%add3A_565] : memref<2064xi32, #tpu.memory_space<vmem>>[vector<16xi32>], vector<16xi32>,
        %jit3A_567 = arith.constant 0 : i32
        %broadcast_in_dim3A_568 = vector.broadcast %jit3A_567 : i32 to vector<16xi32>
        %select_n3A_569 = arith.select %lt3A_557, %gather3A_566, %broadcast_in_dim3A_568 : vector<16xi1>, vector<16xi32>
        %add3A_570 = arith.constant 0 : i32
        %add3A_571 = vector.broadcast %add3A_570 : i32 to vector<16xi32>
        %add3A_572 = arith.addi %iota3A, %add3A_571 : vector<16xi32>
        %add3A_573 = arith.constant 0 : i32
        %add3A_574 = vector.broadcast %add3A_573 : i32 to vector<16xi32>
        %add3A_575 = arith.addi %select_n3A_563, %add3A_574 : vector<16xi32>
        tpu.vector_store_idx %arg28[%add3A_572], %add3A_575 : memref<256xi32, #tpu.memory_space<vmem>>[vector<16xi32>], vector<16xi32>,
        %add3A_576 = arith.constant 16 : i32
        %add3A_577 = vector.broadcast %add3A_576 : i32 to vector<16xi32>
        %add3A_578 = arith.addi %iota3A, %add3A_577 : vector<16xi32>
        %add3A_579 = arith.constant 32768 : i32
        %add3A_580 = vector.broadcast %add3A_579 : i32 to vector<16xi32>
        %add3A_581 = arith.addi %select_n3A_563, %add3A_580 : vector<16xi32>
        tpu.vector_store_idx %arg28[%add3A_578], %add3A_581 : memref<256xi32, #tpu.memory_space<vmem>>[vector<16xi32>], vector<16xi32>,
        %add3A_582 = arith.constant 32 : i32
        %add3A_583 = vector.broadcast %add3A_582 : i32 to vector<16xi32>
        %add3A_584 = arith.addi %iota3A, %add3A_583 : vector<16xi32>
        %add3A_585 = arith.constant 65536 : i32
        %add3A_586 = vector.broadcast %add3A_585 : i32 to vector<16xi32>
        %add3A_587 = arith.addi %select_n3A_563, %add3A_586 : vector<16xi32>
        tpu.vector_store_idx %arg28[%add3A_584], %add3A_587 : memref<256xi32, #tpu.memory_space<vmem>>[vector<16xi32>], vector<16xi32>,
        %add3A_588 = arith.constant 48 : i32
        %add3A_589 = vector.broadcast %add3A_588 : i32 to vector<16xi32>
        %add3A_590 = arith.addi %iota3A, %add3A_589 : vector<16xi32>
        %add3A_591 = arith.constant 98304 : i32
        %add3A_592 = vector.broadcast %add3A_591 : i32 to vector<16xi32>
        %add3A_593 = arith.addi %select_n3A_563, %add3A_592 : vector<16xi32>
        tpu.vector_store_idx %arg28[%add3A_590], %add3A_593 : memref<256xi32, #tpu.memory_space<vmem>>[vector<16xi32>], vector<16xi32>,
        %add3A_594 = arith.constant 64 : i32
        %add3A_595 = vector.broadcast %add3A_594 : i32 to vector<16xi32>
        %add3A_596 = arith.addi %iota3A, %add3A_595 : vector<16xi32>
        %add3A_597 = arith.constant 131072 : i32
        %add3A_598 = vector.broadcast %add3A_597 : i32 to vector<16xi32>
        %add3A_599 = arith.addi %select_n3A_563, %add3A_598 : vector<16xi32>
        tpu.vector_store_idx %arg28[%add3A_596], %add3A_599 : memref<256xi32, #tpu.memory_space<vmem>>[vector<16xi32>], vector<16xi32>,
        %add3A_600 = arith.constant 80 : i32
        %add3A_601 = vector.broadcast %add3A_600 : i32 to vector<16xi32>
        %add3A_602 = arith.addi %iota3A, %add3A_601 : vector<16xi32>
        %add3A_603 = arith.constant 163840 : i32
        %add3A_604 = vector.broadcast %add3A_603 : i32 to vector<16xi32>
        %add3A_605 = arith.addi %select_n3A_563, %add3A_604 : vector<16xi32>
        tpu.vector_store_idx %arg28[%add3A_602], %add3A_605 : memref<256xi32, #tpu.memory_space<vmem>>[vector<16xi32>], vector<16xi32>,
        %add3A_606 = arith.constant 96 : i32
        %add3A_607 = vector.broadcast %add3A_606 : i32 to vector<16xi32>
        %add3A_608 = arith.addi %iota3A, %add3A_607 : vector<16xi32>
        %add3A_609 = arith.constant 196608 : i32
        %add3A_610 = vector.broadcast %add3A_609 : i32 to vector<16xi32>
        %add3A_611 = arith.addi %select_n3A_563, %add3A_610 : vector<16xi32>
        tpu.vector_store_idx %arg28[%add3A_608], %add3A_611 : memref<256xi32, #tpu.memory_space<vmem>>[vector<16xi32>], vector<16xi32>,
        %add3A_612 = arith.constant 112 : i32
        %add3A_613 = vector.broadcast %add3A_612 : i32 to vector<16xi32>
        %add3A_614 = arith.addi %iota3A, %add3A_613 : vector<16xi32>
        %add3A_615 = arith.constant 229376 : i32
        %add3A_616 = vector.broadcast %add3A_615 : i32 to vector<16xi32>
        %add3A_617 = arith.addi %select_n3A_563, %add3A_616 : vector<16xi32>
        tpu.vector_store_idx %arg28[%add3A_614], %add3A_617 : memref<256xi32, #tpu.memory_space<vmem>>[vector<16xi32>], vector<16xi32>,
        %add3A_618 = arith.constant 128 : i32
        %add3A_619 = vector.broadcast %add3A_618 : i32 to vector<16xi32>
        %add3A_620 = arith.addi %iota3A, %add3A_619 : vector<16xi32>
        %add3A_621 = arith.constant 262144 : i32
        %add3A_622 = vector.broadcast %add3A_621 : i32 to vector<16xi32>
        %add3A_623 = arith.addi %select_n3A_563, %add3A_622 : vector<16xi32>
        tpu.vector_store_idx %arg28[%add3A_620], %add3A_623 : memref<256xi32, #tpu.memory_space<vmem>>[vector<16xi32>], vector<16xi32>,
        %add3A_624 = arith.constant 144 : i32
        %add3A_625 = vector.broadcast %add3A_624 : i32 to vector<16xi32>
        %add3A_626 = arith.addi %iota3A, %add3A_625 : vector<16xi32>
        %add3A_627 = arith.constant 294912 : i32
        %add3A_628 = vector.broadcast %add3A_627 : i32 to vector<16xi32>
        %add3A_629 = arith.addi %select_n3A_563, %add3A_628 : vector<16xi32>
        tpu.vector_store_idx %arg28[%add3A_626], %add3A_629 : memref<256xi32, #tpu.memory_space<vmem>>[vector<16xi32>], vector<16xi32>,
        %add3A_630 = arith.constant 160 : i32
        %add3A_631 = vector.broadcast %add3A_630 : i32 to vector<16xi32>
        %add3A_632 = arith.addi %iota3A, %add3A_631 : vector<16xi32>
        %add3A_633 = arith.constant 327680 : i32
        %add3A_634 = vector.broadcast %add3A_633 : i32 to vector<16xi32>
        %add3A_635 = arith.addi %select_n3A_563, %add3A_634 : vector<16xi32>
        tpu.vector_store_idx %arg28[%add3A_632], %add3A_635 : memref<256xi32, #tpu.memory_space<vmem>>[vector<16xi32>], vector<16xi32>,
        %add3A_636 = arith.constant 176 : i32
        %add3A_637 = vector.broadcast %add3A_636 : i32 to vector<16xi32>
        %add3A_638 = arith.addi %iota3A, %add3A_637 : vector<16xi32>
        %add3A_639 = arith.constant 360448 : i32
        %add3A_640 = vector.broadcast %add3A_639 : i32 to vector<16xi32>
        %add3A_641 = arith.addi %select_n3A_563, %add3A_640 : vector<16xi32>
        tpu.vector_store_idx %arg28[%add3A_638], %add3A_641 : memref<256xi32, #tpu.memory_space<vmem>>[vector<16xi32>], vector<16xi32>,
        %add3A_642 = arith.constant 192 : i32
        %add3A_643 = vector.broadcast %add3A_642 : i32 to vector<16xi32>
        %add3A_644 = arith.addi %iota3A, %add3A_643 : vector<16xi32>
        %add3A_645 = arith.constant 393216 : i32
        %add3A_646 = vector.broadcast %add3A_645 : i32 to vector<16xi32>
        %add3A_647 = arith.addi %select_n3A_563, %add3A_646 : vector<16xi32>
        tpu.vector_store_idx %arg28[%add3A_644], %add3A_647 : memref<256xi32, #tpu.memory_space<vmem>>[vector<16xi32>], vector<16xi32>,
        %add3A_648 = arith.constant 208 : i32
        %add3A_649 = vector.broadcast %add3A_648 : i32 to vector<16xi32>
        %add3A_650 = arith.addi %iota3A, %add3A_649 : vector<16xi32>
        %add3A_651 = arith.constant 425984 : i32
        %add3A_652 = vector.broadcast %add3A_651 : i32 to vector<16xi32>
        %add3A_653 = arith.addi %select_n3A_563, %add3A_652 : vector<16xi32>
        tpu.vector_store_idx %arg28[%add3A_650], %add3A_653 : memref<256xi32, #tpu.memory_space<vmem>>[vector<16xi32>], vector<16xi32>,
        %add3A_654 = arith.constant 224 : i32
        %add3A_655 = vector.broadcast %add3A_654 : i32 to vector<16xi32>
        %add3A_656 = arith.addi %iota3A, %add3A_655 : vector<16xi32>
        %add3A_657 = arith.constant 458752 : i32
        %add3A_658 = vector.broadcast %add3A_657 : i32 to vector<16xi32>
        %add3A_659 = arith.addi %select_n3A_563, %add3A_658 : vector<16xi32>
        tpu.vector_store_idx %arg28[%add3A_656], %add3A_659 : memref<256xi32, #tpu.memory_space<vmem>>[vector<16xi32>], vector<16xi32>,
        %add3A_660 = arith.constant 240 : i32
        %add3A_661 = vector.broadcast %add3A_660 : i32 to vector<16xi32>
        %add3A_662 = arith.addi %iota3A, %add3A_661 : vector<16xi32>
        %add3A_663 = arith.constant 491520 : i32
        %add3A_664 = vector.broadcast %add3A_663 : i32 to vector<16xi32>
        %add3A_665 = arith.addi %select_n3A_563, %add3A_664 : vector<16xi32>
        tpu.vector_store_idx %arg28[%add3A_662], %add3A_665 : memref<256xi32, #tpu.memory_space<vmem>>[vector<16xi32>], vector<16xi32>,
        %dma_start3A_666 = arith.constant 0 : i32
        %dma_start3A_667 = tpu.memref_slice %arg28[%dma_start3A_666] : memref<256xi32, #tpu.memory_space<vmem>> -> memref<16xi32, #tpu.memory_space<vmem>>
        %dma_start3A_668 = arith.constant 0 : i32
        %dma_start3A_669 = tpu.memref_slice %arg30[%dma_start3A_668] : memref<524288xf32, #tpu.memory_space<vmem_shared>> -> memref<524288xf32, #tpu.memory_space<vmem_shared>>
        tpu.enqueue_indirect_dma source(%dma_start3A_669 : memref<524288xf32, #tpu.memory_space<vmem_shared>>) target(%arg12 : memref<16xf32, #tpu.memory_space<vmem>>) offsets(%dma_start3A_667 : memref<16xi32, #tpu.memory_space<vmem>>) semaphore(%arg31 : memref<!tpu.dma_semaphore, #tpu.memory_space<semaphore_mem>>)
        %dma_start3A_670 = arith.constant 16 : i32
        %dma_start3A_671 = tpu.memref_slice %arg28[%dma_start3A_670] : memref<256xi32, #tpu.memory_space<vmem>> -> memref<16xi32, #tpu.memory_space<vmem>>
        %dma_start3A_672 = arith.constant 0 : i32
        %dma_start3A_673 = tpu.memref_slice %arg30[%dma_start3A_672] : memref<524288xf32, #tpu.memory_space<vmem_shared>> -> memref<524288xf32, #tpu.memory_space<vmem_shared>>
        tpu.enqueue_indirect_dma source(%dma_start3A_673 : memref<524288xf32, #tpu.memory_space<vmem_shared>>) target(%arg13 : memref<16xf32, #tpu.memory_space<vmem>>) offsets(%dma_start3A_671 : memref<16xi32, #tpu.memory_space<vmem>>) semaphore(%arg31 : memref<!tpu.dma_semaphore, #tpu.memory_space<semaphore_mem>>)
        %dma_start3A_674 = arith.constant 32 : i32
        %dma_start3A_675 = tpu.memref_slice %arg28[%dma_start3A_674] : memref<256xi32, #tpu.memory_space<vmem>> -> memref<16xi32, #tpu.memory_space<vmem>>
        %dma_start3A_676 = arith.constant 0 : i32
        %dma_start3A_677 = tpu.memref_slice %arg30[%dma_start3A_676] : memref<524288xf32, #tpu.memory_space<vmem_shared>> -> memref<524288xf32, #tpu.memory_space<vmem_shared>>
        tpu.enqueue_indirect_dma source(%dma_start3A_677 : memref<524288xf32, #tpu.memory_space<vmem_shared>>) target(%arg14 : memref<16xf32, #tpu.memory_space<vmem>>) offsets(%dma_start3A_675 : memref<16xi32, #tpu.memory_space<vmem>>) semaphore(%arg31 : memref<!tpu.dma_semaphore, #tpu.memory_space<semaphore_mem>>)
        %dma_start3A_678 = arith.constant 48 : i32
        %dma_start3A_679 = tpu.memref_slice %arg28[%dma_start3A_678] : memref<256xi32, #tpu.memory_space<vmem>> -> memref<16xi32, #tpu.memory_space<vmem>>
        %dma_start3A_680 = arith.constant 0 : i32
        %dma_start3A_681 = tpu.memref_slice %arg30[%dma_start3A_680] : memref<524288xf32, #tpu.memory_space<vmem_shared>> -> memref<524288xf32, #tpu.memory_space<vmem_shared>>
        tpu.enqueue_indirect_dma source(%dma_start3A_681 : memref<524288xf32, #tpu.memory_space<vmem_shared>>) target(%arg15 : memref<16xf32, #tpu.memory_space<vmem>>) offsets(%dma_start3A_679 : memref<16xi32, #tpu.memory_space<vmem>>) semaphore(%arg31 : memref<!tpu.dma_semaphore, #tpu.memory_space<semaphore_mem>>)
        %dma_start3A_682 = arith.constant 64 : i32
        %dma_start3A_683 = tpu.memref_slice %arg28[%dma_start3A_682] : memref<256xi32, #tpu.memory_space<vmem>> -> memref<16xi32, #tpu.memory_space<vmem>>
        %dma_start3A_684 = arith.constant 0 : i32
        %dma_start3A_685 = tpu.memref_slice %arg30[%dma_start3A_684] : memref<524288xf32, #tpu.memory_space<vmem_shared>> -> memref<524288xf32, #tpu.memory_space<vmem_shared>>
        tpu.enqueue_indirect_dma source(%dma_start3A_685 : memref<524288xf32, #tpu.memory_space<vmem_shared>>) target(%arg16 : memref<16xf32, #tpu.memory_space<vmem>>) offsets(%dma_start3A_683 : memref<16xi32, #tpu.memory_space<vmem>>) semaphore(%arg31 : memref<!tpu.dma_semaphore, #tpu.memory_space<semaphore_mem>>)
        %dma_start3A_686 = arith.constant 80 : i32
        %dma_start3A_687 = tpu.memref_slice %arg28[%dma_start3A_686] : memref<256xi32, #tpu.memory_space<vmem>> -> memref<16xi32, #tpu.memory_space<vmem>>
        %dma_start3A_688 = arith.constant 0 : i32
        %dma_start3A_689 = tpu.memref_slice %arg30[%dma_start3A_688] : memref<524288xf32, #tpu.memory_space<vmem_shared>> -> memref<524288xf32, #tpu.memory_space<vmem_shared>>
        tpu.enqueue_indirect_dma source(%dma_start3A_689 : memref<524288xf32, #tpu.memory_space<vmem_shared>>) target(%arg17 : memref<16xf32, #tpu.memory_space<vmem>>) offsets(%dma_start3A_687 : memref<16xi32, #tpu.memory_space<vmem>>) semaphore(%arg31 : memref<!tpu.dma_semaphore, #tpu.memory_space<semaphore_mem>>)
        %dma_start3A_690 = arith.constant 96 : i32
        %dma_start3A_691 = tpu.memref_slice %arg28[%dma_start3A_690] : memref<256xi32, #tpu.memory_space<vmem>> -> memref<16xi32, #tpu.memory_space<vmem>>
        %dma_start3A_692 = arith.constant 0 : i32
        %dma_start3A_693 = tpu.memref_slice %arg30[%dma_start3A_692] : memref<524288xf32, #tpu.memory_space<vmem_shared>> -> memref<524288xf32, #tpu.memory_space<vmem_shared>>
        tpu.enqueue_indirect_dma source(%dma_start3A_693 : memref<524288xf32, #tpu.memory_space<vmem_shared>>) target(%arg18 : memref<16xf32, #tpu.memory_space<vmem>>) offsets(%dma_start3A_691 : memref<16xi32, #tpu.memory_space<vmem>>) semaphore(%arg31 : memref<!tpu.dma_semaphore, #tpu.memory_space<semaphore_mem>>)
        %dma_start3A_694 = arith.constant 112 : i32
        %dma_start3A_695 = tpu.memref_slice %arg28[%dma_start3A_694] : memref<256xi32, #tpu.memory_space<vmem>> -> memref<16xi32, #tpu.memory_space<vmem>>
        %dma_start3A_696 = arith.constant 0 : i32
        %dma_start3A_697 = tpu.memref_slice %arg30[%dma_start3A_696] : memref<524288xf32, #tpu.memory_space<vmem_shared>> -> memref<524288xf32, #tpu.memory_space<vmem_shared>>
        tpu.enqueue_indirect_dma source(%dma_start3A_697 : memref<524288xf32, #tpu.memory_space<vmem_shared>>) target(%arg19 : memref<16xf32, #tpu.memory_space<vmem>>) offsets(%dma_start3A_695 : memref<16xi32, #tpu.memory_space<vmem>>) semaphore(%arg31 : memref<!tpu.dma_semaphore, #tpu.memory_space<semaphore_mem>>)
        %dma_start3A_698 = arith.constant 128 : i32
        %dma_start3A_699 = tpu.memref_slice %arg28[%dma_start3A_698] : memref<256xi32, #tpu.memory_space<vmem>> -> memref<16xi32, #tpu.memory_space<vmem>>
        %dma_start3A_700 = arith.constant 0 : i32
        %dma_start3A_701 = tpu.memref_slice %arg30[%dma_start3A_700] : memref<524288xf32, #tpu.memory_space<vmem_shared>> -> memref<524288xf32, #tpu.memory_space<vmem_shared>>
        tpu.enqueue_indirect_dma source(%dma_start3A_701 : memref<524288xf32, #tpu.memory_space<vmem_shared>>) target(%arg20 : memref<16xf32, #tpu.memory_space<vmem>>) offsets(%dma_start3A_699 : memref<16xi32, #tpu.memory_space<vmem>>) semaphore(%arg31 : memref<!tpu.dma_semaphore, #tpu.memory_space<semaphore_mem>>)
        %dma_start3A_702 = arith.constant 144 : i32
        %dma_start3A_703 = tpu.memref_slice %arg28[%dma_start3A_702] : memref<256xi32, #tpu.memory_space<vmem>> -> memref<16xi32, #tpu.memory_space<vmem>>
        %dma_start3A_704 = arith.constant 0 : i32
        %dma_start3A_705 = tpu.memref_slice %arg30[%dma_start3A_704] : memref<524288xf32, #tpu.memory_space<vmem_shared>> -> memref<524288xf32, #tpu.memory_space<vmem_shared>>
        tpu.enqueue_indirect_dma source(%dma_start3A_705 : memref<524288xf32, #tpu.memory_space<vmem_shared>>) target(%arg21 : memref<16xf32, #tpu.memory_space<vmem>>) offsets(%dma_start3A_703 : memref<16xi32, #tpu.memory_space<vmem>>) semaphore(%arg31 : memref<!tpu.dma_semaphore, #tpu.memory_space<semaphore_mem>>)
        %dma_start3A_706 = arith.constant 160 : i32
        %dma_start3A_707 = tpu.memref_slice %arg28[%dma_start3A_706] : memref<256xi32, #tpu.memory_space<vmem>> -> memref<16xi32, #tpu.memory_space<vmem>>
        %dma_start3A_708 = arith.constant 0 : i32
        %dma_start3A_709 = tpu.memref_slice %arg30[%dma_start3A_708] : memref<524288xf32, #tpu.memory_space<vmem_shared>> -> memref<524288xf32, #tpu.memory_space<vmem_shared>>
        tpu.enqueue_indirect_dma source(%dma_start3A_709 : memref<524288xf32, #tpu.memory_space<vmem_shared>>) target(%arg22 : memref<16xf32, #tpu.memory_space<vmem>>) offsets(%dma_start3A_707 : memref<16xi32, #tpu.memory_space<vmem>>) semaphore(%arg31 : memref<!tpu.dma_semaphore, #tpu.memory_space<semaphore_mem>>)
        %dma_start3A_710 = arith.constant 176 : i32
        %dma_start3A_711 = tpu.memref_slice %arg28[%dma_start3A_710] : memref<256xi32, #tpu.memory_space<vmem>> -> memref<16xi32, #tpu.memory_space<vmem>>
        %dma_start3A_712 = arith.constant 0 : i32
        %dma_start3A_713 = tpu.memref_slice %arg30[%dma_start3A_712] : memref<524288xf32, #tpu.memory_space<vmem_shared>> -> memref<524288xf32, #tpu.memory_space<vmem_shared>>
        tpu.enqueue_indirect_dma source(%dma_start3A_713 : memref<524288xf32, #tpu.memory_space<vmem_shared>>) target(%arg23 : memref<16xf32, #tpu.memory_space<vmem>>) offsets(%dma_start3A_711 : memref<16xi32, #tpu.memory_space<vmem>>) semaphore(%arg31 : memref<!tpu.dma_semaphore, #tpu.memory_space<semaphore_mem>>)
        %dma_start3A_714 = arith.constant 192 : i32
        %dma_start3A_715 = tpu.memref_slice %arg28[%dma_start3A_714] : memref<256xi32, #tpu.memory_space<vmem>> -> memref<16xi32, #tpu.memory_space<vmem>>
        %dma_start3A_716 = arith.constant 0 : i32
        %dma_start3A_717 = tpu.memref_slice %arg30[%dma_start3A_716] : memref<524288xf32, #tpu.memory_space<vmem_shared>> -> memref<524288xf32, #tpu.memory_space<vmem_shared>>
        tpu.enqueue_indirect_dma source(%dma_start3A_717 : memref<524288xf32, #tpu.memory_space<vmem_shared>>) target(%arg24 : memref<16xf32, #tpu.memory_space<vmem>>) offsets(%dma_start3A_715 : memref<16xi32, #tpu.memory_space<vmem>>) semaphore(%arg31 : memref<!tpu.dma_semaphore, #tpu.memory_space<semaphore_mem>>)
        %dma_start3A_718 = arith.constant 208 : i32
        %dma_start3A_719 = tpu.memref_slice %arg28[%dma_start3A_718] : memref<256xi32, #tpu.memory_space<vmem>> -> memref<16xi32, #tpu.memory_space<vmem>>
        %dma_start3A_720 = arith.constant 0 : i32
        %dma_start3A_721 = tpu.memref_slice %arg30[%dma_start3A_720] : memref<524288xf32, #tpu.memory_space<vmem_shared>> -> memref<524288xf32, #tpu.memory_space<vmem_shared>>
        tpu.enqueue_indirect_dma source(%dma_start3A_721 : memref<524288xf32, #tpu.memory_space<vmem_shared>>) target(%arg25 : memref<16xf32, #tpu.memory_space<vmem>>) offsets(%dma_start3A_719 : memref<16xi32, #tpu.memory_space<vmem>>) semaphore(%arg31 : memref<!tpu.dma_semaphore, #tpu.memory_space<semaphore_mem>>)
        %dma_start3A_722 = arith.constant 224 : i32
        %dma_start3A_723 = tpu.memref_slice %arg28[%dma_start3A_722] : memref<256xi32, #tpu.memory_space<vmem>> -> memref<16xi32, #tpu.memory_space<vmem>>
        %dma_start3A_724 = arith.constant 0 : i32
        %dma_start3A_725 = tpu.memref_slice %arg30[%dma_start3A_724] : memref<524288xf32, #tpu.memory_space<vmem_shared>> -> memref<524288xf32, #tpu.memory_space<vmem_shared>>
        tpu.enqueue_indirect_dma source(%dma_start3A_725 : memref<524288xf32, #tpu.memory_space<vmem_shared>>) target(%arg26 : memref<16xf32, #tpu.memory_space<vmem>>) offsets(%dma_start3A_723 : memref<16xi32, #tpu.memory_space<vmem>>) semaphore(%arg31 : memref<!tpu.dma_semaphore, #tpu.memory_space<semaphore_mem>>)
        %dma_start3A_726 = arith.constant 240 : i32
        %dma_start3A_727 = tpu.memref_slice %arg28[%dma_start3A_726] : memref<256xi32, #tpu.memory_space<vmem>> -> memref<16xi32, #tpu.memory_space<vmem>>
        %dma_start3A_728 = arith.constant 0 : i32
        %dma_start3A_729 = tpu.memref_slice %arg30[%dma_start3A_728] : memref<524288xf32, #tpu.memory_space<vmem_shared>> -> memref<524288xf32, #tpu.memory_space<vmem_shared>>
        tpu.enqueue_indirect_dma source(%dma_start3A_729 : memref<524288xf32, #tpu.memory_space<vmem_shared>>) target(%arg27 : memref<16xf32, #tpu.memory_space<vmem>>) offsets(%dma_start3A_727 : memref<16xi32, #tpu.memory_space<vmem>>) semaphore(%arg31 : memref<!tpu.dma_semaphore, #tpu.memory_space<semaphore_mem>>)
        %dma_wait3A_730 = arith.constant 0 : i32
        %dma_wait3A_731 = tpu.memref_slice %arg28[%dma_wait3A_730] : memref<256xi32, #tpu.memory_space<vmem>> -> memref<16xi32, #tpu.memory_space<vmem>>
        %dma_wait3A_732 = arith.constant 0 : i32
        %dma_wait3A_733 = tpu.memref_slice %arg30[%dma_wait3A_732] : memref<524288xf32, #tpu.memory_space<vmem_shared>> -> memref<524288xf32, #tpu.memory_space<vmem_shared>>
        tpu.wait_indirect_dma semaphore(%arg31 : memref<!tpu.dma_semaphore, #tpu.memory_space<semaphore_mem>>) src(%dma_wait3A_733 : memref<524288xf32, #tpu.memory_space<vmem_shared>>) dst(%arg12 : memref<16xf32, #tpu.memory_space<vmem>>)
        %dma_wait3A_734 = arith.constant 16 : i32
        %dma_wait3A_735 = tpu.memref_slice %arg28[%dma_wait3A_734] : memref<256xi32, #tpu.memory_space<vmem>> -> memref<16xi32, #tpu.memory_space<vmem>>
        %dma_wait3A_736 = arith.constant 0 : i32
        %dma_wait3A_737 = tpu.memref_slice %arg30[%dma_wait3A_736] : memref<524288xf32, #tpu.memory_space<vmem_shared>> -> memref<524288xf32, #tpu.memory_space<vmem_shared>>
        tpu.wait_indirect_dma semaphore(%arg31 : memref<!tpu.dma_semaphore, #tpu.memory_space<semaphore_mem>>) src(%dma_wait3A_737 : memref<524288xf32, #tpu.memory_space<vmem_shared>>) dst(%arg13 : memref<16xf32, #tpu.memory_space<vmem>>)
        %dma_wait3A_738 = arith.constant 32 : i32
        %dma_wait3A_739 = tpu.memref_slice %arg28[%dma_wait3A_738] : memref<256xi32, #tpu.memory_space<vmem>> -> memref<16xi32, #tpu.memory_space<vmem>>
        %dma_wait3A_740 = arith.constant 0 : i32
        %dma_wait3A_741 = tpu.memref_slice %arg30[%dma_wait3A_740] : memref<524288xf32, #tpu.memory_space<vmem_shared>> -> memref<524288xf32, #tpu.memory_space<vmem_shared>>
        tpu.wait_indirect_dma semaphore(%arg31 : memref<!tpu.dma_semaphore, #tpu.memory_space<semaphore_mem>>) src(%dma_wait3A_741 : memref<524288xf32, #tpu.memory_space<vmem_shared>>) dst(%arg14 : memref<16xf32, #tpu.memory_space<vmem>>)
        %dma_wait3A_742 = arith.constant 48 : i32
        %dma_wait3A_743 = tpu.memref_slice %arg28[%dma_wait3A_742] : memref<256xi32, #tpu.memory_space<vmem>> -> memref<16xi32, #tpu.memory_space<vmem>>
        %dma_wait3A_744 = arith.constant 0 : i32
        %dma_wait3A_745 = tpu.memref_slice %arg30[%dma_wait3A_744] : memref<524288xf32, #tpu.memory_space<vmem_shared>> -> memref<524288xf32, #tpu.memory_space<vmem_shared>>
        tpu.wait_indirect_dma semaphore(%arg31 : memref<!tpu.dma_semaphore, #tpu.memory_space<semaphore_mem>>) src(%dma_wait3A_745 : memref<524288xf32, #tpu.memory_space<vmem_shared>>) dst(%arg15 : memref<16xf32, #tpu.memory_space<vmem>>)
        %dma_wait3A_746 = arith.constant 64 : i32
        %dma_wait3A_747 = tpu.memref_slice %arg28[%dma_wait3A_746] : memref<256xi32, #tpu.memory_space<vmem>> -> memref<16xi32, #tpu.memory_space<vmem>>
        %dma_wait3A_748 = arith.constant 0 : i32
        %dma_wait3A_749 = tpu.memref_slice %arg30[%dma_wait3A_748] : memref<524288xf32, #tpu.memory_space<vmem_shared>> -> memref<524288xf32, #tpu.memory_space<vmem_shared>>
        tpu.wait_indirect_dma semaphore(%arg31 : memref<!tpu.dma_semaphore, #tpu.memory_space<semaphore_mem>>) src(%dma_wait3A_749 : memref<524288xf32, #tpu.memory_space<vmem_shared>>) dst(%arg16 : memref<16xf32, #tpu.memory_space<vmem>>)
        %dma_wait3A_750 = arith.constant 80 : i32
        %dma_wait3A_751 = tpu.memref_slice %arg28[%dma_wait3A_750] : memref<256xi32, #tpu.memory_space<vmem>> -> memref<16xi32, #tpu.memory_space<vmem>>
        %dma_wait3A_752 = arith.constant 0 : i32
        %dma_wait3A_753 = tpu.memref_slice %arg30[%dma_wait3A_752] : memref<524288xf32, #tpu.memory_space<vmem_shared>> -> memref<524288xf32, #tpu.memory_space<vmem_shared>>
        tpu.wait_indirect_dma semaphore(%arg31 : memref<!tpu.dma_semaphore, #tpu.memory_space<semaphore_mem>>) src(%dma_wait3A_753 : memref<524288xf32, #tpu.memory_space<vmem_shared>>) dst(%arg17 : memref<16xf32, #tpu.memory_space<vmem>>)
        %dma_wait3A_754 = arith.constant 96 : i32
        %dma_wait3A_755 = tpu.memref_slice %arg28[%dma_wait3A_754] : memref<256xi32, #tpu.memory_space<vmem>> -> memref<16xi32, #tpu.memory_space<vmem>>
        %dma_wait3A_756 = arith.constant 0 : i32
        %dma_wait3A_757 = tpu.memref_slice %arg30[%dma_wait3A_756] : memref<524288xf32, #tpu.memory_space<vmem_shared>> -> memref<524288xf32, #tpu.memory_space<vmem_shared>>
        tpu.wait_indirect_dma semaphore(%arg31 : memref<!tpu.dma_semaphore, #tpu.memory_space<semaphore_mem>>) src(%dma_wait3A_757 : memref<524288xf32, #tpu.memory_space<vmem_shared>>) dst(%arg18 : memref<16xf32, #tpu.memory_space<vmem>>)
        %dma_wait3A_758 = arith.constant 112 : i32
        %dma_wait3A_759 = tpu.memref_slice %arg28[%dma_wait3A_758] : memref<256xi32, #tpu.memory_space<vmem>> -> memref<16xi32, #tpu.memory_space<vmem>>
        %dma_wait3A_760 = arith.constant 0 : i32
        %dma_wait3A_761 = tpu.memref_slice %arg30[%dma_wait3A_760] : memref<524288xf32, #tpu.memory_space<vmem_shared>> -> memref<524288xf32, #tpu.memory_space<vmem_shared>>
        tpu.wait_indirect_dma semaphore(%arg31 : memref<!tpu.dma_semaphore, #tpu.memory_space<semaphore_mem>>) src(%dma_wait3A_761 : memref<524288xf32, #tpu.memory_space<vmem_shared>>) dst(%arg19 : memref<16xf32, #tpu.memory_space<vmem>>)
        %dma_wait3A_762 = arith.constant 128 : i32
        %dma_wait3A_763 = tpu.memref_slice %arg28[%dma_wait3A_762] : memref<256xi32, #tpu.memory_space<vmem>> -> memref<16xi32, #tpu.memory_space<vmem>>
        %dma_wait3A_764 = arith.constant 0 : i32
        %dma_wait3A_765 = tpu.memref_slice %arg30[%dma_wait3A_764] : memref<524288xf32, #tpu.memory_space<vmem_shared>> -> memref<524288xf32, #tpu.memory_space<vmem_shared>>
        tpu.wait_indirect_dma semaphore(%arg31 : memref<!tpu.dma_semaphore, #tpu.memory_space<semaphore_mem>>) src(%dma_wait3A_765 : memref<524288xf32, #tpu.memory_space<vmem_shared>>) dst(%arg20 : memref<16xf32, #tpu.memory_space<vmem>>)
        %dma_wait3A_766 = arith.constant 144 : i32
        %dma_wait3A_767 = tpu.memref_slice %arg28[%dma_wait3A_766] : memref<256xi32, #tpu.memory_space<vmem>> -> memref<16xi32, #tpu.memory_space<vmem>>
        %dma_wait3A_768 = arith.constant 0 : i32
        %dma_wait3A_769 = tpu.memref_slice %arg30[%dma_wait3A_768] : memref<524288xf32, #tpu.memory_space<vmem_shared>> -> memref<524288xf32, #tpu.memory_space<vmem_shared>>
        tpu.wait_indirect_dma semaphore(%arg31 : memref<!tpu.dma_semaphore, #tpu.memory_space<semaphore_mem>>) src(%dma_wait3A_769 : memref<524288xf32, #tpu.memory_space<vmem_shared>>) dst(%arg21 : memref<16xf32, #tpu.memory_space<vmem>>)
        %dma_wait3A_770 = arith.constant 160 : i32
        %dma_wait3A_771 = tpu.memref_slice %arg28[%dma_wait3A_770] : memref<256xi32, #tpu.memory_space<vmem>> -> memref<16xi32, #tpu.memory_space<vmem>>
        %dma_wait3A_772 = arith.constant 0 : i32
        %dma_wait3A_773 = tpu.memref_slice %arg30[%dma_wait3A_772] : memref<524288xf32, #tpu.memory_space<vmem_shared>> -> memref<524288xf32, #tpu.memory_space<vmem_shared>>
        tpu.wait_indirect_dma semaphore(%arg31 : memref<!tpu.dma_semaphore, #tpu.memory_space<semaphore_mem>>) src(%dma_wait3A_773 : memref<524288xf32, #tpu.memory_space<vmem_shared>>) dst(%arg22 : memref<16xf32, #tpu.memory_space<vmem>>)
        %dma_wait3A_774 = arith.constant 176 : i32
        %dma_wait3A_775 = tpu.memref_slice %arg28[%dma_wait3A_774] : memref<256xi32, #tpu.memory_space<vmem>> -> memref<16xi32, #tpu.memory_space<vmem>>
        %dma_wait3A_776 = arith.constant 0 : i32
        %dma_wait3A_777 = tpu.memref_slice %arg30[%dma_wait3A_776] : memref<524288xf32, #tpu.memory_space<vmem_shared>> -> memref<524288xf32, #tpu.memory_space<vmem_shared>>
        tpu.wait_indirect_dma semaphore(%arg31 : memref<!tpu.dma_semaphore, #tpu.memory_space<semaphore_mem>>) src(%dma_wait3A_777 : memref<524288xf32, #tpu.memory_space<vmem_shared>>) dst(%arg23 : memref<16xf32, #tpu.memory_space<vmem>>)
        %dma_wait3A_778 = arith.constant 192 : i32
        %dma_wait3A_779 = tpu.memref_slice %arg28[%dma_wait3A_778] : memref<256xi32, #tpu.memory_space<vmem>> -> memref<16xi32, #tpu.memory_space<vmem>>
        %dma_wait3A_780 = arith.constant 0 : i32
        %dma_wait3A_781 = tpu.memref_slice %arg30[%dma_wait3A_780] : memref<524288xf32, #tpu.memory_space<vmem_shared>> -> memref<524288xf32, #tpu.memory_space<vmem_shared>>
        tpu.wait_indirect_dma semaphore(%arg31 : memref<!tpu.dma_semaphore, #tpu.memory_space<semaphore_mem>>) src(%dma_wait3A_781 : memref<524288xf32, #tpu.memory_space<vmem_shared>>) dst(%arg24 : memref<16xf32, #tpu.memory_space<vmem>>)
        %dma_wait3A_782 = arith.constant 208 : i32
        %dma_wait3A_783 = tpu.memref_slice %arg28[%dma_wait3A_782] : memref<256xi32, #tpu.memory_space<vmem>> -> memref<16xi32, #tpu.memory_space<vmem>>
        %dma_wait3A_784 = arith.constant 0 : i32
        %dma_wait3A_785 = tpu.memref_slice %arg30[%dma_wait3A_784] : memref<524288xf32, #tpu.memory_space<vmem_shared>> -> memref<524288xf32, #tpu.memory_space<vmem_shared>>
        tpu.wait_indirect_dma semaphore(%arg31 : memref<!tpu.dma_semaphore, #tpu.memory_space<semaphore_mem>>) src(%dma_wait3A_785 : memref<524288xf32, #tpu.memory_space<vmem_shared>>) dst(%arg25 : memref<16xf32, #tpu.memory_space<vmem>>)
        %dma_wait3A_786 = arith.constant 224 : i32
        %dma_wait3A_787 = tpu.memref_slice %arg28[%dma_wait3A_786] : memref<256xi32, #tpu.memory_space<vmem>> -> memref<16xi32, #tpu.memory_space<vmem>>
        %dma_wait3A_788 = arith.constant 0 : i32
        %dma_wait3A_789 = tpu.memref_slice %arg30[%dma_wait3A_788] : memref<524288xf32, #tpu.memory_space<vmem_shared>> -> memref<524288xf32, #tpu.memory_space<vmem_shared>>
        tpu.wait_indirect_dma semaphore(%arg31 : memref<!tpu.dma_semaphore, #tpu.memory_space<semaphore_mem>>) src(%dma_wait3A_789 : memref<524288xf32, #tpu.memory_space<vmem_shared>>) dst(%arg26 : memref<16xf32, #tpu.memory_space<vmem>>)
        %dma_wait3A_790 = arith.constant 240 : i32
        %dma_wait3A_791 = tpu.memref_slice %arg28[%dma_wait3A_790] : memref<256xi32, #tpu.memory_space<vmem>> -> memref<16xi32, #tpu.memory_space<vmem>>
        %dma_wait3A_792 = arith.constant 0 : i32
        %dma_wait3A_793 = tpu.memref_slice %arg30[%dma_wait3A_792] : memref<524288xf32, #tpu.memory_space<vmem_shared>> -> memref<524288xf32, #tpu.memory_space<vmem_shared>>
        tpu.wait_indirect_dma semaphore(%arg31 : memref<!tpu.dma_semaphore, #tpu.memory_space<semaphore_mem>>) src(%dma_wait3A_793 : memref<524288xf32, #tpu.memory_space<vmem_shared>>) dst(%arg27 : memref<16xf32, #tpu.memory_space<vmem>>)
        %broadcast_in_dim3A_794 = arith.constant 0 : i32
        %broadcast_in_dim3A_795 = vector.broadcast %broadcast_in_dim3A_794 : i32 to vector<16xi32>
        %get3A = arith.constant 0 : index
        %get3A_796 = tpu.vector_load %arg12[%get3A] {strides = array<i32>} : memref<16xf32, #tpu.memory_space<vmem>>, vector<16xf32>,
        tpu.vector_store_idx %arg10[%broadcast_in_dim3A_795, %select_n3A_569], %get3A_796 masked %lt3A_557 : memref<16x2048xf32, #tpu.memory_space<vmem>>[vector<16xi32>, vector<16xi32>], vector<16xf32>, vector<16xi1>
        %broadcast_in_dim3A_797 = arith.constant 1 : i32
        %broadcast_in_dim3A_798 = vector.broadcast %broadcast_in_dim3A_797 : i32 to vector<16xi32>
        %get3A_799 = arith.constant 0 : index
        %get3A_800 = tpu.vector_load %arg13[%get3A_799] {strides = array<i32>} : memref<16xf32, #tpu.memory_space<vmem>>, vector<16xf32>,
        tpu.vector_store_idx %arg10[%broadcast_in_dim3A_798, %select_n3A_569], %get3A_800 masked %lt3A_557 : memref<16x2048xf32, #tpu.memory_space<vmem>>[vector<16xi32>, vector<16xi32>], vector<16xf32>, vector<16xi1>
        %broadcast_in_dim3A_801 = arith.constant 2 : i32
        %broadcast_in_dim3A_802 = vector.broadcast %broadcast_in_dim3A_801 : i32 to vector<16xi32>
        %get3A_803 = arith.constant 0 : index
        %get3A_804 = tpu.vector_load %arg14[%get3A_803] {strides = array<i32>} : memref<16xf32, #tpu.memory_space<vmem>>, vector<16xf32>,
        tpu.vector_store_idx %arg10[%broadcast_in_dim3A_802, %select_n3A_569], %get3A_804 masked %lt3A_557 : memref<16x2048xf32, #tpu.memory_space<vmem>>[vector<16xi32>, vector<16xi32>], vector<16xf32>, vector<16xi1>
        %broadcast_in_dim3A_805 = arith.constant 3 : i32
        %broadcast_in_dim3A_806 = vector.broadcast %broadcast_in_dim3A_805 : i32 to vector<16xi32>
        %get3A_807 = arith.constant 0 : index
        %get3A_808 = tpu.vector_load %arg15[%get3A_807] {strides = array<i32>} : memref<16xf32, #tpu.memory_space<vmem>>, vector<16xf32>,
        tpu.vector_store_idx %arg10[%broadcast_in_dim3A_806, %select_n3A_569], %get3A_808 masked %lt3A_557 : memref<16x2048xf32, #tpu.memory_space<vmem>>[vector<16xi32>, vector<16xi32>], vector<16xf32>, vector<16xi1>
        %broadcast_in_dim3A_809 = arith.constant 4 : i32
        %broadcast_in_dim3A_810 = vector.broadcast %broadcast_in_dim3A_809 : i32 to vector<16xi32>
        %get3A_811 = arith.constant 0 : index
        %get3A_812 = tpu.vector_load %arg16[%get3A_811] {strides = array<i32>} : memref<16xf32, #tpu.memory_space<vmem>>, vector<16xf32>,
        tpu.vector_store_idx %arg10[%broadcast_in_dim3A_810, %select_n3A_569], %get3A_812 masked %lt3A_557 : memref<16x2048xf32, #tpu.memory_space<vmem>>[vector<16xi32>, vector<16xi32>], vector<16xf32>, vector<16xi1>
        %broadcast_in_dim3A_813 = arith.constant 5 : i32
        %broadcast_in_dim3A_814 = vector.broadcast %broadcast_in_dim3A_813 : i32 to vector<16xi32>
        %get3A_815 = arith.constant 0 : index
        %get3A_816 = tpu.vector_load %arg17[%get3A_815] {strides = array<i32>} : memref<16xf32, #tpu.memory_space<vmem>>, vector<16xf32>,
        tpu.vector_store_idx %arg10[%broadcast_in_dim3A_814, %select_n3A_569], %get3A_816 masked %lt3A_557 : memref<16x2048xf32, #tpu.memory_space<vmem>>[vector<16xi32>, vector<16xi32>], vector<16xf32>, vector<16xi1>
        %broadcast_in_dim3A_817 = arith.constant 6 : i32
        %broadcast_in_dim3A_818 = vector.broadcast %broadcast_in_dim3A_817 : i32 to vector<16xi32>
        %get3A_819 = arith.constant 0 : index
        %get3A_820 = tpu.vector_load %arg18[%get3A_819] {strides = array<i32>} : memref<16xf32, #tpu.memory_space<vmem>>, vector<16xf32>,
        tpu.vector_store_idx %arg10[%broadcast_in_dim3A_818, %select_n3A_569], %get3A_820 masked %lt3A_557 : memref<16x2048xf32, #tpu.memory_space<vmem>>[vector<16xi32>, vector<16xi32>], vector<16xf32>, vector<16xi1>
        %broadcast_in_dim3A_821 = arith.constant 7 : i32
        %broadcast_in_dim3A_822 = vector.broadcast %broadcast_in_dim3A_821 : i32 to vector<16xi32>
        %get3A_823 = arith.constant 0 : index
        %get3A_824 = tpu.vector_load %arg19[%get3A_823] {strides = array<i32>} : memref<16xf32, #tpu.memory_space<vmem>>, vector<16xf32>,
        tpu.vector_store_idx %arg10[%broadcast_in_dim3A_822, %select_n3A_569], %get3A_824 masked %lt3A_557 : memref<16x2048xf32, #tpu.memory_space<vmem>>[vector<16xi32>, vector<16xi32>], vector<16xf32>, vector<16xi1>
        %broadcast_in_dim3A_825 = arith.constant 8 : i32
        %broadcast_in_dim3A_826 = vector.broadcast %broadcast_in_dim3A_825 : i32 to vector<16xi32>
        %get3A_827 = arith.constant 0 : index
        %get3A_828 = tpu.vector_load %arg20[%get3A_827] {strides = array<i32>} : memref<16xf32, #tpu.memory_space<vmem>>, vector<16xf32>,
        tpu.vector_store_idx %arg10[%broadcast_in_dim3A_826, %select_n3A_569], %get3A_828 masked %lt3A_557 : memref<16x2048xf32, #tpu.memory_space<vmem>>[vector<16xi32>, vector<16xi32>], vector<16xf32>, vector<16xi1>
        %broadcast_in_dim3A_829 = arith.constant 9 : i32
        %broadcast_in_dim3A_830 = vector.broadcast %broadcast_in_dim3A_829 : i32 to vector<16xi32>
        %get3A_831 = arith.constant 0 : index
        %get3A_832 = tpu.vector_load %arg21[%get3A_831] {strides = array<i32>} : memref<16xf32, #tpu.memory_space<vmem>>, vector<16xf32>,
        tpu.vector_store_idx %arg10[%broadcast_in_dim3A_830, %select_n3A_569], %get3A_832 masked %lt3A_557 : memref<16x2048xf32, #tpu.memory_space<vmem>>[vector<16xi32>, vector<16xi32>], vector<16xf32>, vector<16xi1>
        %broadcast_in_dim3A_833 = arith.constant 10 : i32
        %broadcast_in_dim3A_834 = vector.broadcast %broadcast_in_dim3A_833 : i32 to vector<16xi32>
        %get3A_835 = arith.constant 0 : index
        %get3A_836 = tpu.vector_load %arg22[%get3A_835] {strides = array<i32>} : memref<16xf32, #tpu.memory_space<vmem>>, vector<16xf32>,
        tpu.vector_store_idx %arg10[%broadcast_in_dim3A_834, %select_n3A_569], %get3A_836 masked %lt3A_557 : memref<16x2048xf32, #tpu.memory_space<vmem>>[vector<16xi32>, vector<16xi32>], vector<16xf32>, vector<16xi1>
        %broadcast_in_dim3A_837 = arith.constant 11 : i32
        %broadcast_in_dim3A_838 = vector.broadcast %broadcast_in_dim3A_837 : i32 to vector<16xi32>
        %get3A_839 = arith.constant 0 : index
        %get3A_840 = tpu.vector_load %arg23[%get3A_839] {strides = array<i32>} : memref<16xf32, #tpu.memory_space<vmem>>, vector<16xf32>,
        tpu.vector_store_idx %arg10[%broadcast_in_dim3A_838, %select_n3A_569], %get3A_840 masked %lt3A_557 : memref<16x2048xf32, #tpu.memory_space<vmem>>[vector<16xi32>, vector<16xi32>], vector<16xf32>, vector<16xi1>
        %broadcast_in_dim3A_841 = arith.constant 12 : i32
        %broadcast_in_dim3A_842 = vector.broadcast %broadcast_in_dim3A_841 : i32 to vector<16xi32>
        %get3A_843 = arith.constant 0 : index
        %get3A_844 = tpu.vector_load %arg24[%get3A_843] {strides = array<i32>} : memref<16xf32, #tpu.memory_space<vmem>>, vector<16xf32>,
        tpu.vector_store_idx %arg10[%broadcast_in_dim3A_842, %select_n3A_569], %get3A_844 masked %lt3A_557 : memref<16x2048xf32, #tpu.memory_space<vmem>>[vector<16xi32>, vector<16xi32>], vector<16xf32>, vector<16xi1>
        %broadcast_in_dim3A_845 = arith.constant 13 : i32
        %broadcast_in_dim3A_846 = vector.broadcast %broadcast_in_dim3A_845 : i32 to vector<16xi32>
        %get3A_847 = arith.constant 0 : index
        %get3A_848 = tpu.vector_load %arg25[%get3A_847] {strides = array<i32>} : memref<16xf32, #tpu.memory_space<vmem>>, vector<16xf32>,
        tpu.vector_store_idx %arg10[%broadcast_in_dim3A_846, %select_n3A_569], %get3A_848 masked %lt3A_557 : memref<16x2048xf32, #tpu.memory_space<vmem>>[vector<16xi32>, vector<16xi32>], vector<16xf32>, vector<16xi1>
        %broadcast_in_dim3A_849 = arith.constant 14 : i32
        %broadcast_in_dim3A_850 = vector.broadcast %broadcast_in_dim3A_849 : i32 to vector<16xi32>
        %get3A_851 = arith.constant 0 : index
        %get3A_852 = tpu.vector_load %arg26[%get3A_851] {strides = array<i32>} : memref<16xf32, #tpu.memory_space<vmem>>, vector<16xf32>,
        tpu.vector_store_idx %arg10[%broadcast_in_dim3A_850, %select_n3A_569], %get3A_852 masked %lt3A_557 : memref<16x2048xf32, #tpu.memory_space<vmem>>[vector<16xi32>, vector<16xi32>], vector<16xf32>, vector<16xi1>
        %broadcast_in_dim3A_853 = arith.constant 15 : i32
        %broadcast_in_dim3A_854 = vector.broadcast %broadcast_in_dim3A_853 : i32 to vector<16xi32>
        %get3A_855 = arith.constant 0 : index
        %get3A_856 = tpu.vector_load %arg27[%get3A_855] {strides = array<i32>} : memref<16xf32, #tpu.memory_space<vmem>>, vector<16xf32>,
        tpu.vector_store_idx %arg10[%broadcast_in_dim3A_854, %select_n3A_569], %get3A_856 masked %lt3A_557 : memref<16x2048xf32, #tpu.memory_space<vmem>>[vector<16xi32>, vector<16xi32>], vector<16xf32>, vector<16xi1>
        %add3A_857 = arith.constant 16 : i32
        %add3A_858 = arith.addi %while3A_554, %add3A_857 : i32
        scf.yield %add3A_858 : i32
      }
      %while3A_548 = arith.constant 1 : i32
      %while3A_549 = scf.for %while3A_553 = %while3A_545 to %while3A_541 step %while3A_548 iter_args(%while3A_554 = %while3A_547) -> (i32)  : i32 {
        %sub3A_555 = arith.subi %scan3A_510#1, %while3A_554 : i32
        %lt3A_556 = vector.broadcast %sub3A_555 : i32 to vector<16xi32>
        %lt3A_557 = arith.cmpi slt, %iota3A, %lt3A_556 : vector<16xi32>
        %add3A_558 = vector.broadcast %while3A_554 : i32 to vector<16xi32>
        %add3A_559 = arith.addi %iota3A, %add3A_558 : vector<16xi32>
        %gather3A = tpu.vector_load_idx %arg8[%add3A_559] : memref<2064xi32, #tpu.memory_space<vmem>>[vector<16xi32>], vector<16xi32>,
        %jit3A_560 = arith.constant 0 : i64
        %convert_element_type3A_561 = arith.trunci %jit3A_560 : i64 to i32
        %broadcast_in_dim3A_562 = vector.broadcast %convert_element_type3A_561 : i32 to vector<16xi32>
        %select_n3A_563 = arith.select %lt3A_557, %gather3A, %broadcast_in_dim3A_562 : vector<16xi1>, vector<16xi32>
        %add3A_564 = vector.broadcast %while3A_554 : i32 to vector<16xi32>
        %add3A_565 = arith.addi %iota3A, %add3A_564 : vector<16xi32>
        %gather3A_566 = tpu.vector_load_idx %arg9[%add3A_565] : memref<2064xi32, #tpu.memory_space<vmem>>[vector<16xi32>], vector<16xi32>,
        %jit3A_567 = arith.constant 0 : i32
        %broadcast_in_dim3A_568 = vector.broadcast %jit3A_567 : i32 to vector<16xi32>
        %select_n3A_569 = arith.select %lt3A_557, %gather3A_566, %broadcast_in_dim3A_568 : vector<16xi1>, vector<16xi32>
        %add3A_570 = arith.constant 0 : i32
        %add3A_571 = vector.broadcast %add3A_570 : i32 to vector<16xi32>
        %add3A_572 = arith.addi %iota3A, %add3A_571 : vector<16xi32>
        %add3A_573 = arith.constant 0 : i32
        %add3A_574 = vector.broadcast %add3A_573 : i32 to vector<16xi32>
        %add3A_575 = arith.addi %select_n3A_563, %add3A_574 : vector<16xi32>
        tpu.vector_store_idx %arg28[%add3A_572], %add3A_575 : memref<256xi32, #tpu.memory_space<vmem>>[vector<16xi32>], vector<16xi32>,
        %add3A_576 = arith.constant 16 : i32
        %add3A_577 = vector.broadcast %add3A_576 : i32 to vector<16xi32>
        %add3A_578 = arith.addi %iota3A, %add3A_577 : vector<16xi32>
        %add3A_579 = arith.constant 32768 : i32
        %add3A_580 = vector.broadcast %add3A_579 : i32 to vector<16xi32>
        %add3A_581 = arith.addi %select_n3A_563, %add3A_580 : vector<16xi32>
        tpu.vector_store_idx %arg28[%add3A_578], %add3A_581 : memref<256xi32, #tpu.memory_space<vmem>>[vector<16xi32>], vector<16xi32>,
        %add3A_582 = arith.constant 32 : i32
        %add3A_583 = vector.broadcast %add3A_582 : i32 to vector<16xi32>
        %add3A_584 = arith.addi %iota3A, %add3A_583 : vector<16xi32>
        %add3A_585 = arith.constant 65536 : i32
        %add3A_586 = vector.broadcast %add3A_585 : i32 to vector<16xi32>
        %add3A_587 = arith.addi %select_n3A_563, %add3A_586 : vector<16xi32>
        tpu.vector_store_idx %arg28[%add3A_584], %add3A_587 : memref<256xi32, #tpu.memory_space<vmem>>[vector<16xi32>], vector<16xi32>,
        %add3A_588 = arith.constant 48 : i32
        %add3A_589 = vector.broadcast %add3A_588 : i32 to vector<16xi32>
        %add3A_590 = arith.addi %iota3A, %add3A_589 : vector<16xi32>
        %add3A_591 = arith.constant 98304 : i32
        %add3A_592 = vector.broadcast %add3A_591 : i32 to vector<16xi32>
        %add3A_593 = arith.addi %select_n3A_563, %add3A_592 : vector<16xi32>
        tpu.vector_store_idx %arg28[%add3A_590], %add3A_593 : memref<256xi32, #tpu.memory_space<vmem>>[vector<16xi32>], vector<16xi32>,
        %add3A_594 = arith.constant 64 : i32
        %add3A_595 = vector.broadcast %add3A_594 : i32 to vector<16xi32>
        %add3A_596 = arith.addi %iota3A, %add3A_595 : vector<16xi32>
        %add3A_597 = arith.constant 131072 : i32
        %add3A_598 = vector.broadcast %add3A_597 : i32 to vector<16xi32>
        %add3A_599 = arith.addi %select_n3A_563, %add3A_598 : vector<16xi32>
        tpu.vector_store_idx %arg28[%add3A_596], %add3A_599 : memref<256xi32, #tpu.memory_space<vmem>>[vector<16xi32>], vector<16xi32>,
        %add3A_600 = arith.constant 80 : i32
        %add3A_601 = vector.broadcast %add3A_600 : i32 to vector<16xi32>
        %add3A_602 = arith.addi %iota3A, %add3A_601 : vector<16xi32>
        %add3A_603 = arith.constant 163840 : i32
        %add3A_604 = vector.broadcast %add3A_603 : i32 to vector<16xi32>
        %add3A_605 = arith.addi %select_n3A_563, %add3A_604 : vector<16xi32>
        tpu.vector_store_idx %arg28[%add3A_602], %add3A_605 : memref<256xi32, #tpu.memory_space<vmem>>[vector<16xi32>], vector<16xi32>,
        %add3A_606 = arith.constant 96 : i32
        %add3A_607 = vector.broadcast %add3A_606 : i32 to vector<16xi32>
        %add3A_608 = arith.addi %iota3A, %add3A_607 : vector<16xi32>
        %add3A_609 = arith.constant 196608 : i32
        %add3A_610 = vector.broadcast %add3A_609 : i32 to vector<16xi32>
        %add3A_611 = arith.addi %select_n3A_563, %add3A_610 : vector<16xi32>
        tpu.vector_store_idx %arg28[%add3A_608], %add3A_611 : memref<256xi32, #tpu.memory_space<vmem>>[vector<16xi32>], vector<16xi32>,
        %add3A_612 = arith.constant 112 : i32
        %add3A_613 = vector.broadcast %add3A_612 : i32 to vector<16xi32>
        %add3A_614 = arith.addi %iota3A, %add3A_613 : vector<16xi32>
        %add3A_615 = arith.constant 229376 : i32
        %add3A_616 = vector.broadcast %add3A_615 : i32 to vector<16xi32>
        %add3A_617 = arith.addi %select_n3A_563, %add3A_616 : vector<16xi32>
        tpu.vector_store_idx %arg28[%add3A_614], %add3A_617 : memref<256xi32, #tpu.memory_space<vmem>>[vector<16xi32>], vector<16xi32>,
        %add3A_618 = arith.constant 128 : i32
        %add3A_619 = vector.broadcast %add3A_618 : i32 to vector<16xi32>
        %add3A_620 = arith.addi %iota3A, %add3A_619 : vector<16xi32>
        %add3A_621 = arith.constant 262144 : i32
        %add3A_622 = vector.broadcast %add3A_621 : i32 to vector<16xi32>
        %add3A_623 = arith.addi %select_n3A_563, %add3A_622 : vector<16xi32>
        tpu.vector_store_idx %arg28[%add3A_620], %add3A_623 : memref<256xi32, #tpu.memory_space<vmem>>[vector<16xi32>], vector<16xi32>,
        %add3A_624 = arith.constant 144 : i32
        %add3A_625 = vector.broadcast %add3A_624 : i32 to vector<16xi32>
        %add3A_626 = arith.addi %iota3A, %add3A_625 : vector<16xi32>
        %add3A_627 = arith.constant 294912 : i32
        %add3A_628 = vector.broadcast %add3A_627 : i32 to vector<16xi32>
        %add3A_629 = arith.addi %select_n3A_563, %add3A_628 : vector<16xi32>
        tpu.vector_store_idx %arg28[%add3A_626], %add3A_629 : memref<256xi32, #tpu.memory_space<vmem>>[vector<16xi32>], vector<16xi32>,
        %add3A_630 = arith.constant 160 : i32
        %add3A_631 = vector.broadcast %add3A_630 : i32 to vector<16xi32>
        %add3A_632 = arith.addi %iota3A, %add3A_631 : vector<16xi32>
        %add3A_633 = arith.constant 327680 : i32
        %add3A_634 = vector.broadcast %add3A_633 : i32 to vector<16xi32>
        %add3A_635 = arith.addi %select_n3A_563, %add3A_634 : vector<16xi32>
        tpu.vector_store_idx %arg28[%add3A_632], %add3A_635 : memref<256xi32, #tpu.memory_space<vmem>>[vector<16xi32>], vector<16xi32>,
        %add3A_636 = arith.constant 176 : i32
        %add3A_637 = vector.broadcast %add3A_636 : i32 to vector<16xi32>
        %add3A_638 = arith.addi %iota3A, %add3A_637 : vector<16xi32>
        %add3A_639 = arith.constant 360448 : i32
        %add3A_640 = vector.broadcast %add3A_639 : i32 to vector<16xi32>
        %add3A_641 = arith.addi %select_n3A_563, %add3A_640 : vector<16xi32>
        tpu.vector_store_idx %arg28[%add3A_638], %add3A_641 : memref<256xi32, #tpu.memory_space<vmem>>[vector<16xi32>], vector<16xi32>,
        %add3A_642 = arith.constant 192 : i32
        %add3A_643 = vector.broadcast %add3A_642 : i32 to vector<16xi32>
        %add3A_644 = arith.addi %iota3A, %add3A_643 : vector<16xi32>
        %add3A_645 = arith.constant 393216 : i32
        %add3A_646 = vector.broadcast %add3A_645 : i32 to vector<16xi32>
        %add3A_647 = arith.addi %select_n3A_563, %add3A_646 : vector<16xi32>
        tpu.vector_store_idx %arg28[%add3A_644], %add3A_647 : memref<256xi32, #tpu.memory_space<vmem>>[vector<16xi32>], vector<16xi32>,
        %add3A_648 = arith.constant 208 : i32
        %add3A_649 = vector.broadcast %add3A_648 : i32 to vector<16xi32>
        %add3A_650 = arith.addi %iota3A, %add3A_649 : vector<16xi32>
        %add3A_651 = arith.constant 425984 : i32
        %add3A_652 = vector.broadcast %add3A_651 : i32 to vector<16xi32>
        %add3A_653 = arith.addi %select_n3A_563, %add3A_652 : vector<16xi32>
        tpu.vector_store_idx %arg28[%add3A_650], %add3A_653 : memref<256xi32, #tpu.memory_space<vmem>>[vector<16xi32>], vector<16xi32>,
        %add3A_654 = arith.constant 224 : i32
        %add3A_655 = vector.broadcast %add3A_654 : i32 to vector<16xi32>
        %add3A_656 = arith.addi %iota3A, %add3A_655 : vector<16xi32>
        %add3A_657 = arith.constant 458752 : i32
        %add3A_658 = vector.broadcast %add3A_657 : i32 to vector<16xi32>
        %add3A_659 = arith.addi %select_n3A_563, %add3A_658 : vector<16xi32>
        tpu.vector_store_idx %arg28[%add3A_656], %add3A_659 : memref<256xi32, #tpu.memory_space<vmem>>[vector<16xi32>], vector<16xi32>,
        %add3A_660 = arith.constant 240 : i32
        %add3A_661 = vector.broadcast %add3A_660 : i32 to vector<16xi32>
        %add3A_662 = arith.addi %iota3A, %add3A_661 : vector<16xi32>
        %add3A_663 = arith.constant 491520 : i32
        %add3A_664 = vector.broadcast %add3A_663 : i32 to vector<16xi32>
        %add3A_665 = arith.addi %select_n3A_563, %add3A_664 : vector<16xi32>
        tpu.vector_store_idx %arg28[%add3A_662], %add3A_665 : memref<256xi32, #tpu.memory_space<vmem>>[vector<16xi32>], vector<16xi32>,
        %dma_start3A_666 = arith.constant 0 : i32
        %dma_start3A_667 = tpu.memref_slice %arg28[%dma_start3A_666] : memref<256xi32, #tpu.memory_space<vmem>> -> memref<16xi32, #tpu.memory_space<vmem>>
        %dma_start3A_668 = arith.constant 0 : i32
        %dma_start3A_669 = tpu.memref_slice %arg30[%dma_start3A_668] : memref<524288xf32, #tpu.memory_space<vmem_shared>> -> memref<524288xf32, #tpu.memory_space<vmem_shared>>
        tpu.enqueue_indirect_dma source(%dma_start3A_669 : memref<524288xf32, #tpu.memory_space<vmem_shared>>) target(%arg12 : memref<16xf32, #tpu.memory_space<vmem>>) offsets(%dma_start3A_667 : memref<16xi32, #tpu.memory_space<vmem>>) semaphore(%arg31 : memref<!tpu.dma_semaphore, #tpu.memory_space<semaphore_mem>>)
        %dma_start3A_670 = arith.constant 16 : i32
        %dma_start3A_671 = tpu.memref_slice %arg28[%dma_start3A_670] : memref<256xi32, #tpu.memory_space<vmem>> -> memref<16xi32, #tpu.memory_space<vmem>>
        %dma_start3A_672 = arith.constant 0 : i32
        %dma_start3A_673 = tpu.memref_slice %arg30[%dma_start3A_672] : memref<524288xf32, #tpu.memory_space<vmem_shared>> -> memref<524288xf32, #tpu.memory_space<vmem_shared>>
        tpu.enqueue_indirect_dma source(%dma_start3A_673 : memref<524288xf32, #tpu.memory_space<vmem_shared>>) target(%arg13 : memref<16xf32, #tpu.memory_space<vmem>>) offsets(%dma_start3A_671 : memref<16xi32, #tpu.memory_space<vmem>>) semaphore(%arg31 : memref<!tpu.dma_semaphore, #tpu.memory_space<semaphore_mem>>)
        %dma_start3A_674 = arith.constant 32 : i32
        %dma_start3A_675 = tpu.memref_slice %arg28[%dma_start3A_674] : memref<256xi32, #tpu.memory_space<vmem>> -> memref<16xi32, #tpu.memory_space<vmem>>
        %dma_start3A_676 = arith.constant 0 : i32
        %dma_start3A_677 = tpu.memref_slice %arg30[%dma_start3A_676] : memref<524288xf32, #tpu.memory_space<vmem_shared>> -> memref<524288xf32, #tpu.memory_space<vmem_shared>>
        tpu.enqueue_indirect_dma source(%dma_start3A_677 : memref<524288xf32, #tpu.memory_space<vmem_shared>>) target(%arg14 : memref<16xf32, #tpu.memory_space<vmem>>) offsets(%dma_start3A_675 : memref<16xi32, #tpu.memory_space<vmem>>) semaphore(%arg31 : memref<!tpu.dma_semaphore, #tpu.memory_space<semaphore_mem>>)
        %dma_start3A_678 = arith.constant 48 : i32
        %dma_start3A_679 = tpu.memref_slice %arg28[%dma_start3A_678] : memref<256xi32, #tpu.memory_space<vmem>> -> memref<16xi32, #tpu.memory_space<vmem>>
        %dma_start3A_680 = arith.constant 0 : i32
        %dma_start3A_681 = tpu.memref_slice %arg30[%dma_start3A_680] : memref<524288xf32, #tpu.memory_space<vmem_shared>> -> memref<524288xf32, #tpu.memory_space<vmem_shared>>
        tpu.enqueue_indirect_dma source(%dma_start3A_681 : memref<524288xf32, #tpu.memory_space<vmem_shared>>) target(%arg15 : memref<16xf32, #tpu.memory_space<vmem>>) offsets(%dma_start3A_679 : memref<16xi32, #tpu.memory_space<vmem>>) semaphore(%arg31 : memref<!tpu.dma_semaphore, #tpu.memory_space<semaphore_mem>>)
        %dma_start3A_682 = arith.constant 64 : i32
        %dma_start3A_683 = tpu.memref_slice %arg28[%dma_start3A_682] : memref<256xi32, #tpu.memory_space<vmem>> -> memref<16xi32, #tpu.memory_space<vmem>>
        %dma_start3A_684 = arith.constant 0 : i32
        %dma_start3A_685 = tpu.memref_slice %arg30[%dma_start3A_684] : memref<524288xf32, #tpu.memory_space<vmem_shared>> -> memref<524288xf32, #tpu.memory_space<vmem_shared>>
        tpu.enqueue_indirect_dma source(%dma_start3A_685 : memref<524288xf32, #tpu.memory_space<vmem_shared>>) target(%arg16 : memref<16xf32, #tpu.memory_space<vmem>>) offsets(%dma_start3A_683 : memref<16xi32, #tpu.memory_space<vmem>>) semaphore(%arg31 : memref<!tpu.dma_semaphore, #tpu.memory_space<semaphore_mem>>)
        %dma_start3A_686 = arith.constant 80 : i32
        %dma_start3A_687 = tpu.memref_slice %arg28[%dma_start3A_686] : memref<256xi32, #tpu.memory_space<vmem>> -> memref<16xi32, #tpu.memory_space<vmem>>
        %dma_start3A_688 = arith.constant 0 : i32
        %dma_start3A_689 = tpu.memref_slice %arg30[%dma_start3A_688] : memref<524288xf32, #tpu.memory_space<vmem_shared>> -> memref<524288xf32, #tpu.memory_space<vmem_shared>>
        tpu.enqueue_indirect_dma source(%dma_start3A_689 : memref<524288xf32, #tpu.memory_space<vmem_shared>>) target(%arg17 : memref<16xf32, #tpu.memory_space<vmem>>) offsets(%dma_start3A_687 : memref<16xi32, #tpu.memory_space<vmem>>) semaphore(%arg31 : memref<!tpu.dma_semaphore, #tpu.memory_space<semaphore_mem>>)
        %dma_start3A_690 = arith.constant 96 : i32
        %dma_start3A_691 = tpu.memref_slice %arg28[%dma_start3A_690] : memref<256xi32, #tpu.memory_space<vmem>> -> memref<16xi32, #tpu.memory_space<vmem>>
        %dma_start3A_692 = arith.constant 0 : i32
        %dma_start3A_693 = tpu.memref_slice %arg30[%dma_start3A_692] : memref<524288xf32, #tpu.memory_space<vmem_shared>> -> memref<524288xf32, #tpu.memory_space<vmem_shared>>
        tpu.enqueue_indirect_dma source(%dma_start3A_693 : memref<524288xf32, #tpu.memory_space<vmem_shared>>) target(%arg18 : memref<16xf32, #tpu.memory_space<vmem>>) offsets(%dma_start3A_691 : memref<16xi32, #tpu.memory_space<vmem>>) semaphore(%arg31 : memref<!tpu.dma_semaphore, #tpu.memory_space<semaphore_mem>>)
        %dma_start3A_694 = arith.constant 112 : i32
        %dma_start3A_695 = tpu.memref_slice %arg28[%dma_start3A_694] : memref<256xi32, #tpu.memory_space<vmem>> -> memref<16xi32, #tpu.memory_space<vmem>>
        %dma_start3A_696 = arith.constant 0 : i32
        %dma_start3A_697 = tpu.memref_slice %arg30[%dma_start3A_696] : memref<524288xf32, #tpu.memory_space<vmem_shared>> -> memref<524288xf32, #tpu.memory_space<vmem_shared>>
        tpu.enqueue_indirect_dma source(%dma_start3A_697 : memref<524288xf32, #tpu.memory_space<vmem_shared>>) target(%arg19 : memref<16xf32, #tpu.memory_space<vmem>>) offsets(%dma_start3A_695 : memref<16xi32, #tpu.memory_space<vmem>>) semaphore(%arg31 : memref<!tpu.dma_semaphore, #tpu.memory_space<semaphore_mem>>)
        %dma_start3A_698 = arith.constant 128 : i32
        %dma_start3A_699 = tpu.memref_slice %arg28[%dma_start3A_698] : memref<256xi32, #tpu.memory_space<vmem>> -> memref<16xi32, #tpu.memory_space<vmem>>
        %dma_start3A_700 = arith.constant 0 : i32
        %dma_start3A_701 = tpu.memref_slice %arg30[%dma_start3A_700] : memref<524288xf32, #tpu.memory_space<vmem_shared>> -> memref<524288xf32, #tpu.memory_space<vmem_shared>>
        tpu.enqueue_indirect_dma source(%dma_start3A_701 : memref<524288xf32, #tpu.memory_space<vmem_shared>>) target(%arg20 : memref<16xf32, #tpu.memory_space<vmem>>) offsets(%dma_start3A_699 : memref<16xi32, #tpu.memory_space<vmem>>) semaphore(%arg31 : memref<!tpu.dma_semaphore, #tpu.memory_space<semaphore_mem>>)
        %dma_start3A_702 = arith.constant 144 : i32
        %dma_start3A_703 = tpu.memref_slice %arg28[%dma_start3A_702] : memref<256xi32, #tpu.memory_space<vmem>> -> memref<16xi32, #tpu.memory_space<vmem>>
        %dma_start3A_704 = arith.constant 0 : i32
        %dma_start3A_705 = tpu.memref_slice %arg30[%dma_start3A_704] : memref<524288xf32, #tpu.memory_space<vmem_shared>> -> memref<524288xf32, #tpu.memory_space<vmem_shared>>
        tpu.enqueue_indirect_dma source(%dma_start3A_705 : memref<524288xf32, #tpu.memory_space<vmem_shared>>) target(%arg21 : memref<16xf32, #tpu.memory_space<vmem>>) offsets(%dma_start3A_703 : memref<16xi32, #tpu.memory_space<vmem>>) semaphore(%arg31 : memref<!tpu.dma_semaphore, #tpu.memory_space<semaphore_mem>>)
        %dma_start3A_706 = arith.constant 160 : i32
        %dma_start3A_707 = tpu.memref_slice %arg28[%dma_start3A_706] : memref<256xi32, #tpu.memory_space<vmem>> -> memref<16xi32, #tpu.memory_space<vmem>>
        %dma_start3A_708 = arith.constant 0 : i32
        %dma_start3A_709 = tpu.memref_slice %arg30[%dma_start3A_708] : memref<524288xf32, #tpu.memory_space<vmem_shared>> -> memref<524288xf32, #tpu.memory_space<vmem_shared>>
        tpu.enqueue_indirect_dma source(%dma_start3A_709 : memref<524288xf32, #tpu.memory_space<vmem_shared>>) target(%arg22 : memref<16xf32, #tpu.memory_space<vmem>>) offsets(%dma_start3A_707 : memref<16xi32, #tpu.memory_space<vmem>>) semaphore(%arg31 : memref<!tpu.dma_semaphore, #tpu.memory_space<semaphore_mem>>)
        %dma_start3A_710 = arith.constant 176 : i32
        %dma_start3A_711 = tpu.memref_slice %arg28[%dma_start3A_710] : memref<256xi32, #tpu.memory_space<vmem>> -> memref<16xi32, #tpu.memory_space<vmem>>
        %dma_start3A_712 = arith.constant 0 : i32
        %dma_start3A_713 = tpu.memref_slice %arg30[%dma_start3A_712] : memref<524288xf32, #tpu.memory_space<vmem_shared>> -> memref<524288xf32, #tpu.memory_space<vmem_shared>>
        tpu.enqueue_indirect_dma source(%dma_start3A_713 : memref<524288xf32, #tpu.memory_space<vmem_shared>>) target(%arg23 : memref<16xf32, #tpu.memory_space<vmem>>) offsets(%dma_start3A_711 : memref<16xi32, #tpu.memory_space<vmem>>) semaphore(%arg31 : memref<!tpu.dma_semaphore, #tpu.memory_space<semaphore_mem>>)
        %dma_start3A_714 = arith.constant 192 : i32
        %dma_start3A_715 = tpu.memref_slice %arg28[%dma_start3A_714] : memref<256xi32, #tpu.memory_space<vmem>> -> memref<16xi32, #tpu.memory_space<vmem>>
        %dma_start3A_716 = arith.constant 0 : i32
        %dma_start3A_717 = tpu.memref_slice %arg30[%dma_start3A_716] : memref<524288xf32, #tpu.memory_space<vmem_shared>> -> memref<524288xf32, #tpu.memory_space<vmem_shared>>
        tpu.enqueue_indirect_dma source(%dma_start3A_717 : memref<524288xf32, #tpu.memory_space<vmem_shared>>) target(%arg24 : memref<16xf32, #tpu.memory_space<vmem>>) offsets(%dma_start3A_715 : memref<16xi32, #tpu.memory_space<vmem>>) semaphore(%arg31 : memref<!tpu.dma_semaphore, #tpu.memory_space<semaphore_mem>>)
        %dma_start3A_718 = arith.constant 208 : i32
        %dma_start3A_719 = tpu.memref_slice %arg28[%dma_start3A_718] : memref<256xi32, #tpu.memory_space<vmem>> -> memref<16xi32, #tpu.memory_space<vmem>>
        %dma_start3A_720 = arith.constant 0 : i32
        %dma_start3A_721 = tpu.memref_slice %arg30[%dma_start3A_720] : memref<524288xf32, #tpu.memory_space<vmem_shared>> -> memref<524288xf32, #tpu.memory_space<vmem_shared>>
        tpu.enqueue_indirect_dma source(%dma_start3A_721 : memref<524288xf32, #tpu.memory_space<vmem_shared>>) target(%arg25 : memref<16xf32, #tpu.memory_space<vmem>>) offsets(%dma_start3A_719 : memref<16xi32, #tpu.memory_space<vmem>>) semaphore(%arg31 : memref<!tpu.dma_semaphore, #tpu.memory_space<semaphore_mem>>)
        %dma_start3A_722 = arith.constant 224 : i32
        %dma_start3A_723 = tpu.memref_slice %arg28[%dma_start3A_722] : memref<256xi32, #tpu.memory_space<vmem>> -> memref<16xi32, #tpu.memory_space<vmem>>
        %dma_start3A_724 = arith.constant 0 : i32
        %dma_start3A_725 = tpu.memref_slice %arg30[%dma_start3A_724] : memref<524288xf32, #tpu.memory_space<vmem_shared>> -> memref<524288xf32, #tpu.memory_space<vmem_shared>>
        tpu.enqueue_indirect_dma source(%dma_start3A_725 : memref<524288xf32, #tpu.memory_space<vmem_shared>>) target(%arg26 : memref<16xf32, #tpu.memory_space<vmem>>) offsets(%dma_start3A_723 : memref<16xi32, #tpu.memory_space<vmem>>) semaphore(%arg31 : memref<!tpu.dma_semaphore, #tpu.memory_space<semaphore_mem>>)
        %dma_start3A_726 = arith.constant 240 : i32
        %dma_start3A_727 = tpu.memref_slice %arg28[%dma_start3A_726] : memref<256xi32, #tpu.memory_space<vmem>> -> memref<16xi32, #tpu.memory_space<vmem>>
        %dma_start3A_728 = arith.constant 0 : i32
        %dma_start3A_729 = tpu.memref_slice %arg30[%dma_start3A_728] : memref<524288xf32, #tpu.memory_space<vmem_shared>> -> memref<524288xf32, #tpu.memory_space<vmem_shared>>
        tpu.enqueue_indirect_dma source(%dma_start3A_729 : memref<524288xf32, #tpu.memory_space<vmem_shared>>) target(%arg27 : memref<16xf32, #tpu.memory_space<vmem>>) offsets(%dma_start3A_727 : memref<16xi32, #tpu.memory_space<vmem>>) semaphore(%arg31 : memref<!tpu.dma_semaphore, #tpu.memory_space<semaphore_mem>>)
        %dma_wait3A_730 = arith.constant 0 : i32
        %dma_wait3A_731 = tpu.memref_slice %arg28[%dma_wait3A_730] : memref<256xi32, #tpu.memory_space<vmem>> -> memref<16xi32, #tpu.memory_space<vmem>>
        %dma_wait3A_732 = arith.constant 0 : i32
        %dma_wait3A_733 = tpu.memref_slice %arg30[%dma_wait3A_732] : memref<524288xf32, #tpu.memory_space<vmem_shared>> -> memref<524288xf32, #tpu.memory_space<vmem_shared>>
        tpu.wait_indirect_dma semaphore(%arg31 : memref<!tpu.dma_semaphore, #tpu.memory_space<semaphore_mem>>) src(%dma_wait3A_733 : memref<524288xf32, #tpu.memory_space<vmem_shared>>) dst(%arg12 : memref<16xf32, #tpu.memory_space<vmem>>)
        %dma_wait3A_734 = arith.constant 16 : i32
        %dma_wait3A_735 = tpu.memref_slice %arg28[%dma_wait3A_734] : memref<256xi32, #tpu.memory_space<vmem>> -> memref<16xi32, #tpu.memory_space<vmem>>
        %dma_wait3A_736 = arith.constant 0 : i32
        %dma_wait3A_737 = tpu.memref_slice %arg30[%dma_wait3A_736] : memref<524288xf32, #tpu.memory_space<vmem_shared>> -> memref<524288xf32, #tpu.memory_space<vmem_shared>>
        tpu.wait_indirect_dma semaphore(%arg31 : memref<!tpu.dma_semaphore, #tpu.memory_space<semaphore_mem>>) src(%dma_wait3A_737 : memref<524288xf32, #tpu.memory_space<vmem_shared>>) dst(%arg13 : memref<16xf32, #tpu.memory_space<vmem>>)
        %dma_wait3A_738 = arith.constant 32 : i32
        %dma_wait3A_739 = tpu.memref_slice %arg28[%dma_wait3A_738] : memref<256xi32, #tpu.memory_space<vmem>> -> memref<16xi32, #tpu.memory_space<vmem>>
        %dma_wait3A_740 = arith.constant 0 : i32
        %dma_wait3A_741 = tpu.memref_slice %arg30[%dma_wait3A_740] : memref<524288xf32, #tpu.memory_space<vmem_shared>> -> memref<524288xf32, #tpu.memory_space<vmem_shared>>
        tpu.wait_indirect_dma semaphore(%arg31 : memref<!tpu.dma_semaphore, #tpu.memory_space<semaphore_mem>>) src(%dma_wait3A_741 : memref<524288xf32, #tpu.memory_space<vmem_shared>>) dst(%arg14 : memref<16xf32, #tpu.memory_space<vmem>>)
        %dma_wait3A_742 = arith.constant 48 : i32
        %dma_wait3A_743 = tpu.memref_slice %arg28[%dma_wait3A_742] : memref<256xi32, #tpu.memory_space<vmem>> -> memref<16xi32, #tpu.memory_space<vmem>>
        %dma_wait3A_744 = arith.constant 0 : i32
        %dma_wait3A_745 = tpu.memref_slice %arg30[%dma_wait3A_744] : memref<524288xf32, #tpu.memory_space<vmem_shared>> -> memref<524288xf32, #tpu.memory_space<vmem_shared>>
        tpu.wait_indirect_dma semaphore(%arg31 : memref<!tpu.dma_semaphore, #tpu.memory_space<semaphore_mem>>) src(%dma_wait3A_745 : memref<524288xf32, #tpu.memory_space<vmem_shared>>) dst(%arg15 : memref<16xf32, #tpu.memory_space<vmem>>)
        %dma_wait3A_746 = arith.constant 64 : i32
        %dma_wait3A_747 = tpu.memref_slice %arg28[%dma_wait3A_746] : memref<256xi32, #tpu.memory_space<vmem>> -> memref<16xi32, #tpu.memory_space<vmem>>
        %dma_wait3A_748 = arith.constant 0 : i32
        %dma_wait3A_749 = tpu.memref_slice %arg30[%dma_wait3A_748] : memref<524288xf32, #tpu.memory_space<vmem_shared>> -> memref<524288xf32, #tpu.memory_space<vmem_shared>>
        tpu.wait_indirect_dma semaphore(%arg31 : memref<!tpu.dma_semaphore, #tpu.memory_space<semaphore_mem>>) src(%dma_wait3A_749 : memref<524288xf32, #tpu.memory_space<vmem_shared>>) dst(%arg16 : memref<16xf32, #tpu.memory_space<vmem>>)
        %dma_wait3A_750 = arith.constant 80 : i32
        %dma_wait3A_751 = tpu.memref_slice %arg28[%dma_wait3A_750] : memref<256xi32, #tpu.memory_space<vmem>> -> memref<16xi32, #tpu.memory_space<vmem>>
        %dma_wait3A_752 = arith.constant 0 : i32
        %dma_wait3A_753 = tpu.memref_slice %arg30[%dma_wait3A_752] : memref<524288xf32, #tpu.memory_space<vmem_shared>> -> memref<524288xf32, #tpu.memory_space<vmem_shared>>
        tpu.wait_indirect_dma semaphore(%arg31 : memref<!tpu.dma_semaphore, #tpu.memory_space<semaphore_mem>>) src(%dma_wait3A_753 : memref<524288xf32, #tpu.memory_space<vmem_shared>>) dst(%arg17 : memref<16xf32, #tpu.memory_space<vmem>>)
        %dma_wait3A_754 = arith.constant 96 : i32
        %dma_wait3A_755 = tpu.memref_slice %arg28[%dma_wait3A_754] : memref<256xi32, #tpu.memory_space<vmem>> -> memref<16xi32, #tpu.memory_space<vmem>>
        %dma_wait3A_756 = arith.constant 0 : i32
        %dma_wait3A_757 = tpu.memref_slice %arg30[%dma_wait3A_756] : memref<524288xf32, #tpu.memory_space<vmem_shared>> -> memref<524288xf32, #tpu.memory_space<vmem_shared>>
        tpu.wait_indirect_dma semaphore(%arg31 : memref<!tpu.dma_semaphore, #tpu.memory_space<semaphore_mem>>) src(%dma_wait3A_757 : memref<524288xf32, #tpu.memory_space<vmem_shared>>) dst(%arg18 : memref<16xf32, #tpu.memory_space<vmem>>)
        %dma_wait3A_758 = arith.constant 112 : i32
        %dma_wait3A_759 = tpu.memref_slice %arg28[%dma_wait3A_758] : memref<256xi32, #tpu.memory_space<vmem>> -> memref<16xi32, #tpu.memory_space<vmem>>
        %dma_wait3A_760 = arith.constant 0 : i32
        %dma_wait3A_761 = tpu.memref_slice %arg30[%dma_wait3A_760] : memref<524288xf32, #tpu.memory_space<vmem_shared>> -> memref<524288xf32, #tpu.memory_space<vmem_shared>>
        tpu.wait_indirect_dma semaphore(%arg31 : memref<!tpu.dma_semaphore, #tpu.memory_space<semaphore_mem>>) src(%dma_wait3A_761 : memref<524288xf32, #tpu.memory_space<vmem_shared>>) dst(%arg19 : memref<16xf32, #tpu.memory_space<vmem>>)
        %dma_wait3A_762 = arith.constant 128 : i32
        %dma_wait3A_763 = tpu.memref_slice %arg28[%dma_wait3A_762] : memref<256xi32, #tpu.memory_space<vmem>> -> memref<16xi32, #tpu.memory_space<vmem>>
        %dma_wait3A_764 = arith.constant 0 : i32
        %dma_wait3A_765 = tpu.memref_slice %arg30[%dma_wait3A_764] : memref<524288xf32, #tpu.memory_space<vmem_shared>> -> memref<524288xf32, #tpu.memory_space<vmem_shared>>
        tpu.wait_indirect_dma semaphore(%arg31 : memref<!tpu.dma_semaphore, #tpu.memory_space<semaphore_mem>>) src(%dma_wait3A_765 : memref<524288xf32, #tpu.memory_space<vmem_shared>>) dst(%arg20 : memref<16xf32, #tpu.memory_space<vmem>>)
        %dma_wait3A_766 = arith.constant 144 : i32
        %dma_wait3A_767 = tpu.memref_slice %arg28[%dma_wait3A_766] : memref<256xi32, #tpu.memory_space<vmem>> -> memref<16xi32, #tpu.memory_space<vmem>>
        %dma_wait3A_768 = arith.constant 0 : i32
        %dma_wait3A_769 = tpu.memref_slice %arg30[%dma_wait3A_768] : memref<524288xf32, #tpu.memory_space<vmem_shared>> -> memref<524288xf32, #tpu.memory_space<vmem_shared>>
        tpu.wait_indirect_dma semaphore(%arg31 : memref<!tpu.dma_semaphore, #tpu.memory_space<semaphore_mem>>) src(%dma_wait3A_769 : memref<524288xf32, #tpu.memory_space<vmem_shared>>) dst(%arg21 : memref<16xf32, #tpu.memory_space<vmem>>)
        %dma_wait3A_770 = arith.constant 160 : i32
        %dma_wait3A_771 = tpu.memref_slice %arg28[%dma_wait3A_770] : memref<256xi32, #tpu.memory_space<vmem>> -> memref<16xi32, #tpu.memory_space<vmem>>
        %dma_wait3A_772 = arith.constant 0 : i32
        %dma_wait3A_773 = tpu.memref_slice %arg30[%dma_wait3A_772] : memref<524288xf32, #tpu.memory_space<vmem_shared>> -> memref<524288xf32, #tpu.memory_space<vmem_shared>>
        tpu.wait_indirect_dma semaphore(%arg31 : memref<!tpu.dma_semaphore, #tpu.memory_space<semaphore_mem>>) src(%dma_wait3A_773 : memref<524288xf32, #tpu.memory_space<vmem_shared>>) dst(%arg22 : memref<16xf32, #tpu.memory_space<vmem>>)
        %dma_wait3A_774 = arith.constant 176 : i32
        %dma_wait3A_775 = tpu.memref_slice %arg28[%dma_wait3A_774] : memref<256xi32, #tpu.memory_space<vmem>> -> memref<16xi32, #tpu.memory_space<vmem>>
        %dma_wait3A_776 = arith.constant 0 : i32
        %dma_wait3A_777 = tpu.memref_slice %arg30[%dma_wait3A_776] : memref<524288xf32, #tpu.memory_space<vmem_shared>> -> memref<524288xf32, #tpu.memory_space<vmem_shared>>
        tpu.wait_indirect_dma semaphore(%arg31 : memref<!tpu.dma_semaphore, #tpu.memory_space<semaphore_mem>>) src(%dma_wait3A_777 : memref<524288xf32, #tpu.memory_space<vmem_shared>>) dst(%arg23 : memref<16xf32, #tpu.memory_space<vmem>>)
        %dma_wait3A_778 = arith.constant 192 : i32
        %dma_wait3A_779 = tpu.memref_slice %arg28[%dma_wait3A_778] : memref<256xi32, #tpu.memory_space<vmem>> -> memref<16xi32, #tpu.memory_space<vmem>>
        %dma_wait3A_780 = arith.constant 0 : i32
        %dma_wait3A_781 = tpu.memref_slice %arg30[%dma_wait3A_780] : memref<524288xf32, #tpu.memory_space<vmem_shared>> -> memref<524288xf32, #tpu.memory_space<vmem_shared>>
        tpu.wait_indirect_dma semaphore(%arg31 : memref<!tpu.dma_semaphore, #tpu.memory_space<semaphore_mem>>) src(%dma_wait3A_781 : memref<524288xf32, #tpu.memory_space<vmem_shared>>) dst(%arg24 : memref<16xf32, #tpu.memory_space<vmem>>)
        %dma_wait3A_782 = arith.constant 208 : i32
        %dma_wait3A_783 = tpu.memref_slice %arg28[%dma_wait3A_782] : memref<256xi32, #tpu.memory_space<vmem>> -> memref<16xi32, #tpu.memory_space<vmem>>
        %dma_wait3A_784 = arith.constant 0 : i32
        %dma_wait3A_785 = tpu.memref_slice %arg30[%dma_wait3A_784] : memref<524288xf32, #tpu.memory_space<vmem_shared>> -> memref<524288xf32, #tpu.memory_space<vmem_shared>>
        tpu.wait_indirect_dma semaphore(%arg31 : memref<!tpu.dma_semaphore, #tpu.memory_space<semaphore_mem>>) src(%dma_wait3A_785 : memref<524288xf32, #tpu.memory_space<vmem_shared>>) dst(%arg25 : memref<16xf32, #tpu.memory_space<vmem>>)
        %dma_wait3A_786 = arith.constant 224 : i32
        %dma_wait3A_787 = tpu.memref_slice %arg28[%dma_wait3A_786] : memref<256xi32, #tpu.memory_space<vmem>> -> memref<16xi32, #tpu.memory_space<vmem>>
        %dma_wait3A_788 = arith.constant 0 : i32
        %dma_wait3A_789 = tpu.memref_slice %arg30[%dma_wait3A_788] : memref<524288xf32, #tpu.memory_space<vmem_shared>> -> memref<524288xf32, #tpu.memory_space<vmem_shared>>
        tpu.wait_indirect_dma semaphore(%arg31 : memref<!tpu.dma_semaphore, #tpu.memory_space<semaphore_mem>>) src(%dma_wait3A_789 : memref<524288xf32, #tpu.memory_space<vmem_shared>>) dst(%arg26 : memref<16xf32, #tpu.memory_space<vmem>>)
        %dma_wait3A_790 = arith.constant 240 : i32
        %dma_wait3A_791 = tpu.memref_slice %arg28[%dma_wait3A_790] : memref<256xi32, #tpu.memory_space<vmem>> -> memref<16xi32, #tpu.memory_space<vmem>>
        %dma_wait3A_792 = arith.constant 0 : i32
        %dma_wait3A_793 = tpu.memref_slice %arg30[%dma_wait3A_792] : memref<524288xf32, #tpu.memory_space<vmem_shared>> -> memref<524288xf32, #tpu.memory_space<vmem_shared>>
        tpu.wait_indirect_dma semaphore(%arg31 : memref<!tpu.dma_semaphore, #tpu.memory_space<semaphore_mem>>) src(%dma_wait3A_793 : memref<524288xf32, #tpu.memory_space<vmem_shared>>) dst(%arg27 : memref<16xf32, #tpu.memory_space<vmem>>)
        %broadcast_in_dim3A_794 = arith.constant 0 : i32
        %broadcast_in_dim3A_795 = vector.broadcast %broadcast_in_dim3A_794 : i32 to vector<16xi32>
        %get3A = arith.constant 0 : index
        %get3A_796 = tpu.vector_load %arg12[%get3A] {strides = array<i32>} : memref<16xf32, #tpu.memory_space<vmem>>, vector<16xf32>,
        tpu.vector_store_idx %arg10[%broadcast_in_dim3A_795, %select_n3A_569], %get3A_796 masked %lt3A_557 : memref<16x2048xf32, #tpu.memory_space<vmem>>[vector<16xi32>, vector<16xi32>], vector<16xf32>, vector<16xi1>
        %broadcast_in_dim3A_797 = arith.constant 1 : i32
        %broadcast_in_dim3A_798 = vector.broadcast %broadcast_in_dim3A_797 : i32 to vector<16xi32>
        %get3A_799 = arith.constant 0 : index
        %get3A_800 = tpu.vector_load %arg13[%get3A_799] {strides = array<i32>} : memref<16xf32, #tpu.memory_space<vmem>>, vector<16xf32>,
        tpu.vector_store_idx %arg10[%broadcast_in_dim3A_798, %select_n3A_569], %get3A_800 masked %lt3A_557 : memref<16x2048xf32, #tpu.memory_space<vmem>>[vector<16xi32>, vector<16xi32>], vector<16xf32>, vector<16xi1>
        %broadcast_in_dim3A_801 = arith.constant 2 : i32
        %broadcast_in_dim3A_802 = vector.broadcast %broadcast_in_dim3A_801 : i32 to vector<16xi32>
        %get3A_803 = arith.constant 0 : index
        %get3A_804 = tpu.vector_load %arg14[%get3A_803] {strides = array<i32>} : memref<16xf32, #tpu.memory_space<vmem>>, vector<16xf32>,
        tpu.vector_store_idx %arg10[%broadcast_in_dim3A_802, %select_n3A_569], %get3A_804 masked %lt3A_557 : memref<16x2048xf32, #tpu.memory_space<vmem>>[vector<16xi32>, vector<16xi32>], vector<16xf32>, vector<16xi1>
        %broadcast_in_dim3A_805 = arith.constant 3 : i32
        %broadcast_in_dim3A_806 = vector.broadcast %broadcast_in_dim3A_805 : i32 to vector<16xi32>
        %get3A_807 = arith.constant 0 : index
        %get3A_808 = tpu.vector_load %arg15[%get3A_807] {strides = array<i32>} : memref<16xf32, #tpu.memory_space<vmem>>, vector<16xf32>,
        tpu.vector_store_idx %arg10[%broadcast_in_dim3A_806, %select_n3A_569], %get3A_808 masked %lt3A_557 : memref<16x2048xf32, #tpu.memory_space<vmem>>[vector<16xi32>, vector<16xi32>], vector<16xf32>, vector<16xi1>
        %broadcast_in_dim3A_809 = arith.constant 4 : i32
        %broadcast_in_dim3A_810 = vector.broadcast %broadcast_in_dim3A_809 : i32 to vector<16xi32>
        %get3A_811 = arith.constant 0 : index
        %get3A_812 = tpu.vector_load %arg16[%get3A_811] {strides = array<i32>} : memref<16xf32, #tpu.memory_space<vmem>>, vector<16xf32>,
        tpu.vector_store_idx %arg10[%broadcast_in_dim3A_810, %select_n3A_569], %get3A_812 masked %lt3A_557 : memref<16x2048xf32, #tpu.memory_space<vmem>>[vector<16xi32>, vector<16xi32>], vector<16xf32>, vector<16xi1>
        %broadcast_in_dim3A_813 = arith.constant 5 : i32
        %broadcast_in_dim3A_814 = vector.broadcast %broadcast_in_dim3A_813 : i32 to vector<16xi32>
        %get3A_815 = arith.constant 0 : index
        %get3A_816 = tpu.vector_load %arg17[%get3A_815] {strides = array<i32>} : memref<16xf32, #tpu.memory_space<vmem>>, vector<16xf32>,
        tpu.vector_store_idx %arg10[%broadcast_in_dim3A_814, %select_n3A_569], %get3A_816 masked %lt3A_557 : memref<16x2048xf32, #tpu.memory_space<vmem>>[vector<16xi32>, vector<16xi32>], vector<16xf32>, vector<16xi1>
        %broadcast_in_dim3A_817 = arith.constant 6 : i32
        %broadcast_in_dim3A_818 = vector.broadcast %broadcast_in_dim3A_817 : i32 to vector<16xi32>
        %get3A_819 = arith.constant 0 : index
        %get3A_820 = tpu.vector_load %arg18[%get3A_819] {strides = array<i32>} : memref<16xf32, #tpu.memory_space<vmem>>, vector<16xf32>,
        tpu.vector_store_idx %arg10[%broadcast_in_dim3A_818, %select_n3A_569], %get3A_820 masked %lt3A_557 : memref<16x2048xf32, #tpu.memory_space<vmem>>[vector<16xi32>, vector<16xi32>], vector<16xf32>, vector<16xi1>
        %broadcast_in_dim3A_821 = arith.constant 7 : i32
        %broadcast_in_dim3A_822 = vector.broadcast %broadcast_in_dim3A_821 : i32 to vector<16xi32>
        %get3A_823 = arith.constant 0 : index
        %get3A_824 = tpu.vector_load %arg19[%get3A_823] {strides = array<i32>} : memref<16xf32, #tpu.memory_space<vmem>>, vector<16xf32>,
        tpu.vector_store_idx %arg10[%broadcast_in_dim3A_822, %select_n3A_569], %get3A_824 masked %lt3A_557 : memref<16x2048xf32, #tpu.memory_space<vmem>>[vector<16xi32>, vector<16xi32>], vector<16xf32>, vector<16xi1>
        %broadcast_in_dim3A_825 = arith.constant 8 : i32
        %broadcast_in_dim3A_826 = vector.broadcast %broadcast_in_dim3A_825 : i32 to vector<16xi32>
        %get3A_827 = arith.constant 0 : index
        %get3A_828 = tpu.vector_load %arg20[%get3A_827] {strides = array<i32>} : memref<16xf32, #tpu.memory_space<vmem>>, vector<16xf32>,
        tpu.vector_store_idx %arg10[%broadcast_in_dim3A_826, %select_n3A_569], %get3A_828 masked %lt3A_557 : memref<16x2048xf32, #tpu.memory_space<vmem>>[vector<16xi32>, vector<16xi32>], vector<16xf32>, vector<16xi1>
        %broadcast_in_dim3A_829 = arith.constant 9 : i32
        %broadcast_in_dim3A_830 = vector.broadcast %broadcast_in_dim3A_829 : i32 to vector<16xi32>
        %get3A_831 = arith.constant 0 : index
        %get3A_832 = tpu.vector_load %arg21[%get3A_831] {strides = array<i32>} : memref<16xf32, #tpu.memory_space<vmem>>, vector<16xf32>,
        tpu.vector_store_idx %arg10[%broadcast_in_dim3A_830, %select_n3A_569], %get3A_832 masked %lt3A_557 : memref<16x2048xf32, #tpu.memory_space<vmem>>[vector<16xi32>, vector<16xi32>], vector<16xf32>, vector<16xi1>
        %broadcast_in_dim3A_833 = arith.constant 10 : i32
        %broadcast_in_dim3A_834 = vector.broadcast %broadcast_in_dim3A_833 : i32 to vector<16xi32>
        %get3A_835 = arith.constant 0 : index
        %get3A_836 = tpu.vector_load %arg22[%get3A_835] {strides = array<i32>} : memref<16xf32, #tpu.memory_space<vmem>>, vector<16xf32>,
        tpu.vector_store_idx %arg10[%broadcast_in_dim3A_834, %select_n3A_569], %get3A_836 masked %lt3A_557 : memref<16x2048xf32, #tpu.memory_space<vmem>>[vector<16xi32>, vector<16xi32>], vector<16xf32>, vector<16xi1>
        %broadcast_in_dim3A_837 = arith.constant 11 : i32
        %broadcast_in_dim3A_838 = vector.broadcast %broadcast_in_dim3A_837 : i32 to vector<16xi32>
        %get3A_839 = arith.constant 0 : index
        %get3A_840 = tpu.vector_load %arg23[%get3A_839] {strides = array<i32>} : memref<16xf32, #tpu.memory_space<vmem>>, vector<16xf32>,
        tpu.vector_store_idx %arg10[%broadcast_in_dim3A_838, %select_n3A_569], %get3A_840 masked %lt3A_557 : memref<16x2048xf32, #tpu.memory_space<vmem>>[vector<16xi32>, vector<16xi32>], vector<16xf32>, vector<16xi1>
        %broadcast_in_dim3A_841 = arith.constant 12 : i32
        %broadcast_in_dim3A_842 = vector.broadcast %broadcast_in_dim3A_841 : i32 to vector<16xi32>
        %get3A_843 = arith.constant 0 : index
        %get3A_844 = tpu.vector_load %arg24[%get3A_843] {strides = array<i32>} : memref<16xf32, #tpu.memory_space<vmem>>, vector<16xf32>,
        tpu.vector_store_idx %arg10[%broadcast_in_dim3A_842, %select_n3A_569], %get3A_844 masked %lt3A_557 : memref<16x2048xf32, #tpu.memory_space<vmem>>[vector<16xi32>, vector<16xi32>], vector<16xf32>, vector<16xi1>
        %broadcast_in_dim3A_845 = arith.constant 13 : i32
        %broadcast_in_dim3A_846 = vector.broadcast %broadcast_in_dim3A_845 : i32 to vector<16xi32>
        %get3A_847 = arith.constant 0 : index
        %get3A_848 = tpu.vector_load %arg25[%get3A_847] {strides = array<i32>} : memref<16xf32, #tpu.memory_space<vmem>>, vector<16xf32>,
        tpu.vector_store_idx %arg10[%broadcast_in_dim3A_846, %select_n3A_569], %get3A_848 masked %lt3A_557 : memref<16x2048xf32, #tpu.memory_space<vmem>>[vector<16xi32>, vector<16xi32>], vector<16xf32>, vector<16xi1>
        %broadcast_in_dim3A_849 = arith.constant 14 : i32
        %broadcast_in_dim3A_850 = vector.broadcast %broadcast_in_dim3A_849 : i32 to vector<16xi32>
        %get3A_851 = arith.constant 0 : index
        %get3A_852 = tpu.vector_load %arg26[%get3A_851] {strides = array<i32>} : memref<16xf32, #tpu.memory_space<vmem>>, vector<16xf32>,
        tpu.vector_store_idx %arg10[%broadcast_in_dim3A_850, %select_n3A_569], %get3A_852 masked %lt3A_557 : memref<16x2048xf32, #tpu.memory_space<vmem>>[vector<16xi32>, vector<16xi32>], vector<16xf32>, vector<16xi1>
        %broadcast_in_dim3A_853 = arith.constant 15 : i32
        %broadcast_in_dim3A_854 = vector.broadcast %broadcast_in_dim3A_853 : i32 to vector<16xi32>
        %get3A_855 = arith.constant 0 : index
        %get3A_856 = tpu.vector_load %arg27[%get3A_855] {strides = array<i32>} : memref<16xf32, #tpu.memory_space<vmem>>, vector<16xf32>,
        tpu.vector_store_idx %arg10[%broadcast_in_dim3A_854, %select_n3A_569], %get3A_856 masked %lt3A_557 : memref<16x2048xf32, #tpu.memory_space<vmem>>[vector<16xi32>, vector<16xi32>], vector<16xf32>, vector<16xi1>
        %add3A_857 = arith.constant 16 : i32
        %add3A_858 = arith.addi %while3A_554, %add3A_857 : i32
        scf.yield %add3A_858 : i32
      }
      %barrier3A_550 = arith.constant 0 : index
      tpu.barrier barrier_id(%barrier3A_550)
      %add3A_551 = arith.constant 1 : i32
      %add3A_552 = arith.addi %scan3A_176, %add3A_551 : i32
      scf.yield %add3A_552 : i32
    }
    %scan3A_122 = arith.constant 31 : i32
    %broadcast_in_dim3A_123 = arith.constant 999936 : i32
    %broadcast_in_dim3A_124 = vector.broadcast %broadcast_in_dim3A_123 : i32 to vector<16xi32>
    %broadcast_in_dim3A_125 = arith.constant 1000000 : i32
    %broadcast_in_dim3A_126 = vector.broadcast %broadcast_in_dim3A_125 : i32 to vector<16xi32>
    %broadcast_in_dim3A_127 = arith.constant 999936 : i32
    %broadcast_in_dim3A_128 = vector.broadcast %broadcast_in_dim3A_127 : i32 to vector<16xi32>
    %scan3A_129 = arith.constant 0 : i32
    %scan3A_130 = arith.constant 0 : i32
    %scan3A_131 = arith.constant 0 : i32
    %scan3A_132 = arith.constant 128 : i32
    %scan3A_133 = arith.addi %scan3A_131, %scan3A_132 : i32
    %scan3A_134 = arith.constant 1 : i32
    %scan3A_135:2 = scf.for %scan3A_175 = %scan3A_131 to %scan3A_133 step %scan3A_134 iter_args(%scan3A_176 = %scan3A_129, %scan3A_177 = %scan3A_130) -> (i32, i32)  : i32 {
      %add3A_178 = vector.broadcast %scan3A_176 : i32 to vector<16xi32>
      %add3A_179 = arith.addi %iota3A, %add3A_178 : vector<16xi32>
      %gather3A = tpu.vector_load_idx %arg7[%add3A_179] : memref<2048xi32, #tpu.memory_space<vmem>>[vector<16xi32>], vector<16xi32>,
      %ge3A = arith.cmpi sge, %gather3A, %broadcast_in_dim3A_124 : vector<16xi32>
      %lt3A_180 = arith.cmpi slt, %gather3A, %broadcast_in_dim3A_126 : vector<16xi32>
      %and3A_181 = arith.andi %ge3A, %lt3A_180 : vector<16xi1>
      %sub3A_182 = arith.subi %gather3A, %broadcast_in_dim3A_128 : vector<16xi32>
      %swap3A = arith.index_cast %scan3A_177 : i32 to index
      %swap3A_183 = tpu.vector_load %arg8[%swap3A] masked %and3A_181 {strides = array<i32>} : memref<2064xi32, #tpu.memory_space<vmem>>, vector<16xi32>, vector<16xi1>
      tpu.vector_store %arg8[%swap3A], %sub3A_182 masked %and3A_181 {strides = array<i32>} : memref<2064xi32, #tpu.memory_space<vmem>>, vector<16xi32>, vector<16xi1>
      %add3A_184 = vector.broadcast %scan3A_176 : i32 to vector<16xi32>
      %add3A_185 = arith.addi %iota3A, %add3A_184 : vector<16xi32>
      %swap3A_186 = arith.index_cast %scan3A_177 : i32 to index
      %swap3A_187 = tpu.vector_load %arg9[%swap3A_186] masked %and3A_181 {strides = array<i32>} : memref<2064xi32, #tpu.memory_space<vmem>>, vector<16xi32>, vector<16xi1>
      tpu.vector_store %arg9[%swap3A_186], %add3A_185 masked %and3A_181 {strides = array<i32>} : memref<2064xi32, #tpu.memory_space<vmem>>, vector<16xi32>, vector<16xi1>
      %all_reduce_population_count3A = tpu.all_reduce %and3A_181 {dim = 0 : i64, kind = #tpu.reduction_kind<sum>} : vector<16xi1> -> vector<16xi32>
      %reduce_max3A = arith.constant true
      %reduce_max3A_188 = vector.broadcast %reduce_max3A : i1 to vector<16xi1>
      %reduce_max3A_189 = arith.constant -2147483648 : i32
      %reduce_max3A_190 = vector.broadcast %reduce_max3A_189 : i32 to vector<16xi32>
      %reduce_max3A_191 = arith.xori %all_reduce_population_count3A, %reduce_max3A_190 : vector<16xi32>
      %reduce_max3A_192 = tpu.scan <max>, %reduce_max3A_191 masked %reduce_max3A_188 : vector<16xi32>, vector<16xi1> -> vector<16xi32>
      %reduce_max3A_193 = arith.xori %reduce_max3A_192, %reduce_max3A_190 : vector<16xi32>
      %reduce_max3A_194 = vector.extract %reduce_max3A_193[15] : i32 from vector<16xi32>
      %add3A_195 = arith.addi %scan3A_177, %reduce_max3A_194 : i32
      %add3A_196 = arith.constant 16 : i32
      %add3A_197 = arith.addi %scan3A_176, %add3A_196 : i32
      scf.yield %add3A_197, %add3A_195 : i32, i32
    }
    %scan3A_136 = arith.constant 128 : i32
    %add3A_137 = arith.constant 15 : i32
    %add3A_138 = arith.addi %scan3A_135#1, %add3A_137 : i32
    %jit3A_139 = arith.constant 16 : i32
    %div3A_140 = arith.divsi %add3A_138, %jit3A_139 : i32
    %sign3A_141 = arith.constant 0 : i32
    %sign3A_142 = arith.cmpi sgt, %add3A_138, %sign3A_141 : i32
    %sign3A_143 = arith.extui %sign3A_142 : i1 to i32
    %sign3A_144 = arith.constant 0 : i32
    %sign3A_145 = arith.cmpi slt, %add3A_138, %sign3A_144 : i32
    %sign3A_146 = arith.extui %sign3A_145 : i1 to i32
    %sign3A_147 = arith.subi %sign3A_143, %sign3A_146 : i32
    %sign3A_148 = arith.constant 0 : i32
    %sign3A_149 = arith.cmpi sgt, %jit3A_139, %sign3A_148 : i32
    %sign3A_150 = arith.extui %sign3A_149 : i1 to i32
    %sign3A_151 = arith.constant 0 : i32
    %sign3A_152 = arith.cmpi slt, %jit3A_139, %sign3A_151 : i32
    %sign3A_153 = arith.extui %sign3A_152 : i1 to i32
    %sign3A_154 = arith.subi %sign3A_150, %sign3A_153 : i32
    %ne3A_155 = arith.cmpi ne, %sign3A_147, %sign3A_154 : i32
    %rem3A_156 = arith.remsi %add3A_138, %jit3A_139 : i32
    %ne3A_157 = arith.constant 0 : i32
    %ne3A_158 = arith.cmpi ne, %rem3A_156, %ne3A_157 : i32
    %and3A_159 = arith.andi %ne3A_155, %ne3A_158 : i1
    %sub3A_160 = arith.constant 1 : i32
    %sub3A_161 = arith.subi %div3A_140, %sub3A_160 : i32
    %select_n3A_162 = arith.select %and3A_159, %sub3A_161, %div3A_140 : i32
    %while3A = arith.constant 0 : i32
    %while3A_163 = arith.constant 0 : i32
    %while3A_164 = arith.subi %select_n3A_162, %while3A : i32
    %while3A_165 = arith.addi %while3A, %while3A_164 : i32
    %while3A_166 = arith.constant 1 : i32
    %while3A_167 = arith.divsi %while3A_164, %while3A_166 : i32
    %while3A_168 = arith.muli %while3A_167, %while3A_166 : i32
    %while3A_169 = arith.addi %while3A, %while3A_168 : i32
    %while3A_170 = arith.constant 1 : i32
    %while3A_171 = scf.for %while3A_175 = %while3A to %while3A_169 step %while3A_170 iter_args(%while3A_176 = %while3A_163) -> (i32)  : i32 {
      %sub3A_177 = arith.subi %scan3A_135#1, %while3A_176 : i32
      %lt3A_178 = vector.broadcast %sub3A_177 : i32 to vector<16xi32>
      %lt3A_179 = arith.cmpi slt, %iota3A, %lt3A_178 : vector<16xi32>
      %add3A_180 = vector.broadcast %while3A_176 : i32 to vector<16xi32>
      %add3A_181 = arith.addi %iota3A, %add3A_180 : vector<16xi32>
      %gather3A = tpu.vector_load_idx %arg8[%add3A_181] : memref<2064xi32, #tpu.memory_space<vmem>>[vector<16xi32>], vector<16xi32>,
      %jit3A_182 = arith.constant 0 : i64
      %convert_element_type3A_183 = arith.trunci %jit3A_182 : i64 to i32
      %broadcast_in_dim3A_184 = vector.broadcast %convert_element_type3A_183 : i32 to vector<16xi32>
      %select_n3A_185 = arith.select %lt3A_179, %gather3A, %broadcast_in_dim3A_184 : vector<16xi1>, vector<16xi32>
      %add3A_186 = vector.broadcast %while3A_176 : i32 to vector<16xi32>
      %add3A_187 = arith.addi %iota3A, %add3A_186 : vector<16xi32>
      %gather3A_188 = tpu.vector_load_idx %arg9[%add3A_187] : memref<2064xi32, #tpu.memory_space<vmem>>[vector<16xi32>], vector<16xi32>,
      %jit3A_189 = arith.constant 0 : i32
      %broadcast_in_dim3A_190 = vector.broadcast %jit3A_189 : i32 to vector<16xi32>
      %select_n3A_191 = arith.select %lt3A_179, %gather3A_188, %broadcast_in_dim3A_190 : vector<16xi1>, vector<16xi32>
      %broadcast_in_dim3A_192 = arith.constant 0 : i32
      %broadcast_in_dim3A_193 = vector.broadcast %broadcast_in_dim3A_192 : i32 to vector<16xi32>
      %add3A_194 = vector.broadcast %mul3A_31 : i32 to vector<16xi32>
      %add3A_195 = arith.addi %add3A_194, %broadcast_in_dim3A_193 : vector<16xi32>
      %mul3A_196 = arith.constant 64 : i32
      %mul3A_197 = vector.broadcast %mul3A_196 : i32 to vector<16xi32>
      %mul3A_198 = arith.muli %add3A_195, %mul3A_197 : vector<16xi32>
      %add3A_199 = arith.addi %mul3A_198, %select_n3A_185 : vector<16xi32>
      %gather3A_200 = tpu.vector_load_idx %arg29[%add3A_199] : memref<2048xf32, #tpu.memory_space<vmem>>[vector<16xi32>], vector<16xf32>,
      tpu.vector_store_idx %arg10[%broadcast_in_dim3A_193, %select_n3A_191], %gather3A_200 masked %lt3A_179 : memref<16x2048xf32, #tpu.memory_space<vmem>>[vector<16xi32>, vector<16xi32>], vector<16xf32>, vector<16xi1>
      %broadcast_in_dim3A_201 = arith.constant 1 : i32
      %broadcast_in_dim3A_202 = vector.broadcast %broadcast_in_dim3A_201 : i32 to vector<16xi32>
      %add3A_203 = vector.broadcast %mul3A_31 : i32 to vector<16xi32>
      %add3A_204 = arith.addi %add3A_203, %broadcast_in_dim3A_202 : vector<16xi32>
      %mul3A_205 = arith.constant 64 : i32
      %mul3A_206 = vector.broadcast %mul3A_205 : i32 to vector<16xi32>
      %mul3A_207 = arith.muli %add3A_204, %mul3A_206 : vector<16xi32>
      %add3A_208 = arith.addi %mul3A_207, %select_n3A_185 : vector<16xi32>
      %gather3A_209 = tpu.vector_load_idx %arg29[%add3A_208] : memref<2048xf32, #tpu.memory_space<vmem>>[vector<16xi32>], vector<16xf32>,
      tpu.vector_store_idx %arg10[%broadcast_in_dim3A_202, %select_n3A_191], %gather3A_209 masked %lt3A_179 : memref<16x2048xf32, #tpu.memory_space<vmem>>[vector<16xi32>, vector<16xi32>], vector<16xf32>, vector<16xi1>
      %broadcast_in_dim3A_210 = arith.constant 2 : i32
      %broadcast_in_dim3A_211 = vector.broadcast %broadcast_in_dim3A_210 : i32 to vector<16xi32>
      %add3A_212 = vector.broadcast %mul3A_31 : i32 to vector<16xi32>
      %add3A_213 = arith.addi %add3A_212, %broadcast_in_dim3A_211 : vector<16xi32>
      %mul3A_214 = arith.constant 64 : i32
      %mul3A_215 = vector.broadcast %mul3A_214 : i32 to vector<16xi32>
      %mul3A_216 = arith.muli %add3A_213, %mul3A_215 : vector<16xi32>
      %add3A_217 = arith.addi %mul3A_216, %select_n3A_185 : vector<16xi32>
      %gather3A_218 = tpu.vector_load_idx %arg29[%add3A_217] : memref<2048xf32, #tpu.memory_space<vmem>>[vector<16xi32>], vector<16xf32>,
      tpu.vector_store_idx %arg10[%broadcast_in_dim3A_211, %select_n3A_191], %gather3A_218 masked %lt3A_179 : memref<16x2048xf32, #tpu.memory_space<vmem>>[vector<16xi32>, vector<16xi32>], vector<16xf32>, vector<16xi1>
      %broadcast_in_dim3A_219 = arith.constant 3 : i32
      %broadcast_in_dim3A_220 = vector.broadcast %broadcast_in_dim3A_219 : i32 to vector<16xi32>
      %add3A_221 = vector.broadcast %mul3A_31 : i32 to vector<16xi32>
      %add3A_222 = arith.addi %add3A_221, %broadcast_in_dim3A_220 : vector<16xi32>
      %mul3A_223 = arith.constant 64 : i32
      %mul3A_224 = vector.broadcast %mul3A_223 : i32 to vector<16xi32>
      %mul3A_225 = arith.muli %add3A_222, %mul3A_224 : vector<16xi32>
      %add3A_226 = arith.addi %mul3A_225, %select_n3A_185 : vector<16xi32>
      %gather3A_227 = tpu.vector_load_idx %arg29[%add3A_226] : memref<2048xf32, #tpu.memory_space<vmem>>[vector<16xi32>], vector<16xf32>,
      tpu.vector_store_idx %arg10[%broadcast_in_dim3A_220, %select_n3A_191], %gather3A_227 masked %lt3A_179 : memref<16x2048xf32, #tpu.memory_space<vmem>>[vector<16xi32>, vector<16xi32>], vector<16xf32>, vector<16xi1>
      %broadcast_in_dim3A_228 = arith.constant 4 : i32
      %broadcast_in_dim3A_229 = vector.broadcast %broadcast_in_dim3A_228 : i32 to vector<16xi32>
      %add3A_230 = vector.broadcast %mul3A_31 : i32 to vector<16xi32>
      %add3A_231 = arith.addi %add3A_230, %broadcast_in_dim3A_229 : vector<16xi32>
      %mul3A_232 = arith.constant 64 : i32
      %mul3A_233 = vector.broadcast %mul3A_232 : i32 to vector<16xi32>
      %mul3A_234 = arith.muli %add3A_231, %mul3A_233 : vector<16xi32>
      %add3A_235 = arith.addi %mul3A_234, %select_n3A_185 : vector<16xi32>
      %gather3A_236 = tpu.vector_load_idx %arg29[%add3A_235] : memref<2048xf32, #tpu.memory_space<vmem>>[vector<16xi32>], vector<16xf32>,
      tpu.vector_store_idx %arg10[%broadcast_in_dim3A_229, %select_n3A_191], %gather3A_236 masked %lt3A_179 : memref<16x2048xf32, #tpu.memory_space<vmem>>[vector<16xi32>, vector<16xi32>], vector<16xf32>, vector<16xi1>
      %broadcast_in_dim3A_237 = arith.constant 5 : i32
      %broadcast_in_dim3A_238 = vector.broadcast %broadcast_in_dim3A_237 : i32 to vector<16xi32>
      %add3A_239 = vector.broadcast %mul3A_31 : i32 to vector<16xi32>
      %add3A_240 = arith.addi %add3A_239, %broadcast_in_dim3A_238 : vector<16xi32>
      %mul3A_241 = arith.constant 64 : i32
      %mul3A_242 = vector.broadcast %mul3A_241 : i32 to vector<16xi32>
      %mul3A_243 = arith.muli %add3A_240, %mul3A_242 : vector<16xi32>
      %add3A_244 = arith.addi %mul3A_243, %select_n3A_185 : vector<16xi32>
      %gather3A_245 = tpu.vector_load_idx %arg29[%add3A_244] : memref<2048xf32, #tpu.memory_space<vmem>>[vector<16xi32>], vector<16xf32>,
      tpu.vector_store_idx %arg10[%broadcast_in_dim3A_238, %select_n3A_191], %gather3A_245 masked %lt3A_179 : memref<16x2048xf32, #tpu.memory_space<vmem>>[vector<16xi32>, vector<16xi32>], vector<16xf32>, vector<16xi1>
      %broadcast_in_dim3A_246 = arith.constant 6 : i32
      %broadcast_in_dim3A_247 = vector.broadcast %broadcast_in_dim3A_246 : i32 to vector<16xi32>
      %add3A_248 = vector.broadcast %mul3A_31 : i32 to vector<16xi32>
      %add3A_249 = arith.addi %add3A_248, %broadcast_in_dim3A_247 : vector<16xi32>
      %mul3A_250 = arith.constant 64 : i32
      %mul3A_251 = vector.broadcast %mul3A_250 : i32 to vector<16xi32>
      %mul3A_252 = arith.muli %add3A_249, %mul3A_251 : vector<16xi32>
      %add3A_253 = arith.addi %mul3A_252, %select_n3A_185 : vector<16xi32>
      %gather3A_254 = tpu.vector_load_idx %arg29[%add3A_253] : memref<2048xf32, #tpu.memory_space<vmem>>[vector<16xi32>], vector<16xf32>,
      tpu.vector_store_idx %arg10[%broadcast_in_dim3A_247, %select_n3A_191], %gather3A_254 masked %lt3A_179 : memref<16x2048xf32, #tpu.memory_space<vmem>>[vector<16xi32>, vector<16xi32>], vector<16xf32>, vector<16xi1>
      %broadcast_in_dim3A_255 = arith.constant 7 : i32
      %broadcast_in_dim3A_256 = vector.broadcast %broadcast_in_dim3A_255 : i32 to vector<16xi32>
      %add3A_257 = vector.broadcast %mul3A_31 : i32 to vector<16xi32>
      %add3A_258 = arith.addi %add3A_257, %broadcast_in_dim3A_256 : vector<16xi32>
      %mul3A_259 = arith.constant 64 : i32
      %mul3A_260 = vector.broadcast %mul3A_259 : i32 to vector<16xi32>
      %mul3A_261 = arith.muli %add3A_258, %mul3A_260 : vector<16xi32>
      %add3A_262 = arith.addi %mul3A_261, %select_n3A_185 : vector<16xi32>
      %gather3A_263 = tpu.vector_load_idx %arg29[%add3A_262] : memref<2048xf32, #tpu.memory_space<vmem>>[vector<16xi32>], vector<16xf32>,
      tpu.vector_store_idx %arg10[%broadcast_in_dim3A_256, %select_n3A_191], %gather3A_263 masked %lt3A_179 : memref<16x2048xf32, #tpu.memory_space<vmem>>[vector<16xi32>, vector<16xi32>], vector<16xf32>, vector<16xi1>
      %broadcast_in_dim3A_264 = arith.constant 8 : i32
      %broadcast_in_dim3A_265 = vector.broadcast %broadcast_in_dim3A_264 : i32 to vector<16xi32>
      %add3A_266 = vector.broadcast %mul3A_31 : i32 to vector<16xi32>
      %add3A_267 = arith.addi %add3A_266, %broadcast_in_dim3A_265 : vector<16xi32>
      %mul3A_268 = arith.constant 64 : i32
      %mul3A_269 = vector.broadcast %mul3A_268 : i32 to vector<16xi32>
      %mul3A_270 = arith.muli %add3A_267, %mul3A_269 : vector<16xi32>
      %add3A_271 = arith.addi %mul3A_270, %select_n3A_185 : vector<16xi32>
      %gather3A_272 = tpu.vector_load_idx %arg29[%add3A_271] : memref<2048xf32, #tpu.memory_space<vmem>>[vector<16xi32>], vector<16xf32>,
      tpu.vector_store_idx %arg10[%broadcast_in_dim3A_265, %select_n3A_191], %gather3A_272 masked %lt3A_179 : memref<16x2048xf32, #tpu.memory_space<vmem>>[vector<16xi32>, vector<16xi32>], vector<16xf32>, vector<16xi1>
      %broadcast_in_dim3A_273 = arith.constant 9 : i32
      %broadcast_in_dim3A_274 = vector.broadcast %broadcast_in_dim3A_273 : i32 to vector<16xi32>
      %add3A_275 = vector.broadcast %mul3A_31 : i32 to vector<16xi32>
      %add3A_276 = arith.addi %add3A_275, %broadcast_in_dim3A_274 : vector<16xi32>
      %mul3A_277 = arith.constant 64 : i32
      %mul3A_278 = vector.broadcast %mul3A_277 : i32 to vector<16xi32>
      %mul3A_279 = arith.muli %add3A_276, %mul3A_278 : vector<16xi32>
      %add3A_280 = arith.addi %mul3A_279, %select_n3A_185 : vector<16xi32>
      %gather3A_281 = tpu.vector_load_idx %arg29[%add3A_280] : memref<2048xf32, #tpu.memory_space<vmem>>[vector<16xi32>], vector<16xf32>,
      tpu.vector_store_idx %arg10[%broadcast_in_dim3A_274, %select_n3A_191], %gather3A_281 masked %lt3A_179 : memref<16x2048xf32, #tpu.memory_space<vmem>>[vector<16xi32>, vector<16xi32>], vector<16xf32>, vector<16xi1>
      %broadcast_in_dim3A_282 = arith.constant 10 : i32
      %broadcast_in_dim3A_283 = vector.broadcast %broadcast_in_dim3A_282 : i32 to vector<16xi32>
      %add3A_284 = vector.broadcast %mul3A_31 : i32 to vector<16xi32>
      %add3A_285 = arith.addi %add3A_284, %broadcast_in_dim3A_283 : vector<16xi32>
      %mul3A_286 = arith.constant 64 : i32
      %mul3A_287 = vector.broadcast %mul3A_286 : i32 to vector<16xi32>
      %mul3A_288 = arith.muli %add3A_285, %mul3A_287 : vector<16xi32>
      %add3A_289 = arith.addi %mul3A_288, %select_n3A_185 : vector<16xi32>
      %gather3A_290 = tpu.vector_load_idx %arg29[%add3A_289] : memref<2048xf32, #tpu.memory_space<vmem>>[vector<16xi32>], vector<16xf32>,
      tpu.vector_store_idx %arg10[%broadcast_in_dim3A_283, %select_n3A_191], %gather3A_290 masked %lt3A_179 : memref<16x2048xf32, #tpu.memory_space<vmem>>[vector<16xi32>, vector<16xi32>], vector<16xf32>, vector<16xi1>
      %broadcast_in_dim3A_291 = arith.constant 11 : i32
      %broadcast_in_dim3A_292 = vector.broadcast %broadcast_in_dim3A_291 : i32 to vector<16xi32>
      %add3A_293 = vector.broadcast %mul3A_31 : i32 to vector<16xi32>
      %add3A_294 = arith.addi %add3A_293, %broadcast_in_dim3A_292 : vector<16xi32>
      %mul3A_295 = arith.constant 64 : i32
      %mul3A_296 = vector.broadcast %mul3A_295 : i32 to vector<16xi32>
      %mul3A_297 = arith.muli %add3A_294, %mul3A_296 : vector<16xi32>
      %add3A_298 = arith.addi %mul3A_297, %select_n3A_185 : vector<16xi32>
      %gather3A_299 = tpu.vector_load_idx %arg29[%add3A_298] : memref<2048xf32, #tpu.memory_space<vmem>>[vector<16xi32>], vector<16xf32>,
      tpu.vector_store_idx %arg10[%broadcast_in_dim3A_292, %select_n3A_191], %gather3A_299 masked %lt3A_179 : memref<16x2048xf32, #tpu.memory_space<vmem>>[vector<16xi32>, vector<16xi32>], vector<16xf32>, vector<16xi1>
      %broadcast_in_dim3A_300 = arith.constant 12 : i32
      %broadcast_in_dim3A_301 = vector.broadcast %broadcast_in_dim3A_300 : i32 to vector<16xi32>
      %add3A_302 = vector.broadcast %mul3A_31 : i32 to vector<16xi32>
      %add3A_303 = arith.addi %add3A_302, %broadcast_in_dim3A_301 : vector<16xi32>
      %mul3A_304 = arith.constant 64 : i32
      %mul3A_305 = vector.broadcast %mul3A_304 : i32 to vector<16xi32>
      %mul3A_306 = arith.muli %add3A_303, %mul3A_305 : vector<16xi32>
      %add3A_307 = arith.addi %mul3A_306, %select_n3A_185 : vector<16xi32>
      %gather3A_308 = tpu.vector_load_idx %arg29[%add3A_307] : memref<2048xf32, #tpu.memory_space<vmem>>[vector<16xi32>], vector<16xf32>,
      tpu.vector_store_idx %arg10[%broadcast_in_dim3A_301, %select_n3A_191], %gather3A_308 masked %lt3A_179 : memref<16x2048xf32, #tpu.memory_space<vmem>>[vector<16xi32>, vector<16xi32>], vector<16xf32>, vector<16xi1>
      %broadcast_in_dim3A_309 = arith.constant 13 : i32
      %broadcast_in_dim3A_310 = vector.broadcast %broadcast_in_dim3A_309 : i32 to vector<16xi32>
      %add3A_311 = vector.broadcast %mul3A_31 : i32 to vector<16xi32>
      %add3A_312 = arith.addi %add3A_311, %broadcast_in_dim3A_310 : vector<16xi32>
      %mul3A_313 = arith.constant 64 : i32
      %mul3A_314 = vector.broadcast %mul3A_313 : i32 to vector<16xi32>
      %mul3A_315 = arith.muli %add3A_312, %mul3A_314 : vector<16xi32>
      %add3A_316 = arith.addi %mul3A_315, %select_n3A_185 : vector<16xi32>
      %gather3A_317 = tpu.vector_load_idx %arg29[%add3A_316] : memref<2048xf32, #tpu.memory_space<vmem>>[vector<16xi32>], vector<16xf32>,
      tpu.vector_store_idx %arg10[%broadcast_in_dim3A_310, %select_n3A_191], %gather3A_317 masked %lt3A_179 : memref<16x2048xf32, #tpu.memory_space<vmem>>[vector<16xi32>, vector<16xi32>], vector<16xf32>, vector<16xi1>
      %broadcast_in_dim3A_318 = arith.constant 14 : i32
      %broadcast_in_dim3A_319 = vector.broadcast %broadcast_in_dim3A_318 : i32 to vector<16xi32>
      %add3A_320 = vector.broadcast %mul3A_31 : i32 to vector<16xi32>
      %add3A_321 = arith.addi %add3A_320, %broadcast_in_dim3A_319 : vector<16xi32>
      %mul3A_322 = arith.constant 64 : i32
      %mul3A_323 = vector.broadcast %mul3A_322 : i32 to vector<16xi32>
      %mul3A_324 = arith.muli %add3A_321, %mul3A_323 : vector<16xi32>
      %add3A_325 = arith.addi %mul3A_324, %select_n3A_185 : vector<16xi32>
      %gather3A_326 = tpu.vector_load_idx %arg29[%add3A_325] : memref<2048xf32, #tpu.memory_space<vmem>>[vector<16xi32>], vector<16xf32>,
      tpu.vector_store_idx %arg10[%broadcast_in_dim3A_319, %select_n3A_191], %gather3A_326 masked %lt3A_179 : memref<16x2048xf32, #tpu.memory_space<vmem>>[vector<16xi32>, vector<16xi32>], vector<16xf32>, vector<16xi1>
      %broadcast_in_dim3A_327 = arith.constant 15 : i32
      %broadcast_in_dim3A_328 = vector.broadcast %broadcast_in_dim3A_327 : i32 to vector<16xi32>
      %add3A_329 = vector.broadcast %mul3A_31 : i32 to vector<16xi32>
      %add3A_330 = arith.addi %add3A_329, %broadcast_in_dim3A_328 : vector<16xi32>
      %mul3A_331 = arith.constant 64 : i32
      %mul3A_332 = vector.broadcast %mul3A_331 : i32 to vector<16xi32>
      %mul3A_333 = arith.muli %add3A_330, %mul3A_332 : vector<16xi32>
      %add3A_334 = arith.addi %mul3A_333, %select_n3A_185 : vector<16xi32>
      %gather3A_335 = tpu.vector_load_idx %arg29[%add3A_334] : memref<2048xf32, #tpu.memory_space<vmem>>[vector<16xi32>], vector<16xf32>,
      tpu.vector_store_idx %arg10[%broadcast_in_dim3A_328, %select_n3A_191], %gather3A_335 masked %lt3A_179 : memref<16x2048xf32, #tpu.memory_space<vmem>>[vector<16xi32>, vector<16xi32>], vector<16xf32>, vector<16xi1>
      %add3A_336 = arith.constant 16 : i32
      %add3A_337 = arith.addi %while3A_176, %add3A_336 : i32
      scf.yield %add3A_337 : i32
    }
    %while3A_172 = arith.constant 1 : i32
    %while3A_173 = scf.for %while3A_175 = %while3A_169 to %while3A_165 step %while3A_172 iter_args(%while3A_176 = %while3A_171) -> (i32)  : i32 {
      %sub3A_177 = arith.subi %scan3A_135#1, %while3A_176 : i32
      %lt3A_178 = vector.broadcast %sub3A_177 : i32 to vector<16xi32>
      %lt3A_179 = arith.cmpi slt, %iota3A, %lt3A_178 : vector<16xi32>
      %add3A_180 = vector.broadcast %while3A_176 : i32 to vector<16xi32>
      %add3A_181 = arith.addi %iota3A, %add3A_180 : vector<16xi32>
      %gather3A = tpu.vector_load_idx %arg8[%add3A_181] : memref<2064xi32, #tpu.memory_space<vmem>>[vector<16xi32>], vector<16xi32>,
      %jit3A_182 = arith.constant 0 : i64
      %convert_element_type3A_183 = arith.trunci %jit3A_182 : i64 to i32
      %broadcast_in_dim3A_184 = vector.broadcast %convert_element_type3A_183 : i32 to vector<16xi32>
      %select_n3A_185 = arith.select %lt3A_179, %gather3A, %broadcast_in_dim3A_184 : vector<16xi1>, vector<16xi32>
      %add3A_186 = vector.broadcast %while3A_176 : i32 to vector<16xi32>
      %add3A_187 = arith.addi %iota3A, %add3A_186 : vector<16xi32>
      %gather3A_188 = tpu.vector_load_idx %arg9[%add3A_187] : memref<2064xi32, #tpu.memory_space<vmem>>[vector<16xi32>], vector<16xi32>,
      %jit3A_189 = arith.constant 0 : i32
      %broadcast_in_dim3A_190 = vector.broadcast %jit3A_189 : i32 to vector<16xi32>
      %select_n3A_191 = arith.select %lt3A_179, %gather3A_188, %broadcast_in_dim3A_190 : vector<16xi1>, vector<16xi32>
      %broadcast_in_dim3A_192 = arith.constant 0 : i32
      %broadcast_in_dim3A_193 = vector.broadcast %broadcast_in_dim3A_192 : i32 to vector<16xi32>
      %add3A_194 = vector.broadcast %mul3A_31 : i32 to vector<16xi32>
      %add3A_195 = arith.addi %add3A_194, %broadcast_in_dim3A_193 : vector<16xi32>
      %mul3A_196 = arith.constant 64 : i32
      %mul3A_197 = vector.broadcast %mul3A_196 : i32 to vector<16xi32>
      %mul3A_198 = arith.muli %add3A_195, %mul3A_197 : vector<16xi32>
      %add3A_199 = arith.addi %mul3A_198, %select_n3A_185 : vector<16xi32>
      %gather3A_200 = tpu.vector_load_idx %arg29[%add3A_199] : memref<2048xf32, #tpu.memory_space<vmem>>[vector<16xi32>], vector<16xf32>,
      tpu.vector_store_idx %arg10[%broadcast_in_dim3A_193, %select_n3A_191], %gather3A_200 masked %lt3A_179 : memref<16x2048xf32, #tpu.memory_space<vmem>>[vector<16xi32>, vector<16xi32>], vector<16xf32>, vector<16xi1>
      %broadcast_in_dim3A_201 = arith.constant 1 : i32
      %broadcast_in_dim3A_202 = vector.broadcast %broadcast_in_dim3A_201 : i32 to vector<16xi32>
      %add3A_203 = vector.broadcast %mul3A_31 : i32 to vector<16xi32>
      %add3A_204 = arith.addi %add3A_203, %broadcast_in_dim3A_202 : vector<16xi32>
      %mul3A_205 = arith.constant 64 : i32
      %mul3A_206 = vector.broadcast %mul3A_205 : i32 to vector<16xi32>
      %mul3A_207 = arith.muli %add3A_204, %mul3A_206 : vector<16xi32>
      %add3A_208 = arith.addi %mul3A_207, %select_n3A_185 : vector<16xi32>
      %gather3A_209 = tpu.vector_load_idx %arg29[%add3A_208] : memref<2048xf32, #tpu.memory_space<vmem>>[vector<16xi32>], vector<16xf32>,
      tpu.vector_store_idx %arg10[%broadcast_in_dim3A_202, %select_n3A_191], %gather3A_209 masked %lt3A_179 : memref<16x2048xf32, #tpu.memory_space<vmem>>[vector<16xi32>, vector<16xi32>], vector<16xf32>, vector<16xi1>
      %broadcast_in_dim3A_210 = arith.constant 2 : i32
      %broadcast_in_dim3A_211 = vector.broadcast %broadcast_in_dim3A_210 : i32 to vector<16xi32>
      %add3A_212 = vector.broadcast %mul3A_31 : i32 to vector<16xi32>
      %add3A_213 = arith.addi %add3A_212, %broadcast_in_dim3A_211 : vector<16xi32>
      %mul3A_214 = arith.constant 64 : i32
      %mul3A_215 = vector.broadcast %mul3A_214 : i32 to vector<16xi32>
      %mul3A_216 = arith.muli %add3A_213, %mul3A_215 : vector<16xi32>
      %add3A_217 = arith.addi %mul3A_216, %select_n3A_185 : vector<16xi32>
      %gather3A_218 = tpu.vector_load_idx %arg29[%add3A_217] : memref<2048xf32, #tpu.memory_space<vmem>>[vector<16xi32>], vector<16xf32>,
      tpu.vector_store_idx %arg10[%broadcast_in_dim3A_211, %select_n3A_191], %gather3A_218 masked %lt3A_179 : memref<16x2048xf32, #tpu.memory_space<vmem>>[vector<16xi32>, vector<16xi32>], vector<16xf32>, vector<16xi1>
      %broadcast_in_dim3A_219 = arith.constant 3 : i32
      %broadcast_in_dim3A_220 = vector.broadcast %broadcast_in_dim3A_219 : i32 to vector<16xi32>
      %add3A_221 = vector.broadcast %mul3A_31 : i32 to vector<16xi32>
      %add3A_222 = arith.addi %add3A_221, %broadcast_in_dim3A_220 : vector<16xi32>
      %mul3A_223 = arith.constant 64 : i32
      %mul3A_224 = vector.broadcast %mul3A_223 : i32 to vector<16xi32>
      %mul3A_225 = arith.muli %add3A_222, %mul3A_224 : vector<16xi32>
      %add3A_226 = arith.addi %mul3A_225, %select_n3A_185 : vector<16xi32>
      %gather3A_227 = tpu.vector_load_idx %arg29[%add3A_226] : memref<2048xf32, #tpu.memory_space<vmem>>[vector<16xi32>], vector<16xf32>,
      tpu.vector_store_idx %arg10[%broadcast_in_dim3A_220, %select_n3A_191], %gather3A_227 masked %lt3A_179 : memref<16x2048xf32, #tpu.memory_space<vmem>>[vector<16xi32>, vector<16xi32>], vector<16xf32>, vector<16xi1>
      %broadcast_in_dim3A_228 = arith.constant 4 : i32
      %broadcast_in_dim3A_229 = vector.broadcast %broadcast_in_dim3A_228 : i32 to vector<16xi32>
      %add3A_230 = vector.broadcast %mul3A_31 : i32 to vector<16xi32>
      %add3A_231 = arith.addi %add3A_230, %broadcast_in_dim3A_229 : vector<16xi32>
      %mul3A_232 = arith.constant 64 : i32
      %mul3A_233 = vector.broadcast %mul3A_232 : i32 to vector<16xi32>
      %mul3A_234 = arith.muli %add3A_231, %mul3A_233 : vector<16xi32>
      %add3A_235 = arith.addi %mul3A_234, %select_n3A_185 : vector<16xi32>
      %gather3A_236 = tpu.vector_load_idx %arg29[%add3A_235] : memref<2048xf32, #tpu.memory_space<vmem>>[vector<16xi32>], vector<16xf32>,
      tpu.vector_store_idx %arg10[%broadcast_in_dim3A_229, %select_n3A_191], %gather3A_236 masked %lt3A_179 : memref<16x2048xf32, #tpu.memory_space<vmem>>[vector<16xi32>, vector<16xi32>], vector<16xf32>, vector<16xi1>
      %broadcast_in_dim3A_237 = arith.constant 5 : i32
      %broadcast_in_dim3A_238 = vector.broadcast %broadcast_in_dim3A_237 : i32 to vector<16xi32>
      %add3A_239 = vector.broadcast %mul3A_31 : i32 to vector<16xi32>
      %add3A_240 = arith.addi %add3A_239, %broadcast_in_dim3A_238 : vector<16xi32>
      %mul3A_241 = arith.constant 64 : i32
      %mul3A_242 = vector.broadcast %mul3A_241 : i32 to vector<16xi32>
      %mul3A_243 = arith.muli %add3A_240, %mul3A_242 : vector<16xi32>
      %add3A_244 = arith.addi %mul3A_243, %select_n3A_185 : vector<16xi32>
      %gather3A_245 = tpu.vector_load_idx %arg29[%add3A_244] : memref<2048xf32, #tpu.memory_space<vmem>>[vector<16xi32>], vector<16xf32>,
      tpu.vector_store_idx %arg10[%broadcast_in_dim3A_238, %select_n3A_191], %gather3A_245 masked %lt3A_179 : memref<16x2048xf32, #tpu.memory_space<vmem>>[vector<16xi32>, vector<16xi32>], vector<16xf32>, vector<16xi1>
      %broadcast_in_dim3A_246 = arith.constant 6 : i32
      %broadcast_in_dim3A_247 = vector.broadcast %broadcast_in_dim3A_246 : i32 to vector<16xi32>
      %add3A_248 = vector.broadcast %mul3A_31 : i32 to vector<16xi32>
      %add3A_249 = arith.addi %add3A_248, %broadcast_in_dim3A_247 : vector<16xi32>
      %mul3A_250 = arith.constant 64 : i32
      %mul3A_251 = vector.broadcast %mul3A_250 : i32 to vector<16xi32>
      %mul3A_252 = arith.muli %add3A_249, %mul3A_251 : vector<16xi32>
      %add3A_253 = arith.addi %mul3A_252, %select_n3A_185 : vector<16xi32>
      %gather3A_254 = tpu.vector_load_idx %arg29[%add3A_253] : memref<2048xf32, #tpu.memory_space<vmem>>[vector<16xi32>], vector<16xf32>,
      tpu.vector_store_idx %arg10[%broadcast_in_dim3A_247, %select_n3A_191], %gather3A_254 masked %lt3A_179 : memref<16x2048xf32, #tpu.memory_space<vmem>>[vector<16xi32>, vector<16xi32>], vector<16xf32>, vector<16xi1>
      %broadcast_in_dim3A_255 = arith.constant 7 : i32
      %broadcast_in_dim3A_256 = vector.broadcast %broadcast_in_dim3A_255 : i32 to vector<16xi32>
      %add3A_257 = vector.broadcast %mul3A_31 : i32 to vector<16xi32>
      %add3A_258 = arith.addi %add3A_257, %broadcast_in_dim3A_256 : vector<16xi32>
      %mul3A_259 = arith.constant 64 : i32
      %mul3A_260 = vector.broadcast %mul3A_259 : i32 to vector<16xi32>
      %mul3A_261 = arith.muli %add3A_258, %mul3A_260 : vector<16xi32>
      %add3A_262 = arith.addi %mul3A_261, %select_n3A_185 : vector<16xi32>
      %gather3A_263 = tpu.vector_load_idx %arg29[%add3A_262] : memref<2048xf32, #tpu.memory_space<vmem>>[vector<16xi32>], vector<16xf32>,
      tpu.vector_store_idx %arg10[%broadcast_in_dim3A_256, %select_n3A_191], %gather3A_263 masked %lt3A_179 : memref<16x2048xf32, #tpu.memory_space<vmem>>[vector<16xi32>, vector<16xi32>], vector<16xf32>, vector<16xi1>
      %broadcast_in_dim3A_264 = arith.constant 8 : i32
      %broadcast_in_dim3A_265 = vector.broadcast %broadcast_in_dim3A_264 : i32 to vector<16xi32>
      %add3A_266 = vector.broadcast %mul3A_31 : i32 to vector<16xi32>
      %add3A_267 = arith.addi %add3A_266, %broadcast_in_dim3A_265 : vector<16xi32>
      %mul3A_268 = arith.constant 64 : i32
      %mul3A_269 = vector.broadcast %mul3A_268 : i32 to vector<16xi32>
      %mul3A_270 = arith.muli %add3A_267, %mul3A_269 : vector<16xi32>
      %add3A_271 = arith.addi %mul3A_270, %select_n3A_185 : vector<16xi32>
      %gather3A_272 = tpu.vector_load_idx %arg29[%add3A_271] : memref<2048xf32, #tpu.memory_space<vmem>>[vector<16xi32>], vector<16xf32>,
      tpu.vector_store_idx %arg10[%broadcast_in_dim3A_265, %select_n3A_191], %gather3A_272 masked %lt3A_179 : memref<16x2048xf32, #tpu.memory_space<vmem>>[vector<16xi32>, vector<16xi32>], vector<16xf32>, vector<16xi1>
      %broadcast_in_dim3A_273 = arith.constant 9 : i32
      %broadcast_in_dim3A_274 = vector.broadcast %broadcast_in_dim3A_273 : i32 to vector<16xi32>
      %add3A_275 = vector.broadcast %mul3A_31 : i32 to vector<16xi32>
      %add3A_276 = arith.addi %add3A_275, %broadcast_in_dim3A_274 : vector<16xi32>
      %mul3A_277 = arith.constant 64 : i32
      %mul3A_278 = vector.broadcast %mul3A_277 : i32 to vector<16xi32>
      %mul3A_279 = arith.muli %add3A_276, %mul3A_278 : vector<16xi32>
      %add3A_280 = arith.addi %mul3A_279, %select_n3A_185 : vector<16xi32>
      %gather3A_281 = tpu.vector_load_idx %arg29[%add3A_280] : memref<2048xf32, #tpu.memory_space<vmem>>[vector<16xi32>], vector<16xf32>,
      tpu.vector_store_idx %arg10[%broadcast_in_dim3A_274, %select_n3A_191], %gather3A_281 masked %lt3A_179 : memref<16x2048xf32, #tpu.memory_space<vmem>>[vector<16xi32>, vector<16xi32>], vector<16xf32>, vector<16xi1>
      %broadcast_in_dim3A_282 = arith.constant 10 : i32
      %broadcast_in_dim3A_283 = vector.broadcast %broadcast_in_dim3A_282 : i32 to vector<16xi32>
      %add3A_284 = vector.broadcast %mul3A_31 : i32 to vector<16xi32>
      %add3A_285 = arith.addi %add3A_284, %broadcast_in_dim3A_283 : vector<16xi32>
      %mul3A_286 = arith.constant 64 : i32
      %mul3A_287 = vector.broadcast %mul3A_286 : i32 to vector<16xi32>
      %mul3A_288 = arith.muli %add3A_285, %mul3A_287 : vector<16xi32>
      %add3A_289 = arith.addi %mul3A_288, %select_n3A_185 : vector<16xi32>
      %gather3A_290 = tpu.vector_load_idx %arg29[%add3A_289] : memref<2048xf32, #tpu.memory_space<vmem>>[vector<16xi32>], vector<16xf32>,
      tpu.vector_store_idx %arg10[%broadcast_in_dim3A_283, %select_n3A_191], %gather3A_290 masked %lt3A_179 : memref<16x2048xf32, #tpu.memory_space<vmem>>[vector<16xi32>, vector<16xi32>], vector<16xf32>, vector<16xi1>
      %broadcast_in_dim3A_291 = arith.constant 11 : i32
      %broadcast_in_dim3A_292 = vector.broadcast %broadcast_in_dim3A_291 : i32 to vector<16xi32>
      %add3A_293 = vector.broadcast %mul3A_31 : i32 to vector<16xi32>
      %add3A_294 = arith.addi %add3A_293, %broadcast_in_dim3A_292 : vector<16xi32>
      %mul3A_295 = arith.constant 64 : i32
      %mul3A_296 = vector.broadcast %mul3A_295 : i32 to vector<16xi32>
      %mul3A_297 = arith.muli %add3A_294, %mul3A_296 : vector<16xi32>
      %add3A_298 = arith.addi %mul3A_297, %select_n3A_185 : vector<16xi32>
      %gather3A_299 = tpu.vector_load_idx %arg29[%add3A_298] : memref<2048xf32, #tpu.memory_space<vmem>>[vector<16xi32>], vector<16xf32>,
      tpu.vector_store_idx %arg10[%broadcast_in_dim3A_292, %select_n3A_191], %gather3A_299 masked %lt3A_179 : memref<16x2048xf32, #tpu.memory_space<vmem>>[vector<16xi32>, vector<16xi32>], vector<16xf32>, vector<16xi1>
      %broadcast_in_dim3A_300 = arith.constant 12 : i32
      %broadcast_in_dim3A_301 = vector.broadcast %broadcast_in_dim3A_300 : i32 to vector<16xi32>
      %add3A_302 = vector.broadcast %mul3A_31 : i32 to vector<16xi32>
      %add3A_303 = arith.addi %add3A_302, %broadcast_in_dim3A_301 : vector<16xi32>
      %mul3A_304 = arith.constant 64 : i32
      %mul3A_305 = vector.broadcast %mul3A_304 : i32 to vector<16xi32>
      %mul3A_306 = arith.muli %add3A_303, %mul3A_305 : vector<16xi32>
      %add3A_307 = arith.addi %mul3A_306, %select_n3A_185 : vector<16xi32>
      %gather3A_308 = tpu.vector_load_idx %arg29[%add3A_307] : memref<2048xf32, #tpu.memory_space<vmem>>[vector<16xi32>], vector<16xf32>,
      tpu.vector_store_idx %arg10[%broadcast_in_dim3A_301, %select_n3A_191], %gather3A_308 masked %lt3A_179 : memref<16x2048xf32, #tpu.memory_space<vmem>>[vector<16xi32>, vector<16xi32>], vector<16xf32>, vector<16xi1>
      %broadcast_in_dim3A_309 = arith.constant 13 : i32
      %broadcast_in_dim3A_310 = vector.broadcast %broadcast_in_dim3A_309 : i32 to vector<16xi32>
      %add3A_311 = vector.broadcast %mul3A_31 : i32 to vector<16xi32>
      %add3A_312 = arith.addi %add3A_311, %broadcast_in_dim3A_310 : vector<16xi32>
      %mul3A_313 = arith.constant 64 : i32
      %mul3A_314 = vector.broadcast %mul3A_313 : i32 to vector<16xi32>
      %mul3A_315 = arith.muli %add3A_312, %mul3A_314 : vector<16xi32>
      %add3A_316 = arith.addi %mul3A_315, %select_n3A_185 : vector<16xi32>
      %gather3A_317 = tpu.vector_load_idx %arg29[%add3A_316] : memref<2048xf32, #tpu.memory_space<vmem>>[vector<16xi32>], vector<16xf32>,
      tpu.vector_store_idx %arg10[%broadcast_in_dim3A_310, %select_n3A_191], %gather3A_317 masked %lt3A_179 : memref<16x2048xf32, #tpu.memory_space<vmem>>[vector<16xi32>, vector<16xi32>], vector<16xf32>, vector<16xi1>
      %broadcast_in_dim3A_318 = arith.constant 14 : i32
      %broadcast_in_dim3A_319 = vector.broadcast %broadcast_in_dim3A_318 : i32 to vector<16xi32>
      %add3A_320 = vector.broadcast %mul3A_31 : i32 to vector<16xi32>
      %add3A_321 = arith.addi %add3A_320, %broadcast_in_dim3A_319 : vector<16xi32>
      %mul3A_322 = arith.constant 64 : i32
      %mul3A_323 = vector.broadcast %mul3A_322 : i32 to vector<16xi32>
      %mul3A_324 = arith.muli %add3A_321, %mul3A_323 : vector<16xi32>
      %add3A_325 = arith.addi %mul3A_324, %select_n3A_185 : vector<16xi32>
      %gather3A_326 = tpu.vector_load_idx %arg29[%add3A_325] : memref<2048xf32, #tpu.memory_space<vmem>>[vector<16xi32>], vector<16xf32>,
      tpu.vector_store_idx %arg10[%broadcast_in_dim3A_319, %select_n3A_191], %gather3A_326 masked %lt3A_179 : memref<16x2048xf32, #tpu.memory_space<vmem>>[vector<16xi32>, vector<16xi32>], vector<16xf32>, vector<16xi1>
      %broadcast_in_dim3A_327 = arith.constant 15 : i32
      %broadcast_in_dim3A_328 = vector.broadcast %broadcast_in_dim3A_327 : i32 to vector<16xi32>
      %add3A_329 = vector.broadcast %mul3A_31 : i32 to vector<16xi32>
      %add3A_330 = arith.addi %add3A_329, %broadcast_in_dim3A_328 : vector<16xi32>
      %mul3A_331 = arith.constant 64 : i32
      %mul3A_332 = vector.broadcast %mul3A_331 : i32 to vector<16xi32>
      %mul3A_333 = arith.muli %add3A_330, %mul3A_332 : vector<16xi32>
      %add3A_334 = arith.addi %mul3A_333, %select_n3A_185 : vector<16xi32>
      %gather3A_335 = tpu.vector_load_idx %arg29[%add3A_334] : memref<2048xf32, #tpu.memory_space<vmem>>[vector<16xi32>], vector<16xf32>,
      tpu.vector_store_idx %arg10[%broadcast_in_dim3A_328, %select_n3A_191], %gather3A_335 masked %lt3A_179 : memref<16x2048xf32, #tpu.memory_space<vmem>>[vector<16xi32>, vector<16xi32>], vector<16xf32>, vector<16xi1>
      %add3A_336 = arith.constant 16 : i32
      %add3A_337 = arith.addi %while3A_176, %add3A_336 : i32
      scf.yield %add3A_337 : i32
    }
    %multiple_of3A_174 = tpu.assume_multiple %select_n3A_29, 2048 : i32
    "tpu.region"() ({
      %run_scoped3A = tpu.sem_alloc : memref<!tpu.dma_semaphore, #tpu.memory_space<semaphore_mem>>
      %dma_start3A_175 = tpu.memref_slice %arg5[%select_n3A, %mul3A_31, %multiple_of3A_174] : memref<4x32x8192xf32, #tpu.memory_space<hbm>> -> memref<1x16x2048xf32, #tpu.memory_space<hbm>>
      %dma_start3A_176 = tpu.memref_squeeze %dma_start3A_175 : memref<1x16x2048xf32, #tpu.memory_space<hbm>> -> memref<16x2048xf32, #tpu.memory_space<hbm>>
      %dma_start3A_177 = tpu.memref_slice %arg5[%select_n3A, %mul3A_31, %multiple_of3A_174] : memref<4x32x8192xf32, #tpu.memory_space<hbm>> -> memref<1x16x2048xf32, #tpu.memory_space<hbm>>
      %dma_start3A_178 = tpu.memref_squeeze %dma_start3A_177 : memref<1x16x2048xf32, #tpu.memory_space<hbm>> -> memref<16x2048xf32, #tpu.memory_space<hbm>>
      tpu.enqueue_dma source(%arg10 : memref<16x2048xf32, #tpu.memory_space<vmem>>) target(%dma_start3A_178 : memref<16x2048xf32, #tpu.memory_space<hbm>>) target_semaphore(%run_scoped3A : memref<!tpu.dma_semaphore, #tpu.memory_space<semaphore_mem>>)
      %dma_wait3A = tpu.memref_slice %arg5[%select_n3A, %mul3A_31, %multiple_of3A_174] : memref<4x32x8192xf32, #tpu.memory_space<hbm>> -> memref<1x16x2048xf32, #tpu.memory_space<hbm>>
      %dma_wait3A_179 = tpu.memref_squeeze %dma_wait3A : memref<1x16x2048xf32, #tpu.memory_space<hbm>> -> memref<16x2048xf32, #tpu.memory_space<hbm>>
      %dma_wait3A_180 = tpu.memref_slice %arg5[%select_n3A, %mul3A_31, %multiple_of3A_174] : memref<4x32x8192xf32, #tpu.memory_space<hbm>> -> memref<1x16x2048xf32, #tpu.memory_space<hbm>>
      %dma_wait3A_181 = tpu.memref_squeeze %dma_wait3A_180 : memref<1x16x2048xf32, #tpu.memory_space<hbm>> -> memref<16x2048xf32, #tpu.memory_space<hbm>>
      tpu.wait_dma2 semaphore(%run_scoped3A : memref<!tpu.dma_semaphore, #tpu.memory_space<semaphore_mem>>) src(%arg10 : memref<16x2048xf32, #tpu.memory_space<vmem>>) dst(%dma_wait3A_181 : memref<16x2048xf32, #tpu.memory_space<hbm>>)
      tpu.yield
    }) : () -> ()
    return
  }
}

</mosaic_0001>

<sc_bundles>
// kernel: _bigram_embed.3.cloned.1.call-start
scs
__scs_entry_jumppad:
0x0: {  	(pc) =	sbr.rel $0x88, $3  }
0x1: {  	(tag) =	ssettag $0x0;
	lr =	simm.s32 $0x1  }
0x2: {  	[smem:$0x3F9E] =	sst lr;
	_ =	strace $0xD0000000  }
0x3: {  	_ = 	snop  }
0x4: {  	_ = 	snop  }
0x5: {  	_ = 	snop  }
0x6: {  	_ = 	snop  }
0x7: {  	_ = 	snop  }
__scs_overlays_trampoline_lowered:
0x8: {  	[smem:$0x3FAD] =	sst s0  }
0x9: {  	[smem:$0x3FAE] =	sst s1  }
0xa: {  	[smem:$0x3FAF] =	sst s2  }
0xb: {  	[smem:$0x3FB0] =	sst s3  }
0xc: {  	[smem:$0x3FB1] =	sst s4  }
0xd: {  	[smem:$0x3FB2] =	sst s5  }
0xe: {  	[smem:$0x3FB3] =	sst s6  }
0xf: {  	[smem:$0x3FB4] =	sst s7  }
0x10: {  	[smem:$0x3FB5] =	sst s8  }
0x11: {  	[smem:$0x3FB6] =	sst s9;
	s0 =	simm.s32 @!p0 $0x0  }
0x12: {  	s1 =	sld [smem:$0x3F9C];
	s0 =	simm.s32 @p0 $0x1  }
0x13: {  	[smem:$0x3FB7] =	sst s0;
	s0 =	simm.s32 @!p1 $0x0  }
0x14: {  	s2 =	sld [smem:$0x3F9B];
	s0 =	simm.s32 @p1 $0x1  }
0x15: {  	[smem:$0x3FB8] =	sst s0;
	s0 =	simm.s32 @!p2 $0x0  }
0x16: {  	s3 =	sld [smem:$0x3FDB];
	s0 =	simm.s32 @p2 $0x1  }
0x17: {  	s4 =	simm.s32 $0x1BF5;
	[smem:$0x3FBA] =	sst s0  }
0x18: {  	s0 =	sld [smem:$0x3F9D];
	_ =	swait.ge [sflag:s4], $0x0  }
0x19: {  	s7 =	sld [smem:$0x3F9E]  }
0x1a: {  	s8 =	sadd.s32 $0xFFFFE003, lr  }
0x1b: {  	s9 =	sadd.s32 $0xFFFFFEF7, lr;
	s5 =	simm.s32 $0xFFFFFFFF;
	p2 =	slt.u32 s8, $0xFFFFF086  }
0x1c: {  	p1 =	slt.u32 s9, $0xF7A;
	s5 =	simm.s32 @!p2 $0x0  }
0x1d: {  	s5 =	simm.s32 @p1 $0x1;
	p0 =	seq.s32 s7, s2  }
0x1e: {  	s7 =	smul.u32 @!p0 $0xF7A, s2;
	p2 =	seq.s32 @!p0 s5, $0x0  }
0x1f: {  	s9 =	smul.u32 $0xF7A, s1;
	s8 =	simm.s32 @!p0 $0x1BF5;
	p2 =	por !p2, p0  }
0x20: {  	[sflag:s8] =	ssyncset.s32 @!p0 $0xFFFFF086;
	s6 =	sadd.s32 @!p0 s3, s7;
	s7 =	simm.s32 @!p0 $0x108  }
0x21: {  	s3 =	sadd.s32 s3, s9;
	s6 =	sadd.s32 @!p0 $0x88, s6;
	s7 =	simm.s32 @p2 $0x1082  }
0x22: {  	[simem:s7], [sflag:s8] =	dma.local @!p0 [hbm:s6], $0xF7A  }
0x23: {  	s9 =	sor.u32 $0xD0000000, s2;
	s6 =	simm.s32 $0x108;
	_ =	swait.ge @!p0 [sflag:s8], $0x0  }
0x24: {  	s3 =	sadd.s32 $0x88, s3;
	s6 =	simm.s32 @!p1 $0x1082;
	[sflag:s4] =	ssyncset.s32 $0xFFFFF086  }
0x25: {  	[simem:s6], [sflag:s4] =	dma.local [hbm:s3], $0xF7A  }
0x26: {  	[smem:$0x3F9E] =	sst s1;
	(tag) =	ssettag s2;
	_ =	strace s9  }
0x27: {  	s1 =	sld [smem:$0x3FAE]  }
0x28: {  	s2 =	sld [smem:$0x3FAF]  }
0x29: {  	s4 =	sld [smem:$0x3FB1]  }
0x2a: {  	p0 =	seq.s32 s5, $0x0;
	s5 =	sld [smem:$0x3FB2]  }
0x2b: {  	s6 =	sld [smem:$0x3FB3]  }
0x2c: {  	s7 =	sld [smem:$0x3FB4]  }
0x2d: {  	s3 =	simm.s32 $0x108;
	s8 =	sld [smem:$0x3FB5]  }
0x2e: {  	s3 =	simm.s32 @!p0 $0x1082;
	s9 =	sld [smem:$0x3FB6]  }
0x2f: {  	lr =	sadd.s32 s0, s3;
	s0 =	sld [smem:$0x3FAD]  }
0x30: {  	s3 =	sld [smem:$0x3FB0]  }
0x31: {  	[smem:$0x3FB9] =	sst s10  }
0x32: {  	s10 =	sld [smem:$0x3FB7];
	_ =	sdelay $0x3  }
0x33: {  	p0 =	seq.s32 s10, $0x1;
	s10 =	sld [smem:$0x3FB9];
	_ =	sdelay $0x3  }
0x34: {  	[smem:$0x3FB9] =	sst s10  }
0x35: {  	s10 =	sld [smem:$0x3FB8];
	_ =	sdelay $0x3  }
0x36: {  	p1 =	seq.s32 s10, $0x1;
	s10 =	sld [smem:$0x3FB9];
	_ =	sdelay $0x3  }
0x37: {  	[smem:$0x3FB9] =	sst s10  }
0x38: {  	s10 =	sld [smem:$0x3FBA]  }
0x39: {  	_ = 	snop;
	(pc) =	sbr.ind lr, $3  }
0x3a: {  	_ = 	snop  }
0x3b: {  	_ = 	snop  }
0x3c: {  	p2 =	seq.s32 s10, $0x1;
	s10 =	sld [smem:$0x3FB9]  }
0x3d: {  	_ =	shalt  }
0x3e: {  	_ =	shalt  }
0x3f: {  	_ =	shalt  }
0x40: {  	_ =	shalt  }
0x41: {  	_ =	shalt  }
0x42: {  	_ =	shalt  }
0x43: {  	_ =	shalt  }
0x44: {  	_ =	shalt  }
0x45: {  	_ =	shalt  }
0x46: {  	_ =	shalt  }
0x47: {  	_ =	shalt  }
0x48: {  	_ =	shalt  }
0x49: {  	_ =	shalt  }
0x4a: {  	_ =	shalt  }
0x4b: {  	_ =	shalt  }
0x4c: {  	_ =	shalt  }
0x4d: {  	_ =	shalt  }
0x4e: {  	_ =	shalt  }
0x4f: {  	_ =	shalt  }
0x50: {  	_ =	shalt  }
0x51: {  	_ =	shalt  }
0x52: {  	_ =	shalt  }
0x53: {  	_ =	shalt  }
0x54: {  	_ =	shalt  }
0x55: {  	_ =	shalt  }
0x56: {  	_ =	shalt  }
0x57: {  	_ =	shalt  }
0x58: {  	_ =	shalt  }
0x59: {  	_ =	shalt  }
0x5a: {  	_ =	shalt  }
0x5b: {  	_ =	shalt  }
0x5c: {  	_ =	shalt  }
0x5d: {  	_ =	shalt  }
0x5e: {  	_ =	shalt  }
0x5f: {  	_ =	shalt  }
0x60: {  	_ =	shalt  }
0x61: {  	_ =	shalt  }
0x62: {  	_ =	shalt  }
0x63: {  	_ =	shalt  }
0x64: {  	_ =	shalt  }
0x65: {  	_ =	shalt  }
0x66: {  	_ =	shalt  }
0x67: {  	_ =	shalt  }
0x68: {  	_ =	shalt  }
0x69: {  	_ =	shalt  }
0x6a: {  	_ =	shalt  }
0x6b: {  	_ =	shalt  }
0x6c: {  	_ =	shalt  }
0x6d: {  	_ =	shalt  }
0x6e: {  	_ =	shalt  }
0x6f: {  	_ =	shalt  }
0x70: {  	_ =	shalt  }
0x71: {  	_ =	shalt  }
0x72: {  	_ =	shalt  }
0x73: {  	_ =	shalt  }
0x74: {  	_ =	shalt  }
0x75: {  	_ =	shalt  }
0x76: {  	_ =	shalt  }
0x77: {  	_ =	shalt  }
0x78: {  	_ =	shalt  }
0x79: {  	_ =	shalt  }
0x7a: {  	_ =	shalt  }
0x7b: {  	_ =	shalt  }
0x7c: {  	_ =	shalt  }
0x7d: {  	_ =	shalt  }
0x7e: {  	_ =	shalt  }
0x7f: {  	_ =	shalt  }
0x80: {  	_ =	shalt  }
0x81: {  	_ =	shalt  }
0x82: {  	_ =	shalt  }
0x83: {  	_ =	shalt  }
0x84: {  	_ =	shalt  }
0x85: {  	_ =	shalt  }
0x86: {  	_ =	shalt  }
0x87: {  	_ =	shalt  }
.Lfunc_end0:
.L_simem_size_0:
called_computation_lowered:
.L_overlay_start_0:
0x88: {  	s2 =	sld [smem:$0x3FD9]  }
0x89: {  	s3 =	sld [smem:$0x3FFE];
	_ =	sdelay $0x1  }
0x8a: {  	s1 =	srdreg.scid  }
0x8b: {  	s0 =	sand.u32 $0x1, s1  }
0x8c: {  	s18 =	sshll.u32 s0, $0xA;
	s2 =	sadd.s32 s3, s2  }
0x8d: {  	s2 =	sadd.s32 s2, s18  }
0x8e: {  	[smem:$0x3FC5] =	sst s2  }
0x8f: {  	_ = 	snop  }
0x90: {  	s2 =	sld [smem:$0x3FC9]  }
0x91: {  	s19 =	sld [smem:$0x3FC8]  }
0x92: {  	s4 =	sld [smem:$0x3FC7]  }
0x93: {  	s5 =	sld [smem:$0x3FD0];
	(tm) =	ssettm $0x1  }
0x94: {  	s6 =	sld [smem:$0x3FFB];
	_ =	sdelay $0x3  }
0x95: {  	_ =	strace s6  }
0x96: {  	s6 =	sld [smem:$0x3FFC];
	_ =	sdelay $0x3  }
0x97: {  	_ =	strace s6  }
0x98: {  	s6 =	sld [smem:$0x3FFD];
	_ =	sdelay $0x3  }
0x99: {  	_ =	strace s6  }
0x9a: {  	_ =	strace $0x8FFFFFFF  }
0x9b: {  	s20 =	sld [smem:$0x3FDB];
	_ =	sdelay $0x1  }
0x9c: {  	s7 =	simm.s32 $_scs_section_size  }
0x9d: {  	s8 =	simm.s32 $_size__tile_overlayer_lowered;
	s9 =	simm.s32 $_tile_overlayer_lowered  }
0x9e: {  	s23 =	simm.s32 $0x1BFF;
	s22 =	sshll.u32 s9, $0x1;
	s6 =	sadd.s32 s7, s20  }
0x9f: {  	s10 =	simm.s32 $0x0;
	s21 =	sshll.u32 s8, $0x1;
	s8 =	sadd.s32 s22, s6  }
0xa0: {  	[timem:s10], [sflag:s23] =	dma.local [hbm:s8], s21  }
0xa1: {  	_ =	swait.ge [sflag:s23], s21  }
0xa2: {  	s7 =	ssub.s32 $0x0, s21;
	[sflag:s23] =	ssyncset.done $0x0  }
0xa3: {  	[sflag:s23] =	ssyncadd.s32 s7;
	_ =	sdelay $0x1  }
0xa4: {  	s24 =	simm.s32 $0x1B8B  }
0xa5: {  	_ =	swait.ge [sflag:s24], $0x1  }
0xa6: {  	[sflag:s24] =	ssyncset.done $0x0  }
0xa7: {  	s25 =	simm.s32 $0x1B8E;
	[sflag:s24] =	ssyncadd.s32 $0xFFFFFFFF  }
0xa8: {  	s26 =	simm.s32 $execute0_lowered;
	[smem:$0x3FD2] =	sst s25  }
0xa9: {  	s7 =	sshll.u32 s26, $0x1;
	_ =	strace $0x80000046;
	[dreg:$0x1] =	wrdreg $0xFFFFFFFF  }
0xaa: {  	s28 =	simm.s32 $_size_execute0_lowered;
	s6 =	sadd.s32 s6, s7;
	[dreg:$0x0] =	wrdreg $0x0  }
0xab: {  	s7 =	sshll.u32 s28, $0x1;
	[dreg:$0x2] =	wrdreg s6  }
0xac: {  	[dreg:$0x3] =	wrdreg s7  }
0xad: {  	[dreg:$0x4] =	wrdreg $0xC0  }
0xae: {  	_ =	task [dreg:s10], $0x5FFFF  }
0xaf: {  	[dreg:$0x1] =	wrdreg $0xFFFFFFFF  }
0xb0: {  	[dreg:$0x0] =	wrdreg $0x60  }
0xb1: {  	[dreg:$0x2] =	wrdreg s2  }
0xb2: {  	[dreg:$0x3] =	wrdreg s19  }
0xb3: {  	[dreg:$0x4] =	wrdreg s4  }
0xb4: {  	[dreg:$0x5] =	wrdreg s5  }
0xb5: {  	[dreg:$0x6] =	wrdreg $0x132800  }
0xb6: {  	[dreg:$0x7] =	wrdreg $0x9  }
0xb7: {  	_ =	task.clear_ibuf [dreg:s10], $0x8FFFF;
	_ =	strace $0x90000046  }
0xb8: {  	s29 =	simm.s32 $0x9;
	_ =	strace $0x80000048  }
0xb9: {  	_ =	swait.ge [sflag:s29], $0x1  }
0xba: {  	[sflag:s29] =	ssyncadd.s32 $0xFFFFFFFF  }
0xbb: {  	_ =	strace $0x90000048  }
0xbc: {  	_ =	sfence  }
0xbd: {  	s30 =	sld [smem:$0x0];
	_ =	sdelay $0x2  }
0xbe: {  	s31 =	sshll.u32 s1, $0xD;
	s1 =	sshrl.u32 s1, $0x2  }
0xbf: {  	s3 =	sand.u32 $0x4000, s31;
	s1 =	sadd.s32 s1, s30  }
0xc0: {  	s0 =	sor.u32 s3, s0;
	s1 =	sshll.u32 s1, $0x11  }
0xc1: {  	s0 =	sor.u32 s1, s0  }
0xc2: {  	s0 =	sadd.s32 $0x8F2B, s0  }
0xc3: {  	[sflag:s0] =	ssyncadd.remote.s32 $0x1  }
0xc4: {  	_ =	sfence.sel $0xFFFF  }
0xc5: {  	[dreg:$0x0] =	wrdreg $0xFFFFFFFF;
	(pc) =	sbr.abs _section_cstart, $3  }
0xc6: {  	[dreg:$0x1] =	wrdreg $0xFFFFFFFF  }
0xc7: {  	_ =	task.clear_ibuf [dreg:s10], $0x2FFFF;
	_ =	strace $0x9FFFFFFF  }
0xc8: {  	(tm) =	ssettm $0x7FFFFFFF  }
0xc9: {  	_ =	shalt  }
tec
execute0_lowered:
.L_overlay_start_1:
0x0: {  	(tag) =	ssettag $0x1  }
0x1: {  	s3 =	rddreg [dreg:$0x0]  }
0x2: {  	s4 =	rddreg [dreg:$0x1]  }
0x3: {  	s5 =	rddreg [dreg:$0x3]  }
0x4: {  	s2 =	rddreg [dreg:$0x4];
	s0 =	srdreg.scid  }
0x5: {  	s1 =	simm.s32 $0x0;
	s14 =	stileid.u32;
	s28 =	simm.s32 $0x12180  }
0x6: {  	s30 =	simm.s32 $0x12990;
	s31 =	simm.s32 $0x12200;
	s16 =	simm.s32 $0x12380  }
0x7: {  	s6 =	sand.u32 $0x1, s0;
	[smem:$0x7FF] =	sst s1;
	s18 =	sshll.u32 s14, $0x8  }
0x8: {  	s8 =	sand.u32 $0x1, s14;
	s10 =	sshll.u32 s14, $0xB;
	s12 =	sshrl.u32 s14, $0x1  }
0x9: {  	s29 =	sshll.u32 s14, $0xD;
	_ =	strace $0x80000047;
	[dreg:$0x6] =	wrdreg s28  }
0xa: {  	s0 =	ssub.s32 $0x2, s6;
	s1 =	sadd.s32 s3, s18;
	[dreg:$0x7] =	wrdreg s30  }
0xb: {  	s9 =	sshll.u32 s6, $0x1;
	s11 =	sadd.s32 $0xFFFFFFF8, s10;
	[dreg:$0x8] =	wrdreg s31  }
0xc: {  	s13 =	sshll.u32 s12, $0xF;
	s12 =	sshll.u32 s12, $0xC;
	[dreg:$0xe] =	wrdreg s16  }
0xd: {  	s18 =	simm.s32 $0x129D0;
	s17 =	sshrl.u32 s0, $0x1;
	[dreg:$0x13] =	wrdreg s1  }
0xe: {  	s1 =	sand.u32 $0x3, s14;
	s9 =	sor.u32 s8, s9;
	s11 =	sshrl.u32 s11, $0x3  }
0xf: {  	s8 =	sshll.u32 s8, $0x12;
	s14 =	simm.s32 $0x129C0;
	[dreg:$0xf] =	wrdreg s18  }
0x10: {  	s7 =	ssub.s32 s0, s17;
	s3 =	sadd.s32 s3, s11;
	[dreg:$0xd] =	wrdreg s14  }
0x11: {  	s8 =	sadd.s32 s8, s2;
	[dreg:$0x14] =	wrdreg s3;
	s15 =	smax.u32 s7, $0x1  }
0x12: {  	s11 =	sadd.s32 s12, s8;
	[smem:$0x705] =	sst s15  }
0x13: {  	s20 =	sadd.s32 $0x8000, s11;
	[dreg:$0x15] =	wrdreg s11  }
0x14: {  	s21 =	sadd.s32 $0x10000, s11;
	[dreg:$0x17] =	wrdreg s20  }
0x15: {  	s22 =	sadd.s32 $0x18000, s11;
	[dreg:$0x18] =	wrdreg s21  }
0x16: {  	s9 =	smul.u32 $0x7A1400, s9;
	s23 =	sadd.s32 $0x20000, s11;
	[dreg:$0x19] =	wrdreg s22  }
0x17: {  	s24 =	sadd.s32 $0x28000, s11;
	[dreg:$0x1a] =	wrdreg s23  }
0x18: {  	s13 =	sadd.s32 s13, s9;
	s25 =	sadd.s32 $0x30000, s11;
	[dreg:$0x1b] =	wrdreg s24  }
0x19: {  	s26 =	sshrl.u32 s9, $0x3;
	s8 =	sadd.s32 $0x38000, s11;
	[dreg:$0x1c] =	wrdreg s25  }
0x1a: {  	s9 =	sand.u32 $0x1800, s10;
	s10 =	simm.s32 $0x12280;
	[dreg:$0x1d] =	wrdreg s8  }
0x1b: {  	s17 =	sadd.s32 $0x80, s11;
	[dreg:$0xa] =	wrdreg s10  }
0x1c: {  	s28 =	sadd.s32 $0x380, s11;
	[smem:$0x706] =	sst s17  }
0x1d: {  	s0 =	sshll.u32 s6, $0x4;
	s30 =	sadd.s32 $0x480, s11;
	[smem:$0x70C] =	sst s28  }
0x1e: {  	s6 =	sshll.u32 s6, $0xE;
	s31 =	sadd.s32 $0x500, s11;
	[smem:$0x70E] =	sst s30  }
0x1f: {  	s5 =	sadd.s32 s5, s6;
	s6 =	sadd.s32 $0x700, s11;
	[smem:$0x70F] =	sst s31  }
0x20: {  	s7 =	sadd.s32 $0x780, s11;
	[smem:$0x713] =	sst s6  }
0x21: {  	s14 =	sadd.s32 $0xA80, s11;
	[smem:$0x714] =	sst s7  }
0x22: {  	s15 =	sadd.s32 $0xB00, s11;
	[smem:$0x71A] =	sst s14  }
0x23: {  	s16 =	sadd.s32 $0xB80, s11;
	[smem:$0x71B] =	sst s15  }
0x24: {  	s18 =	sadd.s32 $0xC80, s11;
	[smem:$0x71C] =	sst s16  }
0x25: {  	s8 =	simm.s32 $0x129A0;
	[smem:$0x71E] =	sst s18  }
0x26: {  	s19 =	sshrl.u32 s13, $0x3;
	s13 =	simm.s32 $0x12300;
	[dreg:$0x9] =	wrdreg s8  }
0x27: {  	s21 =	sadd.s32 $0x180, s11;
	[dreg:$0xc] =	wrdreg s13  }
0x28: {  	s20 =	simm.s32 $0x12400;
	[smem:$0x708] =	sst s21  }
0x29: {  	s23 =	sadd.s32 $0x200, s11;
	[dreg:$0x10] =	wrdreg s20  }
0x2a: {  	s22 =	simm.s32 $0x129E0;
	[smem:$0x709] =	sst s23  }
0x2b: {  	s25 =	sadd.s32 $0x280, s11;
	[dreg:$0x11] =	wrdreg s22  }
0x2c: {  	s24 =	simm.s32 $0x12480;
	[smem:$0x70A] =	sst s25  }
0x2d: {  	s10 =	sadd.s32 $0x900, s11;
	[dreg:$0x12] =	wrdreg s24  }
0x2e: {  	s17 =	sadd.s32 $0xC00, s11;
	[smem:$0x717] =	sst s10  }
0x2f: {  	s28 =	sadd.s32 $0x8180, s11;
	[smem:$0x71D] =	sst s17  }
0x30: {  	s30 =	sadd.s32 $0x8280, s11;
	[smem:$0x727] =	sst s28  }
0x31: {  	s31 =	sadd.s32 $0x8300, s11;
	[smem:$0x729] =	sst s30  }
0x32: {  	s6 =	sadd.s32 $0x8500, s11;
	[smem:$0x72A] =	sst s31  }
0x33: {  	s7 =	sadd.s32 $0x8580, s11;
	[smem:$0x72E] =	sst s6  }
0x34: {  	s14 =	sadd.s32 $0x8880, s11;
	[smem:$0x72F] =	sst s7  }
0x35: {  	s15 =	sadd.s32 $0x8900, s11;
	[smem:$0x735] =	sst s14  }
0x36: {  	s16 =	sadd.s32 $0x8980, s11;
	[smem:$0x736] =	sst s15  }
0x37: {  	s18 =	sadd.s32 $0x8A80, s11;
	[smem:$0x737] =	sst s16  }
0x38: {  	s3 =	sadd.s32 s4, s19;
	[smem:$0x739] =	sst s18  }
0x39: {  	s4 =	sadd.s32 s4, s12;
	s12 =	simm.s32 $0x129B0;
	[dreg:$0x16] =	wrdreg s3  }
0x3a: {  	s19 =	sadd.s32 $0x100, s11;
	[dreg:$0xb] =	wrdreg s12  }
0x3b: {  	s8 =	sadd.s32 $0x800, s11;
	[smem:$0x707] =	sst s19  }
0x3c: {  	s13 =	sadd.s32 $0xA00, s11;
	[smem:$0x715] =	sst s8  }
0x3d: {  	s20 =	sadd.s32 $0xD80, s11;
	[smem:$0x719] =	sst s13  }
0x3e: {  	s21 =	sadd.s32 $0xE00, s11;
	[smem:$0x720] =	sst s20  }
0x3f: {  	s22 =	sadd.s32 $0xE80, s11;
	[smem:$0x721] =	sst s21  }
0x40: {  	s23 =	sadd.s32 $0xF00, s11;
	[smem:$0x722] =	sst s22  }
0x41: {  	s24 =	sadd.s32 $0xF80, s11;
	[smem:$0x723] =	sst s23  }
0x42: {  	s25 =	sadd.s32 $0x8080, s11;
	[smem:$0x724] =	sst s24  }
0x43: {  	s10 =	sadd.s32 $0x8700, s11;
	[smem:$0x725] =	sst s25  }
0x44: {  	s17 =	sadd.s32 $0x8A00, s11;
	[smem:$0x732] =	sst s10  }
0x45: {  	s28 =	sadd.s32 $0x8F00, s11;
	[smem:$0x738] =	sst s17  }
0x46: {  	s30 =	sadd.s32 $0x10080, s11;
	[smem:$0x742] =	sst s28  }
0x47: {  	s31 =	sadd.s32 $0x10100, s11;
	[smem:$0x744] =	sst s30  }
0x48: {  	s6 =	sadd.s32 $0x10300, s11;
	[smem:$0x745] =	sst s31  }
0x49: {  	s7 =	sadd.s32 $0x10380, s11;
	[smem:$0x749] =	sst s6  }
0x4a: {  	s14 =	sadd.s32 $0x10680, s11;
	[smem:$0x74A] =	sst s7  }
0x4b: {  	s15 =	sadd.s32 $0x10700, s11;
	[smem:$0x750] =	sst s14  }
0x4c: {  	s16 =	sadd.s32 $0x10780, s11;
	[smem:$0x751] =	sst s15  }
0x4d: {  	s18 =	sadd.s32 $0x10880, s11;
	[smem:$0x752] =	sst s16  }
0x4e: {  	s3 =	sadd.s32 s26, s4;
	[smem:$0x754] =	sst s18  }
0x4f: {  	s26 =	sadd.s32 $0x300, s11;
	[dreg:$0x1e] =	wrdreg s3  }
0x50: {  	s4 =	sand.u32 $0x18000, s29;
	s29 =	sadd.s32 $0x400, s11;
	[smem:$0x70B] =	sst s26  }
0x51: {  	s12 =	sadd.s32 $0x980, s11;
	[smem:$0x70D] =	sst s29  }
0x52: {  	s19 =	sadd.s32 $0xD00, s11;
	[smem:$0x718] =	sst s12  }
0x53: {  	s8 =	sadd.s32 $0x8600, s11;
	[smem:$0x71F] =	sst s19  }
0x54: {  	s13 =	sadd.s32 $0x8800, s11;
	[smem:$0x730] =	sst s8  }
0x55: {  	s20 =	sadd.s32 $0x8B80, s11;
	[smem:$0x734] =	sst s13  }
0x56: {  	s21 =	sadd.s32 $0x8C00, s11;
	[smem:$0x73B] =	sst s20  }
0x57: {  	s22 =	sadd.s32 $0x8C80, s11;
	[smem:$0x73C] =	sst s21  }
0x58: {  	s23 =	sadd.s32 $0x8D00, s11;
	[smem:$0x73D] =	sst s22  }
0x59: {  	s24 =	sadd.s32 $0x8D80, s11;
	[smem:$0x73E] =	sst s23  }
0x5a: {  	s25 =	sadd.s32 $0x8E00, s11;
	[smem:$0x73F] =	sst s24  }
0x5b: {  	s10 =	sadd.s32 $0x10500, s11;
	[smem:$0x740] =	sst s25  }
0x5c: {  	s17 =	sadd.s32 $0x10800, s11;
	[smem:$0x74D] =	sst s10  }
0x5d: {  	s28 =	sadd.s32 $0x10D00, s11;
	[smem:$0x753] =	sst s17  }
0x5e: {  	s30 =	sadd.s32 $0x10E00, s11;
	[smem:$0x75D] =	sst s28  }
0x5f: {  	s31 =	sadd.s32 $0x10E80, s11;
	[smem:$0x75F] =	sst s30  }
0x60: {  	s6 =	sadd.s32 $0x18100, s11;
	[smem:$0x760] =	sst s31  }
0x61: {  	s7 =	sadd.s32 $0x18180, s11;
	[smem:$0x764] =	sst s6  }
0x62: {  	s14 =	sadd.s32 $0x18480, s11;
	[smem:$0x765] =	sst s7  }
0x63: {  	s15 =	sadd.s32 $0x18500, s11;
	[smem:$0x76B] =	sst s14  }
0x64: {  	s16 =	sadd.s32 $0x18580, s11;
	[smem:$0x76C] =	sst s15  }
0x65: {  	s18 =	sadd.s32 $0x18680, s11;
	[smem:$0x76D] =	sst s16  }
0x66: {  	s3 =	sadd.s32 $0x580, s11;
	[smem:$0x76F] =	sst s18  }
0x67: {  	s4 =	sadd.s32 s4, s5;
	s5 =	sadd.s32 $0x680, s11;
	[smem:$0x710] =	sst s3  }
0x68: {  	s26 =	sadd.s32 $0x8100, s11;
	[smem:$0x712] =	sst s5  }
0x69: {  	s29 =	sadd.s32 $0x8200, s11;
	[smem:$0x726] =	sst s26  }
0x6a: {  	s12 =	sadd.s32 $0x8780, s11;
	[smem:$0x728] =	sst s29  }
0x6b: {  	s19 =	sadd.s32 $0x8B00, s11;
	[smem:$0x733] =	sst s12  }
0x6c: {  	s8 =	sadd.s32 $0x10400, s11;
	[smem:$0x73A] =	sst s19  }
0x6d: {  	s13 =	sadd.s32 $0x10600, s11;
	[smem:$0x74B] =	sst s8  }
0x6e: {  	s20 =	sadd.s32 $0x10980, s11;
	[smem:$0x74F] =	sst s13  }
0x6f: {  	s21 =	sadd.s32 $0x10A00, s11;
	[smem:$0x756] =	sst s20  }
0x70: {  	s22 =	sadd.s32 $0x10A80, s11;
	[smem:$0x757] =	sst s21  }
0x71: {  	s23 =	sadd.s32 $0x10B00, s11;
	[smem:$0x758] =	sst s22  }
0x72: {  	s24 =	sadd.s32 $0x10B80, s11;
	[smem:$0x759] =	sst s23  }
0x73: {  	s25 =	sadd.s32 $0x10C00, s11;
	[smem:$0x75A] =	sst s24  }
0x74: {  	s10 =	sadd.s32 $0x18300, s11;
	[smem:$0x75B] =	sst s25  }
0x75: {  	s17 =	sadd.s32 $0x18600, s11;
	[smem:$0x768] =	sst s10  }
0x76: {  	s28 =	sadd.s32 $0x18B00, s11;
	[smem:$0x76E] =	sst s17  }
0x77: {  	s30 =	sadd.s32 $0x18C00, s11;
	[smem:$0x778] =	sst s28  }
0x78: {  	s31 =	sadd.s32 $0x18C80, s11;
	[smem:$0x77A] =	sst s30  }
0x79: {  	s6 =	sadd.s32 $0x18E80, s11;
	[smem:$0x77B] =	sst s31  }
0x7a: {  	s7 =	sadd.s32 $0x18F00, s11;
	[smem:$0x77F] =	sst s6  }
0x7b: {  	s14 =	sadd.s32 $0x20280, s11;
	[smem:$0x780] =	sst s7  }
0x7c: {  	s15 =	sadd.s32 $0x20300, s11;
	[smem:$0x786] =	sst s14  }
0x7d: {  	s16 =	sadd.s32 $0x20380, s11;
	[smem:$0x787] =	sst s15  }
0x7e: {  	s18 =	sadd.s32 $0x20480, s11;
	[smem:$0x788] =	sst s16  }
0x7f: {  	s4 =	sadd.s32 s9, s4;
	[smem:$0x78A] =	sst s18  }
0x80: {  	s9 =	sadd.s32 $0x880, s11;
	[dreg:$0x1f] =	wrdreg s4  }
0x81: {  	s3 =	sadd.s32 $0x8380, s11;
	[smem:$0x716] =	sst s9  }
0x82: {  	s5 =	sadd.s32 $0x8480, s11;
	[smem:$0x72B] =	sst s3  }
0x83: {  	s26 =	sadd.s32 $0x8E80, s11;
	[smem:$0x72D] =	sst s5  }
0x84: {  	s29 =	sadd.s32 $0x8F80, s11;
	[smem:$0x741] =	sst s26  }
0x85: {  	s12 =	sadd.s32 $0x10580, s11;
	[smem:$0x743] =	sst s29  }
0x86: {  	s19 =	sadd.s32 $0x10900, s11;
	[smem:$0x74E] =	sst s12  }
0x87: {  	s8 =	sadd.s32 $0x18200, s11;
	[smem:$0x755] =	sst s19  }
0x88: {  	s13 =	sadd.s32 $0x18400, s11;
	[smem:$0x766] =	sst s8  }
0x89: {  	s20 =	sadd.s32 $0x18780, s11;
	[smem:$0x76A] =	sst s13  }
0x8a: {  	s21 =	sadd.s32 $0x18800, s11;
	[smem:$0x771] =	sst s20  }
0x8b: {  	s22 =	sadd.s32 $0x18880, s11;
	[smem:$0x772] =	sst s21  }
0x8c: {  	s23 =	sadd.s32 $0x18900, s11;
	[smem:$0x773] =	sst s22  }
0x8d: {  	s24 =	sadd.s32 $0x18980, s11;
	[smem:$0x774] =	sst s23  }
0x8e: {  	s25 =	sadd.s32 $0x18A00, s11;
	[smem:$0x775] =	sst s24  }
0x8f: {  	s10 =	sadd.s32 $0x20100, s11;
	[smem:$0x776] =	sst s25  }
0x90: {  	s17 =	sadd.s32 $0x20400, s11;
	[smem:$0x783] =	sst s10  }
0x91: {  	s28 =	sadd.s32 $0x20900, s11;
	[smem:$0x789] =	sst s17  }
0x92: {  	s30 =	sadd.s32 $0x20A00, s11;
	[smem:$0x793] =	sst s28  }
0x93: {  	s31 =	sadd.s32 $0x20A80, s11;
	[smem:$0x795] =	sst s30  }
0x94: {  	s6 =	sadd.s32 $0x20C80, s11;
	[smem:$0x796] =	sst s31  }
0x95: {  	s7 =	sadd.s32 $0x20D00, s11;
	[smem:$0x79A] =	sst s6  }
0x96: {  	s14 =	sadd.s32 $0x28080, s11;
	[smem:$0x79B] =	sst s7  }
0x97: {  	s15 =	sadd.s32 $0x28100, s11;
	[smem:$0x7A1] =	sst s14  }
0x98: {  	s16 =	sadd.s32 $0x28180, s11;
	[smem:$0x7A2] =	sst s15  }
0x99: {  	s18 =	sadd.s32 $0x28280, s11;
	[smem:$0x7A3] =	sst s16  }
0x9a: {  	s4 =	sadd.s32 $0x600, s11;
	[smem:$0x7A5] =	sst s18  }
0x9b: {  	s9 =	sadd.s32 $0x8680, s11;
	[smem:$0x711] =	sst s4  }
0x9c: {  	s3 =	sadd.s32 $0x10180, s11;
	[smem:$0x731] =	sst s9  }
0x9d: {  	s5 =	sadd.s32 $0x10280, s11;
	[smem:$0x746] =	sst s3  }
0x9e: {  	s26 =	sadd.s32 $0x10C80, s11;
	[smem:$0x748] =	sst s5  }
0x9f: {  	s29 =	sadd.s32 $0x10D80, s11;
	[smem:$0x75C] =	sst s26  }
0xa0: {  	s12 =	sadd.s32 $0x18380, s11;
	[smem:$0x75E] =	sst s29  }
0xa1: {  	s19 =	sadd.s32 $0x18700, s11;
	[smem:$0x769] =	sst s12  }
0xa2: {  	s8 =	sadd.s32 $0x18F80, s11;
	[smem:$0x770] =	sst s19  }
0xa3: {  	s13 =	sadd.s32 $0x20200, s11;
	[smem:$0x781] =	sst s8  }
0xa4: {  	s20 =	sadd.s32 $0x20580, s11;
	[smem:$0x785] =	sst s13  }
0xa5: {  	s21 =	sadd.s32 $0x20600, s11;
	[smem:$0x78C] =	sst s20  }
0xa6: {  	s22 =	sadd.s32 $0x20680, s11;
	[smem:$0x78D] =	sst s21  }
0xa7: {  	s23 =	sadd.s32 $0x20700, s11;
	[smem:$0x78E] =	sst s22  }
0xa8: {  	s24 =	sadd.s32 $0x20780, s11;
	[smem:$0x78F] =	sst s23  }
0xa9: {  	s25 =	sadd.s32 $0x20800, s11;
	[smem:$0x790] =	sst s24  }
0xaa: {  	s10 =	sadd.s32 $0x20E80, s11;
	[smem:$0x791] =	sst s25  }
0xab: {  	s17 =	sadd.s32 $0x28200, s11;
	[smem:$0x79E] =	sst s10  }
0xac: {  	s28 =	sadd.s32 $0x28700, s11;
	[smem:$0x7A4] =	sst s17  }
0xad: {  	s30 =	sadd.s32 $0x28800, s11;
	[smem:$0x7AE] =	sst s28  }
0xae: {  	s31 =	sadd.s32 $0x28880, s11;
	[smem:$0x7B0] =	sst s30  }
0xaf: {  	s6 =	sadd.s32 $0x28A80, s11;
	[smem:$0x7B1] =	sst s31  }
0xb0: {  	s7 =	sadd.s32 $0x28B00, s11;
	[smem:$0x7B5] =	sst s6  }
0xb1: {  	s14 =	sadd.s32 $0x28E00, s11;
	[smem:$0x7B6] =	sst s7  }
0xb2: {  	s15 =	sadd.s32 $0x28E80, s11;
	[smem:$0x7BC] =	sst s14  }
0xb3: {  	s16 =	sadd.s32 $0x28F00, s11;
	[smem:$0x7BD] =	sst s15  }
0xb4: {  	s18 =	sadd.s32 $0x30080, s11;
	[smem:$0x7BE] =	sst s16  }
0xb5: {  	s4 =	sadd.s32 $0x8400, s11;
	[smem:$0x7C0] =	sst s18  }
0xb6: {  	s9 =	sadd.s32 $0x10480, s11;
	[smem:$0x72C] =	sst s4  }
0xb7: {  	s3 =	sadd.s32 $0x10F00, s11;
	[smem:$0x74C] =	sst s9  }
0xb8: {  	s5 =	sadd.s32 $0x18080, s11;
	[smem:$0x761] =	sst s3  }
0xb9: {  	s26 =	sadd.s32 $0x18A80, s11;
	[smem:$0x763] =	sst s5  }
0xba: {  	s29 =	sadd.s32 $0x18B80, s11;
	[smem:$0x777] =	sst s26  }
0xbb: {  	s12 =	sadd.s32 $0x20180, s11;
	[smem:$0x779] =	sst s29  }
0xbc: {  	s19 =	sadd.s32 $0x20500, s11;
	[smem:$0x784] =	sst s12  }
0xbd: {  	s8 =	sadd.s32 $0x20D80, s11;
	[smem:$0x78B] =	sst s19  }
0xbe: {  	s13 =	sadd.s32 $0x20F80, s11;
	[smem:$0x79C] =	sst s8  }
0xbf: {  	s20 =	sadd.s32 $0x28380, s11;
	[smem:$0x7A0] =	sst s13  }
0xc0: {  	s21 =	sadd.s32 $0x28400, s11;
	[smem:$0x7A7] =	sst s20  }
0xc1: {  	s22 =	sadd.s32 $0x28480, s11;
	[smem:$0x7A8] =	sst s21  }
0xc2: {  	s23 =	sadd.s32 $0x28500, s11;
	[smem:$0x7A9] =	sst s22  }
0xc3: {  	s24 =	sadd.s32 $0x28580, s11;
	[smem:$0x7AA] =	sst s23  }
0xc4: {  	s25 =	sadd.s32 $0x28600, s11;
	[smem:$0x7AB] =	sst s24  }
0xc5: {  	s10 =	sadd.s32 $0x28C80, s11;
	[smem:$0x7AC] =	sst s25  }
0xc6: {  	s17 =	sadd.s32 $0x28F80, s11;
	[smem:$0x7B9] =	sst s10  }
0xc7: {  	s28 =	sadd.s32 $0x30500, s11;
	[smem:$0x7BF] =	sst s17  }
0xc8: {  	s30 =	sadd.s32 $0x30600, s11;
	[smem:$0x7C9] =	sst s28  }
0xc9: {  	s31 =	sadd.s32 $0x30680, s11;
	[smem:$0x7CB] =	sst s30  }
0xca: {  	s6 =	sadd.s32 $0x30880, s11;
	[smem:$0x7CC] =	sst s31  }
0xcb: {  	s7 =	sadd.s32 $0x30900, s11;
	[smem:$0x7D0] =	sst s6  }
0xcc: {  	s14 =	sadd.s32 $0x30C00, s11;
	[smem:$0x7D1] =	sst s7  }
0xcd: {  	s15 =	sadd.s32 $0x30C80, s11;
	[smem:$0x7D7] =	sst s14  }
0xce: {  	s16 =	sadd.s32 $0x30D00, s11;
	[smem:$0x7D8] =	sst s15  }
0xcf: {  	s18 =	sadd.s32 $0x30E00, s11;
	[smem:$0x7D9] =	sst s16  }
0xd0: {  	s4 =	sadd.s32 $0x10200, s11;
	[smem:$0x7DB] =	sst s18  }
0xd1: {  	s9 =	sadd.s32 $0x18280, s11;
	[smem:$0x747] =	sst s4  }
0xd2: {  	s3 =	sadd.s32 $0x18D00, s11;
	[smem:$0x767] =	sst s9  }
0xd3: {  	s5 =	sadd.s32 $0x18E00, s11;
	[smem:$0x77C] =	sst s3  }
0xd4: {  	s26 =	sadd.s32 $0x20880, s11;
	[smem:$0x77E] =	sst s5  }
0xd5: {  	s29 =	sadd.s32 $0x20980, s11;
	[smem:$0x792] =	sst s26  }
0xd6: {  	s12 =	sadd.s32 $0x20F00, s11;
	[smem:$0x794] =	sst s29  }
0xd7: {  	s19 =	sadd.s32 $0x28300, s11;
	[smem:$0x79F] =	sst s12  }
0xd8: {  	s8 =	sadd.s32 $0x28B80, s11;
	[smem:$0x7A6] =	sst s19  }
0xd9: {  	s13 =	sadd.s32 $0x28D80, s11;
	[smem:$0x7B7] =	sst s8  }
0xda: {  	s20 =	sadd.s32 $0x30180, s11;
	[smem:$0x7BB] =	sst s13  }
0xdb: {  	s21 =	sadd.s32 $0x30200, s11;
	[smem:$0x7C2] =	sst s20  }
0xdc: {  	s22 =	sadd.s32 $0x30280, s11;
	[smem:$0x7C3] =	sst s21  }
0xdd: {  	s23 =	sadd.s32 $0x30300, s11;
	[smem:$0x7C4] =	sst s22  }
0xde: {  	s24 =	sadd.s32 $0x30380, s11;
	[smem:$0x7C5] =	sst s23  }
0xdf: {  	s25 =	sadd.s32 $0x30400, s11;
	[smem:$0x7C6] =	sst s24  }
0xe0: {  	s10 =	sadd.s32 $0x30A80, s11;
	[smem:$0x7C7] =	sst s25  }
0xe1: {  	s17 =	sadd.s32 $0x30D80, s11;
	[smem:$0x7D4] =	sst s10  }
0xe2: {  	s28 =	sadd.s32 $0x38300, s11;
	[smem:$0x7DA] =	sst s17  }
0xe3: {  	s30 =	sadd.s32 $0x38400, s11;
	[smem:$0x7E4] =	sst s28  }
0xe4: {  	s31 =	sadd.s32 $0x38480, s11;
	[smem:$0x7E6] =	sst s30  }
0xe5: {  	s6 =	sadd.s32 $0x38680, s11;
	[smem:$0x7E7] =	sst s31  }
0xe6: {  	s7 =	sadd.s32 $0x38700, s11;
	[smem:$0x7EB] =	sst s6  }
0xe7: {  	s14 =	sadd.s32 $0x38A00, s11;
	[smem:$0x7EC] =	sst s7  }
0xe8: {  	s16 =	sadd.s32 $0x38A80, s11;
	[smem:$0x7F2] =	sst s14  }
0xe9: {  	s18 =	sadd.s32 $0x38B80, s11;
	[smem:$0x7F3] =	sst s16  }
0xea: {  	s4 =	sadd.s32 $0x10F80, s11;
	[smem:$0x7F5] =	sst s18  }
0xeb: {  	s9 =	sadd.s32 $0x20080, s11;
	[smem:$0x762] =	sst s4  }
0xec: {  	s3 =	sadd.s32 $0x20B00, s11;
	[smem:$0x782] =	sst s9  }
0xed: {  	s5 =	sadd.s32 $0x20C00, s11;
	[smem:$0x797] =	sst s3  }
0xee: {  	s26 =	sadd.s32 $0x28680, s11;
	[smem:$0x799] =	sst s5  }
0xef: {  	s29 =	sadd.s32 $0x28780, s11;
	[smem:$0x7AD] =	sst s26  }
0xf0: {  	s12 =	sadd.s32 $0x28D00, s11;
	[smem:$0x7AF] =	sst s29  }
0xf1: {  	s19 =	sadd.s32 $0x30100, s11;
	[smem:$0x7BA] =	sst s12  }
0xf2: {  	s8 =	sadd.s32 $0x30980, s11;
	[smem:$0x7C1] =	sst s19  }
0xf3: {  	s13 =	sadd.s32 $0x30B80, s11;
	[smem:$0x7D2] =	sst s8  }
0xf4: {  	s20 =	sadd.s32 $0x30F00, s11;
	[smem:$0x7D6] =	sst s13  }
0xf5: {  	s21 =	sadd.s32 $0x30F80, s11;
	[smem:$0x7DD] =	sst s20  }
0xf6: {  	s22 =	sadd.s32 $0x38080, s11;
	[smem:$0x7DE] =	sst s21  }
0xf7: {  	s23 =	sadd.s32 $0x38100, s11;
	[smem:$0x7DF] =	sst s22  }
0xf8: {  	s24 =	sadd.s32 $0x38180, s11;
	[smem:$0x7E0] =	sst s23  }
0xf9: {  	s25 =	sadd.s32 $0x38200, s11;
	[smem:$0x7E1] =	sst s24  }
0xfa: {  	s10 =	sadd.s32 $0x38880, s11;
	[smem:$0x7E2] =	sst s25  }
0xfb: {  	s17 =	sadd.s32 $0x38B00, s11;
	[smem:$0x7EF] =	sst s10  }
0xfc: {  	s28 =	sadd.s32 $0x38F00, s11;
	[smem:$0x7F4] =	sst s17  }
0xfd: {  	s30 =	sadd.s32 $0x38E00, s11;
	[smem:$0x7FA] =	sst s28  }
0xfe: {  	s31 =	sadd.s32 $0x38D80, s11;
	[smem:$0x7FC] =	sst s30  }
0xff: {  	s4 =	sadd.s32 $0x18D80, s11;
	[smem:$0x7FD] =	sst s31  }
0x100: {  	s9 =	sadd.s32 $0x20E00, s11;
	[smem:$0x77D] =	sst s4  }
0x101: {  	s3 =	sadd.s32 $0x28900, s11;
	[smem:$0x79D] =	sst s9  }
0x102: {  	s5 =	sadd.s32 $0x28A00, s11;
	[smem:$0x7B2] =	sst s3  }
0x103: {  	s26 =	sadd.s32 $0x30480, s11;
	[smem:$0x7B4] =	sst s5  }
0x104: {  	s29 =	sadd.s32 $0x30580, s11;
	[smem:$0x7C8] =	sst s26  }
0x105: {  	s12 =	sadd.s32 $0x30B00, s11;
	[smem:$0x7CA] =	sst s29  }
0x106: {  	s19 =	sadd.s32 $0x30E80, s11;
	[smem:$0x7D5] =	sst s12  }
0x107: {  	s8 =	sadd.s32 $0x38780, s11;
	[smem:$0x7DC] =	sst s19  }
0x108: {  	s13 =	sadd.s32 $0x38980, s11;
	[smem:$0x7ED] =	sst s8  }
0x109: {  	s20 =	sadd.s32 $0x38C00, s11;
	[smem:$0x7F1] =	sst s13  }
0x10a: {  	v18 =	vimm.s32 $0xECA86420;
	s24 =	sadd.s32 $0x38C80, s11;
	[smem:$0x7F6] =	sst s20  }
0x10b: {  	v16 =	vlaneseq.u32;
	v17 =	vimm.s32 $0x0;
	vm0 =	vcmask $0xB08;
	s25 =	sadd.s32 $0x38D00, s11;
	[smem:$0x7F7] =	sst s24  }
0x10c: {  	vm1 =	vcmask $0x1310;
	vm2 =	vcmask $0x1B18;
	vm3 =	vcmask $0x300;
	s4 =	sadd.s32 $0x20B80, s11;
	[smem:$0x7F8] =	sst s25  }
0x10d: {  	vm4 =	vcmask $0x2320;
	vm5 =	vcmask $0x2B28;
	vm6 =	vcmask $0x3330;
	s9 =	sadd.s32 $0x28C00, s11;
	[smem:$0x798] =	sst s4  }
0x10e: {  	vm7 =	vcmask $0x3B38;
	vm8 =	vmmov $0xff;
	vm11 =	vcmask $0x704;
	s3 =	sadd.s32 $0x30700, s11;
	[smem:$0x7B8] =	sst s9  }
0x10f: {  	vm12 =	vcmask $0xF0C;
	vm13 =	vcmask $0x1714;
	vm14 =	vcmask $0x1F1C;
	s5 =	sadd.s32 $0x30800, s11;
	[smem:$0x7CD] =	sst s3  }
0x110: {  	vm15 =	vcmask $0x2724;
	vm9 =	vcmask $0x2F2C;
	vm10 =	vcmask $0x3734;
	p0 =	seq.s32 s1, $0x0;
	s26 =	sadd.s32 $0x38280, s11;
	[smem:$0x7CF] =	sst s5  }
0x111: {  	v18 =	vunpack.c.l.s4.s8 v18;
	v19 =	vmul.u32 $0x2, v16;
	v20 =	vor.u32 $0x10, v16;
	s15 =	simm.s32 $0x129F0;
	s29 =	sadd.s32 $0x38380, s11;
	[smem:$0x7E3] =	sst s26  }
0x112: {  	v21 =	vor.u32 $0x20, v16;
	v22 =	vor.u32 $0x30, v16;
	v23 =	vor.u32 $0x40, v16;
	s18 =	simm.s32 $0x10;
	s12 =	sadd.s32 $0x38900, s11;
	[smem:$0x7E5] =	sst s29  }
0x113: {  	v24 =	vor.u32 $0x50, v16;
	v25 =	vor.u32 $0x60, v16;
	v26 =	vor.u32 $0x70, v16;
	s16 =	simm.s32 $0x0;
	s4 =	sadd.s32 $0x28980, s11;
	[smem:$0x7F0] =	sst s12  }
0x114: {  	v27 =	vor.u32 $0x80, v16;
	v28 =	vor.u32 $0x90, v16;
	v0 =	vmov s0;
	s21 =	simm.s32 $0x12580;
	s9 =	sadd.s32 $0x30A00, s11;
	[smem:$0x7B3] =	sst s4  }
0x115: {  	v29 =	vor.u32 $0xA0, v16;
	v30 =	vor.u32 $0xB0, v16;
	v0 =	vshll.u32 v0, $0x6;
	s22 =	simm.s32 $0x12A00;
	s3 =	sadd.s32 $0x38500, s11;
	[smem:$0x7D3] =	sst s9  }
0x116: {  	v31 =	vor.u32 $0xC0, v16;
	v32 =	vor.u32 $0xD0, v16;
	v0 =	vbroadcast v0, $0x0;
	s23 =	simm.s32 $0x12500;
	s5 =	sadd.s32 $0x38600, s11;
	[smem:$0x7E8] =	sst s3  }
0x117: {  	v33 =	vor.u32 $0xE0, v16;
	v34 =	vor.u32 $0xF0, v16;
	v18 =	vunpack.c.0.s8.s32 v18;
	s17 =	simm.s32 $0x12A80;
	s26 =	sadd.s32 $0x38F80, s11;
	[smem:$0x7EA] =	sst s5  }
.Ltmp0:
0x118: {  	v1 =	vor.u32 $0x40, v0;
	v2 =	vor.u32 $0x80, v0;
	v3 =	vor.u32 $0xC0, v0;
	s29 =	sadd.s32 $0x38E80, s11;
	[smem:$0x7F9] =	sst s26;
	(pc) =	sbr.rel .LBB2_1-.Ltmp0, $4  }
0x119: {  	v4 =	vor.u32 $0x100, v0;
	v5 =	vor.u32 $0x140, v0;
	v6 =	vor.u32 $0x180, v0;
	s19 =	simm.s32 $0x880;
	s4 =	sadd.s32 $0x30780, s11;
	[smem:$0x7FB] =	sst s29  }
0x11a: {  	v7 =	vor.u32 $0x1C0, v0;
	v8 =	vor.u32 $0x200, v0;
	v9 =	vor.u32 $0x240, v0;
	s8 =	simm.s32 $0x4;
	s9 =	sadd.s32 $0x38800, s11;
	[smem:$0x7CE] =	sst s4  }
0x11b: {  	v10 =	vor.u32 $0x280, v0;
	v11 =	vor.u32 $0x2C0, v0;
	v12 =	vor.u32 $0x300, v0;
	s13 =	simm.s32 $0x2180;
	s4 =	sadd.s32 $0x38580, s11;
	[smem:$0x7EE] =	sst s9  }
0x11c: {  	v13 =	vor.u32 $0x340, v0;
	v14 =	vor.u32 $0x380, v0;
	v15 =	vor.u32 $0x3C0, v0;
	s12 =	simm.s32 $0x12980;
	s9 =	simm.s32 $0x1;
	[smem:$0x7E9] =	sst s4  }
.LBB2_19:
0x11d: {  	s8 =	smov.u32 s7;
	s15 =	simm.s32 $0x129F0  }
.LBB2_24:
0x11e: {  	_ =	sdelay $0x4  }
0x11f: {  	[tilespmem:v36+s13+$0x0] =	vst.idx.msk @p1 vm9, v37  }
0x120: {  	v36 =	vld.idx.msk [tilespmem:v35+s10+$0x0], $0xffff  }
0x121: {  	s3 =	sadd.s32 @p1 $0xFFFFFFF0, s8  }
0x122: {  	s7 =	smov.u32 @p1 s3  }
0x123: {  	v56 =	vmov s7;
	v57 =	vld.idx.msk [tilespmem:v35+s11+$0x0], $0xffff  }
0x124: {  	vm9 =	vgt.s32 v56, v16  }
0x125: {  	v36 =	vnsel vm9, $0x0, v36  }
0x126: {  	v58 =	vadd.s32 v0, v36;
	_ =	sdelay $0x1  }
0x127: {  	v35 =	vnsel vm9, $0x0, v57  }
0x128: {  	v38 =	vshll.u32 v35, $0x3  }
0x129: {  	v35 =	vand.u32 $0x7F, v35;
	v38 =	vand.u32 $0xFFFFFC00, v38  }
0x12a: {  	v35 =	vor.u32 v35, v38;
	v37 =	vld.idx.msk [tilespmem:v58+s17+$0x0], $0xffff  }
0x12b: {  	v59 =	vadd.s32 v36, v1;
	_ =	sdelay $0x3  }
0x12c: {  	[tilespmem:v35+s13+$0x0] =	vst.idx.msk vm9, v37  }
0x12d: {  	v60 =	vor.u32 $0x80, v35;
	v37 =	vld.idx.msk [tilespmem:v59+s17+$0x0], $0xffff  }
0x12e: {  	v39 =	vadd.s32 v36, v2;
	_ =	sdelay $0x3  }
0x12f: {  	[tilespmem:v60+s13+$0x0] =	vst.idx.msk vm9, v37  }
0x130: {  	v61 =	vor.u32 $0x100, v35;
	v37 =	vld.idx.msk [tilespmem:v39+s17+$0x0], $0xffff  }
0x131: {  	v62 =	vadd.s32 v36, v3;
	_ =	sdelay $0x3  }
0x132: {  	[tilespmem:v61+s13+$0x0] =	vst.idx.msk vm9, v37  }
0x133: {  	v63 =	vor.u32 $0x180, v35;
	v37 =	vld.idx.msk [tilespmem:v62+s17+$0x0], $0xffff  }
0x134: {  	v42 =	vadd.s32 v36, v4;
	_ =	sdelay $0x3  }
0x135: {  	[tilespmem:v63+s13+$0x0] =	vst.idx.msk vm9, v37  }
0x136: {  	v43 =	vor.u32 $0x200, v35;
	v37 =	vld.idx.msk [tilespmem:v42+s17+$0x0], $0xffff  }
0x137: {  	v44 =	vadd.s32 v36, v5;
	_ =	sdelay $0x3  }
0x138: {  	[tilespmem:v43+s13+$0x0] =	vst.idx.msk vm9, v37  }
0x139: {  	v45 =	vor.u32 $0x280, v35;
	v37 =	vld.idx.msk [tilespmem:v44+s17+$0x0], $0xffff  }
0x13a: {  	v46 =	vadd.s32 v36, v6;
	_ =	sdelay $0x3  }
0x13b: {  	[tilespmem:v45+s13+$0x0] =	vst.idx.msk vm9, v37  }
0x13c: {  	v47 =	vor.u32 $0x300, v35;
	v37 =	vld.idx.msk [tilespmem:v46+s17+$0x0], $0xffff  }
0x13d: {  	v48 =	vadd.s32 v36, v7;
	_ =	sdelay $0x3  }
0x13e: {  	[tilespmem:v47+s13+$0x0] =	vst.idx.msk vm9, v37  }
0x13f: {  	v49 =	vor.u32 $0x380, v35;
	v37 =	vld.idx.msk [tilespmem:v48+s17+$0x0], $0xffff  }
0x140: {  	v50 =	vadd.s32 v36, v8;
	_ =	sdelay $0x3  }
0x141: {  	[tilespmem:v49+s13+$0x0] =	vst.idx.msk vm9, v37  }
0x142: {  	v51 =	vadd.s32 $0x4000, v35;
	v37 =	vld.idx.msk [tilespmem:v50+s17+$0x0], $0xffff  }
0x143: {  	v52 =	vadd.s32 v36, v9;
	_ =	sdelay $0x3  }
0x144: {  	[tilespmem:v51+s13+$0x0] =	vst.idx.msk vm9, v37  }
0x145: {  	v53 =	vadd.s32 $0x4080, v35;
	v37 =	vld.idx.msk [tilespmem:v52+s17+$0x0], $0xffff  }
0x146: {  	v54 =	vadd.s32 v36, v10;
	_ =	sdelay $0x3  }
0x147: {  	[tilespmem:v53+s13+$0x0] =	vst.idx.msk vm9, v37  }
0x148: {  	v55 =	vadd.s32 $0x4100, v35;
	v37 =	vld.idx.msk [tilespmem:v54+s17+$0x0], $0xffff  }
0x149: {  	v56 =	vadd.s32 v36, v11;
	_ =	sdelay $0x3  }
0x14a: {  	[tilespmem:v55+s13+$0x0] =	vst.idx.msk vm9, v37  }
0x14b: {  	v57 =	vadd.s32 $0x4180, v35;
	v37 =	vld.idx.msk [tilespmem:v56+s17+$0x0], $0xffff  }
0x14c: {  	v58 =	vadd.s32 v36, v12;
	_ =	sdelay $0x3  }
0x14d: {  	[tilespmem:v57+s13+$0x0] =	vst.idx.msk vm9, v37  }
0x14e: {  	v59 =	vadd.s32 $0x4200, v35;
	v37 =	vld.idx.msk [tilespmem:v58+s17+$0x0], $0xffff  }
0x14f: {  	v60 =	vadd.s32 v36, v13;
	_ =	sdelay $0x3  }
0x150: {  	[tilespmem:v59+s13+$0x0] =	vst.idx.msk vm9, v37  }
0x151: {  	v61 =	vadd.s32 $0x4280, v35;
	v37 =	vld.idx.msk [tilespmem:v60+s17+$0x0], $0xffff  }
0x152: {  	v62 =	vadd.s32 v36, v14;
	_ =	sdelay $0x3  }
0x153: {  	[tilespmem:v61+s13+$0x0] =	vst.idx.msk vm9, v37  }
0x154: {  	v63 =	vadd.s32 $0x4300, v35;
	v37 =	vld.idx.msk [tilespmem:v62+s17+$0x0], $0xffff  }
0x155: {  	v36 =	vadd.s32 v36, v15;
	_ =	sdelay $0x3  }
0x156: {  	[tilespmem:v63+s13+$0x0] =	vst.idx.msk vm9, v37  }
0x157: {  	v35 =	vadd.s32 $0x4380, v35;
	v36 =	vld.idx.msk [tilespmem:v36+s17+$0x0], $0xffff;
	_ =	sdelay $0x4  }
0x158: {  	s16 =	sld [smem:$0x704];
	[tilespmem:v35+s13+$0x0] =	vst.idx.msk vm9, v36  }
.LBB2_25:
0x159: {  	s3 =	rddreg [dreg:$0x1f];
	s7 =	simm.s32 $0x10000;
	s8 =	simm.s32 $0x4000  }
0x15a: {  	[hbm4b:s3+s8] =	stream.strided.scatter [tilespmem:s13], [sflag:$0x4], $0x8000, s7, s8, $0x38;
	[tilespmem:$0x1B280] =	vst v63  }
0x15b: {  	s8 =	simm.s32 $0x4  }
0x15c: {  	_ =	swait.ge [sflag:s8], $0x8000  }
0x15d: {  	s31 =	sld [smem:$0x705];
	_ =	sdelay $0x1  }
0x15e: {  	s16 =	sadd.s32 $0x1, s16  }
0x15f: {  	p1 =	sne.s32 s16, s31  }
.Ltmp1:
0x160: {  	_ = 	snop;
	(pc) =	sbr.rel @!p1 .LBB2_26-.Ltmp1, $3  }
0x161: {  	_ =	sdelay $0x1  }
0x162: {  	[sflag:s8] =	ssyncset.done $0x0  }
0x163: {  	vm9 =	vcmask $0x2F2C;
	[sflag:s8] =	ssyncadd.s32 $0xFFFF8000  }
.LBB2_1:
0x164: {  	_ =	sdelay $0x2  }
0x165: {  	[smem:$0x704] =	sst s16;
	s0 =	simm.s32 $0x0  }
0x166: {  	s3 =	rddreg [dreg:$0x13];
	s7 =	simm.s32 $0x8;
	[tilespmem:v16+s0+$0x0] =	vst.idx.msk $0xffff, v17  }
0x167: {  	[tilespmem:s7], [sflag:$0x4] =	stream.linear.gather [hbm4b:s3+s0], $0x800, $0x38;
	[tilespmem:$0x1B280] =	vst v63  }
0x168: {  	_ =	swait.ge [sflag:s8], $0x800  }
0x169: {  	[sflag:s8] =	ssyncset.done $0x0  }
0x16a: {  	s7 =	simm.s32 @!p0 $0x0;
	s3 =	rddreg [dreg:$0x14];
	[sflag:s8] =	ssyncadd.s32 $0xFFFFF800  }
0x16b: {  	[tilespmem:s7], [sflag:$0x4] =	stream.linear.gather @!p0 [hbm4b:s3+s7], $0x8, $0x38;
	[tilespmem:$0x1B280] =	vst v63  }
0x16c: {  	s7 =	simm.s32 @!p0 $0x4  }
0x16d: {  	_ =	swait.ge @!p0 [sflag:s7], $0x8  }
0x16e: {  	[sflag:s7] =	ssyncset.done @!p0 $0x0  }
0x16f: {  	[sflag:s7] =	ssyncadd.s32 @!p0 $0xFFFFFFF8  }
0x170: {  	s31 =	rddreg [dreg:$0x2]  }
0x171: {  	[tilespmem:s17], [sflag:$0x4] =	stream.linear.gather [hbm4b:s31+s0], $0x800, $0x38;
	[tilespmem:$0x1B280] =	vst v63  }
0x172: {  	_ =	swait.ge [sflag:s8], $0x800  }
0x173: {  	[sflag:s8] =	ssyncset.done $0x0  }
0x174: {  	s30 =	simm.s32 $0x0;
	[sflag:s8] =	ssyncadd.s32 $0xFFFFF800  }
.LBB2_2:
0x175: {  	s7 =	sadd.s32 $0x7, s30  }
0x176: {  	v35 =	vadd.s32 s7, v16;
	_ =	sdelay $0x3  }
0x177: {  	s11 =	simm.s32 $0x0  }
0x178: {  	v35 =	vld.idx.msk [tilespmem:v35+s11+$0x0], $0xffff;
	_ =	sdelay $0x4  }
0x179: {  	(v2sf) =	vpush v35, $0xD;
	_ =	sdelay $0x1  }
0x17a: {  	(v2sf) =	vpush v35, $0xC;
	_ =	sdelay $0x1  }
0x17b: {  	(v2sf) =	vpush v35, $0xE;
	_ =	sdelay $0x1  }
0x17c: {  	(v2sf) =	vpush v35, $0xF;
	_ =	sdelay $0x1  }
0x17d: {  	(v2sf) =	vpush v35, $0x9;
	_ =	sdelay $0x1  }
0x17e: {  	(v2sf) =	vpush v35, $0x8;
	_ =	sdelay $0x1  }
0x17f: {  	(v2sf) =	vpush v35, $0xA;
	_ =	sdelay $0x1  }
0x180: {  	(v2sf) =	vpush v35, $0xB  }
0x181: {  	(v2sf) =	vpush v35, $0x0;
	s24 =	spop (v2sf)  }
0x182: {  	(v2sf) =	vpush v35, $0x1;
	s1 =	smulhi.u32 $0x10624DD3, s24;
	s7 =	sshra.s32 s24, $0x1F  }
0x183: {  	s25 =	spop (v2sf);
	s4 =	smul.u32 $0x10624DD3, s7  }
0x184: {  	s3 =	smulhi.u32 $0x10624DD3, s25;
	s7 =	sshra.s32 s25, $0x1F  }
0x185: {  	s26 =	spop (v2sf);
	s6 =	smul.u32 $0x10624DD3, s7  }
0x186: {  	s5 =	smulhi.u32 $0x10624DD3, s26;
	s7 =	sshra.s32 s26, $0x1F  }
0x187: {  	(v2sf) =	vpush v35, $0x2;
	s28 =	spop (v2sf);
	s0 =	smul.u32 $0x10624DD3, s7  }
0x188: {  	s10 =	smulhi.u32 $0x10624DD3, s28;
	s7 =	sshra.s32 s28, $0x1F  }
0x189: {  	s8 =	sadd.s32 $0x8, s30;
	(v2sf) =	vpush v35, $0x3;
	s29 =	spop (v2sf);
	s17 =	smul.u32 $0x10624DD3, s7  }
0x18a: {  	v36 =	vadd.s32 s8, v16;
	s16 =	smulhi.u32 $0x10624DD3, s29;
	s7 =	sshra.s32 s29, $0x1F  }
0x18b: {  	s31 =	spop (v2sf);
	s25 =	smul.u32 $0x10624DD3, s7  }
0x18c: {  	(v2sf) =	vpush v35, $0x4;
	s24 =	smulhi.u32 $0x10624DD3, s31;
	s7 =	sshra.s32 s31, $0x1F  }
0x18d: {  	s8 =	spop (v2sf);
	s26 =	smul.u32 $0x10624DD3, s7  }
0x18e: {  	(v2sf) =	vpush v35, $0x5;
	s20 =	smulhi.u32 $0x10624DD3, s8;
	s7 =	sshra.s32 s8, $0x1F  }
0x18f: {  	v36 =	vld.idx.msk [tilespmem:v36+s11+$0x0], $0xffff;
	s11 =	spop (v2sf);
	s7 =	smul.u32 $0x10624DD3, s7  }
0x190: {  	(v2sf) =	vpush v35, $0x6;
	s14 =	smulhi.u32 $0x10624DD3, s11;
	s28 =	spop (v2sf)  }
0x191: {  	s31 =	spop (v2sf);
	[smem:$0x6AD] =	sst s7;
	s7 =	sshra.s32 s11, $0x1F  }
0x192: {  	s8 =	sshra.s32 s31, $0x1F;
	s7 =	smul.u32 $0x10624DD3, s7  }
0x193: {  	(v2sf) =	vpush v35, $0x7;
	[smem:$0x6AE] =	sst s14;
	s14 =	smul.u32 $0x10624DD3, s8  }
0x194: {  	s29 =	smulhi.u32 $0x10624DD3, s28;
	[smem:$0x6AF] =	sst s7  }
0x195: {  	(v2sf) =	vpush v36, $0xD;
	s11 =	smulhi.u32 $0x10624DD3, s31;
	s7 =	sshra.s32 s28, $0x1F;
	[smem:$0x6B3] =	sst s14  }
0x196: {  	(v2sf) =	vpush v36, $0xC;
	s14 =	spop (v2sf);
	s7 =	smul.u32 $0x10624DD3, s7  }
0x197: {  	[smem:$0x6B0] =	sst s29;
	s8 =	smulhi.u32 $0x10624DD3, s14;
	s14 =	sshra.s32 s14, $0x1F  }
0x198: {  	(v2sf) =	vpush v36, $0xE;
	s29 =	spop (v2sf);
	s28 =	smul.u32 $0x10624DD3, s14  }
0x199: {  	s14 =	smulhi.u32 $0x10624DD3, s29;
	[smem:$0x6B1] =	sst s7;
	s7 =	sshra.s32 s29, $0x1F  }
0x19a: {  	[smem:$0x6E5] =	sst s30;
	s7 =	smul.u32 $0x10624DD3, s7  }
0x19b: {  	[smem:$0x6B4] =	sst s28;
	s31 =	spop (v2sf)  }
0x19c: {  	(v2sf) =	vpush v36, $0xF;
	[smem:$0x6B5] =	sst s7;
	s28 =	smulhi.u32 $0x10624DD3, s31;
	s7 =	sshra.s32 s31, $0x1F  }
0x19d: {  	(v2sf) =	vpush v36, $0x9;
	s29 =	spop (v2sf);
	s7 =	smul.u32 $0x10624DD3, s7  }
0x19e: {  	[smem:$0x6B2] =	sst s11;
	s31 =	smulhi.u32 $0x10624DD3, s29  }
0x19f: {  	[smem:$0x6B6] =	sst s28;
	s28 =	spop (v2sf)  }
0x1a0: {  	[smem:$0x6B7] =	sst s7;
	s7 =	sshra.s32 s29, $0x1F;
	s29 =	smulhi.u32 $0x10624DD3, s28  }
0x1a1: {  	[smem:$0x6B8] =	sst s31;
	s7 =	smul.u32 $0x10624DD3, s7  }
0x1a2: {  	s31 =	spop (v2sf);
	[smem:$0x6BA] =	sst s29  }
0x1a3: {  	[smem:$0x6B9] =	sst s7;
	s7 =	sshra.s32 s28, $0x1F;
	s28 =	smulhi.u32 $0x10624DD3, s31  }
0x1a4: {  	s29 =	spop (v2sf);
	s7 =	smul.u32 $0x10624DD3, s7  }
0x1a5: {  	(v2sf) =	vpush v36, $0x8;
	[smem:$0x6BC] =	sst s28;
	s28 =	spop (v2sf)  }
0x1a6: {  	[smem:$0x6BB] =	sst s7;
	s7 =	sshra.s32 s31, $0x1F;
	s31 =	smulhi.u32 $0x10624DD3, s29  }
0x1a7: {  	s11 =	sadd.s32 s4, s1;
	s4 =	spop (v2sf);
	s7 =	smul.u32 $0x10624DD3, s7  }
0x1a8: {  	s30 =	sadd.s32 s0, s5;
	s5 =	smulhi.u32 $0x10624DD3, s4;
	[smem:$0x6BE] =	sst s31  }
0x1a9: {  	s31 =	smulhi.u32 $0x10624DD3, s28;
	[smem:$0x6BD] =	sst s7;
	s7 =	sshra.s32 s29, $0x1F  }
0x1aa: {  	s29 =	sadd.s32 s6, s3;
	[smem:$0x6C2] =	sst s5;
	s7 =	smul.u32 $0x10624DD3, s7  }
0x1ab: {  	s6 =	spop (v2sf);
	[smem:$0x6C0] =	sst s31;
	s31 =	sadd.s32 s26, s24  }
0x1ac: {  	(v2sf) =	vpush v36, $0xA;
	s26 =	spop (v2sf);
	[smem:$0x6BF] =	sst s7;
	s7 =	sshra.s32 s28, $0x1F  }
0x1ad: {  	s28 =	sadd.s32 s17, s10;
	s17 =	sld [smem:$0x6AD];
	s5 =	smulhi.u32 $0x10624DD3, s26  }
0x1ae: {  	s3 =	smul.u32 $0x10624DD3, s7;
	s7 =	sshra.s32 s4, $0x1F;
	s4 =	sld [smem:$0x6AF]  }
0x1af: {  	s10 =	sadd.s32 s25, s16;
	s16 =	smulhi.u32 $0x10624DD3, s6;
	[smem:$0x6C4] =	sst s5  }
0x1b0: {  	s25 =	smul.u32 $0x10624DD3, s7;
	s7 =	sshra.s32 s6, $0x1F;
	s6 =	sld [smem:$0x6B0]  }
0x1b1: {  	(v2sf) =	vpush v36, $0xB;
	[smem:$0x6C1] =	sst s3  }
0x1b2: {  	s24 =	smul.u32 $0x10624DD3, s7;
	s3 =	sld [smem:$0x6AE]  }
0x1b3: {  	s20 =	sadd.s32 s17, s20;
	s17 =	sld [smem:$0x6B1]  }
0x1b4: {  	s7 =	sshra.s32 s26, $0x1F;
	s26 =	spop (v2sf);
	[smem:$0x6C3] =	sst s24  }
0x1b5: {  	s5 =	smulhi.u32 $0x10624DD3, s26;
	s0 =	sadd.s32 s4, s3;
	s3 =	sld [smem:$0x6B2]  }
0x1b6: {  	s4 =	sld [smem:$0x6B3]  }
0x1b7: {  	[smem:$0x6C6] =	sst s5  }
0x1b8: {  	s24 =	smul.u32 $0x10624DD3, s7;
	s1 =	sadd.s32 s17, s6;
	s6 =	sld [smem:$0x6B4]  }
0x1b9: {  	(v2sf) =	vpush v36, $0x0;
	s7 =	sshra.s32 s26, $0x1F;
	s17 =	sld [smem:$0x6B5]  }
0x1ba: {  	s7 =	smul.u32 $0x10624DD3, s7;
	[smem:$0x6C5] =	sst s24  }
0x1bb: {  	s24 =	sadd.s32 s4, s3;
	s3 =	sadd.s32 s6, s8;
	s8 =	spop (v2sf)  }
0x1bc: {  	[smem:$0x6C7] =	sst s7;
	s26 =	smulhi.u32 $0x10624DD3, s8  }
0x1bd: {  	s4 =	sadd.s32 s17, s14;
	s17 =	sld [smem:$0x6B8];
	s7 =	sshra.s32 s8, $0x1F  }
0x1be: {  	s8 =	smul.u32 $0x10624DD3, s7;
	[smem:$0x6C8] =	sst s26  }
0x1bf: {  	s26 =	sld [smem:$0x6B9]  }
0x1c0: {  	s14 =	spop (v2sf);
	[smem:$0x6C9] =	sst s8  }
0x1c1: {  	s7 =	sshra.s32 s14, $0x1F;
	s8 =	smulhi.u32 $0x10624DD3, s14;
	s14 =	sld [smem:$0x6BA]  }
0x1c2: {  	s26 =	sadd.s32 s26, s17;
	s17 =	sld [smem:$0x6BB]  }
0x1c3: {  	(v2sf) =	vpush v36, $0x1;
	s5 =	sld [smem:$0x6B6]  }
0x1c4: {  	[smem:$0x6D0] =	sst s0  }
0x1c5: {  	s0 =	sadd.s32 s17, s14;
	s14 =	sld [smem:$0x6BC]  }
0x1c6: {  	s17 =	sld [smem:$0x6BD]  }
0x1c7: {  	[smem:$0x6CA] =	sst s8;
	s8 =	smul.u32 $0x10624DD3, s7  }
0x1c8: {  	s6 =	sld [smem:$0x6B7];
	s7 =	spop (v2sf)  }
0x1c9: {  	(v2sf) =	vpush v36, $0x2;
	[smem:$0x6CB] =	sst s8;
	s17 =	sadd.s32 s17, s14;
	s14 =	smulhi.u32 $0x10624DD3, s7  }
0x1ca: {  	s8 =	sld [smem:$0x6BE]  }
0x1cb: {  	[smem:$0x6CC] =	sst s14  }
0x1cc: {  	s14 =	sld [smem:$0x6BF];
	_ =	sdelay $0x1  }
0x1cd: {  	s5 =	sadd.s32 s6, s5;
	s7 =	sshra.s32 s7, $0x1F  }
0x1ce: {  	s7 =	smul.u32 $0x10624DD3, s7;
	s6 =	sadd.s32 s14, s8;
	s8 =	sld [smem:$0x6C0]  }
0x1cf: {  	s14 =	sld [smem:$0x6C1]  }
0x1d0: {  	[smem:$0x6CD] =	sst s7  }
0x1d1: {  	s7 =	spop (v2sf);
	[smem:$0x6DB] =	sst s6  }
0x1d2: {  	s6 =	sadd.s32 s14, s8;
	s14 =	smulhi.u32 $0x10624DD3, s7;
	s8 =	sld [smem:$0x6C2]  }
0x1d3: {  	[smem:$0x6D8] =	sst s6  }
0x1d4: {  	s7 =	sshra.s32 s7, $0x1F;
	[smem:$0x6CE] =	sst s14  }
0x1d5: {  	s14 =	smul.u32 $0x10624DD3, s7;
	s6 =	sadd.s32 s25, s8;
	s8 =	sld [smem:$0x6C3]  }
0x1d6: {  	[smem:$0x6DD] =	sst s6  }
0x1d7: {  	s25 =	spop (v2sf);
	[smem:$0x6CF] =	sst s14  }
0x1d8: {  	(v2sf) =	vpush v36, $0x3;
	s7 =	sshra.s32 s25, $0x1F;
	s14 =	sld [smem:$0x6C4]  }
0x1d9: {  	s6 =	sadd.s32 s8, s16;
	s16 =	smulhi.u32 $0x10624DD3, s25;
	s25 =	sld [smem:$0x6C5]  }
0x1da: {  	s8 =	sld [smem:$0x6C6]  }
0x1db: {  	[smem:$0x6DE] =	sst s6  }
0x1dc: {  	s6 =	sadd.s32 s25, s14;
	s25 =	sld [smem:$0x6C7];
	_ =	sdelay $0x1  }
0x1dd: {  	[smem:$0x6DC] =	sst s6  }
0x1de: {  	s6 =	sadd.s32 s25, s8;
	s25 =	sld [smem:$0x6C8]  }
0x1df: {  	[smem:$0x6D9] =	sst s6  }
0x1e0: {  	s6 =	sld [smem:$0x6C9];
	_ =	sdelay $0x1  }
0x1e1: {  	[smem:$0x6ED] =	sst s0  }
0x1e2: {  	s25 =	sadd.s32 s6, s25;
	s6 =	sld [smem:$0x6CA]  }
0x1e3: {  	s14 =	smul.u32 $0x10624DD3, s7;
	[smem:$0x6DF] =	sst s25  }
0x1e4: {  	s25 =	sld [smem:$0x6CB]  }
0x1e5: {  	[smem:$0x6EE] =	sst s17;
	s7 =	spop (v2sf);
	s14 =	sadd.s32 s14, s16  }
0x1e6: {  	s8 =	smulhi.u32 $0x10624DD3, s7;
	s7 =	sshra.s32 s7, $0x1F;
	[smem:$0x6E4] =	sst s14  }
0x1e7: {  	s7 =	smul.u32 $0x10624DD3, s7;
	s25 =	sadd.s32 s25, s6;
	s6 =	sld [smem:$0x6CC]  }
0x1e8: {  	[smem:$0x6E1] =	sst s25  }
0x1e9: {  	s7 =	sadd.s32 s7, s8;
	s25 =	sld [smem:$0x6CD]  }
0x1ea: {  	s8 =	sshra.s32 s11, $0x6;
	[smem:$0x6E6] =	sst s7  }
0x1eb: {  	[smem:$0x6D6] =	sst s8  }
0x1ec: {  	s25 =	sadd.s32 s25, s6;
	s6 =	sld [smem:$0x6CE]  }
0x1ed: {  	[smem:$0x6E2] =	sst s25  }
0x1ee: {  	s7 =	sshrl.u32 s11, $0x1F;
	s25 =	sld [smem:$0x6CF]  }
0x1ef: {  	s11 =	sshrl.u32 s29, $0x1F;
	[smem:$0x6D2] =	sst s7  }
0x1f0: {  	s14 =	sshrl.u32 s1, $0x1F;
	[smem:$0x6D1] =	sst s11;
	s7 =	sshrl.u32 s10, $0x1F  }
0x1f1: {  	s16 =	sshrl.u32 s3, $0x1F;
	v37 =	vmov s14;
	[smem:$0x6D3] =	sst s7;
	s25 =	sadd.s32 s25, s6  }
0x1f2: {  	v37 =	vnsel vm3, $0x0, v37;
	s8 =	sshrl.u32 s24, $0x1F;
	s6 =	sshrl.u32 s28, $0x1F;
	[smem:$0x6E3] =	sst s25  }
0x1f3: {  	s11 =	sshra.s32 s28, $0x6;
	v37 =	vsel vm0, s8, v37;
	s8 =	sshrl.u32 s31, $0x1F;
	[smem:$0x6D5] =	sst s6  }
0x1f4: {  	v37 =	vsel vm1, s16, v37;
	s28 =	sshrl.u32 s4, $0x1F;
	s6 =	sshra.s32 s31, $0x6;
	s31 =	sld [smem:$0x6D1]  }
0x1f5: {  	s25 =	sshra.s32 s29, $0x6;
	s29 =	sshrl.u32 s30, $0x1F;
	v37 =	vsel vm2, s28, v37;
	s28 =	sld [smem:$0x6D2]  }
0x1f6: {  	s7 =	sshrl.u32 s5, $0x1F;
	[smem:$0x6D4] =	sst s29;
	s29 =	sshra.s32 s30, $0x6  }
0x1f7: {  	s30 =	sshra.s32 s10, $0x6;
	s10 =	sld [smem:$0x6D0];
	v37 =	vsel vm4, s7, v37;
	s7 =	sshra.s32 s24, $0x1F  }
0x1f8: {  	(v2sf) =	vpush v36, $0x4;
	v39 =	vmov s8;
	s8 =	sshrl.u32 s26, $0x1F;
	v41 =	vmov s6;
	[smem:$0x6DA] =	sst s7  }
0x1f9: {  	(v2sf) =	vpush v36, $0x5;
	v37 =	vsel vm5, s8, v37;
	s8 =	sshra.s32 s1, $0x1F;
	v41 =	vsel vm0, s30, v41;
	s30 =	sld [smem:$0x6DD]  }
0x1fa: {  	(v2sf) =	vpush v36, $0x6;
	s7 =	sshra.s32 s3, $0x1F;
	v38 =	vmov s31;
	s31 =	sshra.s32 s1, $0x6;
	s1 =	sld [smem:$0x6D4]  }
0x1fb: {  	(v2sf) =	vpush v36, $0x7;
	s16 =	sshrl.u32 s20, $0x1F;
	s20 =	sshra.s32 s20, $0x6;
	[smem:$0x6E0] =	sst s7  }
0x1fc: {  	v41 =	vsel vm1, s20, v41;
	s20 =	sld [smem:$0x6D8]  }
0x1fd: {  	[smem:$0x6D7] =	sst s31  }
0x1fe: {  	s14 =	sshrl.u32 s10, $0x1F;
	s31 =	sld [smem:$0x6D3]  }
0x1ff: {  	s10 =	sshra.s32 s10, $0x6;
	v38 =	vsel vm0, s28, v38;
	s28 =	sshrl.u32 s0, $0x1F;
	s0 =	sld [smem:$0x6E1]  }
0x200: {  	v41 =	vsel vm2, s10, v41;
	s10 =	sld [smem:$0x6D9]  }
0x201: {  	v38 =	vsel vm1, s1, v38;
	s1 =	sshra.s32 s17, $0x1F;
	v39 =	vsel vm0, s31, v39;
	s31 =	sshra.s32 s24, $0x6;
	s24 =	sld [smem:$0x6D5]  }
0x202: {  	v37 =	vsel vm6, s28, v37;
	v42 =	vmov s1;
	s1 =	sld [smem:$0x6D7];
	v39 =	vsel vm1, s16, v39;
	s16 =	sshrl.u32 s17, $0x1F  }
0x203: {  	s17 =	sshra.s32 s3, $0x6;
	s3 =	sshra.s32 s4, $0x1F;
	v37 =	vsel vm7, s16, v37;
	s16 =	sld [smem:$0x6D6]  }
0x204: {  	v39 =	vsel vm2, s14, v39;
	s14 =	sshra.s32 s4, $0x6;
	[smem:$0x6E9] =	sst s3  }
0x205: {  	s4 =	sshra.s32 s5, $0x6;
	[smem:$0x6E8] =	sst s14  }
0x206: {  	[smem:$0x6EA] =	sst s4  }
0x207: {  	s28 =	spop (v2sf);
	v42 =	vsel vm3, s1, v42;
	s4 =	sshrl.u32 s20, $0x1F;
	s1 =	sld [smem:$0x6DF]  }
0x208: {  	v38 =	vsel vm2, s24, v38;
	s24 =	spop (v2sf);
	v42 =	vsel vm11, s8, v42;
	s8 =	sshra.s32 s5, $0x1F;
	v43 =	vmov s4;
	s4 =	sld [smem:$0x6DC]  }
0x209: {  	v40 =	vmov s25;
	s25 =	spop (v2sf);
	s5 =	sshrl.u32 s10, $0x1F;
	[smem:$0x6EB] =	sst s8  }
0x20a: {  	v40 =	vsel vm0, s16, v40;
	s6 =	spop (v2sf);
	v44 =	vmov s5;
	s5 =	sld [smem:$0x6DB]  }
0x20b: {  	v40 =	vsel vm1, s29, v40;
	s14 =	smulhi.u32 $0x10624DD3, s6;
	s7 =	sshra.s32 s6, $0x1F;
	s6 =	sld [smem:$0x6DA]  }
0x20c: {  	s20 =	sshra.s32 s20, $0x6;
	s29 =	sld [smem:$0x6DE];
	v40 =	vsel vm2, s11, v40;
	s11 =	sshrl.u32 s4, $0x1F  }
0x20d: {  	v42 =	vsel vm0, s31, v42;
	s3 =	smul.u32 $0x10624DD3, s7;
	s7 =	sshra.s32 s26, $0x6;
	v44 =	vsel vm0, s11, v44;
	s11 =	sld [smem:$0x6E0]  }
0x20e: {  	s10 =	sshra.s32 s10, $0x6;
	[smem:$0x6EC] =	sst s7;
	v42 =	vsel vm12, s6, v42;
	s6 =	sshrl.u32 s1, $0x1F  }
0x20f: {  	v45 =	vmov s20;
	s20 =	smulhi.u32 $0x10624DD3, s28;
	s16 =	sshra.s32 s28, $0x1F;
	v42 =	vsel vm1, s17, v42;
	v44 =	vsel vm1, s6, v44;
	s6 =	sld [smem:$0x6E3]  }
0x210: {  	s28 =	sshra.s32 s4, $0x6;
	s8 =	sshrl.u32 s5, $0x1F;
	v42 =	vsel vm13, s11, v42;
	s11 =	sld [smem:$0x6E2]  }
0x211: {  	s7 =	sshra.s32 s5, $0x6;
	v43 =	vsel vm0, s8, v43;
	s3 =	sadd.s32 s3, s14;
	s17 =	sshrl.u32 s30, $0x1F  }
0x212: {  	s31 =	sshrl.u32 s29, $0x1F;
	s8 =	sshra.s32 s3, $0x1F;
	v43 =	vsel vm1, s17, v43;
	s17 =	sshrl.u32 s0, $0x1F  }
0x213: {  	v63 =	vmov s10;
	v62 =	vmov s8;
	s8 =	sshra.s32 s24, $0x1F;
	v43 =	vsel vm2, s31, v43;
	s5 =	sshrl.u32 s6, $0x1F;
	s31 =	sshrl.u32 s11, $0x1F  }
0x214: {  	v40 =	vcombine.low v41, v40;
	v41 =	vsel vm0, s28, v63;
	s4 =	sshra.s32 s6, $0x6;
	s28 =	sshra.s32 s6, $0x1F;
	[smem:$0x6E7] =	sst s31  }
0x215: {  	v53 =	vsub.s32 $0x0, v36;
	v54 =	vsub.s32 $0x0, v35;
	v38 =	vcombine.low v39, v38;
	s6 =	sshra.s32 s0, $0x6;
	s14 =	sshra.s32 s11, $0x6;
	s31 =	sld [smem:$0x6E4]  }
0x216: {  	v61 =	vsel vm0, s7, v45;
	v44 =	vsel vm2, s17, v44;
	s0 =	smulhi.u32 $0x10624DD3, s24;
	s24 =	sld [smem:$0x6E8];
	s17 =	sshra.s32 s11, $0x1F;
	v45 =	vsel vm3, s14, v62  }
0x217: {  	v37 =	vperm.xlane v37, v19;
	v38 =	vperm.xlane v38, v18;
	s16 =	smul.u32 $0x10624DD3, s16;
	s11 =	sshra.s32 s30, $0x6;
	v48 =	vsel vm11, s17, v45;
	s17 =	sshra.s32 s1, $0x6  }
0x218: {  	v43 =	vcombine.low v44, v43;
	s1 =	sshra.s32 s29, $0x6;
	v44 =	vsel vm0, s4, v48;
	v41 =	vsel vm1, s17, v41;
	s17 =	sld [smem:$0x6E6];
	s10 =	sshrl.u32 s31, $0x1F  }
0x219: {  	v39 =	vsel vm1, s11, v61;
	v42 =	vsel vm2, s24, v42;
	v44 =	vsel vm12, s28, v44;
	s11 =	sshra.s32 s31, $0x6;
	s29 =	sshra.s32 s31, $0x1F;
	s31 =	sld [smem:$0x6E7]  }
0x21a: {  	s14 =	smul.u32 $0x10624DD3, s8;
	s24 =	sld [smem:$0x6EB];
	v39 =	vsel vm2, s1, v39;
	v41 =	vsel vm2, s6, v41;
	v44 =	vsel vm1, s11, v44  }
0x21b: {  	s16 =	sadd.s32 s16, s20;
	v37 =	vsel vm8, v37, v38;
	v39 =	vcombine.low v41, v39;
	v44 =	vsel vm13, s29, v44;
	s11 =	sshra.s32 s17, $0x6;
	s29 =	sld [smem:$0x6E9]  }
0x21c: {  	s20 =	sshra.s32 s16, $0x1F;
	v40 =	vperm.xlane v40, v18;
	s14 =	sadd.s32 s14, s0;
	v49 =	vmov s31;
	v44 =	vsel vm2, s11, v44;
	s11 =	sld [smem:$0x6EA]  }
0x21d: {  	v43 =	vperm.xlane v43, v18;
	s0 =	sld [smem:$0x6ED];
	s6 =	sshra.s32 s16, $0x6;
	s28 =	sshra.s32 s17, $0x1F;
	v39 =	vperm.xlane v39, v18;
	v41 =	vnsel vm3, $0x0, v49  }
0x21e: {  	s31 =	smulhi.u32 $0x10624DD3, s25;
	v44 =	vsel vm14, s28, v44;
	s28 =	sld [smem:$0x6EC];
	v42 =	vsel vm14, s29, v42;
	v41 =	vsel vm0, s5, v41;
	s5 =	sshra.s32 s25, $0x1F  }
0x21f: {  	s16 =	sshrl.u32 s16, $0x1F;
	s4 =	sshrl.u32 s17, $0x1F;
	v44 =	vsel vm4, s6, v44;
	v42 =	vsel vm4, s11, v42;
	v41 =	vsel vm1, s10, v41;
	s8 =	smul.u32 $0x10624DD3, s5  }
0x220: {  	s25 =	sshra.s32 s26, $0x1F;
	s26 =	sshra.s32 s14, $0x6;
	s29 =	sshrl.u32 s14, $0x1F;
	v44 =	vsel vm15, s20, v44;
	v42 =	vsel vm15, s24, v42;
	v41 =	vsel vm2, s4, v41  }
0x221: {  	v44 =	vsel vm5, s26, v44;
	v42 =	vsel vm5, s28, v42;
	v41 =	vsel vm4, s16, v41;
	s8 =	sadd.s32 s8, s31;
	s31 =	sshra.s32 s14, $0x1F;
	s16 =	sld [smem:$0x6EE]  }
0x222: {  	s1 =	sshra.s32 s0, $0x6;
	v42 =	vsel vm9, s25, v42;
	v41 =	vsel vm5, s29, v41;
	s4 =	sshrl.u32 s8, $0x1F;
	v44 =	vsel vm9, s31, v44;
	s5 =	sshra.s32 s8, $0x6  }
0x223: {  	s6 =	sshra.s32 s0, $0x1F;
	s10 =	sshrl.u32 s3, $0x1F;
	s11 =	sshra.s32 s8, $0x1F;
	v42 =	vsel vm6, s1, v42;
	v41 =	vsel vm6, s4, v41;
	v44 =	vsel vm6, s5, v44  }
0x224: {  	s14 =	sshra.s32 s3, $0x6;
	v42 =	vsel vm10, s6, v42;
	v41 =	vsel vm7, s10, v41;
	v44 =	vsel vm10, s11, v44;
	s17 =	sshra.s32 s16, $0x6  }
0x225: {  	v41 =	vperm.xlane v41, v19;
	v44 =	vsel vm7, s14, v44;
	v42 =	vsel vm7, s17, v42  }
0x226: {  	vm2 =	vmmov vm1;
	v44 =	vperm.xlane v44, v19;
	v42 =	vperm.xlane v42, v19  }
0x227: {  	vm1 =	vmmov vm0;
	vm0 =	vmmov vm8;
	vm10 =	vlt.s32 v36, $0x1  }
0x228: {  	v41 =	vsel vm8, v41, v43;
	v39 =	vsel vm8, v44, v39;
	v50 =	vsel vm8, v42, v40  }
0x229: {  	vm8 =	vmmov vm7;
	vm7 =	vmmov vm6;
	vm6 =	vmmov vm5  }
0x22a: {  	vm5 =	vmmov vm4;
	vm4 =	vmmov vm3;
	v39 =	vadd.s32 v41, v39  }
0x22b: {  	vm3 =	vmmov vm15;
	v37 =	vadd.s32 v37, v50;
	v51 =	vmul.u32 $0xFFFFFC18, v39  }
0x22c: {  	vm15 =	vmmov vm14;
	vm14 =	vmmov vm13;
	v52 =	vmul.u32 $0xFFFFFC18, v37  }
0x22d: {  	vm13 =	vmmov vm12;
	vm12 =	vmmov vm11;
	vm9 =	vne.s32 v51, v53  }
0x22e: {  	vm11 =	vne.s32 v52, v54;
	vm9 =	vmand vm10, vm9;
	vm10 =	vlt.s32 v35, $0x1  }
0x22f: {  	vm10 =	vmand vm10, vm11;
	v55 =	vsel vm9, $0xFFFFFFFF, v17  }
0x230: {  	v56 =	vsel vm10, $0xFFFFFFFF, v17;
	v38 =	vadd.s32 v55, v39  }
0x231: {  	v37 =	vadd.s32 v56, v37;
	v39 =	vmul.u32 $0xFFFFFC18, v38  }
0x232: {  	v40 =	vmul.u32 $0xFFFFFC18, v37  }
0x233: {  	v38 =	vmul.u32 $0x7ACD8, v38;
	v37 =	vmul.u32 $0xB9CA8, v37;
	v36 =	vadd.s32 v36, v39  }
0x234: {  	v35 =	vadd.s32 v35, v40;
	v36 =	vmul.u32 $0x9E37, v36  }
0x235: {  	v37 =	vadd.s32 v38, v37;
	v35 =	vmul.u32 $0x6A631, v35  }
0x236: {  	v36 =	vadd.s32 v36, v37  }
0x237: {  	v35 =	vadd.s32 v35, v36  }
0x238: {  	(v2sf) =	vpush v35, $0xD;
	_ =	sdelay $0x1  }
0x239: {  	(v2sf) =	vpush v35, $0xC;
	_ =	sdelay $0x1  }
0x23a: {  	(v2sf) =	vpush v35, $0xE;
	_ =	sdelay $0x1  }
0x23b: {  	(v2sf) =	vpush v35, $0xF;
	_ =	sdelay $0x1  }
0x23c: {  	(v2sf) =	vpush v35, $0x9;
	_ =	sdelay $0x1  }
0x23d: {  	(v2sf) =	vpush v35, $0x8  }
0x23e: {  	(v2sf) =	vpush v35, $0xA  }
0x23f: {  	(v2sf) =	vpush v35, $0xB;
	_ =	sdelay $0x2  }
0x240: {  	(v2sf) =	vpush v35, $0x0;
	s20 =	spop (v2sf)  }
0x241: {  	s1 =	smulhi.u32 $0x431BDE83, s20;
	s7 =	sshra.s32 s20, $0x1F  }
0x242: {  	s24 =	spop (v2sf);
	s3 =	smul.u32 $0x431BDE83, s7  }
0x243: {  	(v2sf) =	vpush v35, $0x1;
	s5 =	smulhi.u32 $0x431BDE83, s24;
	s8 =	sshra.s32 s24, $0x1F  }
0x244: {  	s25 =	spop (v2sf);
	s24 =	smul.u32 $0x431BDE83, s8  }
0x245: {  	(v2sf) =	vpush v35, $0x2;
	s4 =	smulhi.u32 $0x431BDE83, s25;
	s17 =	sshra.s32 s25, $0x1F  }
0x246: {  	s26 =	spop (v2sf);
	s10 =	smul.u32 $0x431BDE83, s17  }
0x247: {  	s6 =	smulhi.u32 $0x431BDE83, s26;
	s29 =	sshra.s32 s26, $0x1F  }
0x248: {  	s28 =	spop (v2sf);
	s25 =	smul.u32 $0x431BDE83, s29  }
0x249: {  	s11 =	smulhi.u32 $0x431BDE83, s28;
	s20 =	sshra.s32 s28, $0x1F  }
0x24a: {  	(v2sf) =	vpush v35, $0x3;
	s0 =	spop (v2sf);
	s16 =	smul.u32 $0x431BDE83, s20  }
0x24b: {  	(v2sf) =	vpush v35, $0x4;
	s5 =	sadd.s32 s24, s5;
	s31 =	spop (v2sf);
	s28 =	smulhi.u32 $0x431BDE83, s0  }
0x24c: {  	s14 =	sshra.s32 s0, $0x1F;
	s24 =	sshrl.u32 s5, $0x1F;
	s26 =	spop (v2sf)  }
0x24d: {  	s14 =	smul.u32 $0x431BDE83, s14;
	[smem:$0x6FC] =	sst s24  }
0x24e: {  	(v2sf) =	vpush v35, $0x5;
	s29 =	smulhi.u32 $0x431BDE83, s31;
	[smem:$0x6EF] =	sst s16  }
0x24f: {  	s7 =	sshra.s32 s31, $0x1F;
	s17 =	spop (v2sf);
	[smem:$0x6F0] =	sst s14  }
0x250: {  	(v2sf) =	vpush v35, $0x6;
	s3 =	sadd.s32 s3, s1;
	s7 =	smul.u32 $0x431BDE83, s7;
	[smem:$0x6F1] =	sst s29  }
0x251: {  	(v2sf) =	vpush v35, $0x7;
	s4 =	sadd.s32 s10, s4;
	s31 =	smulhi.u32 $0x431BDE83, s26;
	s10 =	sld [smem:$0x6EF]  }
0x252: {  	s8 =	sshra.s32 s26, $0x1F;
	s16 =	spop (v2sf);
	[smem:$0x6F2] =	sst s7  }
0x253: {  	[smem:$0x6F3] =	sst s31;
	s31 =	smul.u32 $0x431BDE83, s8;
	s7 =	sshrl.u32 s3, $0x1F  }
0x254: {  	s1 =	sadd.s32 s25, s6;
	s0 =	spop (v2sf);
	[smem:$0x6FD] =	sst s7  }
0x255: {  	s8 =	smulhi.u32 $0x431BDE83, s17;
	s17 =	sshra.s32 s17, $0x1F;
	[smem:$0x6F4] =	sst s31  }
0x256: {  	s31 =	smul.u32 $0x431BDE83, s17;
	s24 =	sadd.s32 s10, s11;
	s10 =	sld [smem:$0x6F0]  }
0x257: {  	s17 =	smulhi.u32 $0x431BDE83, s16;
	s16 =	sshra.s32 s16, $0x1F;
	s11 =	smov.u32 s0  }
0x258: {  	s7 =	smul.u32 $0x431BDE83, s16;
	s16 =	sshra.s32 s11, $0x1F;
	s11 =	sld [smem:$0x6F1]  }
0x259: {  	s14 =	spop (v2sf);
	s25 =	sadd.s32 s10, s28;
	s28 =	sld [smem:$0x6F2]  }
0x25a: {  	s29 =	spop (v2sf);
	[smem:$0x6F6] =	sst s7  }
0x25b: {  	s0 =	smulhi.u32 $0x431BDE83, s0;
	s7 =	sld [smem:$0x6F3]  }
0x25c: {  	s6 =	smulhi.u32 $0x431BDE83, s14;
	s10 =	sadd.s32 s28, s11;
	s11 =	sld [smem:$0x6F4]  }
0x25d: {  	s14 =	sshra.s32 s14, $0x1F;
	s20 =	spop (v2sf);
	[smem:$0x6F5] =	sst s31  }
0x25e: {  	s14 =	smul.u32 $0x431BDE83, s14;
	[smem:$0x6F9] =	sst s6  }
0x25f: {  	s26 =	spop (v2sf);
	s6 =	sadd.s32 s11, s7;
	s11 =	sld [smem:$0x6F5]  }
0x260: {  	[smem:$0x6F7] =	sst s0;
	s28 =	spop (v2sf)  }
0x261: {  	[smem:$0x6FA] =	sst s14;
	s14 =	smulhi.u32 $0x431BDE83, s28;
	s7 =	sshra.s32 s28, $0x1F  }
0x262: {  	s28 =	sld [smem:$0x6F6];
	s8 =	sadd.s32 s11, s8;
	s11 =	sshrl.u32 s24, $0x1F  }
0x263: {  	[smem:$0x701] =	sst s11  }
0x264: {  	s0 =	sshrl.u32 s1, $0x1F;
	s11 =	sld [smem:$0x6F7]  }
0x265: {  	s16 =	smul.u32 $0x431BDE83, s16;
	[smem:$0x6FE] =	sst s0  }
0x266: {  	[smem:$0x6F8] =	sst s14;
	s14 =	sadd.s32 s28, s17;
	s17 =	smul.u32 $0x431BDE83, s7  }
0x267: {  	s7 =	sld [smem:$0x6F9];
	s28 =	sadd.s32 s16, s11;
	s16 =	smulhi.u32 $0x431BDE83, s29  }
0x268: {  	s0 =	sshra.s32 s29, $0x1F;
	s29 =	sld [smem:$0x6F8]  }
0x269: {  	[smem:$0x6FB] =	sst s16;
	s16 =	sshrl.u32 s25, $0x1F  }
0x26a: {  	[smem:$0x700] =	sst s16  }
0x26b: {  	s11 =	sadd.s32 s17, s29;
	s17 =	sld [smem:$0x6FA]  }
0x26c: {  	s16 =	smul.u32 $0x431BDE83, s0;
	s0 =	sshrl.u32 s10, $0x1F;
	s29 =	sld [smem:$0x6FB]  }
0x26d: {  	vm11 =	vmmov vm12;
	[smem:$0x702] =	sst s0  }
0x26e: {  	vm12 =	vmmov vm13;
	vm13 =	vmmov vm14;
	vm14 =	vmmov vm15;
	s0 =	sshrl.u32 s6, $0x1F;
	s17 =	sadd.s32 s17, s7;
	s7 =	sshra.s32 s11, $0x1F  }
0x26f: {  	vm15 =	vmmov vm3;
	vm3 =	vmmov vm4;
	[smem:$0x703] =	sst s0;
	v57 =	vmov s7;
	s7 =	sshra.s32 s8, $0x12  }
0x270: {  	s0 =	sld [smem:$0x6FC];
	v36 =	vsel vm3, s7, v57;
	s7 =	sshrl.u32 s14, $0x1F  }
0x271: {  	[smem:$0x6FF] =	sst s7  }
0x272: {  	vm4 =	vmmov vm5;
	s7 =	sld [smem:$0x6FD]  }
0x273: {  	vm5 =	vmmov vm6;
	vm6 =	vmmov vm7;
	vm7 =	vmmov vm8  }
0x274: {  	vm8 =	vmmov vm0;
	vm0 =	vmmov vm1;
	s29 =	sadd.s32 s16, s29;
	s16 =	sshrl.u32 s8, $0x1F;
	v58 =	vmov s0  }
0x275: {  	vm1 =	vmmov vm2;
	s31 =	sshrl.u32 s4, $0x1F;
	s8 =	sshra.s32 s8, $0x1F;
	v59 =	vmov s16;
	s16 =	sshra.s32 s20, $0x1F;
	v37 =	vsel vm0, s7, v58  }
0x276: {  	s0 =	smulhi.u32 $0x431BDE83, s20;
	s20 =	sshra.s32 s14, $0x12;
	v36 =	vsel vm11, s8, v36;
	v37 =	vsel vm1, s31, v37;
	s31 =	sld [smem:$0x6FE]  }
0x277: {  	v36 =	vsel vm0, s20, v36;
	s20 =	sld [smem:$0x6FF]  }
0x278: {  	vm2 =	vcmask $0x1B18;
	s14 =	sshra.s32 s14, $0x1F  }
0x279: {  	v38 =	vnsel vm3, $0x0, v59;
	s7 =	sshra.s32 s26, $0x1F;
	v37 =	vsel vm2, s31, v37;
	s31 =	smulhi.u32 $0x431BDE83, s26;
	s26 =	sld [smem:$0x700]  }
0x27a: {  	v36 =	vsel vm12, s14, v36;
	s14 =	sshra.s32 s28, $0x12;
	v38 =	vsel vm0, s20, v38;
	s20 =	sld [smem:$0x701]  }
0x27b: {  	s16 =	smul.u32 $0x431BDE83, s16;
	s8 =	sshrl.u32 s28, $0x1F;
	v36 =	vsel vm1, s14, v36;
	s14 =	sshra.s32 s28, $0x1F  }
0x27c: {  	s28 =	sshrl.u32 s29, $0x1F;
	s7 =	smul.u32 $0x431BDE83, s7;
	v38 =	vsel vm1, s8, v38;
	s8 =	sshrl.u32 s17, $0x1F;
	v60 =	vmov s26  }
0x27d: {  	v36 =	vsel vm13, s14, v36;
	v38 =	vsel vm2, s8, v38;
	s8 =	sadd.s32 s16, s0;
	s0 =	sshra.s32 s17, $0x12;
	v39 =	vsel vm0, s20, v60;
	s20 =	sld [smem:$0x702]  }
0x27e: {  	v38 =	vsel vm4, s28, v38;
	s28 =	sshrl.u32 s8, $0x1F;
	v36 =	vsel vm2, s0, v36;
	s0 =	sld [smem:$0x703]  }
0x27f: {  	vm9 =	vcmask $0x2F2C;
	vm10 =	vcmask $0x3734;
	v38 =	vsel vm5, s28, v38;
	s28 =	sshra.s32 s5, $0x12;
	s7 =	sadd.s32 s7, s31;
	s31 =	sshra.s32 s17, $0x1F  }
0x280: {  	v61 =	vmov s28;
	v36 =	vsel vm14, s31, v36;
	s26 =	sshra.s32 s29, $0x12;
	s31 =	sshra.s32 s25, $0x12;
	v39 =	vsel vm1, s20, v39  }
0x281: {  	s5 =	sshra.s32 s24, $0x12;
	v36 =	vsel vm4, s26, v36;
	v62 =	vmov s31;
	s20 =	sshrl.u32 s7, $0x1F;
	v39 =	vsel vm2, s0, v39;
	s0 =	sshra.s32 s29, $0x1F  }
0x282: {  	s3 =	sshra.s32 s3, $0x12;
	s17 =	sshra.s32 s8, $0x12;
	v40 =	vsel vm0, s5, v62;
	v38 =	vsel vm6, s20, v38;
	v36 =	vsel vm15, s0, v36  }
0x283: {  	s24 =	sshra.s32 s10, $0x12;
	s8 =	sshra.s32 s8, $0x1F;
	s20 =	sshra.s32 s4, $0x12;
	v37 =	vcombine.low v39, v37;
	v39 =	vsel vm0, s3, v61;
	v36 =	vsel vm5, s17, v36  }
0x284: {  	s25 =	sshra.s32 s1, $0x12;
	s28 =	sshra.s32 s7, $0x12;
	s26 =	sshra.s32 s6, $0x12;
	v40 =	vsel vm1, s24, v40;
	v39 =	vsel vm1, s20, v39;
	v36 =	vsel vm9, s8, v36  }
0x285: {  	v40 =	vsel vm2, s26, v40;
	s7 =	sshra.s32 s7, $0x1F;
	s29 =	sshrl.u32 s11, $0x1F;
	v39 =	vsel vm2, s25, v39;
	v36 =	vsel vm6, s28, v36  }
0x286: {  	s31 =	sshra.s32 s11, $0x12;
	v38 =	vsel vm7, s29, v38;
	v39 =	vcombine.low v40, v39;
	v36 =	vsel vm10, s7, v36  }
0x287: {  	v38 =	vperm.xlane v38, v19;
	v37 =	vperm.xlane v37, v18;
	v36 =	vsel vm7, s31, v36  }
0x288: {  	v39 =	vperm.xlane v39, v18;
	v36 =	vperm.xlane v36, v19  }
0x289: {  	s30 =	sld [smem:$0x6E5]  }
0x28a: {  	v37 =	vsel vm8, v38, v37;
	v36 =	vsel vm8, v36, v39  }
0x28b: {  	v36 =	vadd.s32 v37, v36  }
0x28c: {  	v63 =	vor.u32 s30, v16;
	p1 =	sne.s32 s30, $0x7F0;
	v36 =	vmul.u32 $0xF4240, v36  }
.Ltmp2:
0x28d: {  	_ = 	snop;
	(pc) =	sbr.rel @p1 .LBB2_2-.Ltmp2, $4  }
0x28e: {  	v35 =	vsub.s32 v35, v36  }
0x28f: {  	vm9 =	vlt.s32 v35, $0x0;
	v36 =	vadd.s32 $0xF4240, v35  }
0x290: {  	v35 =	vsel vm9, v36, v35  }
0x291: {  	s30 =	sadd.s32 $0x10, s30;
	vm9 =	vcmask $0x2F2C;
	[tilespmem:v63+s19+$0x0] =	vst.idx.msk $0xffff, v35  }
0x292: {  	s8 =	simm.s32 $0x0  }
0x293: {  	s3 =	rddreg [dreg:$0x16];
	s7 =	simm.s32 $0xA180;
	s24 =	simm.s32 $0x12A20  }
0x294: {  	s25 =	simm.s32 $0x12680;
	s26 =	simm.s32 $0x12A30;
	s28 =	simm.s32 $0x12700  }
.Ltmp3:
0x295: {  	s29 =	simm.s32 $0x12A40;
	s30 =	simm.s32 $0x12780;
	(pc) =	sbr.rel .LBB2_4-.Ltmp3, $4  }
0x296: {  	s31 =	simm.s32 $0x12A50;
	s0 =	simm.s32 $0x12800;
	s4 =	simm.s32 $0x12A60  }
0x297: {  	s1 =	simm.s32 $0x12880;
	s5 =	simm.s32 $0x12A70;
	s6 =	simm.s32 $0x12900  }
0x298: {  	[tilespmem:s7], [sflag:$0x2] =	stream.linear.gather [hbm4b:s3+s8], $0x8000, $0x38;
	[tilespmem:$0x1B280] =	vst v63  }
0x299: {  	s11 =	simm.s32 $0x1900;
	s10 =	simm.s32 $0x1080;
	s8 =	simm.s32 $0x0  }
.LBB2_8:
0x29a: {  	s16 =	smov.u32 s3;
	s17 =	simm.s32 $0x12A10  }
.LBB2_13:
0x29b: {  	_ =	sdelay $0x4  }
0x29c: {  	s7 =	sld [smem:$0x6AB];
	[tilespmem:v37+s13+$0x0] =	vst.idx.msk @p1 vm9, v36  }
0x29d: {  	v36 =	vld.idx.msk [tilespmem:v35+s10+$0x0], $0xffff  }
0x29e: {  	s3 =	sadd.s32 @p1 $0xFFFFFFF0, s16  }
0x29f: {  	s7 =	smov.u32 @p1 s3  }
0x2a0: {  	v55 =	vmov s7  }
0x2a1: {  	vm9 =	vgt.s32 v55, v16  }
0x2a2: {  	v36 =	vnsel vm9, $0x0, v36  }
0x2a3: {  	v56 =	vld.idx.msk [tilespmem:v35+s11+$0x0], $0xffff;
	[tilespmem:v16+s12+$0x0] =	vst.idx.msk $0xffff, v36;
	v57 =	vadd.s32 $0x8000, v36  }
0x2a4: {  	v58 =	vadd.s32 $0x10000, v36;
	[tilespmem:v20+s12+$0x0] =	vst.idx.msk $0xffff, v57  }
0x2a5: {  	v59 =	vadd.s32 $0x18000, v36;
	[tilespmem:v21+s12+$0x0] =	vst.idx.msk $0xffff, v58  }
0x2a6: {  	v60 =	vadd.s32 $0x20000, v36;
	[tilespmem:v22+s12+$0x0] =	vst.idx.msk $0xffff, v59  }
0x2a7: {  	v61 =	vadd.s32 $0x28000, v36;
	[tilespmem:v23+s12+$0x0] =	vst.idx.msk $0xffff, v60  }
0x2a8: {  	v62 =	vadd.s32 $0x30000, v36;
	[tilespmem:v24+s12+$0x0] =	vst.idx.msk $0xffff, v61  }
0x2a9: {  	v63 =	vadd.s32 $0x38000, v36;
	[tilespmem:v25+s12+$0x0] =	vst.idx.msk $0xffff, v62  }
0x2aa: {  	v40 =	vadd.s32 $0x40000, v36;
	[tilespmem:v26+s12+$0x0] =	vst.idx.msk $0xffff, v63  }
0x2ab: {  	v41 =	vadd.s32 $0x48000, v36;
	[tilespmem:v27+s12+$0x0] =	vst.idx.msk $0xffff, v40  }
0x2ac: {  	v42 =	vadd.s32 $0x50000, v36;
	[tilespmem:v28+s12+$0x0] =	vst.idx.msk $0xffff, v41  }
0x2ad: {  	s20 =	rddreg [dreg:$0x6];
	v43 =	vadd.s32 $0x58000, v36;
	[tilespmem:v29+s12+$0x0] =	vst.idx.msk $0xffff, v42  }
0x2ae: {  	s8 =	rddreg [dreg:$0x8];
	v44 =	vadd.s32 $0x60000, v36;
	[tilespmem:v30+s12+$0x0] =	vst.idx.msk $0xffff, v43  }
0x2af: {  	s14 =	rddreg [dreg:$0x7];
	v45 =	vadd.s32 $0x68000, v36;
	[tilespmem:v31+s12+$0x0] =	vst.idx.msk $0xffff, v44  }
0x2b0: {  	s16 =	rddreg [dreg:$0x9];
	v46 =	vadd.s32 $0x70000, v36;
	[tilespmem:v32+s12+$0x0] =	vst.idx.msk $0xffff, v45  }
0x2b1: {  	s3 =	rddreg [dreg:$0xa];
	v36 =	vadd.s32 $0x78000, v36;
	[tilespmem:v33+s12+$0x0] =	vst.idx.msk $0xffff, v46  }
0x2b2: {  	s7 =	rddreg [dreg:$0xe];
	[tilespmem:v34+s12+$0x0] =	vst.idx.msk $0xffff, v36  }
0x2b3: {  	[tilespmem:s20], [sflag:$0x1] =	stream.indirect.gather [spmem:s2], $0x1, s12, s18, $0xb8;
	[tilespmem:$0x1B280] =	vst v63  }
0x2b4: {  	s20 =	rddreg [dreg:$0xb]  }
0x2b5: {  	[tilespmem:s8], [sflag:$0x1] =	stream.indirect.gather [spmem:s2], $0x1, s14, s18, $0xb8;
	[tilespmem:$0x1B280] =	vst v63  }
0x2b6: {  	s14 =	rddreg [dreg:$0xc]  }
0x2b7: {  	[tilespmem:s3], [sflag:$0x1] =	stream.indirect.gather [spmem:s2], $0x1, s16, s18, $0xb8;
	[tilespmem:$0x1B280] =	vst v63  }
0x2b8: {  	s16 =	rddreg [dreg:$0xd]  }
0x2b9: {  	[tilespmem:s14], [sflag:$0x1] =	stream.indirect.gather [spmem:s2], $0x1, s20, s18, $0xb8;
	[tilespmem:$0x1B280] =	vst v63  }
0x2ba: {  	s14 =	rddreg [dreg:$0x10]  }
0x2bb: {  	s20 =	rddreg [dreg:$0xf]  }
0x2bc: {  	[tilespmem:s7], [sflag:$0x1] =	stream.indirect.gather [spmem:s2], $0x1, s16, s18, $0xb8;
	[tilespmem:$0x1B280] =	vst v63  }
0x2bd: {  	s7 =	rddreg [dreg:$0x12]  }
0x2be: {  	[tilespmem:s14], [sflag:$0x1] =	stream.indirect.gather [spmem:s2], $0x1, s20, s18, $0xb8;
	[tilespmem:$0x1B280] =	vst v63  }
0x2bf: {  	s16 =	rddreg [dreg:$0x11]  }
0x2c0: {  	[tilespmem:s7], [sflag:$0x1] =	stream.indirect.gather [spmem:s2], $0x1, s16, s18, $0xb8;
	[tilespmem:$0x1B280] =	vst v63  }
0x2c1: {  	_ = 	snop  }
0x2c2: {  	[tilespmem:s23], [sflag:$0x1] =	stream.indirect.gather [spmem:s2], $0x1, s15, s18, $0xb8;
	[tilespmem:$0x1B280] =	vst v63  }
0x2c3: {  	_ = 	snop  }
0x2c4: {  	[tilespmem:s21], [sflag:$0x1] =	stream.indirect.gather [spmem:s2], $0x1, s22, s18, $0xb8;
	[tilespmem:$0x1B280] =	vst v63  }
0x2c5: {  	s20 =	simm.s32 $0x12600  }
0x2c6: {  	[tilespmem:s20], [sflag:$0x1] =	stream.indirect.gather [spmem:s2], $0x1, s17, s18, $0xb8;
	[tilespmem:$0x1B280] =	vst v63  }
0x2c7: {  	_ = 	snop  }
0x2c8: {  	[tilespmem:s25], [sflag:$0x1] =	stream.indirect.gather [spmem:s2], $0x1, s24, s18, $0xb8;
	[tilespmem:$0x1B280] =	vst v63  }
0x2c9: {  	_ = 	snop  }
0x2ca: {  	[tilespmem:s28], [sflag:$0x1] =	stream.indirect.gather [spmem:s2], $0x1, s26, s18, $0xb8;
	[tilespmem:$0x1B280] =	vst v63  }
0x2cb: {  	_ = 	snop  }
0x2cc: {  	[tilespmem:s30], [sflag:$0x1] =	stream.indirect.gather [spmem:s2], $0x1, s29, s18, $0xb8;
	[tilespmem:$0x1B280] =	vst v63  }
0x2cd: {  	_ = 	snop  }
0x2ce: {  	[tilespmem:s0], [sflag:$0x1] =	stream.indirect.gather [spmem:s2], $0x1, s31, s18, $0xb8;
	[tilespmem:$0x1B280] =	vst v63  }
0x2cf: {  	_ = 	snop  }
0x2d0: {  	[tilespmem:s1], [sflag:$0x1] =	stream.indirect.gather [spmem:s2], $0x1, s4, s18, $0xb8;
	[tilespmem:$0x1B280] =	vst v63  }
0x2d1: {  	_ = 	snop  }
0x2d2: {  	[tilespmem:s6], [sflag:$0x1] =	stream.indirect.gather [spmem:s2], $0x1, s5, s18, $0xb8;
	[tilespmem:$0x1B280] =	vst v63  }
0x2d3: {  	_ =	swait.ge [sflag:s9], $0x10  }
0x2d4: {  	[sflag:s9] =	ssyncset.done $0x0  }
0x2d5: {  	[sflag:s9] =	ssyncadd.s32 $0xFFFFFFF0  }
0x2d6: {  	_ =	swait.ge [sflag:s9], $0x10  }
0x2d7: {  	[sflag:s9] =	ssyncset.done $0x0  }
0x2d8: {  	[sflag:s9] =	ssyncadd.s32 $0xFFFFFFF0  }
0x2d9: {  	_ =	swait.ge [sflag:s9], $0x10  }
0x2da: {  	[sflag:s9] =	ssyncset.done $0x0  }
0x2db: {  	[sflag:s9] =	ssyncadd.s32 $0xFFFFFFF0  }
0x2dc: {  	_ =	swait.ge [sflag:s9], $0x10  }
0x2dd: {  	[sflag:s9] =	ssyncset.done $0x0  }
0x2de: {  	[sflag:s9] =	ssyncadd.s32 $0xFFFFFFF0  }
0x2df: {  	_ =	swait.ge [sflag:s9], $0x10  }
0x2e0: {  	[sflag:s9] =	ssyncset.done $0x0  }
0x2e1: {  	[sflag:s9] =	ssyncadd.s32 $0xFFFFFFF0  }
0x2e2: {  	_ =	swait.ge [sflag:s9], $0x10  }
0x2e3: {  	[sflag:s9] =	ssyncset.done $0x0  }
0x2e4: {  	[sflag:s9] =	ssyncadd.s32 $0xFFFFFFF0  }
0x2e5: {  	_ =	swait.ge [sflag:s9], $0x10  }
0x2e6: {  	[sflag:s9] =	ssyncset.done $0x0  }
0x2e7: {  	[sflag:s9] =	ssyncadd.s32 $0xFFFFFFF0  }
0x2e8: {  	_ =	swait.ge [sflag:s9], $0x10  }
0x2e9: {  	[sflag:s9] =	ssyncset.done $0x0  }
0x2ea: {  	[sflag:s9] =	ssyncadd.s32 $0xFFFFFFF0  }
0x2eb: {  	_ =	swait.ge [sflag:s9], $0x10  }
0x2ec: {  	[sflag:s9] =	ssyncset.done $0x0  }
0x2ed: {  	[sflag:s9] =	ssyncadd.s32 $0xFFFFFFF0  }
0x2ee: {  	_ =	swait.ge [sflag:s9], $0x10  }
0x2ef: {  	[sflag:s9] =	ssyncset.done $0x0  }
0x2f0: {  	[sflag:s9] =	ssyncadd.s32 $0xFFFFFFF0  }
0x2f1: {  	_ =	swait.ge [sflag:s9], $0x10  }
0x2f2: {  	[sflag:s9] =	ssyncset.done $0x0  }
0x2f3: {  	[sflag:s9] =	ssyncadd.s32 $0xFFFFFFF0  }
0x2f4: {  	_ =	swait.ge [sflag:s9], $0x10  }
0x2f5: {  	[sflag:s9] =	ssyncset.done $0x0  }
0x2f6: {  	[sflag:s9] =	ssyncadd.s32 $0xFFFFFFF0  }
0x2f7: {  	_ =	swait.ge [sflag:s9], $0x10  }
0x2f8: {  	[sflag:s9] =	ssyncset.done $0x0  }
0x2f9: {  	[sflag:s9] =	ssyncadd.s32 $0xFFFFFFF0  }
0x2fa: {  	_ =	swait.ge [sflag:s9], $0x10  }
0x2fb: {  	[sflag:s9] =	ssyncset.done $0x0  }
0x2fc: {  	[sflag:s9] =	ssyncadd.s32 $0xFFFFFFF0  }
0x2fd: {  	_ =	swait.ge [sflag:s9], $0x10  }
0x2fe: {  	[sflag:s9] =	ssyncset.done $0x0  }
0x2ff: {  	[sflag:s9] =	ssyncadd.s32 $0xFFFFFFF0  }
0x300: {  	v35 =	vnsel vm9, $0x0, v56;
	_ =	swait.ge [sflag:s9], $0x10  }
0x301: {  	v47 =	vshll.u32 v35, $0x3;
	[sflag:s9] =	ssyncset.done $0x0  }
0x302: {  	v35 =	vand.u32 $0x7F, v35;
	v36 =	vand.u32 $0xFFFFFC00, v47;
	[sflag:s9] =	ssyncadd.s32 $0xFFFFFFF0  }
0x303: {  	v35 =	vor.u32 v35, v36;
	v48 =	vld [tilespmem:$0x12180];
	_ =	sdelay $0x4  }
0x304: {  	[tilespmem:v35+s13+$0x0] =	vst.idx.msk vm9, v48  }
0x305: {  	v50 =	vor.u32 $0x80, v35;
	v49 =	vld [tilespmem:$0x12200];
	_ =	sdelay $0x4  }
0x306: {  	[tilespmem:v50+s13+$0x0] =	vst.idx.msk vm9, v49  }
0x307: {  	v51 =	vor.u32 $0x100, v35;
	v36 =	vld [tilespmem:$0x12280];
	_ =	sdelay $0x4  }
0x308: {  	[tilespmem:v51+s13+$0x0] =	vst.idx.msk vm9, v36  }
0x309: {  	v52 =	vor.u32 $0x180, v35;
	v36 =	vld [tilespmem:$0x12300];
	_ =	sdelay $0x4  }
0x30a: {  	[tilespmem:v52+s13+$0x0] =	vst.idx.msk vm9, v36  }
0x30b: {  	v53 =	vor.u32 $0x200, v35;
	v36 =	vld [tilespmem:$0x12380];
	_ =	sdelay $0x4  }
0x30c: {  	[tilespmem:v53+s13+$0x0] =	vst.idx.msk vm9, v36  }
0x30d: {  	v54 =	vor.u32 $0x280, v35;
	v36 =	vld [tilespmem:$0x12400];
	_ =	sdelay $0x4  }
0x30e: {  	[tilespmem:v54+s13+$0x0] =	vst.idx.msk vm9, v36  }
0x30f: {  	v55 =	vor.u32 $0x300, v35;
	v36 =	vld [tilespmem:$0x12480];
	_ =	sdelay $0x4  }
0x310: {  	[tilespmem:v55+s13+$0x0] =	vst.idx.msk vm9, v36  }
0x311: {  	v56 =	vor.u32 $0x380, v35;
	v36 =	vld [tilespmem:$0x12500];
	_ =	sdelay $0x4  }
0x312: {  	[tilespmem:v56+s13+$0x0] =	vst.idx.msk vm9, v36  }
0x313: {  	v57 =	vadd.s32 $0x4000, v35;
	v36 =	vld [tilespmem:$0x12580];
	_ =	sdelay $0x4  }
0x314: {  	[tilespmem:v57+s13+$0x0] =	vst.idx.msk vm9, v36  }
0x315: {  	v58 =	vadd.s32 $0x4080, v35;
	v36 =	vld [tilespmem:$0x12600];
	_ =	sdelay $0x4  }
0x316: {  	[tilespmem:v58+s13+$0x0] =	vst.idx.msk vm9, v36  }
0x317: {  	v59 =	vadd.s32 $0x4100, v35;
	v36 =	vld [tilespmem:$0x12680];
	_ =	sdelay $0x4  }
0x318: {  	[tilespmem:v59+s13+$0x0] =	vst.idx.msk vm9, v36  }
0x319: {  	v60 =	vadd.s32 $0x4180, v35;
	v36 =	vld [tilespmem:$0x12700];
	_ =	sdelay $0x4  }
0x31a: {  	[tilespmem:v60+s13+$0x0] =	vst.idx.msk vm9, v36  }
0x31b: {  	v61 =	vadd.s32 $0x4200, v35;
	v36 =	vld [tilespmem:$0x12780];
	_ =	sdelay $0x4  }
0x31c: {  	[tilespmem:v61+s13+$0x0] =	vst.idx.msk vm9, v36  }
0x31d: {  	v62 =	vadd.s32 $0x4280, v35;
	v36 =	vld [tilespmem:$0x12800];
	_ =	sdelay $0x4  }
0x31e: {  	[tilespmem:v62+s13+$0x0] =	vst.idx.msk vm9, v36  }
0x31f: {  	v63 =	vadd.s32 $0x4300, v35;
	v36 =	vld [tilespmem:$0x12880];
	_ =	sdelay $0x4  }
0x320: {  	[tilespmem:v63+s13+$0x0] =	vst.idx.msk vm9, v36  }
0x321: {  	v35 =	vadd.s32 $0x4380, v35;
	v36 =	vld [tilespmem:$0x12900];
	_ =	sdelay $0x4  }
0x322: {  	[tilespmem:v35+s13+$0x0] =	vst.idx.msk vm9, v36  }
.LBB2_14:
0x323: {  	s8 =	sld [smem:$0x6AC];
	_ =	sdelay $0x2  }
0x324: {  	p1 =	sne.s32 s8, $0x1F  }
.Ltmp4:
0x325: {  	_ = 	snop;
	(pc) =	sbr.rel @!p1 .LBB2_15-.Ltmp4, $2  }
0x326: {  	_ =	sdelay $0x1  }
0x327: {  	[bflag:$0x0] =	sbarrier.arrive $0xFFFF;
	_ =	sdelay $0x1  }
.LBB2_4:
0x328: {  	s3 =	simm.s32 $0x2  }
0x329: {  	_ =	swait.ge [sflag:s3], $0x8000  }
0x32a: {  	[sflag:s3] =	ssyncset.done $0x0;
	s16 =	rddreg [dreg:$0x15]  }
0x32b: {  	s7 =	simm.s32 $0xA180;
	s17 =	sld [smem:$0x706];
	[sflag:s3] =	ssyncadd.s32 $0xFFFF8000  }
0x32c: {  	[spmem:s16] =	stream.linear.scatter [tilespmem:s7], [sflag:$0x3], $0x80, $0x38;
	[tilespmem:$0x1B280] =	vst v63  }
0x32d: {  	s20 =	simm.s32 $0xA580;
	s14 =	sld [smem:$0x707]  }
0x32e: {  	[spmem:s17] =	stream.linear.scatter [tilespmem:s20], [sflag:$0x3], $0x80, $0x38;
	[tilespmem:$0x1B280] =	vst v63  }
0x32f: {  	s16 =	simm.s32 $0xA980;
	s17 =	sld [smem:$0x708]  }
0x330: {  	[spmem:s14] =	stream.linear.scatter [tilespmem:s16], [sflag:$0x3], $0x80, $0x38;
	[tilespmem:$0x1B280] =	vst v63  }
0x331: {  	s20 =	simm.s32 $0xAD80;
	s14 =	sld [smem:$0x709]  }
0x332: {  	[spmem:s17] =	stream.linear.scatter [tilespmem:s20], [sflag:$0x3], $0x80, $0x38;
	[tilespmem:$0x1B280] =	vst v63  }
0x333: {  	s16 =	simm.s32 $0xB180;
	s17 =	sld [smem:$0x70A]  }
0x334: {  	[spmem:s14] =	stream.linear.scatter [tilespmem:s16], [sflag:$0x3], $0x80, $0x38;
	[tilespmem:$0x1B280] =	vst v63  }
0x335: {  	s20 =	simm.s32 $0xB580;
	s14 =	sld [smem:$0x70B]  }
0x336: {  	[spmem:s17] =	stream.linear.scatter [tilespmem:s20], [sflag:$0x3], $0x80, $0x38;
	[tilespmem:$0x1B280] =	vst v63  }
0x337: {  	s16 =	simm.s32 $0xB980;
	s17 =	sld [smem:$0x70C]  }
0x338: {  	[spmem:s14] =	stream.linear.scatter [tilespmem:s16], [sflag:$0x3], $0x80, $0x38;
	[tilespmem:$0x1B280] =	vst v63  }
0x339: {  	s20 =	simm.s32 $0xBD80;
	s14 =	sld [smem:$0x70D]  }
0x33a: {  	[spmem:s17] =	stream.linear.scatter [tilespmem:s20], [sflag:$0x3], $0x80, $0x38;
	[tilespmem:$0x1B280] =	vst v63  }
0x33b: {  	s16 =	simm.s32 $0xC180;
	s17 =	sld [smem:$0x70E]  }
0x33c: {  	[spmem:s14] =	stream.linear.scatter [tilespmem:s16], [sflag:$0x3], $0x80, $0x38;
	[tilespmem:$0x1B280] =	vst v63  }
0x33d: {  	s20 =	simm.s32 $0xC580;
	s14 =	sld [smem:$0x70F]  }
0x33e: {  	[spmem:s17] =	stream.linear.scatter [tilespmem:s20], [sflag:$0x3], $0x80, $0x38;
	[tilespmem:$0x1B280] =	vst v63  }
0x33f: {  	s16 =	simm.s32 $0xC980;
	s17 =	sld [smem:$0x710]  }
0x340: {  	[spmem:s14] =	stream.linear.scatter [tilespmem:s16], [sflag:$0x3], $0x80, $0x38;
	[tilespmem:$0x1B280] =	vst v63  }
0x341: {  	s20 =	simm.s32 $0xCD80;
	s14 =	sld [smem:$0x711]  }
0x342: {  	[spmem:s17] =	stream.linear.scatter [tilespmem:s20], [sflag:$0x3], $0x80, $0x38;
	[tilespmem:$0x1B280] =	vst v63  }
0x343: {  	s16 =	simm.s32 $0xD180;
	s17 =	sld [smem:$0x712]  }
0x344: {  	[spmem:s14] =	stream.linear.scatter [tilespmem:s16], [sflag:$0x3], $0x80, $0x38;
	[tilespmem:$0x1B280] =	vst v63  }
0x345: {  	s20 =	simm.s32 $0xD580;
	s14 =	sld [smem:$0x713]  }
0x346: {  	[spmem:s17] =	stream.linear.scatter [tilespmem:s20], [sflag:$0x3], $0x80, $0x38;
	[tilespmem:$0x1B280] =	vst v63  }
0x347: {  	s16 =	simm.s32 $0xD980;
	s17 =	sld [smem:$0x714]  }
0x348: {  	[spmem:s14] =	stream.linear.scatter [tilespmem:s16], [sflag:$0x3], $0x80, $0x38;
	[tilespmem:$0x1B280] =	vst v63  }
0x349: {  	s20 =	simm.s32 $0xDD80;
	s14 =	sld [smem:$0x715]  }
0x34a: {  	[spmem:s17] =	stream.linear.scatter [tilespmem:s20], [sflag:$0x3], $0x80, $0x38;
	[tilespmem:$0x1B280] =	vst v63  }
0x34b: {  	s16 =	simm.s32 $0xE180;
	s17 =	sld [smem:$0x716]  }
0x34c: {  	[spmem:s14] =	stream.linear.scatter [tilespmem:s16], [sflag:$0x3], $0x80, $0x38;
	[tilespmem:$0x1B280] =	vst v63  }
0x34d: {  	s7 =	sld [smem:$0x717];
	s20 =	simm.s32 $0xE580  }
0x34e: {  	[spmem:s17] =	stream.linear.scatter [tilespmem:s20], [sflag:$0x3], $0x80, $0x38;
	[tilespmem:$0x1B280] =	vst v63  }
0x34f: {  	s14 =	simm.s32 $0xE980;
	s16 =	sld [smem:$0x718]  }
0x350: {  	[spmem:s7] =	stream.linear.scatter [tilespmem:s14], [sflag:$0x3], $0x80, $0x38;
	[tilespmem:$0x1B280] =	vst v63  }
0x351: {  	s17 =	simm.s32 $0xED80  }
0x352: {  	[spmem:s16] =	stream.linear.scatter [tilespmem:s17], [sflag:$0x3], $0x80, $0x38;
	[tilespmem:$0x1B280] =	vst v63  }
0x353: {  	s3 =	sld [smem:$0x719];
	_ =	sdelay $0x1  }
0x354: {  	s20 =	simm.s32 $0xF180;
	s14 =	sld [smem:$0x71A]  }
0x355: {  	[spmem:s3] =	stream.linear.scatter [tilespmem:s20], [sflag:$0x3], $0x80, $0x38;
	[tilespmem:$0x1B280] =	vst v63  }
0x356: {  	s16 =	simm.s32 $0xF580;
	s17 =	sld [smem:$0x71B]  }
0x357: {  	[spmem:s14] =	stream.linear.scatter [tilespmem:s16], [sflag:$0x3], $0x80, $0x38;
	[tilespmem:$0x1B280] =	vst v63  }
0x358: {  	s20 =	simm.s32 $0xF980;
	s14 =	sld [smem:$0x71C]  }
0x359: {  	[spmem:s17] =	stream.linear.scatter [tilespmem:s20], [sflag:$0x3], $0x80, $0x38;
	[tilespmem:$0x1B280] =	vst v63  }
0x35a: {  	s16 =	simm.s32 $0xFD80;
	s17 =	sld [smem:$0x71D]  }
0x35b: {  	[spmem:s14] =	stream.linear.scatter [tilespmem:s16], [sflag:$0x3], $0x80, $0x38;
	[tilespmem:$0x1B280] =	vst v63  }
0x35c: {  	s20 =	simm.s32 $0x10180;
	s14 =	sld [smem:$0x71E]  }
0x35d: {  	[spmem:s17] =	stream.linear.scatter [tilespmem:s20], [sflag:$0x3], $0x80, $0x38;
	[tilespmem:$0x1B280] =	vst v63  }
0x35e: {  	s16 =	simm.s32 $0x10580;
	s17 =	sld [smem:$0x71F]  }
0x35f: {  	[spmem:s14] =	stream.linear.scatter [tilespmem:s16], [sflag:$0x3], $0x80, $0x38;
	[tilespmem:$0x1B280] =	vst v63  }
0x360: {  	s20 =	simm.s32 $0x10980;
	s14 =	sld [smem:$0x720]  }
0x361: {  	[spmem:s17] =	stream.linear.scatter [tilespmem:s20], [sflag:$0x3], $0x80, $0x38;
	[tilespmem:$0x1B280] =	vst v63  }
0x362: {  	s16 =	simm.s32 $0x10D80;
	s17 =	sld [smem:$0x721]  }
0x363: {  	[spmem:s14] =	stream.linear.scatter [tilespmem:s16], [sflag:$0x3], $0x80, $0x38;
	[tilespmem:$0x1B280] =	vst v63  }
0x364: {  	s20 =	simm.s32 $0x11180;
	s14 =	sld [smem:$0x722]  }
0x365: {  	[spmem:s17] =	stream.linear.scatter [tilespmem:s20], [sflag:$0x3], $0x80, $0x38;
	[tilespmem:$0x1B280] =	vst v63  }
0x366: {  	s16 =	simm.s32 $0x11580;
	s17 =	sld [smem:$0x723]  }
0x367: {  	[spmem:s14] =	stream.linear.scatter [tilespmem:s16], [sflag:$0x3], $0x80, $0x38;
	[tilespmem:$0x1B280] =	vst v63  }
0x368: {  	s20 =	simm.s32 $0x11980;
	s14 =	sld [smem:$0x724]  }
0x369: {  	[spmem:s17] =	stream.linear.scatter [tilespmem:s20], [sflag:$0x3], $0x80, $0x38;
	[tilespmem:$0x1B280] =	vst v63  }
0x36a: {  	s16 =	simm.s32 $0x11D80;
	s17 =	rddreg [dreg:$0x17]  }
0x36b: {  	[spmem:s14] =	stream.linear.scatter [tilespmem:s16], [sflag:$0x3], $0x80, $0x38;
	[tilespmem:$0x1B280] =	vst v63  }
0x36c: {  	s20 =	simm.s32 $0xA200;
	s14 =	sld [smem:$0x725]  }
0x36d: {  	[spmem:s17] =	stream.linear.scatter [tilespmem:s20], [sflag:$0x3], $0x80, $0x38;
	[tilespmem:$0x1B280] =	vst v63  }
0x36e: {  	s16 =	simm.s32 $0xA600;
	s17 =	sld [smem:$0x726]  }
0x36f: {  	[spmem:s14] =	stream.linear.scatter [tilespmem:s16], [sflag:$0x3], $0x80, $0x38;
	[tilespmem:$0x1B280] =	vst v63  }
0x370: {  	s20 =	simm.s32 $0xAA00;
	s14 =	sld [smem:$0x727]  }
0x371: {  	[spmem:s17] =	stream.linear.scatter [tilespmem:s20], [sflag:$0x3], $0x80, $0x38;
	[tilespmem:$0x1B280] =	vst v63  }
0x372: {  	s16 =	simm.s32 $0xAE00;
	s17 =	sld [smem:$0x728]  }
0x373: {  	[spmem:s14] =	stream.linear.scatter [tilespmem:s16], [sflag:$0x3], $0x80, $0x38;
	[tilespmem:$0x1B280] =	vst v63  }
0x374: {  	s20 =	simm.s32 $0xB200;
	s14 =	sld [smem:$0x729]  }
0x375: {  	[spmem:s17] =	stream.linear.scatter [tilespmem:s20], [sflag:$0x3], $0x80, $0x38;
	[tilespmem:$0x1B280] =	vst v63  }
0x376: {  	s16 =	simm.s32 $0xB600;
	s17 =	sld [smem:$0x72A]  }
0x377: {  	[spmem:s14] =	stream.linear.scatter [tilespmem:s16], [sflag:$0x3], $0x80, $0x38;
	[tilespmem:$0x1B280] =	vst v63  }
0x378: {  	s20 =	simm.s32 $0xBA00;
	s14 =	sld [smem:$0x72B]  }
0x379: {  	[spmem:s17] =	stream.linear.scatter [tilespmem:s20], [sflag:$0x3], $0x80, $0x38;
	[tilespmem:$0x1B280] =	vst v63  }
0x37a: {  	s16 =	simm.s32 $0xBE00;
	s17 =	sld [smem:$0x72C]  }
0x37b: {  	[spmem:s14] =	stream.linear.scatter [tilespmem:s16], [sflag:$0x3], $0x80, $0x38;
	[tilespmem:$0x1B280] =	vst v63  }
0x37c: {  	s20 =	simm.s32 $0xC200;
	s14 =	sld [smem:$0x72D]  }
0x37d: {  	[spmem:s17] =	stream.linear.scatter [tilespmem:s20], [sflag:$0x3], $0x80, $0x38;
	[tilespmem:$0x1B280] =	vst v63  }
0x37e: {  	s16 =	simm.s32 $0xC600;
	s17 =	sld [smem:$0x72E]  }
0x37f: {  	[spmem:s14] =	stream.linear.scatter [tilespmem:s16], [sflag:$0x3], $0x80, $0x38;
	[tilespmem:$0x1B280] =	vst v63  }
0x380: {  	s20 =	simm.s32 $0xCA00;
	s14 =	sld [smem:$0x72F]  }
0x381: {  	[spmem:s17] =	stream.linear.scatter [tilespmem:s20], [sflag:$0x3], $0x80, $0x38;
	[tilespmem:$0x1B280] =	vst v63  }
0x382: {  	s16 =	simm.s32 $0xCE00;
	s17 =	sld [smem:$0x730]  }
0x383: {  	[spmem:s14] =	stream.linear.scatter [tilespmem:s16], [sflag:$0x3], $0x80, $0x38;
	[tilespmem:$0x1B280] =	vst v63  }
0x384: {  	s20 =	simm.s32 $0xD200;
	s14 =	sld [smem:$0x731]  }
0x385: {  	[spmem:s17] =	stream.linear.scatter [tilespmem:s20], [sflag:$0x3], $0x80, $0x38;
	[tilespmem:$0x1B280] =	vst v63  }
0x386: {  	s16 =	simm.s32 $0xD600;
	s17 =	sld [smem:$0x732]  }
0x387: {  	[spmem:s14] =	stream.linear.scatter [tilespmem:s16], [sflag:$0x3], $0x80, $0x38;
	[tilespmem:$0x1B280] =	vst v63  }
0x388: {  	s20 =	simm.s32 $0xDA00;
	s14 =	sld [smem:$0x733]  }
0x389: {  	[spmem:s17] =	stream.linear.scatter [tilespmem:s20], [sflag:$0x3], $0x80, $0x38;
	[tilespmem:$0x1B280] =	vst v63  }
0x38a: {  	s16 =	simm.s32 $0xDE00;
	s17 =	sld [smem:$0x734]  }
0x38b: {  	[spmem:s14] =	stream.linear.scatter [tilespmem:s16], [sflag:$0x3], $0x80, $0x38;
	[tilespmem:$0x1B280] =	vst v63  }
0x38c: {  	s20 =	simm.s32 $0xE200;
	s14 =	sld [smem:$0x735]  }
0x38d: {  	[spmem:s17] =	stream.linear.scatter [tilespmem:s20], [sflag:$0x3], $0x80, $0x38;
	[tilespmem:$0x1B280] =	vst v63  }
0x38e: {  	s16 =	simm.s32 $0xE600;
	s17 =	sld [smem:$0x736]  }
0x38f: {  	[spmem:s14] =	stream.linear.scatter [tilespmem:s16], [sflag:$0x3], $0x80, $0x38;
	[tilespmem:$0x1B280] =	vst v63  }
0x390: {  	s20 =	simm.s32 $0xEA00;
	s14 =	sld [smem:$0x737]  }
0x391: {  	[spmem:s17] =	stream.linear.scatter [tilespmem:s20], [sflag:$0x3], $0x80, $0x38;
	[tilespmem:$0x1B280] =	vst v63  }
0x392: {  	s16 =	simm.s32 $0xEE00;
	s17 =	sld [smem:$0x738]  }
0x393: {  	[spmem:s14] =	stream.linear.scatter [tilespmem:s16], [sflag:$0x3], $0x80, $0x38;
	[tilespmem:$0x1B280] =	vst v63  }
0x394: {  	s20 =	simm.s32 $0xF200;
	s14 =	sld [smem:$0x739]  }
0x395: {  	[spmem:s17] =	stream.linear.scatter [tilespmem:s20], [sflag:$0x3], $0x80, $0x38;
	[tilespmem:$0x1B280] =	vst v63  }
0x396: {  	s16 =	simm.s32 $0xF600;
	s17 =	sld [smem:$0x73A]  }
0x397: {  	[spmem:s14] =	stream.linear.scatter [tilespmem:s16], [sflag:$0x3], $0x80, $0x38;
	[tilespmem:$0x1B280] =	vst v63  }
0x398: {  	s20 =	simm.s32 $0xFA00;
	s14 =	sld [smem:$0x73B]  }
0x399: {  	[spmem:s17] =	stream.linear.scatter [tilespmem:s20], [sflag:$0x3], $0x80, $0x38;
	[tilespmem:$0x1B280] =	vst v63  }
0x39a: {  	s16 =	simm.s32 $0xFE00;
	s17 =	sld [smem:$0x73C]  }
0x39b: {  	[spmem:s14] =	stream.linear.scatter [tilespmem:s16], [sflag:$0x3], $0x80, $0x38;
	[tilespmem:$0x1B280] =	vst v63  }
0x39c: {  	s20 =	simm.s32 $0x10200;
	s14 =	sld [smem:$0x73D]  }
0x39d: {  	[spmem:s17] =	stream.linear.scatter [tilespmem:s20], [sflag:$0x3], $0x80, $0x38;
	[tilespmem:$0x1B280] =	vst v63  }
0x39e: {  	s16 =	simm.s32 $0x10600;
	s17 =	sld [smem:$0x73E]  }
0x39f: {  	[spmem:s14] =	stream.linear.scatter [tilespmem:s16], [sflag:$0x3], $0x80, $0x38;
	[tilespmem:$0x1B280] =	vst v63  }
0x3a0: {  	s20 =	simm.s32 $0x10A00;
	s14 =	sld [smem:$0x73F]  }
0x3a1: {  	[spmem:s17] =	stream.linear.scatter [tilespmem:s20], [sflag:$0x3], $0x80, $0x38;
	[tilespmem:$0x1B280] =	vst v63  }
0x3a2: {  	s16 =	simm.s32 $0x10E00;
	s17 =	sld [smem:$0x740]  }
0x3a3: {  	[spmem:s14] =	stream.linear.scatter [tilespmem:s16], [sflag:$0x3], $0x80, $0x38;
	[tilespmem:$0x1B280] =	vst v63  }
0x3a4: {  	s20 =	simm.s32 $0x11200;
	s14 =	sld [smem:$0x741]  }
0x3a5: {  	[spmem:s17] =	stream.linear.scatter [tilespmem:s20], [sflag:$0x3], $0x80, $0x38;
	[tilespmem:$0x1B280] =	vst v63  }
0x3a6: {  	s16 =	simm.s32 $0x11600;
	s17 =	sld [smem:$0x742]  }
0x3a7: {  	[spmem:s14] =	stream.linear.scatter [tilespmem:s16], [sflag:$0x3], $0x80, $0x38;
	[tilespmem:$0x1B280] =	vst v63  }
0x3a8: {  	s20 =	simm.s32 $0x11A00;
	s14 =	sld [smem:$0x743]  }
0x3a9: {  	[spmem:s17] =	stream.linear.scatter [tilespmem:s20], [sflag:$0x3], $0x80, $0x38;
	[tilespmem:$0x1B280] =	vst v63  }
0x3aa: {  	s16 =	simm.s32 $0x11E00;
	s17 =	rddreg [dreg:$0x18]  }
0x3ab: {  	[spmem:s14] =	stream.linear.scatter [tilespmem:s16], [sflag:$0x3], $0x80, $0x38;
	[tilespmem:$0x1B280] =	vst v63  }
0x3ac: {  	s20 =	simm.s32 $0xA280;
	s14 =	sld [smem:$0x744]  }
0x3ad: {  	[spmem:s17] =	stream.linear.scatter [tilespmem:s20], [sflag:$0x3], $0x80, $0x38;
	[tilespmem:$0x1B280] =	vst v63  }
0x3ae: {  	s16 =	simm.s32 $0xA680;
	s17 =	sld [smem:$0x745]  }
0x3af: {  	[spmem:s14] =	stream.linear.scatter [tilespmem:s16], [sflag:$0x3], $0x80, $0x38;
	[tilespmem:$0x1B280] =	vst v63  }
0x3b0: {  	s20 =	simm.s32 $0xAA80;
	s14 =	sld [smem:$0x746]  }
0x3b1: {  	[spmem:s17] =	stream.linear.scatter [tilespmem:s20], [sflag:$0x3], $0x80, $0x38;
	[tilespmem:$0x1B280] =	vst v63  }
0x3b2: {  	s16 =	simm.s32 $0xAE80;
	s17 =	sld [smem:$0x747]  }
0x3b3: {  	[spmem:s14] =	stream.linear.scatter [tilespmem:s16], [sflag:$0x3], $0x80, $0x38;
	[tilespmem:$0x1B280] =	vst v63  }
0x3b4: {  	s20 =	simm.s32 $0xB280;
	s14 =	sld [smem:$0x748]  }
0x3b5: {  	[spmem:s17] =	stream.linear.scatter [tilespmem:s20], [sflag:$0x3], $0x80, $0x38;
	[tilespmem:$0x1B280] =	vst v63  }
0x3b6: {  	s16 =	simm.s32 $0xB680;
	s17 =	sld [smem:$0x749]  }
0x3b7: {  	[spmem:s14] =	stream.linear.scatter [tilespmem:s16], [sflag:$0x3], $0x80, $0x38;
	[tilespmem:$0x1B280] =	vst v63  }
0x3b8: {  	s20 =	simm.s32 $0xBA80;
	s14 =	sld [smem:$0x74A]  }
0x3b9: {  	[spmem:s17] =	stream.linear.scatter [tilespmem:s20], [sflag:$0x3], $0x80, $0x38;
	[tilespmem:$0x1B280] =	vst v63  }
0x3ba: {  	s16 =	simm.s32 $0xBE80;
	s17 =	sld [smem:$0x74B]  }
0x3bb: {  	[spmem:s14] =	stream.linear.scatter [tilespmem:s16], [sflag:$0x3], $0x80, $0x38;
	[tilespmem:$0x1B280] =	vst v63  }
0x3bc: {  	s20 =	simm.s32 $0xC280;
	s14 =	sld [smem:$0x74C]  }
0x3bd: {  	[spmem:s17] =	stream.linear.scatter [tilespmem:s20], [sflag:$0x3], $0x80, $0x38;
	[tilespmem:$0x1B280] =	vst v63  }
0x3be: {  	s16 =	simm.s32 $0xC680;
	s17 =	sld [smem:$0x74D]  }
0x3bf: {  	[spmem:s14] =	stream.linear.scatter [tilespmem:s16], [sflag:$0x3], $0x80, $0x38;
	[tilespmem:$0x1B280] =	vst v63  }
0x3c0: {  	s20 =	simm.s32 $0xCA80;
	s14 =	sld [smem:$0x74E]  }
0x3c1: {  	[spmem:s17] =	stream.linear.scatter [tilespmem:s20], [sflag:$0x3], $0x80, $0x38;
	[tilespmem:$0x1B280] =	vst v63  }
0x3c2: {  	s16 =	simm.s32 $0xCE80;
	s17 =	sld [smem:$0x74F]  }
0x3c3: {  	[spmem:s14] =	stream.linear.scatter [tilespmem:s16], [sflag:$0x3], $0x80, $0x38;
	[tilespmem:$0x1B280] =	vst v63  }
0x3c4: {  	s20 =	simm.s32 $0xD280;
	s14 =	sld [smem:$0x750]  }
0x3c5: {  	[spmem:s17] =	stream.linear.scatter [tilespmem:s20], [sflag:$0x3], $0x80, $0x38;
	[tilespmem:$0x1B280] =	vst v63  }
0x3c6: {  	s16 =	simm.s32 $0xD680;
	s17 =	sld [smem:$0x751]  }
0x3c7: {  	[spmem:s14] =	stream.linear.scatter [tilespmem:s16], [sflag:$0x3], $0x80, $0x38;
	[tilespmem:$0x1B280] =	vst v63  }
0x3c8: {  	s20 =	simm.s32 $0xDA80;
	s14 =	sld [smem:$0x752]  }
0x3c9: {  	[spmem:s17] =	stream.linear.scatter [tilespmem:s20], [sflag:$0x3], $0x80, $0x38;
	[tilespmem:$0x1B280] =	vst v63  }
0x3ca: {  	s16 =	simm.s32 $0xDE80;
	s17 =	sld [smem:$0x753]  }
0x3cb: {  	[spmem:s14] =	stream.linear.scatter [tilespmem:s16], [sflag:$0x3], $0x80, $0x38;
	[tilespmem:$0x1B280] =	vst v63  }
0x3cc: {  	s20 =	simm.s32 $0xE280;
	s14 =	sld [smem:$0x754]  }
0x3cd: {  	[spmem:s17] =	stream.linear.scatter [tilespmem:s20], [sflag:$0x3], $0x80, $0x38;
	[tilespmem:$0x1B280] =	vst v63  }
0x3ce: {  	s16 =	simm.s32 $0xE680;
	s17 =	sld [smem:$0x755]  }
0x3cf: {  	[spmem:s14] =	stream.linear.scatter [tilespmem:s16], [sflag:$0x3], $0x80, $0x38;
	[tilespmem:$0x1B280] =	vst v63  }
0x3d0: {  	s20 =	simm.s32 $0xEA80;
	s14 =	sld [smem:$0x756]  }
0x3d1: {  	[spmem:s17] =	stream.linear.scatter [tilespmem:s20], [sflag:$0x3], $0x80, $0x38;
	[tilespmem:$0x1B280] =	vst v63  }
0x3d2: {  	s16 =	simm.s32 $0xEE80;
	s17 =	sld [smem:$0x757]  }
0x3d3: {  	[spmem:s14] =	stream.linear.scatter [tilespmem:s16], [sflag:$0x3], $0x80, $0x38;
	[tilespmem:$0x1B280] =	vst v63  }
0x3d4: {  	s20 =	simm.s32 $0xF280;
	s14 =	sld [smem:$0x758]  }
0x3d5: {  	[spmem:s17] =	stream.linear.scatter [tilespmem:s20], [sflag:$0x3], $0x80, $0x38;
	[tilespmem:$0x1B280] =	vst v63  }
0x3d6: {  	s16 =	simm.s32 $0xF680;
	s17 =	sld [smem:$0x759]  }
0x3d7: {  	[spmem:s14] =	stream.linear.scatter [tilespmem:s16], [sflag:$0x3], $0x80, $0x38;
	[tilespmem:$0x1B280] =	vst v63  }
0x3d8: {  	s20 =	simm.s32 $0xFA80;
	s14 =	sld [smem:$0x75A]  }
0x3d9: {  	[spmem:s17] =	stream.linear.scatter [tilespmem:s20], [sflag:$0x3], $0x80, $0x38;
	[tilespmem:$0x1B280] =	vst v63  }
0x3da: {  	s16 =	simm.s32 $0xFE80;
	s17 =	sld [smem:$0x75B]  }
0x3db: {  	[spmem:s14] =	stream.linear.scatter [tilespmem:s16], [sflag:$0x3], $0x80, $0x38;
	[tilespmem:$0x1B280] =	vst v63  }
0x3dc: {  	s20 =	simm.s32 $0x10280;
	s14 =	sld [smem:$0x75C]  }
0x3dd: {  	[spmem:s17] =	stream.linear.scatter [tilespmem:s20], [sflag:$0x3], $0x80, $0x38;
	[tilespmem:$0x1B280] =	vst v63  }
0x3de: {  	s16 =	simm.s32 $0x10680;
	s17 =	sld [smem:$0x75D]  }
0x3df: {  	[spmem:s14] =	stream.linear.scatter [tilespmem:s16], [sflag:$0x3], $0x80, $0x38;
	[tilespmem:$0x1B280] =	vst v63  }
0x3e0: {  	s20 =	simm.s32 $0x10A80;
	s14 =	sld [smem:$0x75E]  }
0x3e1: {  	[spmem:s17] =	stream.linear.scatter [tilespmem:s20], [sflag:$0x3], $0x80, $0x38;
	[tilespmem:$0x1B280] =	vst v63  }
0x3e2: {  	s16 =	simm.s32 $0x10E80;
	s17 =	sld [smem:$0x75F]  }
0x3e3: {  	[spmem:s14] =	stream.linear.scatter [tilespmem:s16], [sflag:$0x3], $0x80, $0x38;
	[tilespmem:$0x1B280] =	vst v63  }
0x3e4: {  	s20 =	simm.s32 $0x11280;
	s14 =	sld [smem:$0x760]  }
0x3e5: {  	[spmem:s17] =	stream.linear.scatter [tilespmem:s20], [sflag:$0x3], $0x80, $0x38;
	[tilespmem:$0x1B280] =	vst v63  }
0x3e6: {  	s16 =	simm.s32 $0x11680;
	s17 =	sld [smem:$0x761]  }
0x3e7: {  	[spmem:s14] =	stream.linear.scatter [tilespmem:s16], [sflag:$0x3], $0x80, $0x38;
	[tilespmem:$0x1B280] =	vst v63  }
0x3e8: {  	s20 =	simm.s32 $0x11A80;
	s14 =	sld [smem:$0x762]  }
0x3e9: {  	[spmem:s17] =	stream.linear.scatter [tilespmem:s20], [sflag:$0x3], $0x80, $0x38;
	[tilespmem:$0x1B280] =	vst v63  }
0x3ea: {  	s16 =	simm.s32 $0x11E80;
	s17 =	rddreg [dreg:$0x19]  }
0x3eb: {  	[spmem:s14] =	stream.linear.scatter [tilespmem:s16], [sflag:$0x3], $0x80, $0x38;
	[tilespmem:$0x1B280] =	vst v63  }
0x3ec: {  	s20 =	simm.s32 $0xA300;
	s14 =	sld [smem:$0x763]  }
0x3ed: {  	[spmem:s17] =	stream.linear.scatter [tilespmem:s20], [sflag:$0x3], $0x80, $0x38;
	[tilespmem:$0x1B280] =	vst v63  }
0x3ee: {  	s16 =	simm.s32 $0xA700;
	s17 =	sld [smem:$0x764]  }
0x3ef: {  	[spmem:s14] =	stream.linear.scatter [tilespmem:s16], [sflag:$0x3], $0x80, $0x38;
	[tilespmem:$0x1B280] =	vst v63  }
0x3f0: {  	s20 =	simm.s32 $0xAB00;
	s14 =	sld [smem:$0x765]  }
0x3f1: {  	[spmem:s17] =	stream.linear.scatter [tilespmem:s20], [sflag:$0x3], $0x80, $0x38;
	[tilespmem:$0x1B280] =	vst v63  }
0x3f2: {  	s16 =	simm.s32 $0xAF00;
	s17 =	sld [smem:$0x766]  }
0x3f3: {  	[spmem:s14] =	stream.linear.scatter [tilespmem:s16], [sflag:$0x3], $0x80, $0x38;
	[tilespmem:$0x1B280] =	vst v63  }
0x3f4: {  	s20 =	simm.s32 $0xB300;
	s14 =	sld [smem:$0x767]  }
0x3f5: {  	[spmem:s17] =	stream.linear.scatter [tilespmem:s20], [sflag:$0x3], $0x80, $0x38;
	[tilespmem:$0x1B280] =	vst v63  }
0x3f6: {  	s16 =	simm.s32 $0xB700;
	s17 =	sld [smem:$0x768]  }
0x3f7: {  	[spmem:s14] =	stream.linear.scatter [tilespmem:s16], [sflag:$0x3], $0x80, $0x38;
	[tilespmem:$0x1B280] =	vst v63  }
0x3f8: {  	s20 =	simm.s32 $0xBB00;
	s14 =	sld [smem:$0x769]  }
0x3f9: {  	[spmem:s17] =	stream.linear.scatter [tilespmem:s20], [sflag:$0x3], $0x80, $0x38;
	[tilespmem:$0x1B280] =	vst v63  }
0x3fa: {  	s16 =	simm.s32 $0xBF00;
	s17 =	sld [smem:$0x76A]  }
0x3fb: {  	[spmem:s14] =	stream.linear.scatter [tilespmem:s16], [sflag:$0x3], $0x80, $0x38;
	[tilespmem:$0x1B280] =	vst v63  }
0x3fc: {  	s20 =	simm.s32 $0xC300;
	s14 =	sld [smem:$0x76B]  }
0x3fd: {  	[spmem:s17] =	stream.linear.scatter [tilespmem:s20], [sflag:$0x3], $0x80, $0x38;
	[tilespmem:$0x1B280] =	vst v63  }
0x3fe: {  	s16 =	simm.s32 $0xC700;
	s17 =	sld [smem:$0x76C]  }
0x3ff: {  	[spmem:s14] =	stream.linear.scatter [tilespmem:s16], [sflag:$0x3], $0x80, $0x38;
	[tilespmem:$0x1B280] =	vst v63  }
0x400: {  	s20 =	simm.s32 $0xCB00;
	s14 =	sld [smem:$0x76D]  }
0x401: {  	[spmem:s17] =	stream.linear.scatter [tilespmem:s20], [sflag:$0x3], $0x80, $0x38;
	[tilespmem:$0x1B280] =	vst v63  }
0x402: {  	s16 =	simm.s32 $0xCF00;
	s17 =	sld [smem:$0x76E]  }
0x403: {  	[spmem:s14] =	stream.linear.scatter [tilespmem:s16], [sflag:$0x3], $0x80, $0x38;
	[tilespmem:$0x1B280] =	vst v63  }
0x404: {  	s20 =	simm.s32 $0xD300;
	s14 =	sld [smem:$0x76F]  }
0x405: {  	[spmem:s17] =	stream.linear.scatter [tilespmem:s20], [sflag:$0x3], $0x80, $0x38;
	[tilespmem:$0x1B280] =	vst v63  }
0x406: {  	s16 =	simm.s32 $0xD700;
	s17 =	sld [smem:$0x770]  }
0x407: {  	[spmem:s14] =	stream.linear.scatter [tilespmem:s16], [sflag:$0x3], $0x80, $0x38;
	[tilespmem:$0x1B280] =	vst v63  }
0x408: {  	s20 =	simm.s32 $0xDB00;
	s14 =	sld [smem:$0x771]  }
0x409: {  	[spmem:s17] =	stream.linear.scatter [tilespmem:s20], [sflag:$0x3], $0x80, $0x38;
	[tilespmem:$0x1B280] =	vst v63  }
0x40a: {  	s16 =	simm.s32 $0xDF00;
	s17 =	sld [smem:$0x772]  }
0x40b: {  	[spmem:s14] =	stream.linear.scatter [tilespmem:s16], [sflag:$0x3], $0x80, $0x38;
	[tilespmem:$0x1B280] =	vst v63  }
0x40c: {  	s20 =	simm.s32 $0xE300;
	s14 =	sld [smem:$0x773]  }
0x40d: {  	[spmem:s17] =	stream.linear.scatter [tilespmem:s20], [sflag:$0x3], $0x80, $0x38;
	[tilespmem:$0x1B280] =	vst v63  }
0x40e: {  	s16 =	simm.s32 $0xE700;
	s17 =	sld [smem:$0x774]  }
0x40f: {  	[spmem:s14] =	stream.linear.scatter [tilespmem:s16], [sflag:$0x3], $0x80, $0x38;
	[tilespmem:$0x1B280] =	vst v63  }
0x410: {  	s20 =	simm.s32 $0xEB00;
	s14 =	sld [smem:$0x775]  }
0x411: {  	[spmem:s17] =	stream.linear.scatter [tilespmem:s20], [sflag:$0x3], $0x80, $0x38;
	[tilespmem:$0x1B280] =	vst v63  }
0x412: {  	s16 =	simm.s32 $0xEF00;
	s17 =	sld [smem:$0x776]  }
0x413: {  	[spmem:s14] =	stream.linear.scatter [tilespmem:s16], [sflag:$0x3], $0x80, $0x38;
	[tilespmem:$0x1B280] =	vst v63  }
0x414: {  	s20 =	simm.s32 $0xF300;
	s14 =	sld [smem:$0x777]  }
0x415: {  	[spmem:s17] =	stream.linear.scatter [tilespmem:s20], [sflag:$0x3], $0x80, $0x38;
	[tilespmem:$0x1B280] =	vst v63  }
0x416: {  	s16 =	simm.s32 $0xF700;
	s17 =	sld [smem:$0x778]  }
0x417: {  	[spmem:s14] =	stream.linear.scatter [tilespmem:s16], [sflag:$0x3], $0x80, $0x38;
	[tilespmem:$0x1B280] =	vst v63  }
0x418: {  	s20 =	simm.s32 $0xFB00;
	s14 =	sld [smem:$0x779]  }
0x419: {  	[spmem:s17] =	stream.linear.scatter [tilespmem:s20], [sflag:$0x3], $0x80, $0x38;
	[tilespmem:$0x1B280] =	vst v63  }
0x41a: {  	s16 =	simm.s32 $0xFF00;
	s17 =	sld [smem:$0x77A]  }
0x41b: {  	[spmem:s14] =	stream.linear.scatter [tilespmem:s16], [sflag:$0x3], $0x80, $0x38;
	[tilespmem:$0x1B280] =	vst v63  }
0x41c: {  	s20 =	simm.s32 $0x10300;
	s14 =	sld [smem:$0x77B]  }
0x41d: {  	[spmem:s17] =	stream.linear.scatter [tilespmem:s20], [sflag:$0x3], $0x80, $0x38;
	[tilespmem:$0x1B280] =	vst v63  }
0x41e: {  	s16 =	simm.s32 $0x10700;
	s17 =	sld [smem:$0x77C]  }
0x41f: {  	[spmem:s14] =	stream.linear.scatter [tilespmem:s16], [sflag:$0x3], $0x80, $0x38;
	[tilespmem:$0x1B280] =	vst v63  }
0x420: {  	s20 =	simm.s32 $0x10B00;
	s14 =	sld [smem:$0x77D]  }
0x421: {  	[spmem:s17] =	stream.linear.scatter [tilespmem:s20], [sflag:$0x3], $0x80, $0x38;
	[tilespmem:$0x1B280] =	vst v63  }
0x422: {  	s16 =	simm.s32 $0x10F00;
	s17 =	sld [smem:$0x77E]  }
0x423: {  	[spmem:s14] =	stream.linear.scatter [tilespmem:s16], [sflag:$0x3], $0x80, $0x38;
	[tilespmem:$0x1B280] =	vst v63  }
0x424: {  	s20 =	simm.s32 $0x11300;
	s14 =	sld [smem:$0x77F]  }
0x425: {  	[spmem:s17] =	stream.linear.scatter [tilespmem:s20], [sflag:$0x3], $0x80, $0x38;
	[tilespmem:$0x1B280] =	vst v63  }
0x426: {  	s16 =	simm.s32 $0x11700;
	s17 =	sld [smem:$0x780]  }
0x427: {  	[spmem:s14] =	stream.linear.scatter [tilespmem:s16], [sflag:$0x3], $0x80, $0x38;
	[tilespmem:$0x1B280] =	vst v63  }
0x428: {  	s20 =	simm.s32 $0x11B00;
	s14 =	sld [smem:$0x781]  }
0x429: {  	[spmem:s17] =	stream.linear.scatter [tilespmem:s20], [sflag:$0x3], $0x80, $0x38;
	[tilespmem:$0x1B280] =	vst v63  }
0x42a: {  	s16 =	simm.s32 $0x11F00;
	s17 =	rddreg [dreg:$0x1a]  }
0x42b: {  	[spmem:s14] =	stream.linear.scatter [tilespmem:s16], [sflag:$0x3], $0x80, $0x38;
	[tilespmem:$0x1B280] =	vst v63  }
0x42c: {  	s20 =	simm.s32 $0xA380;
	s14 =	sld [smem:$0x782]  }
0x42d: {  	[spmem:s17] =	stream.linear.scatter [tilespmem:s20], [sflag:$0x3], $0x80, $0x38;
	[tilespmem:$0x1B280] =	vst v63  }
0x42e: {  	s16 =	simm.s32 $0xA780;
	s17 =	sld [smem:$0x783]  }
0x42f: {  	[spmem:s14] =	stream.linear.scatter [tilespmem:s16], [sflag:$0x3], $0x80, $0x38;
	[tilespmem:$0x1B280] =	vst v63  }
0x430: {  	s20 =	simm.s32 $0xAB80;
	s14 =	sld [smem:$0x784]  }
0x431: {  	[spmem:s17] =	stream.linear.scatter [tilespmem:s20], [sflag:$0x3], $0x80, $0x38;
	[tilespmem:$0x1B280] =	vst v63  }
0x432: {  	s16 =	simm.s32 $0xAF80;
	s17 =	sld [smem:$0x785]  }
0x433: {  	[spmem:s14] =	stream.linear.scatter [tilespmem:s16], [sflag:$0x3], $0x80, $0x38;
	[tilespmem:$0x1B280] =	vst v63  }
0x434: {  	s20 =	simm.s32 $0xB380;
	s14 =	sld [smem:$0x786]  }
0x435: {  	[spmem:s17] =	stream.linear.scatter [tilespmem:s20], [sflag:$0x3], $0x80, $0x38;
	[tilespmem:$0x1B280] =	vst v63  }
0x436: {  	s16 =	simm.s32 $0xB780;
	s17 =	sld [smem:$0x787]  }
0x437: {  	[spmem:s14] =	stream.linear.scatter [tilespmem:s16], [sflag:$0x3], $0x80, $0x38;
	[tilespmem:$0x1B280] =	vst v63  }
0x438: {  	s20 =	simm.s32 $0xBB80;
	s14 =	sld [smem:$0x788]  }
0x439: {  	[spmem:s17] =	stream.linear.scatter [tilespmem:s20], [sflag:$0x3], $0x80, $0x38;
	[tilespmem:$0x1B280] =	vst v63  }
0x43a: {  	s16 =	simm.s32 $0xBF80;
	s17 =	sld [smem:$0x789]  }
0x43b: {  	[spmem:s14] =	stream.linear.scatter [tilespmem:s16], [sflag:$0x3], $0x80, $0x38;
	[tilespmem:$0x1B280] =	vst v63  }
0x43c: {  	s20 =	simm.s32 $0xC380;
	s14 =	sld [smem:$0x78A]  }
0x43d: {  	[spmem:s17] =	stream.linear.scatter [tilespmem:s20], [sflag:$0x3], $0x80, $0x38;
	[tilespmem:$0x1B280] =	vst v63  }
0x43e: {  	s16 =	simm.s32 $0xC780;
	s17 =	sld [smem:$0x78B]  }
0x43f: {  	[spmem:s14] =	stream.linear.scatter [tilespmem:s16], [sflag:$0x3], $0x80, $0x38;
	[tilespmem:$0x1B280] =	vst v63  }
0x440: {  	s20 =	simm.s32 $0xCB80;
	s14 =	sld [smem:$0x78C]  }
0x441: {  	[spmem:s17] =	stream.linear.scatter [tilespmem:s20], [sflag:$0x3], $0x80, $0x38;
	[tilespmem:$0x1B280] =	vst v63  }
0x442: {  	s16 =	simm.s32 $0xCF80;
	s17 =	sld [smem:$0x78D]  }
0x443: {  	[spmem:s14] =	stream.linear.scatter [tilespmem:s16], [sflag:$0x3], $0x80, $0x38;
	[tilespmem:$0x1B280] =	vst v63  }
0x444: {  	s20 =	simm.s32 $0xD380;
	s14 =	sld [smem:$0x78E]  }
0x445: {  	[spmem:s17] =	stream.linear.scatter [tilespmem:s20], [sflag:$0x3], $0x80, $0x38;
	[tilespmem:$0x1B280] =	vst v63  }
0x446: {  	s16 =	simm.s32 $0xD780;
	s17 =	sld [smem:$0x78F]  }
0x447: {  	[spmem:s14] =	stream.linear.scatter [tilespmem:s16], [sflag:$0x3], $0x80, $0x38;
	[tilespmem:$0x1B280] =	vst v63  }
0x448: {  	s20 =	simm.s32 $0xDB80;
	s14 =	sld [smem:$0x790]  }
0x449: {  	[spmem:s17] =	stream.linear.scatter [tilespmem:s20], [sflag:$0x3], $0x80, $0x38;
	[tilespmem:$0x1B280] =	vst v63  }
0x44a: {  	s16 =	simm.s32 $0xDF80;
	s17 =	sld [smem:$0x791]  }
0x44b: {  	[spmem:s14] =	stream.linear.scatter [tilespmem:s16], [sflag:$0x3], $0x80, $0x38;
	[tilespmem:$0x1B280] =	vst v63  }
0x44c: {  	s20 =	simm.s32 $0xE380;
	s14 =	sld [smem:$0x792]  }
0x44d: {  	[spmem:s17] =	stream.linear.scatter [tilespmem:s20], [sflag:$0x3], $0x80, $0x38;
	[tilespmem:$0x1B280] =	vst v63  }
0x44e: {  	s16 =	simm.s32 $0xE780;
	s17 =	sld [smem:$0x793]  }
0x44f: {  	[spmem:s14] =	stream.linear.scatter [tilespmem:s16], [sflag:$0x3], $0x80, $0x38;
	[tilespmem:$0x1B280] =	vst v63  }
0x450: {  	s20 =	simm.s32 $0xEB80;
	s14 =	sld [smem:$0x794]  }
0x451: {  	[spmem:s17] =	stream.linear.scatter [tilespmem:s20], [sflag:$0x3], $0x80, $0x38;
	[tilespmem:$0x1B280] =	vst v63  }
0x452: {  	s16 =	simm.s32 $0xEF80;
	s17 =	sld [smem:$0x795]  }
0x453: {  	[spmem:s14] =	stream.linear.scatter [tilespmem:s16], [sflag:$0x3], $0x80, $0x38;
	[tilespmem:$0x1B280] =	vst v63  }
0x454: {  	s20 =	simm.s32 $0xF380;
	s14 =	sld [smem:$0x796]  }
0x455: {  	[spmem:s17] =	stream.linear.scatter [tilespmem:s20], [sflag:$0x3], $0x80, $0x38;
	[tilespmem:$0x1B280] =	vst v63  }
0x456: {  	s16 =	simm.s32 $0xF780;
	s17 =	sld [smem:$0x797]  }
0x457: {  	[spmem:s14] =	stream.linear.scatter [tilespmem:s16], [sflag:$0x3], $0x80, $0x38;
	[tilespmem:$0x1B280] =	vst v63  }
0x458: {  	s20 =	simm.s32 $0xFB80;
	s14 =	sld [smem:$0x798]  }
0x459: {  	[spmem:s17] =	stream.linear.scatter [tilespmem:s20], [sflag:$0x3], $0x80, $0x38;
	[tilespmem:$0x1B280] =	vst v63  }
0x45a: {  	s16 =	simm.s32 $0xFF80;
	s17 =	sld [smem:$0x799]  }
0x45b: {  	[spmem:s14] =	stream.linear.scatter [tilespmem:s16], [sflag:$0x3], $0x80, $0x38;
	[tilespmem:$0x1B280] =	vst v63  }
0x45c: {  	s20 =	simm.s32 $0x10380;
	s14 =	sld [smem:$0x79A]  }
0x45d: {  	[spmem:s17] =	stream.linear.scatter [tilespmem:s20], [sflag:$0x3], $0x80, $0x38;
	[tilespmem:$0x1B280] =	vst v63  }
0x45e: {  	s16 =	simm.s32 $0x10780;
	s17 =	sld [smem:$0x79B]  }
0x45f: {  	[spmem:s14] =	stream.linear.scatter [tilespmem:s16], [sflag:$0x3], $0x80, $0x38;
	[tilespmem:$0x1B280] =	vst v63  }
0x460: {  	s20 =	simm.s32 $0x10B80;
	s14 =	sld [smem:$0x79C]  }
0x461: {  	[spmem:s17] =	stream.linear.scatter [tilespmem:s20], [sflag:$0x3], $0x80, $0x38;
	[tilespmem:$0x1B280] =	vst v63  }
0x462: {  	s16 =	simm.s32 $0x10F80;
	s17 =	sld [smem:$0x79D]  }
0x463: {  	[spmem:s14] =	stream.linear.scatter [tilespmem:s16], [sflag:$0x3], $0x80, $0x38;
	[tilespmem:$0x1B280] =	vst v63  }
0x464: {  	s20 =	simm.s32 $0x11380;
	s14 =	sld [smem:$0x79E]  }
0x465: {  	[spmem:s17] =	stream.linear.scatter [tilespmem:s20], [sflag:$0x3], $0x80, $0x38;
	[tilespmem:$0x1B280] =	vst v63  }
0x466: {  	s16 =	simm.s32 $0x11780;
	s17 =	sld [smem:$0x79F]  }
0x467: {  	[spmem:s14] =	stream.linear.scatter [tilespmem:s16], [sflag:$0x3], $0x80, $0x38;
	[tilespmem:$0x1B280] =	vst v63  }
0x468: {  	s20 =	simm.s32 $0x11B80;
	s14 =	sld [smem:$0x7A0]  }
0x469: {  	[spmem:s17] =	stream.linear.scatter [tilespmem:s20], [sflag:$0x3], $0x80, $0x38;
	[tilespmem:$0x1B280] =	vst v63  }
0x46a: {  	s16 =	simm.s32 $0x11F80;
	s17 =	rddreg [dreg:$0x1b]  }
0x46b: {  	[spmem:s14] =	stream.linear.scatter [tilespmem:s16], [sflag:$0x3], $0x80, $0x38;
	[tilespmem:$0x1B280] =	vst v63  }
0x46c: {  	s20 =	simm.s32 $0xA400;
	s14 =	sld [smem:$0x7A1]  }
0x46d: {  	[spmem:s17] =	stream.linear.scatter [tilespmem:s20], [sflag:$0x3], $0x80, $0x38;
	[tilespmem:$0x1B280] =	vst v63  }
0x46e: {  	s16 =	simm.s32 $0xA800;
	s17 =	sld [smem:$0x7A2]  }
0x46f: {  	[spmem:s14] =	stream.linear.scatter [tilespmem:s16], [sflag:$0x3], $0x80, $0x38;
	[tilespmem:$0x1B280] =	vst v63  }
0x470: {  	s20 =	simm.s32 $0xAC00;
	s14 =	sld [smem:$0x7A3]  }
0x471: {  	[spmem:s17] =	stream.linear.scatter [tilespmem:s20], [sflag:$0x3], $0x80, $0x38;
	[tilespmem:$0x1B280] =	vst v63  }
0x472: {  	s16 =	simm.s32 $0xB000;
	s17 =	sld [smem:$0x7A4]  }
0x473: {  	[spmem:s14] =	stream.linear.scatter [tilespmem:s16], [sflag:$0x3], $0x80, $0x38;
	[tilespmem:$0x1B280] =	vst v63  }
0x474: {  	s20 =	simm.s32 $0xB400;
	s14 =	sld [smem:$0x7A5]  }
0x475: {  	[spmem:s17] =	stream.linear.scatter [tilespmem:s20], [sflag:$0x3], $0x80, $0x38;
	[tilespmem:$0x1B280] =	vst v63  }
0x476: {  	s16 =	simm.s32 $0xB800;
	s17 =	sld [smem:$0x7A6]  }
0x477: {  	[spmem:s14] =	stream.linear.scatter [tilespmem:s16], [sflag:$0x3], $0x80, $0x38;
	[tilespmem:$0x1B280] =	vst v63  }
0x478: {  	s20 =	simm.s32 $0xBC00;
	s14 =	sld [smem:$0x7A7]  }
0x479: {  	[spmem:s17] =	stream.linear.scatter [tilespmem:s20], [sflag:$0x3], $0x80, $0x38;
	[tilespmem:$0x1B280] =	vst v63  }
0x47a: {  	s16 =	simm.s32 $0xC000;
	s17 =	sld [smem:$0x7A8]  }
0x47b: {  	[spmem:s14] =	stream.linear.scatter [tilespmem:s16], [sflag:$0x3], $0x80, $0x38;
	[tilespmem:$0x1B280] =	vst v63  }
0x47c: {  	s20 =	simm.s32 $0xC400;
	s14 =	sld [smem:$0x7A9]  }
0x47d: {  	[spmem:s17] =	stream.linear.scatter [tilespmem:s20], [sflag:$0x3], $0x80, $0x38;
	[tilespmem:$0x1B280] =	vst v63  }
0x47e: {  	s16 =	simm.s32 $0xC800;
	s17 =	sld [smem:$0x7AA]  }
0x47f: {  	[spmem:s14] =	stream.linear.scatter [tilespmem:s16], [sflag:$0x3], $0x80, $0x38;
	[tilespmem:$0x1B280] =	vst v63  }
0x480: {  	s20 =	simm.s32 $0xCC00;
	s14 =	sld [smem:$0x7AB]  }
0x481: {  	[spmem:s17] =	stream.linear.scatter [tilespmem:s20], [sflag:$0x3], $0x80, $0x38;
	[tilespmem:$0x1B280] =	vst v63  }
0x482: {  	s16 =	simm.s32 $0xD000;
	s17 =	sld [smem:$0x7AC]  }
0x483: {  	[spmem:s14] =	stream.linear.scatter [tilespmem:s16], [sflag:$0x3], $0x80, $0x38;
	[tilespmem:$0x1B280] =	vst v63  }
0x484: {  	s20 =	simm.s32 $0xD400;
	s14 =	sld [smem:$0x7AD]  }
0x485: {  	[spmem:s17] =	stream.linear.scatter [tilespmem:s20], [sflag:$0x3], $0x80, $0x38;
	[tilespmem:$0x1B280] =	vst v63  }
0x486: {  	s16 =	simm.s32 $0xD800;
	s17 =	sld [smem:$0x7AE]  }
0x487: {  	[spmem:s14] =	stream.linear.scatter [tilespmem:s16], [sflag:$0x3], $0x80, $0x38;
	[tilespmem:$0x1B280] =	vst v63  }
0x488: {  	s20 =	simm.s32 $0xDC00;
	s14 =	sld [smem:$0x7AF]  }
0x489: {  	[spmem:s17] =	stream.linear.scatter [tilespmem:s20], [sflag:$0x3], $0x80, $0x38;
	[tilespmem:$0x1B280] =	vst v63  }
0x48a: {  	s16 =	simm.s32 $0xE000;
	s17 =	sld [smem:$0x7B0]  }
0x48b: {  	[spmem:s14] =	stream.linear.scatter [tilespmem:s16], [sflag:$0x3], $0x80, $0x38;
	[tilespmem:$0x1B280] =	vst v63  }
0x48c: {  	s20 =	simm.s32 $0xE400;
	s14 =	sld [smem:$0x7B1]  }
0x48d: {  	[spmem:s17] =	stream.linear.scatter [tilespmem:s20], [sflag:$0x3], $0x80, $0x38;
	[tilespmem:$0x1B280] =	vst v63  }
0x48e: {  	s16 =	simm.s32 $0xE800;
	s17 =	sld [smem:$0x7B2]  }
0x48f: {  	[spmem:s14] =	stream.linear.scatter [tilespmem:s16], [sflag:$0x3], $0x80, $0x38;
	[tilespmem:$0x1B280] =	vst v63  }
0x490: {  	s20 =	simm.s32 $0xEC00;
	s14 =	sld [smem:$0x7B3]  }
0x491: {  	[spmem:s17] =	stream.linear.scatter [tilespmem:s20], [sflag:$0x3], $0x80, $0x38;
	[tilespmem:$0x1B280] =	vst v63  }
0x492: {  	s16 =	simm.s32 $0xF000;
	s17 =	sld [smem:$0x7B4]  }
0x493: {  	[spmem:s14] =	stream.linear.scatter [tilespmem:s16], [sflag:$0x3], $0x80, $0x38;
	[tilespmem:$0x1B280] =	vst v63  }
0x494: {  	s20 =	simm.s32 $0xF400;
	s14 =	sld [smem:$0x7B5]  }
0x495: {  	[spmem:s17] =	stream.linear.scatter [tilespmem:s20], [sflag:$0x3], $0x80, $0x38;
	[tilespmem:$0x1B280] =	vst v63  }
0x496: {  	s16 =	simm.s32 $0xF800;
	s17 =	sld [smem:$0x7B6]  }
0x497: {  	[spmem:s14] =	stream.linear.scatter [tilespmem:s16], [sflag:$0x3], $0x80, $0x38;
	[tilespmem:$0x1B280] =	vst v63  }
0x498: {  	s20 =	simm.s32 $0xFC00;
	s14 =	sld [smem:$0x7B7]  }
0x499: {  	[spmem:s17] =	stream.linear.scatter [tilespmem:s20], [sflag:$0x3], $0x80, $0x38;
	[tilespmem:$0x1B280] =	vst v63  }
0x49a: {  	s16 =	simm.s32 $0x10000;
	s17 =	sld [smem:$0x7B8]  }
0x49b: {  	[spmem:s14] =	stream.linear.scatter [tilespmem:s16], [sflag:$0x3], $0x80, $0x38;
	[tilespmem:$0x1B280] =	vst v63  }
0x49c: {  	s20 =	simm.s32 $0x10400;
	s14 =	sld [smem:$0x7B9]  }
0x49d: {  	[spmem:s17] =	stream.linear.scatter [tilespmem:s20], [sflag:$0x3], $0x80, $0x38;
	[tilespmem:$0x1B280] =	vst v63  }
0x49e: {  	s16 =	simm.s32 $0x10800;
	s17 =	sld [smem:$0x7BA]  }
0x49f: {  	[spmem:s14] =	stream.linear.scatter [tilespmem:s16], [sflag:$0x3], $0x80, $0x38;
	[tilespmem:$0x1B280] =	vst v63  }
0x4a0: {  	s20 =	simm.s32 $0x10C00;
	s14 =	sld [smem:$0x7BB]  }
0x4a1: {  	[spmem:s17] =	stream.linear.scatter [tilespmem:s20], [sflag:$0x3], $0x80, $0x38;
	[tilespmem:$0x1B280] =	vst v63  }
0x4a2: {  	s16 =	simm.s32 $0x11000;
	s17 =	sld [smem:$0x7BC]  }
0x4a3: {  	[spmem:s14] =	stream.linear.scatter [tilespmem:s16], [sflag:$0x3], $0x80, $0x38;
	[tilespmem:$0x1B280] =	vst v63  }
0x4a4: {  	s20 =	simm.s32 $0x11400;
	s14 =	sld [smem:$0x7BD]  }
0x4a5: {  	[spmem:s17] =	stream.linear.scatter [tilespmem:s20], [sflag:$0x3], $0x80, $0x38;
	[tilespmem:$0x1B280] =	vst v63  }
0x4a6: {  	s16 =	simm.s32 $0x11800;
	s17 =	sld [smem:$0x7BE]  }
0x4a7: {  	[spmem:s14] =	stream.linear.scatter [tilespmem:s16], [sflag:$0x3], $0x80, $0x38;
	[tilespmem:$0x1B280] =	vst v63  }
0x4a8: {  	s20 =	simm.s32 $0x11C00;
	s14 =	sld [smem:$0x7BF]  }
0x4a9: {  	[spmem:s17] =	stream.linear.scatter [tilespmem:s20], [sflag:$0x3], $0x80, $0x38;
	[tilespmem:$0x1B280] =	vst v63  }
0x4aa: {  	s16 =	simm.s32 $0x12000;
	s17 =	rddreg [dreg:$0x1c]  }
0x4ab: {  	[spmem:s14] =	stream.linear.scatter [tilespmem:s16], [sflag:$0x3], $0x80, $0x38;
	[tilespmem:$0x1B280] =	vst v63  }
0x4ac: {  	s20 =	simm.s32 $0xA480;
	s14 =	sld [smem:$0x7C0]  }
0x4ad: {  	[spmem:s17] =	stream.linear.scatter [tilespmem:s20], [sflag:$0x3], $0x80, $0x38;
	[tilespmem:$0x1B280] =	vst v63  }
0x4ae: {  	s16 =	simm.s32 $0xA880;
	s17 =	sld [smem:$0x7C1]  }
0x4af: {  	[spmem:s14] =	stream.linear.scatter [tilespmem:s16], [sflag:$0x3], $0x80, $0x38;
	[tilespmem:$0x1B280] =	vst v63  }
0x4b0: {  	s20 =	simm.s32 $0xAC80;
	s14 =	sld [smem:$0x7C2]  }
0x4b1: {  	[spmem:s17] =	stream.linear.scatter [tilespmem:s20], [sflag:$0x3], $0x80, $0x38;
	[tilespmem:$0x1B280] =	vst v63  }
0x4b2: {  	s16 =	simm.s32 $0xB080;
	s17 =	sld [smem:$0x7C3]  }
0x4b3: {  	[spmem:s14] =	stream.linear.scatter [tilespmem:s16], [sflag:$0x3], $0x80, $0x38;
	[tilespmem:$0x1B280] =	vst v63  }
0x4b4: {  	s20 =	simm.s32 $0xB480;
	s14 =	sld [smem:$0x7C4]  }
0x4b5: {  	[spmem:s17] =	stream.linear.scatter [tilespmem:s20], [sflag:$0x3], $0x80, $0x38;
	[tilespmem:$0x1B280] =	vst v63  }
0x4b6: {  	s16 =	simm.s32 $0xB880;
	s17 =	sld [smem:$0x7C5]  }
0x4b7: {  	[spmem:s14] =	stream.linear.scatter [tilespmem:s16], [sflag:$0x3], $0x80, $0x38;
	[tilespmem:$0x1B280] =	vst v63  }
0x4b8: {  	s20 =	simm.s32 $0xBC80;
	s14 =	sld [smem:$0x7C6]  }
0x4b9: {  	[spmem:s17] =	stream.linear.scatter [tilespmem:s20], [sflag:$0x3], $0x80, $0x38;
	[tilespmem:$0x1B280] =	vst v63  }
0x4ba: {  	s16 =	simm.s32 $0xC080;
	s17 =	sld [smem:$0x7C7]  }
0x4bb: {  	[spmem:s14] =	stream.linear.scatter [tilespmem:s16], [sflag:$0x3], $0x80, $0x38;
	[tilespmem:$0x1B280] =	vst v63  }
0x4bc: {  	s20 =	simm.s32 $0xC480;
	s14 =	sld [smem:$0x7C8]  }
0x4bd: {  	[spmem:s17] =	stream.linear.scatter [tilespmem:s20], [sflag:$0x3], $0x80, $0x38;
	[tilespmem:$0x1B280] =	vst v63  }
0x4be: {  	s16 =	simm.s32 $0xC880;
	s17 =	sld [smem:$0x7C9]  }
0x4bf: {  	[spmem:s14] =	stream.linear.scatter [tilespmem:s16], [sflag:$0x3], $0x80, $0x38;
	[tilespmem:$0x1B280] =	vst v63  }
0x4c0: {  	s20 =	simm.s32 $0xCC80;
	s14 =	sld [smem:$0x7CA]  }
0x4c1: {  	[spmem:s17] =	stream.linear.scatter [tilespmem:s20], [sflag:$0x3], $0x80, $0x38;
	[tilespmem:$0x1B280] =	vst v63  }
0x4c2: {  	s16 =	simm.s32 $0xD080;
	s17 =	sld [smem:$0x7CB]  }
0x4c3: {  	[spmem:s14] =	stream.linear.scatter [tilespmem:s16], [sflag:$0x3], $0x80, $0x38;
	[tilespmem:$0x1B280] =	vst v63  }
0x4c4: {  	s20 =	simm.s32 $0xD480;
	s14 =	sld [smem:$0x7CC]  }
0x4c5: {  	[spmem:s17] =	stream.linear.scatter [tilespmem:s20], [sflag:$0x3], $0x80, $0x38;
	[tilespmem:$0x1B280] =	vst v63  }
0x4c6: {  	s16 =	simm.s32 $0xD880;
	s17 =	sld [smem:$0x7CD]  }
0x4c7: {  	[spmem:s14] =	stream.linear.scatter [tilespmem:s16], [sflag:$0x3], $0x80, $0x38;
	[tilespmem:$0x1B280] =	vst v63  }
0x4c8: {  	s20 =	simm.s32 $0xDC80;
	s14 =	sld [smem:$0x7CE]  }
0x4c9: {  	[spmem:s17] =	stream.linear.scatter [tilespmem:s20], [sflag:$0x3], $0x80, $0x38;
	[tilespmem:$0x1B280] =	vst v63  }
0x4ca: {  	s16 =	simm.s32 $0xE080;
	s17 =	sld [smem:$0x7CF]  }
0x4cb: {  	[spmem:s14] =	stream.linear.scatter [tilespmem:s16], [sflag:$0x3], $0x80, $0x38;
	[tilespmem:$0x1B280] =	vst v63  }
0x4cc: {  	s20 =	simm.s32 $0xE480;
	s14 =	sld [smem:$0x7D0]  }
0x4cd: {  	[spmem:s17] =	stream.linear.scatter [tilespmem:s20], [sflag:$0x3], $0x80, $0x38;
	[tilespmem:$0x1B280] =	vst v63  }
0x4ce: {  	s16 =	simm.s32 $0xE880;
	s17 =	sld [smem:$0x7D1]  }
0x4cf: {  	[spmem:s14] =	stream.linear.scatter [tilespmem:s16], [sflag:$0x3], $0x80, $0x38;
	[tilespmem:$0x1B280] =	vst v63  }
0x4d0: {  	s20 =	simm.s32 $0xEC80;
	s14 =	sld [smem:$0x7D2]  }
0x4d1: {  	[spmem:s17] =	stream.linear.scatter [tilespmem:s20], [sflag:$0x3], $0x80, $0x38;
	[tilespmem:$0x1B280] =	vst v63  }
0x4d2: {  	s16 =	simm.s32 $0xF080;
	s17 =	sld [smem:$0x7D3]  }
0x4d3: {  	[spmem:s14] =	stream.linear.scatter [tilespmem:s16], [sflag:$0x3], $0x80, $0x38;
	[tilespmem:$0x1B280] =	vst v63  }
0x4d4: {  	s20 =	simm.s32 $0xF480;
	s14 =	sld [smem:$0x7D4]  }
0x4d5: {  	[spmem:s17] =	stream.linear.scatter [tilespmem:s20], [sflag:$0x3], $0x80, $0x38;
	[tilespmem:$0x1B280] =	vst v63  }
0x4d6: {  	s16 =	simm.s32 $0xF880;
	s17 =	sld [smem:$0x7D5]  }
0x4d7: {  	[spmem:s14] =	stream.linear.scatter [tilespmem:s16], [sflag:$0x3], $0x80, $0x38;
	[tilespmem:$0x1B280] =	vst v63  }
0x4d8: {  	s20 =	simm.s32 $0xFC80;
	s14 =	sld [smem:$0x7D6]  }
0x4d9: {  	[spmem:s17] =	stream.linear.scatter [tilespmem:s20], [sflag:$0x3], $0x80, $0x38;
	[tilespmem:$0x1B280] =	vst v63  }
0x4da: {  	s16 =	simm.s32 $0x10080;
	s17 =	sld [smem:$0x7D7]  }
0x4db: {  	[spmem:s14] =	stream.linear.scatter [tilespmem:s16], [sflag:$0x3], $0x80, $0x38;
	[tilespmem:$0x1B280] =	vst v63  }
0x4dc: {  	s20 =	simm.s32 $0x10480;
	s14 =	sld [smem:$0x7D8]  }
0x4dd: {  	[spmem:s17] =	stream.linear.scatter [tilespmem:s20], [sflag:$0x3], $0x80, $0x38;
	[tilespmem:$0x1B280] =	vst v63  }
0x4de: {  	s16 =	simm.s32 $0x10880;
	s17 =	sld [smem:$0x7D9]  }
0x4df: {  	[spmem:s14] =	stream.linear.scatter [tilespmem:s16], [sflag:$0x3], $0x80, $0x38;
	[tilespmem:$0x1B280] =	vst v63  }
0x4e0: {  	s20 =	simm.s32 $0x10C80;
	s14 =	sld [smem:$0x7DA]  }
0x4e1: {  	[spmem:s17] =	stream.linear.scatter [tilespmem:s20], [sflag:$0x3], $0x80, $0x38;
	[tilespmem:$0x1B280] =	vst v63  }
0x4e2: {  	s16 =	simm.s32 $0x11080;
	s17 =	sld [smem:$0x7DB]  }
0x4e3: {  	[spmem:s14] =	stream.linear.scatter [tilespmem:s16], [sflag:$0x3], $0x80, $0x38;
	[tilespmem:$0x1B280] =	vst v63  }
0x4e4: {  	s20 =	simm.s32 $0x11480;
	s14 =	sld [smem:$0x7DC]  }
0x4e5: {  	[spmem:s17] =	stream.linear.scatter [tilespmem:s20], [sflag:$0x3], $0x80, $0x38;
	[tilespmem:$0x1B280] =	vst v63  }
0x4e6: {  	s16 =	simm.s32 $0x11880;
	s17 =	sld [smem:$0x7DD]  }
0x4e7: {  	[spmem:s14] =	stream.linear.scatter [tilespmem:s16], [sflag:$0x3], $0x80, $0x38;
	[tilespmem:$0x1B280] =	vst v63  }
0x4e8: {  	s20 =	simm.s32 $0x11C80;
	s14 =	sld [smem:$0x7DE]  }
0x4e9: {  	[spmem:s17] =	stream.linear.scatter [tilespmem:s20], [sflag:$0x3], $0x80, $0x38;
	[tilespmem:$0x1B280] =	vst v63  }
0x4ea: {  	s16 =	simm.s32 $0x12080;
	s17 =	rddreg [dreg:$0x1d]  }
0x4eb: {  	[spmem:s14] =	stream.linear.scatter [tilespmem:s16], [sflag:$0x3], $0x80, $0x38;
	[tilespmem:$0x1B280] =	vst v63  }
0x4ec: {  	s20 =	simm.s32 $0xA500;
	s14 =	sld [smem:$0x7DF]  }
0x4ed: {  	[spmem:s17] =	stream.linear.scatter [tilespmem:s20], [sflag:$0x3], $0x80, $0x38;
	[tilespmem:$0x1B280] =	vst v63  }
0x4ee: {  	s16 =	simm.s32 $0xA900;
	s17 =	sld [smem:$0x7E0]  }
0x4ef: {  	[spmem:s14] =	stream.linear.scatter [tilespmem:s16], [sflag:$0x3], $0x80, $0x38;
	[tilespmem:$0x1B280] =	vst v63  }
0x4f0: {  	s20 =	simm.s32 $0xAD00;
	s14 =	sld [smem:$0x7E1]  }
0x4f1: {  	[spmem:s17] =	stream.linear.scatter [tilespmem:s20], [sflag:$0x3], $0x80, $0x38;
	[tilespmem:$0x1B280] =	vst v63  }
0x4f2: {  	s16 =	simm.s32 $0xB100;
	s17 =	sld [smem:$0x7E2]  }
0x4f3: {  	[spmem:s14] =	stream.linear.scatter [tilespmem:s16], [sflag:$0x3], $0x80, $0x38;
	[tilespmem:$0x1B280] =	vst v63  }
0x4f4: {  	s20 =	simm.s32 $0xB500;
	s14 =	sld [smem:$0x7E3]  }
0x4f5: {  	[spmem:s17] =	stream.linear.scatter [tilespmem:s20], [sflag:$0x3], $0x80, $0x38;
	[tilespmem:$0x1B280] =	vst v63  }
0x4f6: {  	s16 =	simm.s32 $0xB900;
	s17 =	sld [smem:$0x7E4]  }
0x4f7: {  	[spmem:s14] =	stream.linear.scatter [tilespmem:s16], [sflag:$0x3], $0x80, $0x38;
	[tilespmem:$0x1B280] =	vst v63  }
0x4f8: {  	s20 =	simm.s32 $0xBD00;
	s14 =	sld [smem:$0x7E5]  }
0x4f9: {  	[spmem:s17] =	stream.linear.scatter [tilespmem:s20], [sflag:$0x3], $0x80, $0x38;
	[tilespmem:$0x1B280] =	vst v63  }
0x4fa: {  	s16 =	simm.s32 $0xC100;
	s17 =	sld [smem:$0x7E6]  }
0x4fb: {  	[spmem:s14] =	stream.linear.scatter [tilespmem:s16], [sflag:$0x3], $0x80, $0x38;
	[tilespmem:$0x1B280] =	vst v63  }
0x4fc: {  	s20 =	simm.s32 $0xC500;
	s14 =	sld [smem:$0x7E7]  }
0x4fd: {  	[spmem:s17] =	stream.linear.scatter [tilespmem:s20], [sflag:$0x3], $0x80, $0x38;
	[tilespmem:$0x1B280] =	vst v63  }
0x4fe: {  	s16 =	simm.s32 $0xC900;
	s17 =	sld [smem:$0x7E8]  }
0x4ff: {  	[spmem:s14] =	stream.linear.scatter [tilespmem:s16], [sflag:$0x3], $0x80, $0x38;
	[tilespmem:$0x1B280] =	vst v63  }
0x500: {  	s20 =	simm.s32 $0xCD00;
	s14 =	sld [smem:$0x7E9]  }
0x501: {  	[spmem:s17] =	stream.linear.scatter [tilespmem:s20], [sflag:$0x3], $0x80, $0x38;
	[tilespmem:$0x1B280] =	vst v63  }
0x502: {  	s16 =	simm.s32 $0xD100;
	s17 =	sld [smem:$0x7EA]  }
0x503: {  	[spmem:s14] =	stream.linear.scatter [tilespmem:s16], [sflag:$0x3], $0x80, $0x38;
	[tilespmem:$0x1B280] =	vst v63  }
0x504: {  	s20 =	simm.s32 $0xD500;
	s14 =	sld [smem:$0x7EB]  }
0x505: {  	[spmem:s17] =	stream.linear.scatter [tilespmem:s20], [sflag:$0x3], $0x80, $0x38;
	[tilespmem:$0x1B280] =	vst v63  }
0x506: {  	s16 =	simm.s32 $0xD900;
	s17 =	sld [smem:$0x7EC]  }
0x507: {  	[spmem:s14] =	stream.linear.scatter [tilespmem:s16], [sflag:$0x3], $0x80, $0x38;
	[tilespmem:$0x1B280] =	vst v63  }
0x508: {  	s20 =	simm.s32 $0xDD00;
	s14 =	sld [smem:$0x7ED]  }
0x509: {  	[spmem:s17] =	stream.linear.scatter [tilespmem:s20], [sflag:$0x3], $0x80, $0x38;
	[tilespmem:$0x1B280] =	vst v63  }
0x50a: {  	s16 =	simm.s32 $0xE100;
	s17 =	sld [smem:$0x7EE]  }
0x50b: {  	[spmem:s14] =	stream.linear.scatter [tilespmem:s16], [sflag:$0x3], $0x80, $0x38;
	[tilespmem:$0x1B280] =	vst v63  }
0x50c: {  	s20 =	simm.s32 $0xE500;
	s14 =	sld [smem:$0x7EF]  }
0x50d: {  	[spmem:s17] =	stream.linear.scatter [tilespmem:s20], [sflag:$0x3], $0x80, $0x38;
	[tilespmem:$0x1B280] =	vst v63  }
0x50e: {  	s16 =	simm.s32 $0xE900;
	s17 =	sld [smem:$0x7F0]  }
0x50f: {  	[spmem:s14] =	stream.linear.scatter [tilespmem:s16], [sflag:$0x3], $0x80, $0x38;
	[tilespmem:$0x1B280] =	vst v63  }
0x510: {  	s20 =	simm.s32 $0xED00;
	s14 =	sld [smem:$0x7F1]  }
0x511: {  	[spmem:s17] =	stream.linear.scatter [tilespmem:s20], [sflag:$0x3], $0x80, $0x38;
	[tilespmem:$0x1B280] =	vst v63  }
0x512: {  	s16 =	simm.s32 $0xF100;
	s17 =	sld [smem:$0x7F2]  }
0x513: {  	[spmem:s14] =	stream.linear.scatter [tilespmem:s16], [sflag:$0x3], $0x80, $0x38;
	[tilespmem:$0x1B280] =	vst v63  }
0x514: {  	s20 =	simm.s32 $0xF500;
	s14 =	sld [smem:$0x7F3]  }
0x515: {  	[spmem:s17] =	stream.linear.scatter [tilespmem:s20], [sflag:$0x3], $0x80, $0x38;
	[tilespmem:$0x1B280] =	vst v63  }
0x516: {  	s16 =	simm.s32 $0xF900;
	s17 =	sld [smem:$0x7F4]  }
0x517: {  	[spmem:s14] =	stream.linear.scatter [tilespmem:s16], [sflag:$0x3], $0x80, $0x38;
	[tilespmem:$0x1B280] =	vst v63  }
0x518: {  	s20 =	simm.s32 $0xFD00;
	s14 =	sld [smem:$0x7F5]  }
0x519: {  	[spmem:s17] =	stream.linear.scatter [tilespmem:s20], [sflag:$0x3], $0x80, $0x38;
	[tilespmem:$0x1B280] =	vst v63  }
0x51a: {  	s16 =	simm.s32 $0x10100;
	s17 =	sld [smem:$0x7F6]  }
0x51b: {  	[spmem:s14] =	stream.linear.scatter [tilespmem:s16], [sflag:$0x3], $0x80, $0x38;
	[tilespmem:$0x1B280] =	vst v63  }
0x51c: {  	s20 =	simm.s32 $0x10500;
	s14 =	sld [smem:$0x7F7]  }
0x51d: {  	[spmem:s17] =	stream.linear.scatter [tilespmem:s20], [sflag:$0x3], $0x80, $0x38;
	[tilespmem:$0x1B280] =	vst v63  }
0x51e: {  	s16 =	simm.s32 $0x10900;
	s17 =	sld [smem:$0x7F8]  }
0x51f: {  	[spmem:s14] =	stream.linear.scatter [tilespmem:s16], [sflag:$0x3], $0x80, $0x38;
	[tilespmem:$0x1B280] =	vst v63  }
0x520: {  	s20 =	simm.s32 $0x10D00;
	s14 =	sld [smem:$0x7FD]  }
0x521: {  	[spmem:s17] =	stream.linear.scatter [tilespmem:s20], [sflag:$0x3], $0x80, $0x38;
	[tilespmem:$0x1B280] =	vst v63  }
0x522: {  	s16 =	simm.s32 $0x11100;
	s17 =	sld [smem:$0x7FC]  }
0x523: {  	[spmem:s14] =	stream.linear.scatter [tilespmem:s16], [sflag:$0x3], $0x80, $0x38;
	[tilespmem:$0x1B280] =	vst v63  }
0x524: {  	s20 =	simm.s32 $0x11500;
	s14 =	sld [smem:$0x7FB]  }
0x525: {  	[spmem:s17] =	stream.linear.scatter [tilespmem:s20], [sflag:$0x3], $0x80, $0x38;
	[tilespmem:$0x1B280] =	vst v63  }
0x526: {  	s16 =	simm.s32 $0x11900;
	s17 =	sld [smem:$0x7FA]  }
0x527: {  	[spmem:s14] =	stream.linear.scatter [tilespmem:s16], [sflag:$0x3], $0x80, $0x38;
	[tilespmem:$0x1B280] =	vst v63  }
0x528: {  	s7 =	sld [smem:$0x7F9];
	s20 =	simm.s32 $0x11D00  }
0x529: {  	[spmem:s17] =	stream.linear.scatter [tilespmem:s20], [sflag:$0x3], $0x80, $0x38;
	[tilespmem:$0x1B280] =	vst v63  }
0x52a: {  	s14 =	simm.s32 $0x12100;
	s16 =	simm.s32 $0x3  }
0x52b: {  	[spmem:s7] =	stream.linear.scatter [tilespmem:s14], [sflag:$0x3], $0x80, $0x38;
	[tilespmem:$0x1B280] =	vst v63  }
0x52c: {  	_ =	swait.ge [sflag:s16], $0x1000  }
0x52d: {  	[sflag:s16] =	ssyncset.done $0x0  }
0x52e: {  	[sflag:s16] =	ssyncadd.s32 $0xFFFFF000  }
0x52f: {  	_ =	swait.ge [sflag:s16], $0x1000  }
0x530: {  	[sflag:s16] =	ssyncset.done $0x0  }
0x531: {  	[sflag:s16] =	ssyncadd.s32 $0xFFFFF000  }
0x532: {  	_ =	swait.ge [sflag:s16], $0x1000  }
0x533: {  	[sflag:s16] =	ssyncset.done $0x0  }
0x534: {  	[sflag:s16] =	ssyncadd.s32 $0xFFFFF000  }
0x535: {  	_ =	swait.ge [sflag:s16], $0x1000  }
0x536: {  	[sflag:s16] =	ssyncset.done $0x0  }
0x537: {  	[sflag:s16] =	ssyncadd.s32 $0xFFFFF000  }
0x538: {  	_ =	swait.ge [sflag:s16], $0x1000  }
0x539: {  	[sflag:s16] =	ssyncset.done $0x0  }
0x53a: {  	[sflag:s16] =	ssyncadd.s32 $0xFFFFF000  }
0x53b: {  	_ =	swait.ge [sflag:s16], $0x1000  }
0x53c: {  	[sflag:s16] =	ssyncset.done $0x0  }
0x53d: {  	[sflag:s16] =	ssyncadd.s32 $0xFFFFF000  }
0x53e: {  	_ =	swait.ge [sflag:s16], $0x1000  }
0x53f: {  	[sflag:s16] =	ssyncset.done $0x0  }
0x540: {  	s20 =	smov.u32 s8;
	s8 =	sadd.s32 $0x1, s8;
	[sflag:s16] =	ssyncadd.s32 $0xFFFFF000  }
0x541: {  	s17 =	simm.s32 $0x0;
	p1 =	sgt.u32 s20, $0x1D;
	_ =	swait.ge [sflag:s16], $0x1000  }
0x542: {  	v39 =	vor.u32 s17, v16;
	s14 =	simm.s32 @!p1 $0x0;
	[smem:$0x6AC] =	sst s8;
	s8 =	sshll.u32 @!p1 s8, $0xF  }
0x543: {  	[sflag:s16] =	ssyncset.done $0x0;
	s3 =	rddreg [dreg:$0x1e];
	s8 =	smin.u32 @!p1 s8, $0xEC200  }
0x544: {  	[sflag:s16] =	ssyncadd.s32 $0xFFFFF000;
	s16 =	simm.s32 @!p1 $0xA180;
	s8 =	sadd.s32 @!p1 s8, s3  }
0x545: {  	[tilespmem:s16], [sflag:$0x2] =	stream.linear.gather @!p1 [hbm4b:s8+s14], $0x8000, $0x38;
	[tilespmem:$0x1B280] =	vst v63  }
0x546: {  	[bflag:$0x0] =	sbarrier.arrive $0xFFFF  }
0x547: {  	s7 =	sshll.u32 s20, $0xF;
	v40 =	vld.idx.msk [tilespmem:v39+s19+$0x0], $0xffff  }
0x548: {  	p1 =	slt.s32 s7, $0xEC200;
	s8 =	smov.u32 s7  }
0x549: {  	s8 =	simm.s32 @!p1 $0xEC200  }
0x54a: {  	s3 =	sadd.s32 $0x8000, s8  }
0x54b: {  	v36 =	vmov s7;
	v37 =	vmov s3  }
0x54c: {  	vm9 =	vge.s32 v40, v36;
	vm10 =	vlt.s32 v40, v37  }
0x54d: {  	vm9 =	vmand vm9, vm10  }
0x54e: {  	v35 =	vmpcnt.ones.xlane vm9;
	_ =	sdelay $0x1  }
0x54f: {  	v35 =	vxor.u32 $0x80000000, v35  }
0x550: {  	(xrf0) =	vmax.scan.msk.u32 $0xffff, v35;
	_ =	sdelay $0x4  }
0x551: {  	s16 =	simm.s32 $0x10  }
0x552: {  	v38 =	vor.u32 s16, v16;
	v35, _, _ =	vpop (xrf0)  }
0x553: {  	(v2sf) =	vpush v35, $0xF;
	v35 =	vmov s8  }
0x554: {  	v40 =	vsub.s32 v40, v35  }
0x555: {  	[tilespmem:s17+$0x1080] =	vst.msk vm9, v40  }
0x556: {  	[tilespmem:s17+$0x1900] =	vst.msk vm9, v39  }
0x557: {  	v39 =	vld.idx.msk [tilespmem:v38+s19+$0x0], $0xffff;
	_ =	sdelay $0x4  }
0x558: {  	vm9 =	vge.s32 v39, v36;
	vm10 =	vlt.s32 v39, v37  }
0x559: {  	vm9 =	vmand vm9, vm10  }
0x55a: {  	v63 =	vmpcnt.ones.xlane vm9;
	_ =	sdelay $0x1  }
0x55b: {  	v41 =	vxor.u32 $0x80000000, v63  }
0x55c: {  	(xrf0) =	vmax.scan.msk.u32 $0xffff, v41;
	_ =	sdelay $0x1  }
0x55d: {  	s20 =	simm.s32 $0x20  }
0x55e: {  	s7 =	simm.s32 $0x30;
	s8 =	simm.s32 $0x0;
	v40 =	vsub.s32 v39, v35;
	v39 =	vor.u32 s20, v16;
	s14 =	spop (v2sf)  }
.LBB2_5:
0x55f: {  	p1 =	sne.s32 s7, $0x7F0;
	s8 =	sadd.s32 s14, s8  }
0x560: {  	s8 =	sadd.s32 $0x80000000, s8  }
0x561: {  	[tilespmem:s8+$0x1080] =	vst.msk vm9, v40;
	v40, _, _ =	vpop (xrf0)  }
0x562: {  	[tilespmem:s8+$0x1900] =	vst.msk vm9, v38;
	(v2sf) =	vpush v40, $0xF;
	v38 =	vmov v39  }
0x563: {  	v39 =	vld.idx.msk [tilespmem:v39+s19+$0x0], $0xffff;
	_ =	sdelay $0x5  }
0x564: {  	vm9 =	vge.s32 v39, v36;
	vm10 =	vlt.s32 v39, v37;
	v40 =	vsub.s32 v39, v35  }
0x565: {  	vm9 =	vmand vm9, vm10  }
0x566: {  	v39 =	vmpcnt.ones.xlane vm9;
	_ =	sdelay $0x1  }
.Ltmp5:
0x567: {  	v39 =	vxor.u32 $0x80000000, v39;
	(pc) =	sbr.rel @p1 .LBB2_5-.Ltmp5, $2  }
0x568: {  	(xrf0) =	vmax.scan.msk.u32 $0xffff, v39;
	_ =	sdelay $0x2  }
0x569: {  	v39 =	vor.u32 s7, v16;
	s7 =	sadd.s32 $0x10, s7;
	s14 =	spop (v2sf)  }
0x56a: {  	s7 =	sadd.s32 s14, s8  }
0x56b: {  	s7 =	sadd.s32 $0x80000000, s7  }
0x56c: {  	[tilespmem:s7+$0x1080] =	vst.msk vm9, v40  }
0x56d: {  	[tilespmem:s7+$0x1900] =	vst.msk vm9, v38  }
0x56e: {  	v38 =	vld.idx.msk [tilespmem:v39+s19+$0x0], $0xffff;
	_ =	sdelay $0x4  }
0x56f: {  	vm9 =	vge.s32 v38, v36;
	vm10 =	vlt.s32 v38, v37  }
0x570: {  	vm9 =	vmand vm9, vm10  }
0x571: {  	v61 =	vmpcnt.ones.xlane vm9;
	_ =	sdelay $0x1  }
0x572: {  	v36 =	vxor.u32 $0x80000000, v61  }
0x573: {  	(xrf0) =	vmax.scan.msk.u32 $0xffff, v36;
	_ =	sdelay $0x3  }
0x574: {  	v62, _, _ =	vpop (xrf0)  }
0x575: {  	(v2sf) =	vpush v62, $0xF  }
0x576: {  	v63, _, _ =	vpop (xrf0)  }
0x577: {  	(v2sf) =	vpush v63, $0xF;
	_ =	sdelay $0xc  }
0x578: {  	s16 =	spop (v2sf)  }
0x579: {  	s7 =	sadd.s32 s16, s7  }
0x57a: {  	s7 =	sadd.s32 $0x80000000, s7;
	s8 =	spop (v2sf)  }
0x57b: {  	s17 =	sadd.s32 s8, s7  }
0x57c: {  	s14 =	sadd.s32 $0x80000000, s17  }
0x57d: {  	s14 =	sadd.s32 $0xF, s14  }
0x57e: {  	s16 =	sand.u32 $0xF, s14  }
0x57f: {  	s20 =	sshra.s32 s14, $0x1F;
	p2 =	slt.s32 s14, $0x1;
	p1 =	sne.s32 s16, $0x0  }
0x580: {  	s16 =	sshrl.u32 s20, $0x1C;
	p1 =	por !p2, !p1  }
0x581: {  	s14 =	sadd.s32 s16, s14;
	s16 =	simm.s32 $0x1;
	p1 =	por !p1, !p1  }
0x582: {  	s14 =	sshra.s32 s14, $0x4;
	s16 =	simm.s32 @!p1 $0x0  }
0x583: {  	s16 =	ssub.s32 s14, s16  }
0x584: {  	p1 =	slt.s32 s16, $0x1  }
.Ltmp6:
0x585: {  	_ = 	snop;
	(pc) =	sbr.rel @p1 .LBB2_14-.Ltmp6, $4  }
0x586: {  	_ = 	snop  }
0x587: {  	v35 =	vsub.s32 v38, v35  }
0x588: {  	[tilespmem:s7+$0x1080] =	vst.msk vm9, v35  }
0x589: {  	vm10 =	vcmask $0x3734;
	[tilespmem:s7+$0x1900] =	vst.msk vm9, v39  }
0x58a: {  	p2 =	sne.s32 s16, $0x1  }
.Ltmp7:
0x58b: {  	_ = 	snop;
	(pc) =	sbr.rel @!p2 .LBB2_8-.Ltmp7, $4  }
0x58c: {  	_ = 	snop  }
0x58d: {  	s7 =	sadd.s32 s7, s8  }
0x58e: {  	s17 =	simm.s32 $0x0;
	s3 =	sadd.s32 $0x80000000, s7  }
0x58f: {  	s8 =	sadd.s32 $0xFFFFFFFF, s16;
	p1 =	por $0x0, $0x0;
	v35 =	vor.u32 s17, v16;
	[smem:$0x6AB] =	sst s3  }
0x590: {  	_ =	sdelay $0x3  }
0x591: {  	v36 =	vld.idx.msk [tilespmem:v35+s10+$0x0], $0xffff;
	_ =	sdelay $0x2  }
0x592: {  	v37 =	vmov s3  }
0x593: {  	vm9 =	vgt.s32 v37, v16  }
0x594: {  	v36 =	vnsel vm9, $0x0, v36  }
0x595: {  	v56 =	vld.idx.msk [tilespmem:v35+s11+$0x0], $0xffff;
	[tilespmem:v16+s12+$0x0] =	vst.idx.msk $0xffff, v36;
	v57 =	vadd.s32 $0x8000, v36  }
0x596: {  	v58 =	vadd.s32 $0x10000, v36;
	[tilespmem:v20+s12+$0x0] =	vst.idx.msk $0xffff, v57  }
0x597: {  	v59 =	vadd.s32 $0x18000, v36;
	[tilespmem:v21+s12+$0x0] =	vst.idx.msk $0xffff, v58  }
0x598: {  	v60 =	vadd.s32 $0x20000, v36;
	[tilespmem:v22+s12+$0x0] =	vst.idx.msk $0xffff, v59  }
0x599: {  	v61 =	vadd.s32 $0x28000, v36;
	[tilespmem:v23+s12+$0x0] =	vst.idx.msk $0xffff, v60  }
0x59a: {  	v62 =	vadd.s32 $0x30000, v36;
	[tilespmem:v24+s12+$0x0] =	vst.idx.msk $0xffff, v61  }
0x59b: {  	v63 =	vadd.s32 $0x38000, v36;
	[tilespmem:v25+s12+$0x0] =	vst.idx.msk $0xffff, v62  }
0x59c: {  	v40 =	vadd.s32 $0x40000, v36;
	[tilespmem:v26+s12+$0x0] =	vst.idx.msk $0xffff, v63  }
0x59d: {  	v41 =	vadd.s32 $0x48000, v36;
	[tilespmem:v27+s12+$0x0] =	vst.idx.msk $0xffff, v40  }
0x59e: {  	s7 =	rddreg [dreg:$0xa];
	v42 =	vadd.s32 $0x50000, v36;
	[tilespmem:v28+s12+$0x0] =	vst.idx.msk $0xffff, v41  }
0x59f: {  	s16 =	rddreg [dreg:$0x6];
	v43 =	vadd.s32 $0x58000, v36;
	[tilespmem:v29+s12+$0x0] =	vst.idx.msk $0xffff, v42  }
0x5a0: {  	s17 =	rddreg [dreg:$0x8];
	v44 =	vadd.s32 $0x60000, v36;
	[tilespmem:v30+s12+$0x0] =	vst.idx.msk $0xffff, v43  }
0x5a1: {  	s14 =	rddreg [dreg:$0x7];
	v45 =	vadd.s32 $0x68000, v36;
	[tilespmem:v31+s12+$0x0] =	vst.idx.msk $0xffff, v44  }
0x5a2: {  	s6 =	rddreg [dreg:$0x9];
	v46 =	vadd.s32 $0x70000, v36;
	[tilespmem:v32+s12+$0x0] =	vst.idx.msk $0xffff, v45  }
0x5a3: {  	s10 =	rddreg [dreg:$0xc];
	v36 =	vadd.s32 $0x78000, v36;
	[tilespmem:v33+s12+$0x0] =	vst.idx.msk $0xffff, v46  }
0x5a4: {  	s11 =	rddreg [dreg:$0xb];
	[tilespmem:v34+s12+$0x0] =	vst.idx.msk $0xffff, v36  }
0x5a5: {  	[tilespmem:s16], [sflag:$0x1] =	stream.indirect.gather [spmem:s2], $0x1, s12, s18, $0xb8;
	[tilespmem:$0x1B280] =	vst v63  }
0x5a6: {  	s19 =	rddreg [dreg:$0xd]  }
0x5a7: {  	[tilespmem:s17], [sflag:$0x1] =	stream.indirect.gather [spmem:s2], $0x1, s14, s18, $0xb8;
	[tilespmem:$0x1B280] =	vst v63  }
0x5a8: {  	s20 =	rddreg [dreg:$0x10]  }
0x5a9: {  	[tilespmem:s7], [sflag:$0x1] =	stream.indirect.gather [spmem:s2], $0x1, s6, s18, $0xb8;
	[tilespmem:$0x1B280] =	vst v63  }
0x5aa: {  	s24 =	rddreg [dreg:$0xf]  }
0x5ab: {  	[tilespmem:s10], [sflag:$0x1] =	stream.indirect.gather [spmem:s2], $0x1, s11, s18, $0xb8;
	[tilespmem:$0x1B280] =	vst v63  }
0x5ac: {  	s16 =	rddreg [dreg:$0xe]  }
0x5ad: {  	[tilespmem:s16], [sflag:$0x1] =	stream.indirect.gather [spmem:s2], $0x1, s19, s18, $0xb8;
	[tilespmem:$0x1B280] =	vst v63  }
0x5ae: {  	s25 =	rddreg [dreg:$0x12]  }
0x5af: {  	[tilespmem:s20], [sflag:$0x1] =	stream.indirect.gather [spmem:s2], $0x1, s24, s18, $0xb8;
	[tilespmem:$0x1B280] =	vst v63  }
0x5b0: {  	s26 =	rddreg [dreg:$0x11]  }
0x5b1: {  	[tilespmem:s25], [sflag:$0x1] =	stream.indirect.gather [spmem:s2], $0x1, s26, s18, $0xb8;
	[tilespmem:$0x1B280] =	vst v63  }
0x5b2: {  	_ = 	snop  }
0x5b3: {  	[tilespmem:s23], [sflag:$0x1] =	stream.indirect.gather [spmem:s2], $0x1, s15, s18, $0xb8;
	[tilespmem:$0x1B280] =	vst v63  }
0x5b4: {  	_ = 	snop  }
0x5b5: {  	[tilespmem:s21], [sflag:$0x1] =	stream.indirect.gather [spmem:s2], $0x1, s22, s18, $0xb8;
	[tilespmem:$0x1B280] =	vst v63  }
0x5b6: {  	s17 =	simm.s32 $0x12A10;
	s24 =	simm.s32 $0x12600  }
0x5b7: {  	[tilespmem:s24], [sflag:$0x1] =	stream.indirect.gather [spmem:s2], $0x1, s17, s18, $0xb8;
	[tilespmem:$0x1B280] =	vst v63  }
0x5b8: {  	s26 =	simm.s32 $0x12680;
	s25 =	simm.s32 $0x12A20  }
0x5b9: {  	[tilespmem:s26], [sflag:$0x1] =	stream.indirect.gather [spmem:s2], $0x1, s25, s18, $0xb8;
	[tilespmem:$0x1B280] =	vst v63  }
0x5ba: {  	s29 =	simm.s32 $0x12700;
	s28 =	simm.s32 $0x12A30  }
0x5bb: {  	[tilespmem:s29], [sflag:$0x1] =	stream.indirect.gather [spmem:s2], $0x1, s28, s18, $0xb8;
	[tilespmem:$0x1B280] =	vst v63  }
0x5bc: {  	s31 =	simm.s32 $0x12780;
	s30 =	simm.s32 $0x12A40  }
0x5bd: {  	[tilespmem:s31], [sflag:$0x1] =	stream.indirect.gather [spmem:s2], $0x1, s30, s18, $0xb8;
	[tilespmem:$0x1B280] =	vst v63  }
0x5be: {  	s4 =	simm.s32 $0x12800;
	s0 =	simm.s32 $0x12A50  }
0x5bf: {  	[tilespmem:s4], [sflag:$0x1] =	stream.indirect.gather [spmem:s2], $0x1, s0, s18, $0xb8;
	[tilespmem:$0x1B280] =	vst v63  }
0x5c0: {  	s5 =	simm.s32 $0x12880;
	s1 =	simm.s32 $0x12A60  }
0x5c1: {  	[tilespmem:s5], [sflag:$0x1] =	stream.indirect.gather [spmem:s2], $0x1, s1, s18, $0xb8;
	[tilespmem:$0x1B280] =	vst v63  }
0x5c2: {  	s6 =	simm.s32 $0x12A70;
	s10 =	simm.s32 $0x12900  }
0x5c3: {  	[tilespmem:s10], [sflag:$0x1] =	stream.indirect.gather [spmem:s2], $0x1, s6, s18, $0xb8;
	[tilespmem:$0x1B280] =	vst v63  }
0x5c4: {  	_ =	swait.ge [sflag:s9], $0x10  }
0x5c5: {  	[sflag:s9] =	ssyncset.done $0x0  }
0x5c6: {  	[sflag:s9] =	ssyncadd.s32 $0xFFFFFFF0  }
0x5c7: {  	_ =	swait.ge [sflag:s9], $0x10  }
0x5c8: {  	[sflag:s9] =	ssyncset.done $0x0  }
0x5c9: {  	[sflag:s9] =	ssyncadd.s32 $0xFFFFFFF0  }
0x5ca: {  	_ =	swait.ge [sflag:s9], $0x10  }
0x5cb: {  	[sflag:s9] =	ssyncset.done $0x0  }
0x5cc: {  	[sflag:s9] =	ssyncadd.s32 $0xFFFFFFF0  }
0x5cd: {  	_ =	swait.ge [sflag:s9], $0x10  }
0x5ce: {  	[sflag:s9] =	ssyncset.done $0x0  }
0x5cf: {  	[sflag:s9] =	ssyncadd.s32 $0xFFFFFFF0  }
0x5d0: {  	_ =	swait.ge [sflag:s9], $0x10  }
0x5d1: {  	[sflag:s9] =	ssyncset.done $0x0  }
0x5d2: {  	[sflag:s9] =	ssyncadd.s32 $0xFFFFFFF0  }
0x5d3: {  	_ =	swait.ge [sflag:s9], $0x10  }
0x5d4: {  	[sflag:s9] =	ssyncset.done $0x0  }
0x5d5: {  	[sflag:s9] =	ssyncadd.s32 $0xFFFFFFF0  }
0x5d6: {  	_ =	swait.ge [sflag:s9], $0x10  }
0x5d7: {  	[sflag:s9] =	ssyncset.done $0x0  }
0x5d8: {  	[sflag:s9] =	ssyncadd.s32 $0xFFFFFFF0  }
0x5d9: {  	_ =	swait.ge [sflag:s9], $0x10  }
0x5da: {  	[sflag:s9] =	ssyncset.done $0x0  }
0x5db: {  	[sflag:s9] =	ssyncadd.s32 $0xFFFFFFF0  }
0x5dc: {  	_ =	swait.ge [sflag:s9], $0x10  }
0x5dd: {  	[sflag:s9] =	ssyncset.done $0x0  }
0x5de: {  	[sflag:s9] =	ssyncadd.s32 $0xFFFFFFF0  }
0x5df: {  	_ =	swait.ge [sflag:s9], $0x10  }
0x5e0: {  	[sflag:s9] =	ssyncset.done $0x0  }
0x5e1: {  	[sflag:s9] =	ssyncadd.s32 $0xFFFFFFF0  }
0x5e2: {  	_ =	swait.ge [sflag:s9], $0x10  }
0x5e3: {  	[sflag:s9] =	ssyncset.done $0x0  }
0x5e4: {  	[sflag:s9] =	ssyncadd.s32 $0xFFFFFFF0  }
0x5e5: {  	_ =	swait.ge [sflag:s9], $0x10  }
0x5e6: {  	[sflag:s9] =	ssyncset.done $0x0  }
0x5e7: {  	[sflag:s9] =	ssyncadd.s32 $0xFFFFFFF0  }
0x5e8: {  	_ =	swait.ge [sflag:s9], $0x10  }
0x5e9: {  	[sflag:s9] =	ssyncset.done $0x0  }
0x5ea: {  	[sflag:s9] =	ssyncadd.s32 $0xFFFFFFF0  }
0x5eb: {  	_ =	swait.ge [sflag:s9], $0x10  }
0x5ec: {  	[sflag:s9] =	ssyncset.done $0x0  }
0x5ed: {  	[sflag:s9] =	ssyncadd.s32 $0xFFFFFFF0  }
0x5ee: {  	_ =	swait.ge [sflag:s9], $0x10  }
0x5ef: {  	[sflag:s9] =	ssyncset.done $0x0  }
0x5f0: {  	[sflag:s9] =	ssyncadd.s32 $0xFFFFFFF0  }
0x5f1: {  	v35 =	vnsel vm9, $0x0, v56;
	_ =	swait.ge [sflag:s9], $0x10  }
0x5f2: {  	v47 =	vshll.u32 v35, $0x3;
	[sflag:s9] =	ssyncset.done $0x0  }
0x5f3: {  	v35 =	vand.u32 $0x7F, v35;
	v36 =	vand.u32 $0xFFFFFC00, v47;
	[sflag:s9] =	ssyncadd.s32 $0xFFFFFFF0  }
0x5f4: {  	v35 =	vor.u32 v35, v36;
	v48 =	vld [tilespmem:$0x12180];
	_ =	sdelay $0x4  }
0x5f5: {  	[tilespmem:v35+s13+$0x0] =	vst.idx.msk vm9, v48  }
0x5f6: {  	v50 =	vor.u32 $0x80, v35;
	v49 =	vld [tilespmem:$0x12200];
	_ =	sdelay $0x4  }
0x5f7: {  	[tilespmem:v50+s13+$0x0] =	vst.idx.msk vm9, v49  }
0x5f8: {  	v51 =	vor.u32 $0x100, v35;
	v36 =	vld [tilespmem:$0x12280];
	_ =	sdelay $0x4  }
0x5f9: {  	[tilespmem:v51+s13+$0x0] =	vst.idx.msk vm9, v36  }
0x5fa: {  	v52 =	vor.u32 $0x180, v35;
	v36 =	vld [tilespmem:$0x12300];
	_ =	sdelay $0x4  }
0x5fb: {  	[tilespmem:v52+s13+$0x0] =	vst.idx.msk vm9, v36  }
0x5fc: {  	v53 =	vor.u32 $0x200, v35;
	v36 =	vld [tilespmem:$0x12380];
	_ =	sdelay $0x4  }
0x5fd: {  	[tilespmem:v53+s13+$0x0] =	vst.idx.msk vm9, v36  }
0x5fe: {  	v54 =	vor.u32 $0x280, v35;
	v36 =	vld [tilespmem:$0x12400];
	_ =	sdelay $0x4  }
0x5ff: {  	[tilespmem:v54+s13+$0x0] =	vst.idx.msk vm9, v36  }
0x600: {  	v55 =	vor.u32 $0x300, v35;
	v36 =	vld [tilespmem:$0x12480];
	_ =	sdelay $0x4  }
0x601: {  	[tilespmem:v55+s13+$0x0] =	vst.idx.msk vm9, v36  }
0x602: {  	v56 =	vor.u32 $0x380, v35;
	v36 =	vld [tilespmem:$0x12500];
	_ =	sdelay $0x4  }
0x603: {  	[tilespmem:v56+s13+$0x0] =	vst.idx.msk vm9, v36  }
0x604: {  	v57 =	vadd.s32 $0x4000, v35;
	v36 =	vld [tilespmem:$0x12580];
	_ =	sdelay $0x4  }
0x605: {  	[tilespmem:v57+s13+$0x0] =	vst.idx.msk vm9, v36  }
0x606: {  	v58 =	vadd.s32 $0x4080, v35;
	v36 =	vld [tilespmem:$0x12600];
	_ =	sdelay $0x4  }
0x607: {  	[tilespmem:v58+s13+$0x0] =	vst.idx.msk vm9, v36  }
0x608: {  	v59 =	vadd.s32 $0x4100, v35;
	v36 =	vld [tilespmem:$0x12680];
	_ =	sdelay $0x4  }
0x609: {  	[tilespmem:v59+s13+$0x0] =	vst.idx.msk vm9, v36  }
0x60a: {  	v60 =	vadd.s32 $0x4180, v35;
	v36 =	vld [tilespmem:$0x12700];
	_ =	sdelay $0x4  }
0x60b: {  	[tilespmem:v60+s13+$0x0] =	vst.idx.msk vm9, v36  }
0x60c: {  	v61 =	vadd.s32 $0x4200, v35;
	v36 =	vld [tilespmem:$0x12780];
	_ =	sdelay $0x4  }
0x60d: {  	[tilespmem:v61+s13+$0x0] =	vst.idx.msk vm9, v36  }
0x60e: {  	v62 =	vadd.s32 $0x4280, v35;
	v36 =	vld [tilespmem:$0x12800];
	_ =	sdelay $0x4  }
0x60f: {  	[tilespmem:v62+s13+$0x0] =	vst.idx.msk vm9, v36  }
0x610: {  	v63 =	vadd.s32 $0x4300, v35;
	v36 =	vld [tilespmem:$0x12880]  }
0x611: {  	p2 =	sne.s32 s8, $0x1  }
.Ltmp8:
0x612: {  	_ = 	snop;
	(pc) =	sbr.rel @!p2 .LBB2_10-.Ltmp8, $3  }
0x613: {  	_ =	sdelay $0x1  }
0x614: {  	s8 =	sadd.s32 $0xFFFFFFFF, s8;
	p1 =	por $0x1, $0x1;
	s7 =	simm.s32 $0x10;
	[tilespmem:v63+s13+$0x0] =	vst.idx.msk vm9, v36  }
0x615: {  	v37 =	vadd.s32 $0x4380, v35;
	s11 =	simm.s32 $0x1080;
	s19 =	simm.s32 $0x1900;
	s16 =	smov.u32 s3;
	v35 =	vor.u32 s7, v16;
	v36 =	vld [tilespmem:$0x12900]  }
.LBB2_11:
0x616: {  	_ =	sdelay $0x3  }
0x617: {  	[tilespmem:v37+s13+$0x0] =	vst.idx.msk vm9, v36  }
0x618: {  	v36 =	vld.idx.msk [tilespmem:v35+s11+$0x0], $0xffff;
	_ =	sdelay $0x1  }
0x619: {  	s16 =	sadd.s32 $0xFFFFFFF0, s16  }
0x61a: {  	v57 =	vmov s16  }
0x61b: {  	vm9 =	vgt.s32 v57, v16  }
0x61c: {  	v37 =	vnsel vm9, $0x0, v36  }
0x61d: {  	v58 =	vld.idx.msk [tilespmem:v35+s19+$0x0], $0xffff;
	[tilespmem:v16+s12+$0x0] =	vst.idx.msk $0xffff, v37;
	v36 =	vadd.s32 $0x8000, v37  }
0x61e: {  	v59 =	vadd.s32 $0x10000, v37;
	[tilespmem:v20+s12+$0x0] =	vst.idx.msk $0xffff, v36  }
0x61f: {  	v60 =	vadd.s32 $0x18000, v37;
	[tilespmem:v21+s12+$0x0] =	vst.idx.msk $0xffff, v59  }
0x620: {  	v61 =	vadd.s32 $0x20000, v37;
	[tilespmem:v22+s12+$0x0] =	vst.idx.msk $0xffff, v60  }
0x621: {  	v62 =	vadd.s32 $0x28000, v37;
	[tilespmem:v23+s12+$0x0] =	vst.idx.msk $0xffff, v61  }
0x622: {  	v63 =	vadd.s32 $0x30000, v37;
	[tilespmem:v24+s12+$0x0] =	vst.idx.msk $0xffff, v62  }
0x623: {  	v40 =	vadd.s32 $0x38000, v37;
	[tilespmem:v25+s12+$0x0] =	vst.idx.msk $0xffff, v63  }
0x624: {  	v39 =	vadd.s32 $0x40000, v37;
	[tilespmem:v26+s12+$0x0] =	vst.idx.msk $0xffff, v40  }
0x625: {  	v42 =	vadd.s32 $0x48000, v37;
	[tilespmem:v27+s12+$0x0] =	vst.idx.msk $0xffff, v39  }
0x626: {  	s14 =	rddreg [dreg:$0x12];
	v43 =	vadd.s32 $0x50000, v37;
	[tilespmem:v28+s12+$0x0] =	vst.idx.msk $0xffff, v42  }
0x627: {  	s17 =	rddreg [dreg:$0x10];
	v44 =	vadd.s32 $0x58000, v37;
	[tilespmem:v29+s12+$0x0] =	vst.idx.msk $0xffff, v43  }
0x628: {  	s3 =	rddreg [dreg:$0xe];
	v45 =	vadd.s32 $0x60000, v37;
	[tilespmem:v30+s12+$0x0] =	vst.idx.msk $0xffff, v44  }
0x629: {  	s21 =	rddreg [dreg:$0xc];
	v46 =	vadd.s32 $0x68000, v37;
	[tilespmem:v31+s12+$0x0] =	vst.idx.msk $0xffff, v45  }
0x62a: {  	s22 =	rddreg [dreg:$0xa];
	v47 =	vadd.s32 $0x70000, v37;
	[tilespmem:v32+s12+$0x0] =	vst.idx.msk $0xffff, v46  }
0x62b: {  	s23 =	rddreg [dreg:$0x6];
	v37 =	vadd.s32 $0x78000, v37;
	[tilespmem:v33+s12+$0x0] =	vst.idx.msk $0xffff, v47  }
0x62c: {  	s15 =	rddreg [dreg:$0x8];
	[tilespmem:v34+s12+$0x0] =	vst.idx.msk $0xffff, v37  }
0x62d: {  	[tilespmem:s23], [sflag:$0x1] =	stream.indirect.gather [spmem:s2], $0x1, s12, s18, $0xb8;
	[tilespmem:$0x1B280] =	vst v63  }
0x62e: {  	s20 =	rddreg [dreg:$0x7]  }
0x62f: {  	[tilespmem:s15], [sflag:$0x1] =	stream.indirect.gather [spmem:s2], $0x1, s20, s18, $0xb8;
	[tilespmem:$0x1B280] =	vst v63  }
0x630: {  	s23 =	rddreg [dreg:$0x9]  }
0x631: {  	[tilespmem:s22], [sflag:$0x1] =	stream.indirect.gather [spmem:s2], $0x1, s23, s18, $0xb8;
	[tilespmem:$0x1B280] =	vst v63  }
0x632: {  	s15 =	rddreg [dreg:$0xb]  }
0x633: {  	[tilespmem:s21], [sflag:$0x1] =	stream.indirect.gather [spmem:s2], $0x1, s15, s18, $0xb8;
	[tilespmem:$0x1B280] =	vst v63  }
0x634: {  	s20 =	rddreg [dreg:$0xd]  }
0x635: {  	[tilespmem:s3], [sflag:$0x1] =	stream.indirect.gather [spmem:s2], $0x1, s20, s18, $0xb8;
	[tilespmem:$0x1B280] =	vst v63  }
0x636: {  	s15 =	rddreg [dreg:$0xf]  }
0x637: {  	[tilespmem:s17], [sflag:$0x1] =	stream.indirect.gather [spmem:s2], $0x1, s15, s18, $0xb8;
	[tilespmem:$0x1B280] =	vst v63  }
0x638: {  	s20 =	rddreg [dreg:$0x11]  }
0x639: {  	[tilespmem:s14], [sflag:$0x1] =	stream.indirect.gather [spmem:s2], $0x1, s20, s18, $0xb8;
	[tilespmem:$0x1B280] =	vst v63  }
0x63a: {  	s23 =	simm.s32 $0x12500;
	s15 =	simm.s32 $0x129F0  }
0x63b: {  	[tilespmem:s23], [sflag:$0x1] =	stream.indirect.gather [spmem:s2], $0x1, s15, s18, $0xb8;
	[tilespmem:$0x1B280] =	vst v63  }
0x63c: {  	s22 =	simm.s32 $0x12A00;
	s21 =	simm.s32 $0x12580  }
0x63d: {  	[tilespmem:s21], [sflag:$0x1] =	stream.indirect.gather [spmem:s2], $0x1, s22, s18, $0xb8;
	[tilespmem:$0x1B280] =	vst v63  }
0x63e: {  	s17 =	simm.s32 $0x12A10  }
0x63f: {  	[tilespmem:s24], [sflag:$0x1] =	stream.indirect.gather [spmem:s2], $0x1, s17, s18, $0xb8;
	[tilespmem:$0x1B280] =	vst v63  }
0x640: {  	_ = 	snop  }
0x641: {  	[tilespmem:s26], [sflag:$0x1] =	stream.indirect.gather [spmem:s2], $0x1, s25, s18, $0xb8;
	[tilespmem:$0x1B280] =	vst v63  }
0x642: {  	_ = 	snop  }
0x643: {  	[tilespmem:s29], [sflag:$0x1] =	stream.indirect.gather [spmem:s2], $0x1, s28, s18, $0xb8;
	[tilespmem:$0x1B280] =	vst v63  }
0x644: {  	_ = 	snop  }
0x645: {  	[tilespmem:s31], [sflag:$0x1] =	stream.indirect.gather [spmem:s2], $0x1, s30, s18, $0xb8;
	[tilespmem:$0x1B280] =	vst v63  }
0x646: {  	_ = 	snop  }
0x647: {  	[tilespmem:s4], [sflag:$0x1] =	stream.indirect.gather [spmem:s2], $0x1, s0, s18, $0xb8;
	[tilespmem:$0x1B280] =	vst v63  }
0x648: {  	_ = 	snop  }
0x649: {  	[tilespmem:s5], [sflag:$0x1] =	stream.indirect.gather [spmem:s2], $0x1, s1, s18, $0xb8;
	[tilespmem:$0x1B280] =	vst v63  }
0x64a: {  	_ = 	snop  }
0x64b: {  	[tilespmem:s10], [sflag:$0x1] =	stream.indirect.gather [spmem:s2], $0x1, s6, s18, $0xb8;
	[tilespmem:$0x1B280] =	vst v63  }
0x64c: {  	_ =	swait.ge [sflag:s9], $0x10  }
0x64d: {  	[sflag:s9] =	ssyncset.done $0x0  }
0x64e: {  	[sflag:s9] =	ssyncadd.s32 $0xFFFFFFF0  }
0x64f: {  	_ =	swait.ge [sflag:s9], $0x10  }
0x650: {  	[sflag:s9] =	ssyncset.done $0x0  }
0x651: {  	[sflag:s9] =	ssyncadd.s32 $0xFFFFFFF0  }
0x652: {  	_ =	swait.ge [sflag:s9], $0x10  }
0x653: {  	[sflag:s9] =	ssyncset.done $0x0  }
0x654: {  	[sflag:s9] =	ssyncadd.s32 $0xFFFFFFF0  }
0x655: {  	_ =	swait.ge [sflag:s9], $0x10  }
0x656: {  	[sflag:s9] =	ssyncset.done $0x0  }
0x657: {  	[sflag:s9] =	ssyncadd.s32 $0xFFFFFFF0  }
0x658: {  	_ =	swait.ge [sflag:s9], $0x10  }
0x659: {  	[sflag:s9] =	ssyncset.done $0x0  }
0x65a: {  	[sflag:s9] =	ssyncadd.s32 $0xFFFFFFF0  }
0x65b: {  	_ =	swait.ge [sflag:s9], $0x10  }
0x65c: {  	[sflag:s9] =	ssyncset.done $0x0  }
0x65d: {  	[sflag:s9] =	ssyncadd.s32 $0xFFFFFFF0  }
0x65e: {  	_ =	swait.ge [sflag:s9], $0x10  }
0x65f: {  	[sflag:s9] =	ssyncset.done $0x0  }
0x660: {  	[sflag:s9] =	ssyncadd.s32 $0xFFFFFFF0  }
0x661: {  	_ =	swait.ge [sflag:s9], $0x10  }
0x662: {  	[sflag:s9] =	ssyncset.done $0x0  }
0x663: {  	[sflag:s9] =	ssyncadd.s32 $0xFFFFFFF0  }
0x664: {  	_ =	swait.ge [sflag:s9], $0x10  }
0x665: {  	[sflag:s9] =	ssyncset.done $0x0  }
0x666: {  	[sflag:s9] =	ssyncadd.s32 $0xFFFFFFF0  }
0x667: {  	_ =	swait.ge [sflag:s9], $0x10  }
0x668: {  	[sflag:s9] =	ssyncset.done $0x0  }
0x669: {  	[sflag:s9] =	ssyncadd.s32 $0xFFFFFFF0  }
0x66a: {  	_ =	swait.ge [sflag:s9], $0x10  }
0x66b: {  	[sflag:s9] =	ssyncset.done $0x0  }
0x66c: {  	[sflag:s9] =	ssyncadd.s32 $0xFFFFFFF0  }
0x66d: {  	_ =	swait.ge [sflag:s9], $0x10  }
0x66e: {  	[sflag:s9] =	ssyncset.done $0x0  }
0x66f: {  	[sflag:s9] =	ssyncadd.s32 $0xFFFFFFF0  }
0x670: {  	_ =	swait.ge [sflag:s9], $0x10  }
0x671: {  	[sflag:s9] =	ssyncset.done $0x0  }
0x672: {  	[sflag:s9] =	ssyncadd.s32 $0xFFFFFFF0  }
0x673: {  	_ =	swait.ge [sflag:s9], $0x10  }
0x674: {  	[sflag:s9] =	ssyncset.done $0x0  }
0x675: {  	[sflag:s9] =	ssyncadd.s32 $0xFFFFFFF0  }
0x676: {  	_ =	swait.ge [sflag:s9], $0x10  }
0x677: {  	[sflag:s9] =	ssyncset.done $0x0  }
0x678: {  	[sflag:s9] =	ssyncadd.s32 $0xFFFFFFF0  }
0x679: {  	v35 =	vnsel vm9, $0x0, v58;
	_ =	swait.ge [sflag:s9], $0x10  }
0x67a: {  	v38 =	vshll.u32 v35, $0x3;
	[sflag:s9] =	ssyncset.done $0x0  }
0x67b: {  	v35 =	vand.u32 $0x7F, v35;
	v41 =	vand.u32 $0xFFFFFC00, v38;
	[sflag:s9] =	ssyncadd.s32 $0xFFFFFFF0  }
0x67c: {  	v35 =	vor.u32 v35, v41;
	v48 =	vld [tilespmem:$0x12180];
	_ =	sdelay $0x4  }
0x67d: {  	[tilespmem:v35+s13+$0x0] =	vst.idx.msk vm9, v48  }
0x67e: {  	v50 =	vor.u32 $0x80, v35;
	v49 =	vld [tilespmem:$0x12200];
	_ =	sdelay $0x4  }
0x67f: {  	[tilespmem:v50+s13+$0x0] =	vst.idx.msk vm9, v49  }
0x680: {  	v51 =	vor.u32 $0x100, v35;
	v36 =	vld [tilespmem:$0x12280];
	_ =	sdelay $0x4  }
0x681: {  	[tilespmem:v51+s13+$0x0] =	vst.idx.msk vm9, v36  }
0x682: {  	v52 =	vor.u32 $0x180, v35;
	v36 =	vld [tilespmem:$0x12300];
	_ =	sdelay $0x4  }
0x683: {  	[tilespmem:v52+s13+$0x0] =	vst.idx.msk vm9, v36  }
0x684: {  	v53 =	vor.u32 $0x200, v35;
	v36 =	vld [tilespmem:$0x12380];
	_ =	sdelay $0x4  }
0x685: {  	[tilespmem:v53+s13+$0x0] =	vst.idx.msk vm9, v36  }
0x686: {  	v54 =	vor.u32 $0x280, v35;
	v36 =	vld [tilespmem:$0x12400];
	_ =	sdelay $0x4  }
0x687: {  	[tilespmem:v54+s13+$0x0] =	vst.idx.msk vm9, v36  }
0x688: {  	v55 =	vor.u32 $0x300, v35;
	v36 =	vld [tilespmem:$0x12480];
	_ =	sdelay $0x4  }
0x689: {  	[tilespmem:v55+s13+$0x0] =	vst.idx.msk vm9, v36  }
0x68a: {  	v56 =	vor.u32 $0x380, v35;
	v36 =	vld [tilespmem:$0x12500];
	_ =	sdelay $0x4  }
0x68b: {  	[tilespmem:v56+s13+$0x0] =	vst.idx.msk vm9, v36  }
0x68c: {  	v57 =	vadd.s32 $0x4000, v35;
	v36 =	vld [tilespmem:$0x12580];
	_ =	sdelay $0x4  }
0x68d: {  	[tilespmem:v57+s13+$0x0] =	vst.idx.msk vm9, v36  }
0x68e: {  	v58 =	vadd.s32 $0x4080, v35;
	v36 =	vld [tilespmem:$0x12600];
	_ =	sdelay $0x4  }
0x68f: {  	[tilespmem:v58+s13+$0x0] =	vst.idx.msk vm9, v36  }
0x690: {  	v59 =	vadd.s32 $0x4100, v35;
	v36 =	vld [tilespmem:$0x12680];
	_ =	sdelay $0x4  }
0x691: {  	[tilespmem:v59+s13+$0x0] =	vst.idx.msk vm9, v36  }
0x692: {  	v60 =	vadd.s32 $0x4180, v35;
	v36 =	vld [tilespmem:$0x12700];
	_ =	sdelay $0x4  }
0x693: {  	[tilespmem:v60+s13+$0x0] =	vst.idx.msk vm9, v36  }
0x694: {  	v61 =	vadd.s32 $0x4200, v35;
	v36 =	vld [tilespmem:$0x12780];
	_ =	sdelay $0x4  }
0x695: {  	[tilespmem:v61+s13+$0x0] =	vst.idx.msk vm9, v36  }
0x696: {  	v62 =	vadd.s32 $0x4280, v35;
	v36 =	vld [tilespmem:$0x12800];
	_ =	sdelay $0x4  }
0x697: {  	[tilespmem:v62+s13+$0x0] =	vst.idx.msk vm9, v36  }
0x698: {  	v63 =	vadd.s32 $0x4300, v35;
	v36 =	vld [tilespmem:$0x12880]  }
0x699: {  	p2 =	sne.s32 s8, $0x1  }
.Ltmp9:
0x69a: {  	_ = 	snop;
	(pc) =	sbr.rel @p2 .LBB2_11-.Ltmp9, $3  }
0x69b: {  	_ =	sdelay $0x1  }
0x69c: {  	s7 =	sadd.s32 $0x10, s7;
	[tilespmem:v63+s13+$0x0] =	vst.idx.msk vm9, v36  }
0x69d: {  	s8 =	sadd.s32 $0xFFFFFFFF, s8;
	v37 =	vadd.s32 $0x4380, v35;
	v35 =	vor.u32 s7, v16;
	v36 =	vld [tilespmem:$0x12900]  }
0x69e: {  	s24 =	simm.s32 $0x12A20  }
.Ltmp10:
0x69f: {  	s25 =	simm.s32 $0x12680;
	s26 =	simm.s32 $0x12A30;
	(pc) =	sbr.rel .LBB2_13-.Ltmp10, $4  }
0x6a0: {  	s28 =	simm.s32 $0x12700;
	s29 =	simm.s32 $0x12A40;
	s30 =	simm.s32 $0x12780  }
0x6a1: {  	s31 =	simm.s32 $0x12A50;
	s0 =	simm.s32 $0x12800;
	s4 =	simm.s32 $0x12A60  }
0x6a2: {  	s1 =	simm.s32 $0x12880;
	s5 =	simm.s32 $0x12A70;
	s6 =	simm.s32 $0x12900  }
0x6a3: {  	s10 =	simm.s32 $0x1080;
	s11 =	simm.s32 $0x1900;
	s19 =	simm.s32 $0x880  }
.LBB2_10:
0x6a4: {  	s16 =	sld [smem:$0x6AB];
	s24 =	simm.s32 $0x12A20  }
.Ltmp11:
0x6a5: {  	s25 =	simm.s32 $0x12680;
	s26 =	simm.s32 $0x12A30;
	(pc) =	sbr.rel .LBB2_13-.Ltmp11, $4  }
0x6a6: {  	s28 =	simm.s32 $0x12700;
	s29 =	simm.s32 $0x12A40;
	s30 =	simm.s32 $0x12780  }
0x6a7: {  	s31 =	simm.s32 $0x12A50;
	s0 =	simm.s32 $0x12800;
	s4 =	simm.s32 $0x12A60  }
0x6a8: {  	s1 =	simm.s32 $0x12880;
	s5 =	simm.s32 $0x12A70;
	s6 =	simm.s32 $0x12900  }
0x6a9: {  	s10 =	simm.s32 $0x1080;
	s11 =	simm.s32 $0x1900;
	s19 =	simm.s32 $0x880  }
.LBB2_15:
0x6aa: {  	s7 =	simm.s32 $0x0  }
0x6ab: {  	v35 =	vor.u32 s7, v16;
	_ =	sdelay $0x4  }
0x6ac: {  	v37 =	vld.idx.msk [tilespmem:v35+s19+$0x0], $0xffff;
	_ =	sdelay $0x4  }
0x6ad: {  	v36 =	vand.u32 $0xFFFFFFC0, v37  }
0x6ae: {  	vm9 =	veq.s32 v36, $0xF4200  }
0x6af: {  	v36 =	vmpcnt.ones.xlane vm9;
	_ =	sdelay $0x1  }
0x6b0: {  	v36 =	vxor.u32 $0x80000000, v36  }
0x6b1: {  	(xrf0) =	vmax.scan.msk.u32 $0xffff, v36;
	_ =	sdelay $0x5  }
0x6b2: {  	s3 =	simm.s32 $0x10;
	v36, _, _ =	vpop (xrf0)  }
0x6b3: {  	(v2sf) =	vpush v36, $0xF;
	v36 =	vor.u32 s3, v16;
	_ =	sdelay $0x1  }
0x6b4: {  	v37 =	vadd.s32 $0xFFF0BE00, v37  }
0x6b5: {  	[tilespmem:s7+$0x1080] =	vst.msk vm9, v37  }
0x6b6: {  	[tilespmem:s7+$0x1900] =	vst.msk vm9, v35  }
0x6b7: {  	v35 =	vld.idx.msk [tilespmem:v36+s19+$0x0], $0xffff;
	_ =	sdelay $0x4  }
0x6b8: {  	v63 =	vand.u32 $0xFFFFFFC0, v35  }
0x6b9: {  	vm9 =	veq.s32 v63, $0xF4200  }
0x6ba: {  	v37 =	vmpcnt.ones.xlane vm9;
	_ =	sdelay $0x1  }
0x6bb: {  	v38 =	vxor.u32 $0x80000000, v37  }
0x6bc: {  	(xrf0) =	vmax.scan.msk.u32 $0xffff, v38;
	_ =	sdelay $0x1  }
0x6bd: {  	s31 =	simm.s32 $0x20  }
0x6be: {  	s8 =	simm.s32 $0x30;
	v37 =	vadd.s32 $0xFFF0BE00, v35;
	v35 =	vor.u32 s31, v16;
	s14 =	spop (v2sf)  }
.LBB2_16:
0x6bf: {  	p1 =	sne.s32 s8, $0x7F0;
	s3 =	sadd.s32 s14, s7  }
0x6c0: {  	s7 =	sadd.s32 $0x80000000, s3  }
0x6c1: {  	[tilespmem:s7+$0x1080] =	vst.msk vm9, v37;
	v37, _, _ =	vpop (xrf0)  }
0x6c2: {  	[tilespmem:s7+$0x1900] =	vst.msk vm9, v36;
	(v2sf) =	vpush v37, $0xF;
	v36 =	vmov v35  }
0x6c3: {  	v35 =	vld.idx.msk [tilespmem:v35+s19+$0x0], $0xffff;
	_ =	sdelay $0x5  }
0x6c4: {  	v38 =	vand.u32 $0xFFFFFFC0, v35;
	v37 =	vadd.s32 $0xFFF0BE00, v35  }
0x6c5: {  	vm9 =	veq.s32 v38, $0xF4200  }
0x6c6: {  	v35 =	vmpcnt.ones.xlane vm9;
	_ =	sdelay $0x1  }
.Ltmp12:
0x6c7: {  	v35 =	vxor.u32 $0x80000000, v35;
	(pc) =	sbr.rel @p1 .LBB2_16-.Ltmp12, $2  }
0x6c8: {  	(xrf0) =	vmax.scan.msk.u32 $0xffff, v35;
	_ =	sdelay $0x2  }
0x6c9: {  	v35 =	vor.u32 s8, v16;
	s8 =	sadd.s32 $0x10, s8;
	s14 =	spop (v2sf)  }
0x6ca: {  	s3 =	sadd.s32 s14, s7  }
0x6cb: {  	s3 =	sadd.s32 $0x80000000, s3  }
0x6cc: {  	[tilespmem:s3+$0x1080] =	vst.msk vm9, v37  }
0x6cd: {  	[tilespmem:s3+$0x1900] =	vst.msk vm9, v36  }
0x6ce: {  	v36 =	vld.idx.msk [tilespmem:v35+s19+$0x0], $0xffff;
	_ =	sdelay $0x4  }
0x6cf: {  	v61 =	vand.u32 $0xFFFFFFC0, v36  }
0x6d0: {  	vm9 =	veq.s32 v61, $0xF4200  }
0x6d1: {  	v37 =	vmpcnt.ones.xlane vm9;
	_ =	sdelay $0x1  }
0x6d2: {  	v37 =	vxor.u32 $0x80000000, v37  }
0x6d3: {  	(xrf0) =	vmax.scan.msk.u32 $0xffff, v37;
	_ =	sdelay $0x3  }
0x6d4: {  	v62, _, _ =	vpop (xrf0)  }
0x6d5: {  	(v2sf) =	vpush v62, $0xF  }
0x6d6: {  	v63, _, _ =	vpop (xrf0)  }
0x6d7: {  	(v2sf) =	vpush v63, $0xF;
	_ =	sdelay $0xc  }
0x6d8: {  	s29 =	spop (v2sf)  }
0x6d9: {  	s3 =	sadd.s32 s29, s3  }
0x6da: {  	s7 =	sadd.s32 $0x80000000, s3;
	s8 =	spop (v2sf)  }
0x6db: {  	s3 =	sadd.s32 s8, s7  }
0x6dc: {  	s3 =	sadd.s32 $0x80000000, s3  }
0x6dd: {  	s3 =	sadd.s32 $0xF, s3  }
0x6de: {  	s30 =	sand.u32 $0xF, s3  }
0x6df: {  	s31 =	sshra.s32 s3, $0x1F;
	p2 =	slt.s32 s3, $0x1;
	p1 =	sne.s32 s30, $0x0  }
0x6e0: {  	s14 =	sshrl.u32 s31, $0x1C;
	p1 =	por !p2, !p1  }
0x6e1: {  	s3 =	sadd.s32 s14, s3;
	s14 =	simm.s32 $0x1;
	p1 =	por !p1, !p1  }
0x6e2: {  	s3 =	sshra.s32 s3, $0x4;
	s14 =	simm.s32 @!p1 $0x0  }
0x6e3: {  	s14 =	ssub.s32 s3, s14  }
0x6e4: {  	p1 =	slt.s32 s14, $0x1  }
.Ltmp13:
0x6e5: {  	_ = 	snop;
	(pc) =	sbr.rel @p1 .LBB2_25-.Ltmp13, $4  }
0x6e6: {  	_ = 	snop  }
0x6e7: {  	v36 =	vadd.s32 $0xFFF0BE00, v36  }
0x6e8: {  	[tilespmem:s7+$0x1080] =	vst.msk vm9, v36  }
0x6e9: {  	s17 =	simm.s32 $0x12A80;
	s16 =	sld [smem:$0x704];
	[tilespmem:s7+$0x1900] =	vst.msk vm9, v35  }
0x6ea: {  	p2 =	sne.s32 s14, $0x1  }
.Ltmp14:
0x6eb: {  	_ = 	snop;
	(pc) =	sbr.rel @!p2 .LBB2_19-.Ltmp14, $3  }
0x6ec: {  	_ =	sdelay $0x1  }
0x6ed: {  	s3 =	sadd.s32 s7, s8;
	s15 =	simm.s32 $0x0  }
0x6ee: {  	s8 =	sadd.s32 $0xFFFFFFFF, s14;
	p1 =	por $0x0, $0x0;
	s7 =	sadd.s32 $0x80000000, s3;
	v35 =	vor.u32 s15, v16  }
0x6ef: {  	_ =	sdelay $0x3  }
0x6f0: {  	v36 =	vld.idx.msk [tilespmem:v35+s10+$0x0], $0xffff;
	_ =	sdelay $0x2  }
0x6f1: {  	v37 =	vmov s7;
	v57 =	vld.idx.msk [tilespmem:v35+s11+$0x0], $0xffff  }
0x6f2: {  	vm9 =	vgt.s32 v37, v16  }
0x6f3: {  	v36 =	vnsel vm9, $0x0, v36  }
0x6f4: {  	v58 =	vadd.s32 v0, v36;
	_ =	sdelay $0x1  }
0x6f5: {  	v35 =	vnsel vm9, $0x0, v57  }
0x6f6: {  	v38 =	vshll.u32 v35, $0x3  }
0x6f7: {  	v35 =	vand.u32 $0x7F, v35;
	v38 =	vand.u32 $0xFFFFFC00, v38  }
0x6f8: {  	v35 =	vor.u32 v35, v38;
	v37 =	vld.idx.msk [tilespmem:v58+s17+$0x0], $0xffff  }
0x6f9: {  	v59 =	vadd.s32 v36, v1;
	_ =	sdelay $0x3  }
0x6fa: {  	[tilespmem:v35+s13+$0x0] =	vst.idx.msk vm9, v37  }
0x6fb: {  	v60 =	vor.u32 $0x80, v35;
	v37 =	vld.idx.msk [tilespmem:v59+s17+$0x0], $0xffff  }
0x6fc: {  	v39 =	vadd.s32 v36, v2;
	_ =	sdelay $0x3  }
0x6fd: {  	[tilespmem:v60+s13+$0x0] =	vst.idx.msk vm9, v37  }
0x6fe: {  	v61 =	vor.u32 $0x100, v35;
	v37 =	vld.idx.msk [tilespmem:v39+s17+$0x0], $0xffff  }
0x6ff: {  	v62 =	vadd.s32 v36, v3;
	_ =	sdelay $0x3  }
0x700: {  	[tilespmem:v61+s13+$0x0] =	vst.idx.msk vm9, v37  }
0x701: {  	v63 =	vor.u32 $0x180, v35;
	v37 =	vld.idx.msk [tilespmem:v62+s17+$0x0], $0xffff  }
0x702: {  	v42 =	vadd.s32 v36, v4;
	_ =	sdelay $0x3  }
0x703: {  	[tilespmem:v63+s13+$0x0] =	vst.idx.msk vm9, v37  }
0x704: {  	v43 =	vor.u32 $0x200, v35;
	v37 =	vld.idx.msk [tilespmem:v42+s17+$0x0], $0xffff  }
0x705: {  	v44 =	vadd.s32 v36, v5;
	_ =	sdelay $0x3  }
0x706: {  	[tilespmem:v43+s13+$0x0] =	vst.idx.msk vm9, v37  }
0x707: {  	v45 =	vor.u32 $0x280, v35;
	v37 =	vld.idx.msk [tilespmem:v44+s17+$0x0], $0xffff  }
0x708: {  	v46 =	vadd.s32 v36, v6;
	_ =	sdelay $0x3  }
0x709: {  	[tilespmem:v45+s13+$0x0] =	vst.idx.msk vm9, v37  }
0x70a: {  	v47 =	vor.u32 $0x300, v35;
	v37 =	vld.idx.msk [tilespmem:v46+s17+$0x0], $0xffff  }
0x70b: {  	v48 =	vadd.s32 v36, v7;
	_ =	sdelay $0x3  }
0x70c: {  	[tilespmem:v47+s13+$0x0] =	vst.idx.msk vm9, v37  }
0x70d: {  	v49 =	vor.u32 $0x380, v35;
	v37 =	vld.idx.msk [tilespmem:v48+s17+$0x0], $0xffff  }
0x70e: {  	v50 =	vadd.s32 v36, v8;
	_ =	sdelay $0x3  }
0x70f: {  	[tilespmem:v49+s13+$0x0] =	vst.idx.msk vm9, v37  }
0x710: {  	v51 =	vadd.s32 $0x4000, v35;
	v37 =	vld.idx.msk [tilespmem:v50+s17+$0x0], $0xffff  }
0x711: {  	v52 =	vadd.s32 v36, v9;
	_ =	sdelay $0x3  }
0x712: {  	[tilespmem:v51+s13+$0x0] =	vst.idx.msk vm9, v37  }
0x713: {  	v53 =	vadd.s32 $0x4080, v35;
	v37 =	vld.idx.msk [tilespmem:v52+s17+$0x0], $0xffff  }
0x714: {  	v54 =	vadd.s32 v36, v10;
	_ =	sdelay $0x3  }
0x715: {  	[tilespmem:v53+s13+$0x0] =	vst.idx.msk vm9, v37  }
0x716: {  	v55 =	vadd.s32 $0x4100, v35;
	v37 =	vld.idx.msk [tilespmem:v54+s17+$0x0], $0xffff  }
0x717: {  	v56 =	vadd.s32 v36, v11;
	_ =	sdelay $0x3  }
0x718: {  	[tilespmem:v55+s13+$0x0] =	vst.idx.msk vm9, v37  }
0x719: {  	v57 =	vadd.s32 $0x4180, v35;
	v37 =	vld.idx.msk [tilespmem:v56+s17+$0x0], $0xffff  }
0x71a: {  	v58 =	vadd.s32 v36, v12;
	_ =	sdelay $0x3  }
0x71b: {  	[tilespmem:v57+s13+$0x0] =	vst.idx.msk vm9, v37  }
0x71c: {  	v59 =	vadd.s32 $0x4200, v35;
	v37 =	vld.idx.msk [tilespmem:v58+s17+$0x0], $0xffff  }
0x71d: {  	v60 =	vadd.s32 v36, v13;
	_ =	sdelay $0x3  }
0x71e: {  	[tilespmem:v59+s13+$0x0] =	vst.idx.msk vm9, v37  }
0x71f: {  	v61 =	vadd.s32 $0x4280, v35;
	v37 =	vld.idx.msk [tilespmem:v60+s17+$0x0], $0xffff  }
0x720: {  	v62 =	vadd.s32 v36, v14;
	_ =	sdelay $0x3  }
0x721: {  	[tilespmem:v61+s13+$0x0] =	vst.idx.msk vm9, v37  }
0x722: {  	v63 =	vadd.s32 $0x4300, v35;
	v37 =	vld.idx.msk [tilespmem:v62+s17+$0x0], $0xffff  }
0x723: {  	v36 =	vadd.s32 v36, v15  }
0x724: {  	p2 =	sne.s32 s8, $0x1  }
.Ltmp15:
0x725: {  	_ = 	snop;
	(pc) =	sbr.rel @!p2 .LBB2_21-.Ltmp15, $4  }
0x726: {  	_ = 	snop  }
0x727: {  	[tilespmem:v63+s13+$0x0] =	vst.idx.msk vm9, v37  }
0x728: {  	s14 =	simm.s32 $0x10;
	v37 =	vld.idx.msk [tilespmem:v36+s17+$0x0], $0xffff;
	v36 =	vadd.s32 $0x4380, v35  }
0x729: {  	s16 =	sadd.s32 $0xFFFFFFFF, s8;
	p1 =	por $0x1, $0x1;
	s8 =	smov.u32 s7;
	v35 =	vor.u32 s14, v16  }
.LBB2_22:
0x72a: {  	_ =	sdelay $0x2  }
0x72b: {  	p2 =	sne.s32 s16, $0x1;
	s16 =	sadd.s32 $0xFFFFFFFF, s16;
	s8 =	sadd.s32 $0xFFFFFFF0, s8;
	[tilespmem:v36+s13+$0x0] =	vst.idx.msk vm9, v37  }
0x72c: {  	v36 =	vld.idx.msk [tilespmem:v35+s10+$0x0], $0xffff;
	_ =	sdelay $0x3  }
0x72d: {  	v37 =	vmov s8;
	v38 =	vld.idx.msk [tilespmem:v35+s11+$0x0], $0xffff  }
0x72e: {  	vm9 =	vgt.s32 v37, v16  }
0x72f: {  	v35 =	vnsel vm9, $0x0, v36  }
0x730: {  	v36 =	vadd.s32 v0, v35;
	_ =	sdelay $0x2  }
0x731: {  	v37 =	vnsel vm9, $0x0, v38  }
0x732: {  	v38 =	vshll.u32 v37, $0x3  }
0x733: {  	v39 =	vld.idx.msk [tilespmem:v36+s17+$0x0], $0xffff;
	v36 =	vand.u32 $0x7F, v37;
	v37 =	vand.u32 $0xFFFFFC00, v38  }
0x734: {  	v36 =	vor.u32 v36, v37  }
0x735: {  	v37 =	vadd.s32 v35, v1;
	_ =	sdelay $0x3  }
0x736: {  	[tilespmem:v36+s13+$0x0] =	vst.idx.msk vm9, v39  }
0x737: {  	v37 =	vld.idx.msk [tilespmem:v37+s17+$0x0], $0xffff  }
0x738: {  	v38 =	vor.u32 $0x80, v36  }
0x739: {  	v39 =	vadd.s32 v35, v2;
	_ =	sdelay $0x3  }
0x73a: {  	[tilespmem:v38+s13+$0x0] =	vst.idx.msk vm9, v37  }
0x73b: {  	v37 =	vld.idx.msk [tilespmem:v39+s17+$0x0], $0xffff  }
0x73c: {  	v38 =	vor.u32 $0x100, v36  }
0x73d: {  	v39 =	vadd.s32 v35, v3;
	_ =	sdelay $0x3  }
0x73e: {  	[tilespmem:v38+s13+$0x0] =	vst.idx.msk vm9, v37  }
0x73f: {  	v37 =	vld.idx.msk [tilespmem:v39+s17+$0x0], $0xffff  }
0x740: {  	v38 =	vor.u32 $0x180, v36  }
0x741: {  	v39 =	vadd.s32 v35, v4;
	_ =	sdelay $0x3  }
0x742: {  	[tilespmem:v38+s13+$0x0] =	vst.idx.msk vm9, v37  }
0x743: {  	v37 =	vld.idx.msk [tilespmem:v39+s17+$0x0], $0xffff  }
0x744: {  	v38 =	vor.u32 $0x200, v36  }
0x745: {  	v39 =	vadd.s32 v35, v5;
	_ =	sdelay $0x3  }
0x746: {  	[tilespmem:v38+s13+$0x0] =	vst.idx.msk vm9, v37  }
0x747: {  	v37 =	vld.idx.msk [tilespmem:v39+s17+$0x0], $0xffff  }
0x748: {  	v38 =	vor.u32 $0x280, v36  }
0x749: {  	v39 =	vadd.s32 v35, v6;
	_ =	sdelay $0x3  }
0x74a: {  	[tilespmem:v38+s13+$0x0] =	vst.idx.msk vm9, v37  }
0x74b: {  	v37 =	vld.idx.msk [tilespmem:v39+s17+$0x0], $0xffff  }
0x74c: {  	v38 =	vor.u32 $0x300, v36  }
0x74d: {  	v39 =	vadd.s32 v35, v7;
	_ =	sdelay $0x3  }
0x74e: {  	[tilespmem:v38+s13+$0x0] =	vst.idx.msk vm9, v37  }
0x74f: {  	v37 =	vld.idx.msk [tilespmem:v39+s17+$0x0], $0xffff  }
0x750: {  	v38 =	vor.u32 $0x380, v36  }
0x751: {  	v39 =	vadd.s32 v35, v8;
	_ =	sdelay $0x3  }
0x752: {  	[tilespmem:v38+s13+$0x0] =	vst.idx.msk vm9, v37  }
0x753: {  	v37 =	vld.idx.msk [tilespmem:v39+s17+$0x0], $0xffff  }
0x754: {  	v38 =	vadd.s32 $0x4000, v36  }
0x755: {  	v39 =	vadd.s32 v35, v9;
	_ =	sdelay $0x3  }
0x756: {  	[tilespmem:v38+s13+$0x0] =	vst.idx.msk vm9, v37  }
0x757: {  	v37 =	vld.idx.msk [tilespmem:v39+s17+$0x0], $0xffff  }
0x758: {  	v38 =	vadd.s32 $0x4080, v36  }
0x759: {  	v39 =	vadd.s32 v35, v10;
	_ =	sdelay $0x3  }
0x75a: {  	[tilespmem:v38+s13+$0x0] =	vst.idx.msk vm9, v37  }
0x75b: {  	v37 =	vld.idx.msk [tilespmem:v39+s17+$0x0], $0xffff  }
0x75c: {  	v38 =	vadd.s32 $0x4100, v36  }
0x75d: {  	v39 =	vadd.s32 v35, v11;
	_ =	sdelay $0x3  }
0x75e: {  	[tilespmem:v38+s13+$0x0] =	vst.idx.msk vm9, v37  }
0x75f: {  	v37 =	vld.idx.msk [tilespmem:v39+s17+$0x0], $0xffff  }
0x760: {  	v38 =	vadd.s32 $0x4180, v36  }
0x761: {  	v39 =	vadd.s32 v35, v12;
	_ =	sdelay $0x3  }
0x762: {  	[tilespmem:v38+s13+$0x0] =	vst.idx.msk vm9, v37  }
0x763: {  	v37 =	vld.idx.msk [tilespmem:v39+s17+$0x0], $0xffff  }
0x764: {  	v38 =	vadd.s32 $0x4200, v36  }
0x765: {  	v39 =	vadd.s32 v35, v13;
	_ =	sdelay $0x3  }
0x766: {  	[tilespmem:v38+s13+$0x0] =	vst.idx.msk vm9, v37  }
0x767: {  	v37 =	vld.idx.msk [tilespmem:v39+s17+$0x0], $0xffff  }
0x768: {  	v38 =	vadd.s32 $0x4280, v36  }
0x769: {  	v39 =	vadd.s32 v35, v14;
	_ =	sdelay $0x3  }
0x76a: {  	[tilespmem:v38+s13+$0x0] =	vst.idx.msk vm9, v37  }
0x76b: {  	v37 =	vld.idx.msk [tilespmem:v39+s17+$0x0], $0xffff  }
0x76c: {  	v38 =	vadd.s32 $0x4300, v36  }
0x76d: {  	v35 =	vadd.s32 v35, v15;
	_ =	sdelay $0x2  }
.Ltmp16:
0x76e: {  	(pc) =	sbr.rel @p2 .LBB2_22-.Ltmp16, $4  }
0x76f: {  	[tilespmem:v38+s13+$0x0] =	vst.idx.msk vm9, v37  }
0x770: {  	v37 =	vld.idx.msk [tilespmem:v35+s17+$0x0], $0xffff  }
0x771: {  	s14 =	sadd.s32 $0x10, s14;
	v36 =	vadd.s32 $0x4380, v36  }
0x772: {  	v35 =	vor.u32 s14, v16  }
.Ltmp17:
0x773: {  	(pc) =	sbr.rel .LBB2_24-.Ltmp17, $2  }
0x774: {  	_ =	sdelay $0x2  }
0x775: {  	s15 =	simm.s32 $0x129F0  }
.LBB2_21:
.Ltmp18:
0x776: {  	(pc) =	sbr.rel .LBB2_24-.Ltmp18, $2  }
0x777: {  	_ =	sdelay $0x2  }
0x778: {  	s8 =	smov.u32 s7;
	s15 =	simm.s32 $0x129F0  }
.LBB2_26:
0x779: {  	_ =	sfence.sel $0x180000  }
0x77a: {  	[bflag:$0x0] =	sbarrier.arrive $0xFFFF  }
0x77b: {  	_ =	strace $0x90000047  }
0x77c: {  	s0 =	stileid.u32;
	[bflag:$0x2] =	sbarrier.arrive $0xFFFF  }
0x77d: {  	p0 =	sne.s32 s0, $0x0;
	s0 =	rddreg [dreg:$0x5]  }
0x77e: {  	s0 =	sadd.s32 @!p0 $0x100000, s0  }
0x77f: {  	[sflag:s0] =	ssyncadd.tile.s32 @!p0 $0x1;
	_ =	shalt  }
.Lfunc_end2:
_tile_overlayer_lowered:
.L_overlay_start_2:
0x780: {  	(tag) =	ssettag $0x2  }
0x781: {  	s0 =	rddreg [dreg:$0x0];
	s2 =	stileid.u32  }
0x782: {  	s1 =	rddreg [dreg:$0x1];
	p0 =	sne.s32 s2, $0x0  }
0x783: {  	s3 =	rddreg [dreg:$0x2];
	[bflag:$0x3] =	sbarrier.arrive $0xFFFF;
	s2 =	simm.s32 @!p0 $0x1C04  }
0x784: {  	[timem:s3], [sflag:s2] =	dma.local @!p0 [hbm:s0], s1  }
0x785: {  	s0 =	simm.s32 @!p0 $0x4  }
0x786: {  	_ =	swait.ge @!p0 [sflag:s0], s1  }
0x787: {  	s1 =	ssub.s32 @!p0 $0x0, s1;
	[sflag:s0] =	ssyncset.done @!p0 $0x0  }
0x788: {  	[sflag:s0] =	ssyncadd.s32 @!p0 s1  }
0x789: {  	[bflag:$0x3] =	sbarrier.arrive $0xFFFF  }
0x78a: {  	_ =	shalt  }

</sc_bundles>
